<compile_context>
chip_gen: v7x
topology: tpu7x:2x2x1
jax: 0.10.2.dev20260603
libtpu: 0.0.44.dev20260713+nightly
codegen_flags: <defaults>
</compile_context>

<pallas_src>
import functools

import jax
import jax.numpy as jnp
import numpy as np
from jax import lax
from jax.experimental import pallas as pl
from jax.experimental.pallas import tpu as pltpu
from jax.experimental.pallas import tpu_sc as plsc


def _upsample_matrix() -> np.ndarray:
    W = np.zeros((96, 48), np.float32)
    for j in range(96):
        c = j / 2 - 0.25
        k0 = int(np.floor(c))
        w1 = c - k0
        taps = [(k0, 1.0 - w1), (k0 + 1, w1)]
        valid = [(k, w) for k, w in taps if 0 <= k < 48]
        s = sum(w for _, w in valid)
        for k, w in valid:
            W[j, k] = w / s
    return W


_W96x48 = _upsample_matrix()

_H_SC = 16
_SC_SITES = 8 * _H_SC * 48
_NC, _NS = 2, 16
_NW = _NC * _NS
_SPW = _SC_SITES // _NW
_CH = 8
_NCHUNK = _SPW // _CH

_BH1 = 8

_mesh = plsc.VectorSubcoreMesh(core_axis_name="c", subcore_axis_name="s")


@functools.partial(
    pl.kernel,
    out_type=jax.ShapeDtypeStruct((_SC_SITES // 8, 128), jnp.float32),
    mesh=_mesh,
    scratch_types=[
        pltpu.VMEM((_CH, 48, 48), jnp.float32),
        pltpu.VMEM((_CH, 48, 48), jnp.float32),
        pltpu.VMEM((_SPW // 8, 128), jnp.float32),
        pltpu.SemaphoreType.DMA,
        pltpu.SemaphoreType.DMA,
    ],
)
def _sc_mean(vol_hbm, out_hbm, buf0, buf1, means_v, sem0, sem1):
    wid = lax.axis_index("s") * _NC + lax.axis_index("c")
    base = wid * _SPW

    def chunk_src(c):
        site = base + c * _CH
        b = site // (_H_SC * 48)
        h1 = (site // 48) % _H_SC
        w0 = site % 48
        return vol_hbm.at[b, h1, pl.ds(w0, _CH)]

    def compute(buf, c):
        @pl.loop(0, _CH)
        def site_body(s):
            acc = jnp.zeros((16,), jnp.float32)
            for r in range(48):
                for k in range(3):
                    acc = acc + buf[s, r, pl.ds(k * 16, 16)]
            idx = c * _CH + s
            means_v[idx // 8, pl.ds((idx % 8) * 16, 16)] = acc * (1.0 / 2304.0)

    pltpu.async_copy(chunk_src(0), buf0, sem0)
    pltpu.async_copy(chunk_src(1), buf1, sem1)

    @pl.loop(0, _NCHUNK, step=2)
    def chunk_body(c):
        pltpu.make_async_copy(chunk_src(c), buf0, sem0).wait()
        compute(buf0, c)

        @pl.when(c + 2 < _NCHUNK)
        def _():
            pltpu.async_copy(chunk_src(c + 2), buf0, sem0)

        pltpu.make_async_copy(chunk_src(c + 1), buf1, sem1).wait()
        compute(buf1, c + 1)

        @pl.when(c + 3 < _NCHUNK)
        def _():
            pltpu.async_copy(chunk_src(c + 3), buf1, sem1)

    pltpu.sync_copy(means_v, out_hbm.at[pl.ds(wid * (_SPW // 8), _SPW // 8)])


def _tc_mean_body(vol_ref, mean_ref):
    s = jnp.sum(vol_ref[0], axis=(-2, -1)) * (1.0 / 2304.0)
    mean_ref[...] = s[None]


def _head_body(m16_ref, mtc_ref, w_ref, map_ref, vol_ref, loss_ref):
    w = w_ref[...]
    x = m16_ref[...]
    m_sc = jnp.sum(x.reshape(_SC_SITES // 8, 8, 16), axis=-1)
    m_sc = m_sc.reshape(8, _H_SC, 48)
    m_all = jnp.concatenate([m_sc, mtc_ref[...]], axis=1)
    acc = jnp.float32(0.0)
    for b in range(8):
        t = jax.lax.dot(w, m_all[b], precision=jax.lax.Precision.HIGHEST)
        up = jax.lax.dot_general(
            t, w, (((1,), (1,)), ((), ())),
            precision=jax.lax.Precision.HIGHEST)
        vol_ref[b] = up
        d = up - map_ref[b]
        acc = acc + jnp.sum(d * d)
    loss_ref[0, 0] = acc * (1.0 / (8 * 96 * 96))


@jax.jit
def kernel(out_volume, out_map, label):
    del label

    m16 = _sc_mean(out_volume)

    n_tc = 48 - _H_SC
    m_tc = pl.pallas_call(
        _tc_mean_body,
        grid=(8, n_tc // _BH1),
        in_specs=[pl.BlockSpec((1, _BH1, 48, 48, 48),
                               lambda b, i: (b, i + _H_SC // _BH1, 0, 0, 0))],
        out_specs=pl.BlockSpec((1, _BH1, 48), lambda b, i: (b, i, 0)),
        out_shape=jax.ShapeDtypeStruct((8, n_tc, 48), jnp.float32),
    )(out_volume)

    wmat = jnp.asarray(_W96x48)
    map3 = out_map.reshape(8, 96, 96)

    out_vol, loss = pl.pallas_call(
        _head_body,
        in_specs=[
            pl.BlockSpec((_SC_SITES // 8, 128), lambda: (0, 0)),
            pl.BlockSpec((8, n_tc, 48), lambda: (0, 0, 0)),
            pl.BlockSpec((96, 48), lambda: (0, 0)),
            pl.BlockSpec((8, 96, 96), lambda: (0, 0, 0)),
        ],
        out_specs=[
            pl.BlockSpec((8, 96, 96), lambda: (0, 0, 0)),
            pl.BlockSpec(memory_space=pltpu.SMEM),
        ],
        out_shape=[
            jax.ShapeDtypeStruct((8, 96, 96), jnp.float32),
            jax.ShapeDtypeStruct((1, 1), jnp.float32),
        ],
    )(m16, m_tc, wmat, map3)

    return loss[0, 0], out_vol

# --- scband reference (transcript-rebuilt; emitter-appended) ---
"""Pipeline reference for scband-consistency-loss-58059367907497 (READ-ONLY COPY).

The authoritative reference and input builder live on the scoring server;
editing this copy changes nothing except your own understanding.
"""

import jax, jax.numpy as jnp
import numpy as np


def setup_inputs(seed: int = 0) -> dict:
    key = jax.random.key(seed)
    k1, k2, k3 = jax.random.split(key, 3)
    out_volume = jax.random.uniform(k1, (8, 48, 48, 48, 48), dtype=jnp.float32)
    out_map = jax.random.uniform(k2, (8, 1, 96, 96), dtype=jnp.float32)
    label = jax.random.randint(k3, (8,), 0, 2, dtype=jnp.int32)
    return {"out_volume": out_volume, "out_map": out_map, "label": label}


def _get_volume_seg_map(volume, size):
    # volume: [b, h1, w1, h2, w2]; kmeans is None (do_kmeans=False), label unused
    b, h1, w1, h2, w2 = volume.shape
    vol = volume.reshape(b, h1 * w1, h2 * w2)
    vol = vol.mean(axis=-1)                       # [b, h1*w1]
    vol = vol.reshape(b, h1, w1)[:, None, :, :]   # [b, 1, h1, w1]
    if (h1, w1) != tuple(size):
        # bilinear, align_corners=False == half-pixel centers == jax 'linear'
        vol = jax.image.resize(vol, (b, 1, size[0], size[1]), method='linear')
    return vol


def reference(out_volume, out_map, label):
    map_shape = out_map.shape[-2:]
    vol = _get_volume_seg_map(out_volume, map_shape)
    # MSELoss(reduction='mean'), consistency_stop_map_grad=False
    loss = jnp.mean((vol - out_map) ** 2)
    out_vol = vol[:, 0, :, :]  # squeeze(1)
    return loss, out_vol

if __name__ == "__main__":
    import jax
    _d = setup_inputs()
    print(jax.jit(kernel)(*tuple(_d.values())))

</pallas_src>

<mosaic_0001>
#map = affine_map<(d0, d1) -> (0, 0, 0, 0, 0)>
#map1 = affine_map<(d0, d1) -> (0, 0)>
module attributes {stable_mosaic.version = 14 : i64} {
  func.func @_sc_mean(%arg0: i32, %arg1: i32, %arg2: memref<8x48x48x48x48xf32, #tpu.memory_space<hbm>>, %arg3: memref<768x128xf32, #tpu.memory_space<hbm>>, %arg4: memref<8x48x48xf32, #tpu.memory_space<vmem>>, %arg5: memref<8x48x48xf32, #tpu.memory_space<vmem>>, %arg6: memref<24x128xf32, #tpu.memory_space<vmem>>, %arg7: memref<!tpu.dma_semaphore, #tpu.memory_space<semaphore_mem>>, %arg8: memref<!tpu.dma_semaphore, #tpu.memory_space<semaphore_mem>>) attributes {dimension_semantics = [#tpu.dimension_semantics<core_parallel>, #tpu.dimension_semantics<subcore_parallel>], iteration_bounds = array<i64: 2, 16>, scalar_prefetch = 0 : i64, scratch_operands = 5 : i64, tpu.core_type = #tpu.core_type<sc_vector_subcore>, window_params = [{transform_indices = #map}, {transform_indices = #map1}]} {
    %mul3A = arith.constant 2 : i32
    %mul3A_0 = arith.muli %arg1, %mul3A : i32
    %add3A = arith.addi %mul3A_0, %arg0 : i32
    %mul3A_1 = arith.constant 192 : i32
    %mul3A_2 = arith.muli %add3A, %mul3A_1 : i32
    %add3A_3 = arith.constant 0 : i32
    %add3A_4 = arith.addi %mul3A_2, %add3A_3 : i32
    %jit3A = arith.constant 768 : i32
    %div3A = arith.divsi %add3A_4, %jit3A : i32
    %sign3A = arith.constant 0 : i32
    %sign3A_5 = arith.cmpi sgt, %add3A_4, %sign3A : i32
    %sign3A_6 = arith.extui %sign3A_5 : i1 to i32
    %sign3A_7 = arith.constant 0 : i32
    %sign3A_8 = arith.cmpi slt, %add3A_4, %sign3A_7 : i32
    %sign3A_9 = arith.extui %sign3A_8 : i1 to i32
    %sign3A_10 = arith.subi %sign3A_6, %sign3A_9 : i32
    %sign3A_11 = arith.constant 0 : i32
    %sign3A_12 = arith.cmpi sgt, %jit3A, %sign3A_11 : i32
    %sign3A_13 = arith.extui %sign3A_12 : i1 to i32
    %sign3A_14 = arith.constant 0 : i32
    %sign3A_15 = arith.cmpi slt, %jit3A, %sign3A_14 : i32
    %sign3A_16 = arith.extui %sign3A_15 : i1 to i32
    %sign3A_17 = arith.subi %sign3A_13, %sign3A_16 : i32
    %ne3A = arith.cmpi ne, %sign3A_10, %sign3A_17 : i32
    %rem3A = arith.remsi %add3A_4, %jit3A : i32
    %ne3A_18 = arith.constant 0 : i32
    %ne3A_19 = arith.cmpi ne, %rem3A, %ne3A_18 : i32
    %and3A = arith.andi %ne3A, %ne3A_19 : i1
    %sub3A = arith.constant 1 : i32
    %sub3A_20 = arith.subi %div3A, %sub3A : i32
    %select_n3A = arith.select %and3A, %sub3A_20, %div3A : i32
    %jit3A_21 = arith.constant 48 : i32
    %div3A_22 = arith.divsi %add3A_4, %jit3A_21 : i32
    %sign3A_23 = arith.constant 0 : i32
    %sign3A_24 = arith.cmpi sgt, %add3A_4, %sign3A_23 : i32
    %sign3A_25 = arith.extui %sign3A_24 : i1 to i32
    %sign3A_26 = arith.constant 0 : i32
    %sign3A_27 = arith.cmpi slt, %add3A_4, %sign3A_26 : i32
    %sign3A_28 = arith.extui %sign3A_27 : i1 to i32
    %sign3A_29 = arith.subi %sign3A_25, %sign3A_28 : i32
    %sign3A_30 = arith.constant 0 : i32
    %sign3A_31 = arith.cmpi sgt, %jit3A_21, %sign3A_30 : i32
    %sign3A_32 = arith.extui %sign3A_31 : i1 to i32
    %sign3A_33 = arith.constant 0 : i32
    %sign3A_34 = arith.cmpi slt, %jit3A_21, %sign3A_33 : i32
    %sign3A_35 = arith.extui %sign3A_34 : i1 to i32
    %sign3A_36 = arith.subi %sign3A_32, %sign3A_35 : i32
    %ne3A_37 = arith.cmpi ne, %sign3A_29, %sign3A_36 : i32
    %rem3A_38 = arith.remsi %add3A_4, %jit3A_21 : i32
    %ne3A_39 = arith.constant 0 : i32
    %ne3A_40 = arith.cmpi ne, %rem3A_38, %ne3A_39 : i32
    %and3A_41 = arith.andi %ne3A_37, %ne3A_40 : i1
    %sub3A_42 = arith.constant 1 : i32
    %sub3A_43 = arith.subi %div3A_22, %sub3A_42 : i32
    %select_n3A_44 = arith.select %and3A_41, %sub3A_43, %div3A_22 : i32
    %jit3A_45 = arith.constant 16 : i32
    %eq3A = arith.constant 0 : i32
    %eq3A_46 = arith.cmpi eq, %jit3A_45, %eq3A : i32
    %jit3A_47 = arith.constant 1 : i32
    %select_n3A_48 = arith.select %eq3A_46, %jit3A_47, %jit3A_45 : i32
    %rem3A_49 = arith.remsi %select_n3A_44, %select_n3A_48 : i32
    %ne3A_50 = arith.constant 0 : i32
    %ne3A_51 = arith.cmpi ne, %rem3A_49, %ne3A_50 : i32
    %lt3A = arith.constant 0 : i32
    %lt3A_52 = arith.cmpi slt, %rem3A_49, %lt3A : i32
    %lt3A_53 = arith.constant 0 : i32
    %lt3A_54 = arith.cmpi slt, %select_n3A_48, %lt3A_53 : i32
    %ne3A_55 = arith.xori %lt3A_52, %lt3A_54 : i1
    %and3A_56 = arith.andi %ne3A_55, %ne3A_51 : i1
    %add3A_57 = arith.addi %rem3A_49, %select_n3A_48 : i32
    %select_n3A_58 = arith.select %and3A_56, %add3A_57, %rem3A_49 : i32
    %jit3A_59 = arith.constant 48 : i32
    %eq3A_60 = arith.constant 0 : i32
    %eq3A_61 = arith.cmpi eq, %jit3A_59, %eq3A_60 : i32
    %jit3A_62 = arith.constant 1 : i32
    %select_n3A_63 = arith.select %eq3A_61, %jit3A_62, %jit3A_59 : i32
    %rem3A_64 = arith.remsi %add3A_4, %select_n3A_63 : i32
    %ne3A_65 = arith.constant 0 : i32
    %ne3A_66 = arith.cmpi ne, %rem3A_64, %ne3A_65 : i32
    %lt3A_67 = arith.constant 0 : i32
    %lt3A_68 = arith.cmpi slt, %rem3A_64, %lt3A_67 : i32
    %lt3A_69 = arith.constant 0 : i32
    %lt3A_70 = arith.cmpi slt, %select_n3A_63, %lt3A_69 : i32
    %ne3A_71 = arith.xori %lt3A_68, %lt3A_70 : i1
    %and3A_72 = arith.andi %ne3A_71, %ne3A_66 : i1
    %add3A_73 = arith.addi %rem3A_64, %select_n3A_63 : i32
    %select_n3A_74 = arith.select %and3A_72, %add3A_73, %rem3A_64 : i32
    %dma_start3A = arith.constant 0 : i32
    %dma_start3A_75 = arith.constant 0 : i32
    %dma_start3A_76 = tpu.memref_slice %arg2[%select_n3A, %select_n3A_58, %select_n3A_74, %dma_start3A, %dma_start3A_75] : memref<8x48x48x48x48xf32, #tpu.memory_space<hbm>> -> memref<1x1x8x48x48xf32, #tpu.memory_space<hbm>>
    %dma_start3A_77 = tpu.memref_squeeze %dma_start3A_76 : memref<1x1x8x48x48xf32, #tpu.memory_space<hbm>> -> memref<8x48x48xf32, #tpu.memory_space<hbm>>
    %dma_start3A_78 = arith.constant 0 : i32
    %dma_start3A_79 = arith.constant 0 : i32
    %dma_start3A_80 = tpu.memref_slice %arg2[%select_n3A, %select_n3A_58, %select_n3A_74, %dma_start3A_78, %dma_start3A_79] : memref<8x48x48x48x48xf32, #tpu.memory_space<hbm>> -> memref<1x1x8x48x48xf32, #tpu.memory_space<hbm>>
    %dma_start3A_81 = tpu.memref_squeeze %dma_start3A_80 : memref<1x1x8x48x48xf32, #tpu.memory_space<hbm>> -> memref<8x48x48xf32, #tpu.memory_space<hbm>>
    tpu.enqueue_dma source(%dma_start3A_81 : memref<8x48x48xf32, #tpu.memory_space<hbm>>) target(%arg4 : memref<8x48x48xf32, #tpu.memory_space<vmem>>) target_semaphore(%arg7 : memref<!tpu.dma_semaphore, #tpu.memory_space<semaphore_mem>>)
    %add3A_82 = arith.constant 8 : i32
    %add3A_83 = arith.addi %mul3A_2, %add3A_82 : i32
    %jit3A_84 = arith.constant 768 : i32
    %div3A_85 = arith.divsi %add3A_83, %jit3A_84 : i32
    %sign3A_86 = arith.constant 0 : i32
    %sign3A_87 = arith.cmpi sgt, %add3A_83, %sign3A_86 : i32
    %sign3A_88 = arith.extui %sign3A_87 : i1 to i32
    %sign3A_89 = arith.constant 0 : i32
    %sign3A_90 = arith.cmpi slt, %add3A_83, %sign3A_89 : i32
    %sign3A_91 = arith.extui %sign3A_90 : i1 to i32
    %sign3A_92 = arith.subi %sign3A_88, %sign3A_91 : i32
    %sign3A_93 = arith.constant 0 : i32
    %sign3A_94 = arith.cmpi sgt, %jit3A_84, %sign3A_93 : i32
    %sign3A_95 = arith.extui %sign3A_94 : i1 to i32
    %sign3A_96 = arith.constant 0 : i32
    %sign3A_97 = arith.cmpi slt, %jit3A_84, %sign3A_96 : i32
    %sign3A_98 = arith.extui %sign3A_97 : i1 to i32
    %sign3A_99 = arith.subi %sign3A_95, %sign3A_98 : i32
    %ne3A_100 = arith.cmpi ne, %sign3A_92, %sign3A_99 : i32
    %rem3A_101 = arith.remsi %add3A_83, %jit3A_84 : i32
    %ne3A_102 = arith.constant 0 : i32
    %ne3A_103 = arith.cmpi ne, %rem3A_101, %ne3A_102 : i32
    %and3A_104 = arith.andi %ne3A_100, %ne3A_103 : i1
    %sub3A_105 = arith.constant 1 : i32
    %sub3A_106 = arith.subi %div3A_85, %sub3A_105 : i32
    %select_n3A_107 = arith.select %and3A_104, %sub3A_106, %div3A_85 : i32
    %jit3A_108 = arith.constant 48 : i32
    %div3A_109 = arith.divsi %add3A_83, %jit3A_108 : i32
    %sign3A_110 = arith.constant 0 : i32
    %sign3A_111 = arith.cmpi sgt, %add3A_83, %sign3A_110 : i32
    %sign3A_112 = arith.extui %sign3A_111 : i1 to i32
    %sign3A_113 = arith.constant 0 : i32
    %sign3A_114 = arith.cmpi slt, %add3A_83, %sign3A_113 : i32
    %sign3A_115 = arith.extui %sign3A_114 : i1 to i32
    %sign3A_116 = arith.subi %sign3A_112, %sign3A_115 : i32
    %sign3A_117 = arith.constant 0 : i32
    %sign3A_118 = arith.cmpi sgt, %jit3A_108, %sign3A_117 : i32
    %sign3A_119 = arith.extui %sign3A_118 : i1 to i32
    %sign3A_120 = arith.constant 0 : i32
    %sign3A_121 = arith.cmpi slt, %jit3A_108, %sign3A_120 : i32
    %sign3A_122 = arith.extui %sign3A_121 : i1 to i32
    %sign3A_123 = arith.subi %sign3A_119, %sign3A_122 : i32
    %ne3A_124 = arith.cmpi ne, %sign3A_116, %sign3A_123 : i32
    %rem3A_125 = arith.remsi %add3A_83, %jit3A_108 : i32
    %ne3A_126 = arith.constant 0 : i32
    %ne3A_127 = arith.cmpi ne, %rem3A_125, %ne3A_126 : i32
    %and3A_128 = arith.andi %ne3A_124, %ne3A_127 : i1
    %sub3A_129 = arith.constant 1 : i32
    %sub3A_130 = arith.subi %div3A_109, %sub3A_129 : i32
    %select_n3A_131 = arith.select %and3A_128, %sub3A_130, %div3A_109 : i32
    %jit3A_132 = arith.constant 16 : i32
    %eq3A_133 = arith.constant 0 : i32
    %eq3A_134 = arith.cmpi eq, %jit3A_132, %eq3A_133 : i32
    %jit3A_135 = arith.constant 1 : i32
    %select_n3A_136 = arith.select %eq3A_134, %jit3A_135, %jit3A_132 : i32
    %rem3A_137 = arith.remsi %select_n3A_131, %select_n3A_136 : i32
    %ne3A_138 = arith.constant 0 : i32
    %ne3A_139 = arith.cmpi ne, %rem3A_137, %ne3A_138 : i32
    %lt3A_140 = arith.constant 0 : i32
    %lt3A_141 = arith.cmpi slt, %rem3A_137, %lt3A_140 : i32
    %lt3A_142 = arith.constant 0 : i32
    %lt3A_143 = arith.cmpi slt, %select_n3A_136, %lt3A_142 : i32
    %ne3A_144 = arith.xori %lt3A_141, %lt3A_143 : i1
    %and3A_145 = arith.andi %ne3A_144, %ne3A_139 : i1
    %add3A_146 = arith.addi %rem3A_137, %select_n3A_136 : i32
    %select_n3A_147 = arith.select %and3A_145, %add3A_146, %rem3A_137 : i32
    %jit3A_148 = arith.constant 48 : i32
    %eq3A_149 = arith.constant 0 : i32
    %eq3A_150 = arith.cmpi eq, %jit3A_148, %eq3A_149 : i32
    %jit3A_151 = arith.constant 1 : i32
    %select_n3A_152 = arith.select %eq3A_150, %jit3A_151, %jit3A_148 : i32
    %rem3A_153 = arith.remsi %add3A_83, %select_n3A_152 : i32
    %ne3A_154 = arith.constant 0 : i32
    %ne3A_155 = arith.cmpi ne, %rem3A_153, %ne3A_154 : i32
    %lt3A_156 = arith.constant 0 : i32
    %lt3A_157 = arith.cmpi slt, %rem3A_153, %lt3A_156 : i32
    %lt3A_158 = arith.constant 0 : i32
    %lt3A_159 = arith.cmpi slt, %select_n3A_152, %lt3A_158 : i32
    %ne3A_160 = arith.xori %lt3A_157, %lt3A_159 : i1
    %and3A_161 = arith.andi %ne3A_160, %ne3A_155 : i1
    %add3A_162 = arith.addi %rem3A_153, %select_n3A_152 : i32
    %select_n3A_163 = arith.select %and3A_161, %add3A_162, %rem3A_153 : i32
    %dma_start3A_164 = arith.constant 0 : i32
    %dma_start3A_165 = arith.constant 0 : i32
    %dma_start3A_166 = tpu.memref_slice %arg2[%select_n3A_107, %select_n3A_147, %select_n3A_163, %dma_start3A_164, %dma_start3A_165] : memref<8x48x48x48x48xf32, #tpu.memory_space<hbm>> -> memref<1x1x8x48x48xf32, #tpu.memory_space<hbm>>
    %dma_start3A_167 = tpu.memref_squeeze %dma_start3A_166 : memref<1x1x8x48x48xf32, #tpu.memory_space<hbm>> -> memref<8x48x48xf32, #tpu.memory_space<hbm>>
    %dma_start3A_168 = arith.constant 0 : i32
    %dma_start3A_169 = arith.constant 0 : i32
    %dma_start3A_170 = tpu.memref_slice %arg2[%select_n3A_107, %select_n3A_147, %select_n3A_163, %dma_start3A_168, %dma_start3A_169] : memref<8x48x48x48x48xf32, #tpu.memory_space<hbm>> -> memref<1x1x8x48x48xf32, #tpu.memory_space<hbm>>
    %dma_start3A_171 = tpu.memref_squeeze %dma_start3A_170 : memref<1x1x8x48x48xf32, #tpu.memory_space<hbm>> -> memref<8x48x48xf32, #tpu.memory_space<hbm>>
    tpu.enqueue_dma source(%dma_start3A_171 : memref<8x48x48xf32, #tpu.memory_space<hbm>>) target(%arg5 : memref<8x48x48xf32, #tpu.memory_space<vmem>>) target_semaphore(%arg8 : memref<!tpu.dma_semaphore, #tpu.memory_space<semaphore_mem>>)
    %scan3A = arith.constant 0 : i32
    %scan3A_172 = arith.constant 12 : i32
    %scan3A_173 = arith.addi %scan3A, %scan3A_172 : i32
    %scan3A_174 = arith.constant 1 : i32
    scf.for %scan3A_178 = %scan3A to %scan3A_173 step %scan3A_174  : i32 {
      %mul3A_179 = arith.constant 2 : i32
      %mul3A_180 = arith.muli %scan3A_178, %mul3A_179 : i32
      %add3A_181 = arith.constant 0 : i32
      %add3A_182 = arith.addi %add3A_181, %mul3A_180 : i32
      %mul3A_183 = arith.constant 8 : i32
      %mul3A_184 = arith.muli %add3A_182, %mul3A_183 : i32
      %add3A_185 = arith.addi %mul3A_2, %mul3A_184 : i32
      %jit3A_186 = arith.constant 768 : i32
      %div3A_187 = arith.divsi %add3A_185, %jit3A_186 : i32
      %sign3A_188 = arith.constant 0 : i32
      %sign3A_189 = arith.cmpi sgt, %add3A_185, %sign3A_188 : i32
      %sign3A_190 = arith.extui %sign3A_189 : i1 to i32
      %sign3A_191 = arith.constant 0 : i32
      %sign3A_192 = arith.cmpi slt, %add3A_185, %sign3A_191 : i32
      %sign3A_193 = arith.extui %sign3A_192 : i1 to i32
      %sign3A_194 = arith.subi %sign3A_190, %sign3A_193 : i32
      %sign3A_195 = arith.constant 0 : i32
      %sign3A_196 = arith.cmpi sgt, %jit3A_186, %sign3A_195 : i32
      %sign3A_197 = arith.extui %sign3A_196 : i1 to i32
      %sign3A_198 = arith.constant 0 : i32
      %sign3A_199 = arith.cmpi slt, %jit3A_186, %sign3A_198 : i32
      %sign3A_200 = arith.extui %sign3A_199 : i1 to i32
      %sign3A_201 = arith.subi %sign3A_197, %sign3A_200 : i32
      %ne3A_202 = arith.cmpi ne, %sign3A_194, %sign3A_201 : i32
      %rem3A_203 = arith.remsi %add3A_185, %jit3A_186 : i32
      %ne3A_204 = arith.constant 0 : i32
      %ne3A_205 = arith.cmpi ne, %rem3A_203, %ne3A_204 : i32
      %and3A_206 = arith.andi %ne3A_202, %ne3A_205 : i1
      %sub3A_207 = arith.constant 1 : i32
      %sub3A_208 = arith.subi %div3A_187, %sub3A_207 : i32
      %select_n3A_209 = arith.select %and3A_206, %sub3A_208, %div3A_187 : i32
      %jit3A_210 = arith.constant 48 : i32
      %div3A_211 = arith.divsi %add3A_185, %jit3A_210 : i32
      %sign3A_212 = arith.constant 0 : i32
      %sign3A_213 = arith.cmpi sgt, %add3A_185, %sign3A_212 : i32
      %sign3A_214 = arith.extui %sign3A_213 : i1 to i32
      %sign3A_215 = arith.constant 0 : i32
      %sign3A_216 = arith.cmpi slt, %add3A_185, %sign3A_215 : i32
      %sign3A_217 = arith.extui %sign3A_216 : i1 to i32
      %sign3A_218 = arith.subi %sign3A_214, %sign3A_217 : i32
      %sign3A_219 = arith.constant 0 : i32
      %sign3A_220 = arith.cmpi sgt, %jit3A_210, %sign3A_219 : i32
      %sign3A_221 = arith.extui %sign3A_220 : i1 to i32
      %sign3A_222 = arith.constant 0 : i32
      %sign3A_223 = arith.cmpi slt, %jit3A_210, %sign3A_222 : i32
      %sign3A_224 = arith.extui %sign3A_223 : i1 to i32
      %sign3A_225 = arith.subi %sign3A_221, %sign3A_224 : i32
      %ne3A_226 = arith.cmpi ne, %sign3A_218, %sign3A_225 : i32
      %rem3A_227 = arith.remsi %add3A_185, %jit3A_210 : i32
      %ne3A_228 = arith.constant 0 : i32
      %ne3A_229 = arith.cmpi ne, %rem3A_227, %ne3A_228 : i32
      %and3A_230 = arith.andi %ne3A_226, %ne3A_229 : i1
      %sub3A_231 = arith.constant 1 : i32
      %sub3A_232 = arith.subi %div3A_211, %sub3A_231 : i32
      %select_n3A_233 = arith.select %and3A_230, %sub3A_232, %div3A_211 : i32
      %jit3A_234 = arith.constant 16 : i32
      %eq3A_235 = arith.constant 0 : i32
      %eq3A_236 = arith.cmpi eq, %jit3A_234, %eq3A_235 : i32
      %jit3A_237 = arith.constant 1 : i32
      %select_n3A_238 = arith.select %eq3A_236, %jit3A_237, %jit3A_234 : i32
      %rem3A_239 = arith.remsi %select_n3A_233, %select_n3A_238 : i32
      %ne3A_240 = arith.constant 0 : i32
      %ne3A_241 = arith.cmpi ne, %rem3A_239, %ne3A_240 : i32
      %lt3A_242 = arith.constant 0 : i32
      %lt3A_243 = arith.cmpi slt, %rem3A_239, %lt3A_242 : i32
      %lt3A_244 = arith.constant 0 : i32
      %lt3A_245 = arith.cmpi slt, %select_n3A_238, %lt3A_244 : i32
      %ne3A_246 = arith.xori %lt3A_243, %lt3A_245 : i1
      %and3A_247 = arith.andi %ne3A_246, %ne3A_241 : i1
      %add3A_248 = arith.addi %rem3A_239, %select_n3A_238 : i32
      %select_n3A_249 = arith.select %and3A_247, %add3A_248, %rem3A_239 : i32
      %jit3A_250 = arith.constant 48 : i32
      %eq3A_251 = arith.constant 0 : i32
      %eq3A_252 = arith.cmpi eq, %jit3A_250, %eq3A_251 : i32
      %jit3A_253 = arith.constant 1 : i32
      %select_n3A_254 = arith.select %eq3A_252, %jit3A_253, %jit3A_250 : i32
      %rem3A_255 = arith.remsi %add3A_185, %select_n3A_254 : i32
      %ne3A_256 = arith.constant 0 : i32
      %ne3A_257 = arith.cmpi ne, %rem3A_255, %ne3A_256 : i32
      %lt3A_258 = arith.constant 0 : i32
      %lt3A_259 = arith.cmpi slt, %rem3A_255, %lt3A_258 : i32
      %lt3A_260 = arith.constant 0 : i32
      %lt3A_261 = arith.cmpi slt, %select_n3A_254, %lt3A_260 : i32
      %ne3A_262 = arith.xori %lt3A_259, %lt3A_261 : i1
      %and3A_263 = arith.andi %ne3A_262, %ne3A_257 : i1
      %add3A_264 = arith.addi %rem3A_255, %select_n3A_254 : i32
      %select_n3A_265 = arith.select %and3A_263, %add3A_264, %rem3A_255 : i32
      %dma_wait3A = arith.constant 0 : i32
      %dma_wait3A_266 = arith.constant 0 : i32
      %dma_wait3A_267 = tpu.memref_slice %arg2[%select_n3A_209, %select_n3A_249, %select_n3A_265, %dma_wait3A, %dma_wait3A_266] : memref<8x48x48x48x48xf32, #tpu.memory_space<hbm>> -> memref<1x1x8x48x48xf32, #tpu.memory_space<hbm>>
      %dma_wait3A_268 = tpu.memref_squeeze %dma_wait3A_267 : memref<1x1x8x48x48xf32, #tpu.memory_space<hbm>> -> memref<8x48x48xf32, #tpu.memory_space<hbm>>
      %dma_wait3A_269 = arith.constant 0 : i32
      %dma_wait3A_270 = arith.constant 0 : i32
      %dma_wait3A_271 = tpu.memref_slice %arg2[%select_n3A_209, %select_n3A_249, %select_n3A_265, %dma_wait3A_269, %dma_wait3A_270] : memref<8x48x48x48x48xf32, #tpu.memory_space<hbm>> -> memref<1x1x8x48x48xf32, #tpu.memory_space<hbm>>
      %dma_wait3A_272 = tpu.memref_squeeze %dma_wait3A_271 : memref<1x1x8x48x48xf32, #tpu.memory_space<hbm>> -> memref<8x48x48xf32, #tpu.memory_space<hbm>>
      tpu.wait_dma2 semaphore(%arg7 : memref<!tpu.dma_semaphore, #tpu.memory_space<semaphore_mem>>) src(%dma_wait3A_272 : memref<8x48x48xf32, #tpu.memory_space<hbm>>) dst(%arg4 : memref<8x48x48xf32, #tpu.memory_space<vmem>>)
      %scan3A_273 = arith.constant 0 : i32
      %scan3A_274 = arith.constant 8 : i32
      %scan3A_275 = arith.addi %scan3A_273, %scan3A_274 : i32
      %scan3A_276 = arith.constant 1 : i32
      scf.for %scan3A_390 = %scan3A_273 to %scan3A_275 step %scan3A_276  : i32 {
        %mul3A_391 = arith.constant 1 : i32
        %mul3A_392 = arith.muli %scan3A_390, %mul3A_391 : i32
        %add3A_393 = arith.constant 0 : i32
        %add3A_394 = arith.addi %add3A_393, %mul3A_392 : i32
        %broadcast_in_dim3A = arith.constant 0.000000e+00 : f32
        %broadcast_in_dim3A_395 = vector.broadcast %broadcast_in_dim3A : f32 to vector<16xf32>
        %get3A = arith.constant 0 : i32
        %get3A_396 = arith.index_cast %add3A_394 : i32 to index
        %get3A_397 = arith.index_cast %get3A : i32 to index
        %get3A_398 = arith.constant 0 : index
        %get3A_399 = tpu.vector_load %arg4[%get3A_396, %get3A_397, %get3A_398] {strides = array<i32>} : memref<8x48x48xf32, #tpu.memory_space<vmem>>, vector<1x1x16xf32>,
        %get3A_400 = vector.shape_cast %get3A_399 : vector<1x1x16xf32> to vector<16xf32>
        %add3A_401 = arith.addf %broadcast_in_dim3A_395, %get3A_400 : vector<16xf32>
        %get3A_402 = arith.constant 0 : i32
        %get3A_403 = arith.index_cast %add3A_394 : i32 to index
        %get3A_404 = arith.index_cast %get3A_402 : i32 to index
        %get3A_405 = arith.constant 16 : index
        %get3A_406 = tpu.vector_load %arg4[%get3A_403, %get3A_404, %get3A_405] {strides = array<i32>} : memref<8x48x48xf32, #tpu.memory_space<vmem>>, vector<1x1x16xf32>,
        %get3A_407 = vector.shape_cast %get3A_406 : vector<1x1x16xf32> to vector<16xf32>
        %add3A_408 = arith.addf %add3A_401, %get3A_407 : vector<16xf32>
        %get3A_409 = arith.constant 0 : i32
        %get3A_410 = arith.index_cast %add3A_394 : i32 to index
        %get3A_411 = arith.index_cast %get3A_409 : i32 to index
        %get3A_412 = arith.constant 32 : index
        %get3A_413 = tpu.vector_load %arg4[%get3A_410, %get3A_411, %get3A_412] {strides = array<i32>} : memref<8x48x48xf32, #tpu.memory_space<vmem>>, vector<1x1x16xf32>,
        %get3A_414 = vector.shape_cast %get3A_413 : vector<1x1x16xf32> to vector<16xf32>
        %add3A_415 = arith.addf %add3A_408, %get3A_414 : vector<16xf32>
        %get3A_416 = arith.constant 1 : i32
        %get3A_417 = arith.index_cast %add3A_394 : i32 to index
        %get3A_418 = arith.index_cast %get3A_416 : i32 to index
        %get3A_419 = arith.constant 0 : index
        %get3A_420 = tpu.vector_load %arg4[%get3A_417, %get3A_418, %get3A_419] {strides = array<i32>} : memref<8x48x48xf32, #tpu.memory_space<vmem>>, vector<1x1x16xf32>,
        %get3A_421 = vector.shape_cast %get3A_420 : vector<1x1x16xf32> to vector<16xf32>
        %add3A_422 = arith.addf %add3A_415, %get3A_421 : vector<16xf32>
        %get3A_423 = arith.constant 1 : i32
        %get3A_424 = arith.index_cast %add3A_394 : i32 to index
        %get3A_425 = arith.index_cast %get3A_423 : i32 to index
        %get3A_426 = arith.constant 16 : index
        %get3A_427 = tpu.vector_load %arg4[%get3A_424, %get3A_425, %get3A_426] {strides = array<i32>} : memref<8x48x48xf32, #tpu.memory_space<vmem>>, vector<1x1x16xf32>,
        %get3A_428 = vector.shape_cast %get3A_427 : vector<1x1x16xf32> to vector<16xf32>
        %add3A_429 = arith.addf %add3A_422, %get3A_428 : vector<16xf32>
        %get3A_430 = arith.constant 1 : i32
        %get3A_431 = arith.index_cast %add3A_394 : i32 to index
        %get3A_432 = arith.index_cast %get3A_430 : i32 to index
        %get3A_433 = arith.constant 32 : index
        %get3A_434 = tpu.vector_load %arg4[%get3A_431, %get3A_432, %get3A_433] {strides = array<i32>} : memref<8x48x48xf32, #tpu.memory_space<vmem>>, vector<1x1x16xf32>,
        %get3A_435 = vector.shape_cast %get3A_434 : vector<1x1x16xf32> to vector<16xf32>
        %add3A_436 = arith.addf %add3A_429, %get3A_435 : vector<16xf32>
        %get3A_437 = arith.constant 2 : i32
        %get3A_438 = arith.index_cast %add3A_394 : i32 to index
        %get3A_439 = arith.index_cast %get3A_437 : i32 to index
        %get3A_440 = arith.constant 0 : index
        %get3A_441 = tpu.vector_load %arg4[%get3A_438, %get3A_439, %get3A_440] {strides = array<i32>} : memref<8x48x48xf32, #tpu.memory_space<vmem>>, vector<1x1x16xf32>,
        %get3A_442 = vector.shape_cast %get3A_441 : vector<1x1x16xf32> to vector<16xf32>
        %add3A_443 = arith.addf %add3A_436, %get3A_442 : vector<16xf32>
        %get3A_444 = arith.constant 2 : i32
        %get3A_445 = arith.index_cast %add3A_394 : i32 to index
        %get3A_446 = arith.index_cast %get3A_444 : i32 to index
        %get3A_447 = arith.constant 16 : index
        %get3A_448 = tpu.vector_load %arg4[%get3A_445, %get3A_446, %get3A_447] {strides = array<i32>} : memref<8x48x48xf32, #tpu.memory_space<vmem>>, vector<1x1x16xf32>,
        %get3A_449 = vector.shape_cast %get3A_448 : vector<1x1x16xf32> to vector<16xf32>
        %add3A_450 = arith.addf %add3A_443, %get3A_449 : vector<16xf32>
        %get3A_451 = arith.constant 2 : i32
        %get3A_452 = arith.index_cast %add3A_394 : i32 to index
        %get3A_453 = arith.index_cast %get3A_451 : i32 to index
        %get3A_454 = arith.constant 32 : index
        %get3A_455 = tpu.vector_load %arg4[%get3A_452, %get3A_453, %get3A_454] {strides = array<i32>} : memref<8x48x48xf32, #tpu.memory_space<vmem>>, vector<1x1x16xf32>,
        %get3A_456 = vector.shape_cast %get3A_455 : vector<1x1x16xf32> to vector<16xf32>
        %add3A_457 = arith.addf %add3A_450, %get3A_456 : vector<16xf32>
        %get3A_458 = arith.constant 3 : i32
        %get3A_459 = arith.index_cast %add3A_394 : i32 to index
        %get3A_460 = arith.index_cast %get3A_458 : i32 to index
        %get3A_461 = arith.constant 0 : index
        %get3A_462 = tpu.vector_load %arg4[%get3A_459, %get3A_460, %get3A_461] {strides = array<i32>} : memref<8x48x48xf32, #tpu.memory_space<vmem>>, vector<1x1x16xf32>,
        %get3A_463 = vector.shape_cast %get3A_462 : vector<1x1x16xf32> to vector<16xf32>
        %add3A_464 = arith.addf %add3A_457, %get3A_463 : vector<16xf32>
        %get3A_465 = arith.constant 3 : i32
        %get3A_466 = arith.index_cast %add3A_394 : i32 to index
        %get3A_467 = arith.index_cast %get3A_465 : i32 to index
        %get3A_468 = arith.constant 16 : index
        %get3A_469 = tpu.vector_load %arg4[%get3A_466, %get3A_467, %get3A_468] {strides = array<i32>} : memref<8x48x48xf32, #tpu.memory_space<vmem>>, vector<1x1x16xf32>,
        %get3A_470 = vector.shape_cast %get3A_469 : vector<1x1x16xf32> to vector<16xf32>
        %add3A_471 = arith.addf %add3A_464, %get3A_470 : vector<16xf32>
        %get3A_472 = arith.constant 3 : i32
        %get3A_473 = arith.index_cast %add3A_394 : i32 to index
        %get3A_474 = arith.index_cast %get3A_472 : i32 to index
        %get3A_475 = arith.constant 32 : index
        %get3A_476 = tpu.vector_load %arg4[%get3A_473, %get3A_474, %get3A_475] {strides = array<i32>} : memref<8x48x48xf32, #tpu.memory_space<vmem>>, vector<1x1x16xf32>,
        %get3A_477 = vector.shape_cast %get3A_476 : vector<1x1x16xf32> to vector<16xf32>
        %add3A_478 = arith.addf %add3A_471, %get3A_477 : vector<16xf32>
        %get3A_479 = arith.constant 4 : i32
        %get3A_480 = arith.index_cast %add3A_394 : i32 to index
        %get3A_481 = arith.index_cast %get3A_479 : i32 to index
        %get3A_482 = arith.constant 0 : index
        %get3A_483 = tpu.vector_load %arg4[%get3A_480, %get3A_481, %get3A_482] {strides = array<i32>} : memref<8x48x48xf32, #tpu.memory_space<vmem>>, vector<1x1x16xf32>,
        %get3A_484 = vector.shape_cast %get3A_483 : vector<1x1x16xf32> to vector<16xf32>
        %add3A_485 = arith.addf %add3A_478, %get3A_484 : vector<16xf32>
        %get3A_486 = arith.constant 4 : i32
        %get3A_487 = arith.index_cast %add3A_394 : i32 to index
        %get3A_488 = arith.index_cast %get3A_486 : i32 to index
        %get3A_489 = arith.constant 16 : index
        %get3A_490 = tpu.vector_load %arg4[%get3A_487, %get3A_488, %get3A_489] {strides = array<i32>} : memref<8x48x48xf32, #tpu.memory_space<vmem>>, vector<1x1x16xf32>,
        %get3A_491 = vector.shape_cast %get3A_490 : vector<1x1x16xf32> to vector<16xf32>
        %add3A_492 = arith.addf %add3A_485, %get3A_491 : vector<16xf32>
        %get3A_493 = arith.constant 4 : i32
        %get3A_494 = arith.index_cast %add3A_394 : i32 to index
        %get3A_495 = arith.index_cast %get3A_493 : i32 to index
        %get3A_496 = arith.constant 32 : index
        %get3A_497 = tpu.vector_load %arg4[%get3A_494, %get3A_495, %get3A_496] {strides = array<i32>} : memref<8x48x48xf32, #tpu.memory_space<vmem>>, vector<1x1x16xf32>,
        %get3A_498 = vector.shape_cast %get3A_497 : vector<1x1x16xf32> to vector<16xf32>
        %add3A_499 = arith.addf %add3A_492, %get3A_498 : vector<16xf32>
        %get3A_500 = arith.constant 5 : i32
        %get3A_501 = arith.index_cast %add3A_394 : i32 to index
        %get3A_502 = arith.index_cast %get3A_500 : i32 to index
        %get3A_503 = arith.constant 0 : index
        %get3A_504 = tpu.vector_load %arg4[%get3A_501, %get3A_502, %get3A_503] {strides = array<i32>} : memref<8x48x48xf32, #tpu.memory_space<vmem>>, vector<1x1x16xf32>,
        %get3A_505 = vector.shape_cast %get3A_504 : vector<1x1x16xf32> to vector<16xf32>
        %add3A_506 = arith.addf %add3A_499, %get3A_505 : vector<16xf32>
        %get3A_507 = arith.constant 5 : i32
        %get3A_508 = arith.index_cast %add3A_394 : i32 to index
        %get3A_509 = arith.index_cast %get3A_507 : i32 to index
        %get3A_510 = arith.constant 16 : index
        %get3A_511 = tpu.vector_load %arg4[%get3A_508, %get3A_509, %get3A_510] {strides = array<i32>} : memref<8x48x48xf32, #tpu.memory_space<vmem>>, vector<1x1x16xf32>,
        %get3A_512 = vector.shape_cast %get3A_511 : vector<1x1x16xf32> to vector<16xf32>
        %add3A_513 = arith.addf %add3A_506, %get3A_512 : vector<16xf32>
        %get3A_514 = arith.constant 5 : i32
        %get3A_515 = arith.index_cast %add3A_394 : i32 to index
        %get3A_516 = arith.index_cast %get3A_514 : i32 to index
        %get3A_517 = arith.constant 32 : index
        %get3A_518 = tpu.vector_load %arg4[%get3A_515, %get3A_516, %get3A_517] {strides = array<i32>} : memref<8x48x48xf32, #tpu.memory_space<vmem>>, vector<1x1x16xf32>,
        %get3A_519 = vector.shape_cast %get3A_518 : vector<1x1x16xf32> to vector<16xf32>
        %add3A_520 = arith.addf %add3A_513, %get3A_519 : vector<16xf32>
        %get3A_521 = arith.constant 6 : i32
        %get3A_522 = arith.index_cast %add3A_394 : i32 to index
        %get3A_523 = arith.index_cast %get3A_521 : i32 to index
        %get3A_524 = arith.constant 0 : index
        %get3A_525 = tpu.vector_load %arg4[%get3A_522, %get3A_523, %get3A_524] {strides = array<i32>} : memref<8x48x48xf32, #tpu.memory_space<vmem>>, vector<1x1x16xf32>,
        %get3A_526 = vector.shape_cast %get3A_525 : vector<1x1x16xf32> to vector<16xf32>
        %add3A_527 = arith.addf %add3A_520, %get3A_526 : vector<16xf32>
        %get3A_528 = arith.constant 6 : i32
        %get3A_529 = arith.index_cast %add3A_394 : i32 to index
        %get3A_530 = arith.index_cast %get3A_528 : i32 to index
        %get3A_531 = arith.constant 16 : index
        %get3A_532 = tpu.vector_load %arg4[%get3A_529, %get3A_530, %get3A_531] {strides = array<i32>} : memref<8x48x48xf32, #tpu.memory_space<vmem>>, vector<1x1x16xf32>,
        %get3A_533 = vector.shape_cast %get3A_532 : vector<1x1x16xf32> to vector<16xf32>
        %add3A_534 = arith.addf %add3A_527, %get3A_533 : vector<16xf32>
        %get3A_535 = arith.constant 6 : i32
        %get3A_536 = arith.index_cast %add3A_394 : i32 to index
        %get3A_537 = arith.index_cast %get3A_535 : i32 to index
        %get3A_538 = arith.constant 32 : index
        %get3A_539 = tpu.vector_load %arg4[%get3A_536, %get3A_537, %get3A_538] {strides = array<i32>} : memref<8x48x48xf32, #tpu.memory_space<vmem>>, vector<1x1x16xf32>,
        %get3A_540 = vector.shape_cast %get3A_539 : vector<1x1x16xf32> to vector<16xf32>
        %add3A_541 = arith.addf %add3A_534, %get3A_540 : vector<16xf32>
        %get3A_542 = arith.constant 7 : i32
        %get3A_543 = arith.index_cast %add3A_394 : i32 to index
        %get3A_544 = arith.index_cast %get3A_542 : i32 to index
        %get3A_545 = arith.constant 0 : index
        %get3A_546 = tpu.vector_load %arg4[%get3A_543, %get3A_544, %get3A_545] {strides = array<i32>} : memref<8x48x48xf32, #tpu.memory_space<vmem>>, vector<1x1x16xf32>,
        %get3A_547 = vector.shape_cast %get3A_546 : vector<1x1x16xf32> to vector<16xf32>
        %add3A_548 = arith.addf %add3A_541, %get3A_547 : vector<16xf32>
        %get3A_549 = arith.constant 7 : i32
        %get3A_550 = arith.index_cast %add3A_394 : i32 to index
        %get3A_551 = arith.index_cast %get3A_549 : i32 to index
        %get3A_552 = arith.constant 16 : index
        %get3A_553 = tpu.vector_load %arg4[%get3A_550, %get3A_551, %get3A_552] {strides = array<i32>} : memref<8x48x48xf32, #tpu.memory_space<vmem>>, vector<1x1x16xf32>,
        %get3A_554 = vector.shape_cast %get3A_553 : vector<1x1x16xf32> to vector<16xf32>
        %add3A_555 = arith.addf %add3A_548, %get3A_554 : vector<16xf32>
        %get3A_556 = arith.constant 7 : i32
        %get3A_557 = arith.index_cast %add3A_394 : i32 to index
        %get3A_558 = arith.index_cast %get3A_556 : i32 to index
        %get3A_559 = arith.constant 32 : index
        %get3A_560 = tpu.vector_load %arg4[%get3A_557, %get3A_558, %get3A_559] {strides = array<i32>} : memref<8x48x48xf32, #tpu.memory_space<vmem>>, vector<1x1x16xf32>,
        %get3A_561 = vector.shape_cast %get3A_560 : vector<1x1x16xf32> to vector<16xf32>
        %add3A_562 = arith.addf %add3A_555, %get3A_561 : vector<16xf32>
        %get3A_563 = arith.constant 8 : i32
        %get3A_564 = arith.index_cast %add3A_394 : i32 to index
        %get3A_565 = arith.index_cast %get3A_563 : i32 to index
        %get3A_566 = arith.constant 0 : index
        %get3A_567 = tpu.vector_load %arg4[%get3A_564, %get3A_565, %get3A_566] {strides = array<i32>} : memref<8x48x48xf32, #tpu.memory_space<vmem>>, vector<1x1x16xf32>,
        %get3A_568 = vector.shape_cast %get3A_567 : vector<1x1x16xf32> to vector<16xf32>
        %add3A_569 = arith.addf %add3A_562, %get3A_568 : vector<16xf32>
        %get3A_570 = arith.constant 8 : i32
        %get3A_571 = arith.index_cast %add3A_394 : i32 to index
        %get3A_572 = arith.index_cast %get3A_570 : i32 to index
        %get3A_573 = arith.constant 16 : index
        %get3A_574 = tpu.vector_load %arg4[%get3A_571, %get3A_572, %get3A_573] {strides = array<i32>} : memref<8x48x48xf32, #tpu.memory_space<vmem>>, vector<1x1x16xf32>,
        %get3A_575 = vector.shape_cast %get3A_574 : vector<1x1x16xf32> to vector<16xf32>
        %add3A_576 = arith.addf %add3A_569, %get3A_575 : vector<16xf32>
        %get3A_577 = arith.constant 8 : i32
        %get3A_578 = arith.index_cast %add3A_394 : i32 to index
        %get3A_579 = arith.index_cast %get3A_577 : i32 to index
        %get3A_580 = arith.constant 32 : index
        %get3A_581 = tpu.vector_load %arg4[%get3A_578, %get3A_579, %get3A_580] {strides = array<i32>} : memref<8x48x48xf32, #tpu.memory_space<vmem>>, vector<1x1x16xf32>,
        %get3A_582 = vector.shape_cast %get3A_581 : vector<1x1x16xf32> to vector<16xf32>
        %add3A_583 = arith.addf %add3A_576, %get3A_582 : vector<16xf32>
        %get3A_584 = arith.constant 9 : i32
        %get3A_585 = arith.index_cast %add3A_394 : i32 to index
        %get3A_586 = arith.index_cast %get3A_584 : i32 to index
        %get3A_587 = arith.constant 0 : index
        %get3A_588 = tpu.vector_load %arg4[%get3A_585, %get3A_586, %get3A_587] {strides = array<i32>} : memref<8x48x48xf32, #tpu.memory_space<vmem>>, vector<1x1x16xf32>,
        %get3A_589 = vector.shape_cast %get3A_588 : vector<1x1x16xf32> to vector<16xf32>
        %add3A_590 = arith.addf %add3A_583, %get3A_589 : vector<16xf32>
        %get3A_591 = arith.constant 9 : i32
        %get3A_592 = arith.index_cast %add3A_394 : i32 to index
        %get3A_593 = arith.index_cast %get3A_591 : i32 to index
        %get3A_594 = arith.constant 16 : index
        %get3A_595 = tpu.vector_load %arg4[%get3A_592, %get3A_593, %get3A_594] {strides = array<i32>} : memref<8x48x48xf32, #tpu.memory_space<vmem>>, vector<1x1x16xf32>,
        %get3A_596 = vector.shape_cast %get3A_595 : vector<1x1x16xf32> to vector<16xf32>
        %add3A_597 = arith.addf %add3A_590, %get3A_596 : vector<16xf32>
        %get3A_598 = arith.constant 9 : i32
        %get3A_599 = arith.index_cast %add3A_394 : i32 to index
        %get3A_600 = arith.index_cast %get3A_598 : i32 to index
        %get3A_601 = arith.constant 32 : index
        %get3A_602 = tpu.vector_load %arg4[%get3A_599, %get3A_600, %get3A_601] {strides = array<i32>} : memref<8x48x48xf32, #tpu.memory_space<vmem>>, vector<1x1x16xf32>,
        %get3A_603 = vector.shape_cast %get3A_602 : vector<1x1x16xf32> to vector<16xf32>
        %add3A_604 = arith.addf %add3A_597, %get3A_603 : vector<16xf32>
        %get3A_605 = arith.constant 10 : i32
        %get3A_606 = arith.index_cast %add3A_394 : i32 to index
        %get3A_607 = arith.index_cast %get3A_605 : i32 to index
        %get3A_608 = arith.constant 0 : index
        %get3A_609 = tpu.vector_load %arg4[%get3A_606, %get3A_607, %get3A_608] {strides = array<i32>} : memref<8x48x48xf32, #tpu.memory_space<vmem>>, vector<1x1x16xf32>,
        %get3A_610 = vector.shape_cast %get3A_609 : vector<1x1x16xf32> to vector<16xf32>
        %add3A_611 = arith.addf %add3A_604, %get3A_610 : vector<16xf32>
        %get3A_612 = arith.constant 10 : i32
        %get3A_613 = arith.index_cast %add3A_394 : i32 to index
        %get3A_614 = arith.index_cast %get3A_612 : i32 to index
        %get3A_615 = arith.constant 16 : index
        %get3A_616 = tpu.vector_load %arg4[%get3A_613, %get3A_614, %get3A_615] {strides = array<i32>} : memref<8x48x48xf32, #tpu.memory_space<vmem>>, vector<1x1x16xf32>,
        %get3A_617 = vector.shape_cast %get3A_616 : vector<1x1x16xf32> to vector<16xf32>
        %add3A_618 = arith.addf %add3A_611, %get3A_617 : vector<16xf32>
        %get3A_619 = arith.constant 10 : i32
        %get3A_620 = arith.index_cast %add3A_394 : i32 to index
        %get3A_621 = arith.index_cast %get3A_619 : i32 to index
        %get3A_622 = arith.constant 32 : index
        %get3A_623 = tpu.vector_load %arg4[%get3A_620, %get3A_621, %get3A_622] {strides = array<i32>} : memref<8x48x48xf32, #tpu.memory_space<vmem>>, vector<1x1x16xf32>,
        %get3A_624 = vector.shape_cast %get3A_623 : vector<1x1x16xf32> to vector<16xf32>
        %add3A_625 = arith.addf %add3A_618, %get3A_624 : vector<16xf32>
        %get3A_626 = arith.constant 11 : i32
        %get3A_627 = arith.index_cast %add3A_394 : i32 to index
        %get3A_628 = arith.index_cast %get3A_626 : i32 to index
        %get3A_629 = arith.constant 0 : index
        %get3A_630 = tpu.vector_load %arg4[%get3A_627, %get3A_628, %get3A_629] {strides = array<i32>} : memref<8x48x48xf32, #tpu.memory_space<vmem>>, vector<1x1x16xf32>,
        %get3A_631 = vector.shape_cast %get3A_630 : vector<1x1x16xf32> to vector<16xf32>
        %add3A_632 = arith.addf %add3A_625, %get3A_631 : vector<16xf32>
        %get3A_633 = arith.constant 11 : i32
        %get3A_634 = arith.index_cast %add3A_394 : i32 to index
        %get3A_635 = arith.index_cast %get3A_633 : i32 to index
        %get3A_636 = arith.constant 16 : index
        %get3A_637 = tpu.vector_load %arg4[%get3A_634, %get3A_635, %get3A_636] {strides = array<i32>} : memref<8x48x48xf32, #tpu.memory_space<vmem>>, vector<1x1x16xf32>,
        %get3A_638 = vector.shape_cast %get3A_637 : vector<1x1x16xf32> to vector<16xf32>
        %add3A_639 = arith.addf %add3A_632, %get3A_638 : vector<16xf32>
        %get3A_640 = arith.constant 11 : i32
        %get3A_641 = arith.index_cast %add3A_394 : i32 to index
        %get3A_642 = arith.index_cast %get3A_640 : i32 to index
        %get3A_643 = arith.constant 32 : index
        %get3A_644 = tpu.vector_load %arg4[%get3A_641, %get3A_642, %get3A_643] {strides = array<i32>} : memref<8x48x48xf32, #tpu.memory_space<vmem>>, vector<1x1x16xf32>,
        %get3A_645 = vector.shape_cast %get3A_644 : vector<1x1x16xf32> to vector<16xf32>
        %add3A_646 = arith.addf %add3A_639, %get3A_645 : vector<16xf32>
        %get3A_647 = arith.constant 12 : i32
        %get3A_648 = arith.index_cast %add3A_394 : i32 to index
        %get3A_649 = arith.index_cast %get3A_647 : i32 to index
        %get3A_650 = arith.constant 0 : index
        %get3A_651 = tpu.vector_load %arg4[%get3A_648, %get3A_649, %get3A_650] {strides = array<i32>} : memref<8x48x48xf32, #tpu.memory_space<vmem>>, vector<1x1x16xf32>,
        %get3A_652 = vector.shape_cast %get3A_651 : vector<1x1x16xf32> to vector<16xf32>
        %add3A_653 = arith.addf %add3A_646, %get3A_652 : vector<16xf32>
        %get3A_654 = arith.constant 12 : i32
        %get3A_655 = arith.index_cast %add3A_394 : i32 to index
        %get3A_656 = arith.index_cast %get3A_654 : i32 to index
        %get3A_657 = arith.constant 16 : index
        %get3A_658 = tpu.vector_load %arg4[%get3A_655, %get3A_656, %get3A_657] {strides = array<i32>} : memref<8x48x48xf32, #tpu.memory_space<vmem>>, vector<1x1x16xf32>,
        %get3A_659 = vector.shape_cast %get3A_658 : vector<1x1x16xf32> to vector<16xf32>
        %add3A_660 = arith.addf %add3A_653, %get3A_659 : vector<16xf32>
        %get3A_661 = arith.constant 12 : i32
        %get3A_662 = arith.index_cast %add3A_394 : i32 to index
        %get3A_663 = arith.index_cast %get3A_661 : i32 to index
        %get3A_664 = arith.constant 32 : index
        %get3A_665 = tpu.vector_load %arg4[%get3A_662, %get3A_663, %get3A_664] {strides = array<i32>} : memref<8x48x48xf32, #tpu.memory_space<vmem>>, vector<1x1x16xf32>,
        %get3A_666 = vector.shape_cast %get3A_665 : vector<1x1x16xf32> to vector<16xf32>
        %add3A_667 = arith.addf %add3A_660, %get3A_666 : vector<16xf32>
        %get3A_668 = arith.constant 13 : i32
        %get3A_669 = arith.index_cast %add3A_394 : i32 to index
        %get3A_670 = arith.index_cast %get3A_668 : i32 to index
        %get3A_671 = arith.constant 0 : index
        %get3A_672 = tpu.vector_load %arg4[%get3A_669, %get3A_670, %get3A_671] {strides = array<i32>} : memref<8x48x48xf32, #tpu.memory_space<vmem>>, vector<1x1x16xf32>,
        %get3A_673 = vector.shape_cast %get3A_672 : vector<1x1x16xf32> to vector<16xf32>
        %add3A_674 = arith.addf %add3A_667, %get3A_673 : vector<16xf32>
        %get3A_675 = arith.constant 13 : i32
        %get3A_676 = arith.index_cast %add3A_394 : i32 to index
        %get3A_677 = arith.index_cast %get3A_675 : i32 to index
        %get3A_678 = arith.constant 16 : index
        %get3A_679 = tpu.vector_load %arg4[%get3A_676, %get3A_677, %get3A_678] {strides = array<i32>} : memref<8x48x48xf32, #tpu.memory_space<vmem>>, vector<1x1x16xf32>,
        %get3A_680 = vector.shape_cast %get3A_679 : vector<1x1x16xf32> to vector<16xf32>
        %add3A_681 = arith.addf %add3A_674, %get3A_680 : vector<16xf32>
        %get3A_682 = arith.constant 13 : i32
        %get3A_683 = arith.index_cast %add3A_394 : i32 to index
        %get3A_684 = arith.index_cast %get3A_682 : i32 to index
        %get3A_685 = arith.constant 32 : index
        %get3A_686 = tpu.vector_load %arg4[%get3A_683, %get3A_684, %get3A_685] {strides = array<i32>} : memref<8x48x48xf32, #tpu.memory_space<vmem>>, vector<1x1x16xf32>,
        %get3A_687 = vector.shape_cast %get3A_686 : vector<1x1x16xf32> to vector<16xf32>
        %add3A_688 = arith.addf %add3A_681, %get3A_687 : vector<16xf32>
        %get3A_689 = arith.constant 14 : i32
        %get3A_690 = arith.index_cast %add3A_394 : i32 to index
        %get3A_691 = arith.index_cast %get3A_689 : i32 to index
        %get3A_692 = arith.constant 0 : index
        %get3A_693 = tpu.vector_load %arg4[%get3A_690, %get3A_691, %get3A_692] {strides = array<i32>} : memref<8x48x48xf32, #tpu.memory_space<vmem>>, vector<1x1x16xf32>,
        %get3A_694 = vector.shape_cast %get3A_693 : vector<1x1x16xf32> to vector<16xf32>
        %add3A_695 = arith.addf %add3A_688, %get3A_694 : vector<16xf32>
        %get3A_696 = arith.constant 14 : i32
        %get3A_697 = arith.index_cast %add3A_394 : i32 to index
        %get3A_698 = arith.index_cast %get3A_696 : i32 to index
        %get3A_699 = arith.constant 16 : index
        %get3A_700 = tpu.vector_load %arg4[%get3A_697, %get3A_698, %get3A_699] {strides = array<i32>} : memref<8x48x48xf32, #tpu.memory_space<vmem>>, vector<1x1x16xf32>,
        %get3A_701 = vector.shape_cast %get3A_700 : vector<1x1x16xf32> to vector<16xf32>
        %add3A_702 = arith.addf %add3A_695, %get3A_701 : vector<16xf32>
        %get3A_703 = arith.constant 14 : i32
        %get3A_704 = arith.index_cast %add3A_394 : i32 to index
        %get3A_705 = arith.index_cast %get3A_703 : i32 to index
        %get3A_706 = arith.constant 32 : index
        %get3A_707 = tpu.vector_load %arg4[%get3A_704, %get3A_705, %get3A_706] {strides = array<i32>} : memref<8x48x48xf32, #tpu.memory_space<vmem>>, vector<1x1x16xf32>,
        %get3A_708 = vector.shape_cast %get3A_707 : vector<1x1x16xf32> to vector<16xf32>
        %add3A_709 = arith.addf %add3A_702, %get3A_708 : vector<16xf32>
        %get3A_710 = arith.constant 15 : i32
        %get3A_711 = arith.index_cast %add3A_394 : i32 to index
        %get3A_712 = arith.index_cast %get3A_710 : i32 to index
        %get3A_713 = arith.constant 0 : index
        %get3A_714 = tpu.vector_load %arg4[%get3A_711, %get3A_712, %get3A_713] {strides = array<i32>} : memref<8x48x48xf32, #tpu.memory_space<vmem>>, vector<1x1x16xf32>,
        %get3A_715 = vector.shape_cast %get3A_714 : vector<1x1x16xf32> to vector<16xf32>
        %add3A_716 = arith.addf %add3A_709, %get3A_715 : vector<16xf32>
        %get3A_717 = arith.constant 15 : i32
        %get3A_718 = arith.index_cast %add3A_394 : i32 to index
        %get3A_719 = arith.index_cast %get3A_717 : i32 to index
        %get3A_720 = arith.constant 16 : index
        %get3A_721 = tpu.vector_load %arg4[%get3A_718, %get3A_719, %get3A_720] {strides = array<i32>} : memref<8x48x48xf32, #tpu.memory_space<vmem>>, vector<1x1x16xf32>,
        %get3A_722 = vector.shape_cast %get3A_721 : vector<1x1x16xf32> to vector<16xf32>
        %add3A_723 = arith.addf %add3A_716, %get3A_722 : vector<16xf32>
        %get3A_724 = arith.constant 15 : i32
        %get3A_725 = arith.index_cast %add3A_394 : i32 to index
        %get3A_726 = arith.index_cast %get3A_724 : i32 to index
        %get3A_727 = arith.constant 32 : index
        %get3A_728 = tpu.vector_load %arg4[%get3A_725, %get3A_726, %get3A_727] {strides = array<i32>} : memref<8x48x48xf32, #tpu.memory_space<vmem>>, vector<1x1x16xf32>,
        %get3A_729 = vector.shape_cast %get3A_728 : vector<1x1x16xf32> to vector<16xf32>
        %add3A_730 = arith.addf %add3A_723, %get3A_729 : vector<16xf32>
        %get3A_731 = arith.constant 16 : i32
        %get3A_732 = arith.index_cast %add3A_394 : i32 to index
        %get3A_733 = arith.index_cast %get3A_731 : i32 to index
        %get3A_734 = arith.constant 0 : index
        %get3A_735 = tpu.vector_load %arg4[%get3A_732, %get3A_733, %get3A_734] {strides = array<i32>} : memref<8x48x48xf32, #tpu.memory_space<vmem>>, vector<1x1x16xf32>,
        %get3A_736 = vector.shape_cast %get3A_735 : vector<1x1x16xf32> to vector<16xf32>
        %add3A_737 = arith.addf %add3A_730, %get3A_736 : vector<16xf32>
        %get3A_738 = arith.constant 16 : i32
        %get3A_739 = arith.index_cast %add3A_394 : i32 to index
        %get3A_740 = arith.index_cast %get3A_738 : i32 to index
        %get3A_741 = arith.constant 16 : index
        %get3A_742 = tpu.vector_load %arg4[%get3A_739, %get3A_740, %get3A_741] {strides = array<i32>} : memref<8x48x48xf32, #tpu.memory_space<vmem>>, vector<1x1x16xf32>,
        %get3A_743 = vector.shape_cast %get3A_742 : vector<1x1x16xf32> to vector<16xf32>
        %add3A_744 = arith.addf %add3A_737, %get3A_743 : vector<16xf32>
        %get3A_745 = arith.constant 16 : i32
        %get3A_746 = arith.index_cast %add3A_394 : i32 to index
        %get3A_747 = arith.index_cast %get3A_745 : i32 to index
        %get3A_748 = arith.constant 32 : index
        %get3A_749 = tpu.vector_load %arg4[%get3A_746, %get3A_747, %get3A_748] {strides = array<i32>} : memref<8x48x48xf32, #tpu.memory_space<vmem>>, vector<1x1x16xf32>,
        %get3A_750 = vector.shape_cast %get3A_749 : vector<1x1x16xf32> to vector<16xf32>
        %add3A_751 = arith.addf %add3A_744, %get3A_750 : vector<16xf32>
        %get3A_752 = arith.constant 17 : i32
        %get3A_753 = arith.index_cast %add3A_394 : i32 to index
        %get3A_754 = arith.index_cast %get3A_752 : i32 to index
        %get3A_755 = arith.constant 0 : index
        %get3A_756 = tpu.vector_load %arg4[%get3A_753, %get3A_754, %get3A_755] {strides = array<i32>} : memref<8x48x48xf32, #tpu.memory_space<vmem>>, vector<1x1x16xf32>,
        %get3A_757 = vector.shape_cast %get3A_756 : vector<1x1x16xf32> to vector<16xf32>
        %add3A_758 = arith.addf %add3A_751, %get3A_757 : vector<16xf32>
        %get3A_759 = arith.constant 17 : i32
        %get3A_760 = arith.index_cast %add3A_394 : i32 to index
        %get3A_761 = arith.index_cast %get3A_759 : i32 to index
        %get3A_762 = arith.constant 16 : index
        %get3A_763 = tpu.vector_load %arg4[%get3A_760, %get3A_761, %get3A_762] {strides = array<i32>} : memref<8x48x48xf32, #tpu.memory_space<vmem>>, vector<1x1x16xf32>,
        %get3A_764 = vector.shape_cast %get3A_763 : vector<1x1x16xf32> to vector<16xf32>
        %add3A_765 = arith.addf %add3A_758, %get3A_764 : vector<16xf32>
        %get3A_766 = arith.constant 17 : i32
        %get3A_767 = arith.index_cast %add3A_394 : i32 to index
        %get3A_768 = arith.index_cast %get3A_766 : i32 to index
        %get3A_769 = arith.constant 32 : index
        %get3A_770 = tpu.vector_load %arg4[%get3A_767, %get3A_768, %get3A_769] {strides = array<i32>} : memref<8x48x48xf32, #tpu.memory_space<vmem>>, vector<1x1x16xf32>,
        %get3A_771 = vector.shape_cast %get3A_770 : vector<1x1x16xf32> to vector<16xf32>
        %add3A_772 = arith.addf %add3A_765, %get3A_771 : vector<16xf32>
        %get3A_773 = arith.constant 18 : i32
        %get3A_774 = arith.index_cast %add3A_394 : i32 to index
        %get3A_775 = arith.index_cast %get3A_773 : i32 to index
        %get3A_776 = arith.constant 0 : index
        %get3A_777 = tpu.vector_load %arg4[%get3A_774, %get3A_775, %get3A_776] {strides = array<i32>} : memref<8x48x48xf32, #tpu.memory_space<vmem>>, vector<1x1x16xf32>,
        %get3A_778 = vector.shape_cast %get3A_777 : vector<1x1x16xf32> to vector<16xf32>
        %add3A_779 = arith.addf %add3A_772, %get3A_778 : vector<16xf32>
        %get3A_780 = arith.constant 18 : i32
        %get3A_781 = arith.index_cast %add3A_394 : i32 to index
        %get3A_782 = arith.index_cast %get3A_780 : i32 to index
        %get3A_783 = arith.constant 16 : index
        %get3A_784 = tpu.vector_load %arg4[%get3A_781, %get3A_782, %get3A_783] {strides = array<i32>} : memref<8x48x48xf32, #tpu.memory_space<vmem>>, vector<1x1x16xf32>,
        %get3A_785 = vector.shape_cast %get3A_784 : vector<1x1x16xf32> to vector<16xf32>
        %add3A_786 = arith.addf %add3A_779, %get3A_785 : vector<16xf32>
        %get3A_787 = arith.constant 18 : i32
        %get3A_788 = arith.index_cast %add3A_394 : i32 to index
        %get3A_789 = arith.index_cast %get3A_787 : i32 to index
        %get3A_790 = arith.constant 32 : index
        %get3A_791 = tpu.vector_load %arg4[%get3A_788, %get3A_789, %get3A_790] {strides = array<i32>} : memref<8x48x48xf32, #tpu.memory_space<vmem>>, vector<1x1x16xf32>,
        %get3A_792 = vector.shape_cast %get3A_791 : vector<1x1x16xf32> to vector<16xf32>
        %add3A_793 = arith.addf %add3A_786, %get3A_792 : vector<16xf32>
        %get3A_794 = arith.constant 19 : i32
        %get3A_795 = arith.index_cast %add3A_394 : i32 to index
        %get3A_796 = arith.index_cast %get3A_794 : i32 to index
        %get3A_797 = arith.constant 0 : index
        %get3A_798 = tpu.vector_load %arg4[%get3A_795, %get3A_796, %get3A_797] {strides = array<i32>} : memref<8x48x48xf32, #tpu.memory_space<vmem>>, vector<1x1x16xf32>,
        %get3A_799 = vector.shape_cast %get3A_798 : vector<1x1x16xf32> to vector<16xf32>
        %add3A_800 = arith.addf %add3A_793, %get3A_799 : vector<16xf32>
        %get3A_801 = arith.constant 19 : i32
        %get3A_802 = arith.index_cast %add3A_394 : i32 to index
        %get3A_803 = arith.index_cast %get3A_801 : i32 to index
        %get3A_804 = arith.constant 16 : index
        %get3A_805 = tpu.vector_load %arg4[%get3A_802, %get3A_803, %get3A_804] {strides = array<i32>} : memref<8x48x48xf32, #tpu.memory_space<vmem>>, vector<1x1x16xf32>,
        %get3A_806 = vector.shape_cast %get3A_805 : vector<1x1x16xf32> to vector<16xf32>
        %add3A_807 = arith.addf %add3A_800, %get3A_806 : vector<16xf32>
        %get3A_808 = arith.constant 19 : i32
        %get3A_809 = arith.index_cast %add3A_394 : i32 to index
        %get3A_810 = arith.index_cast %get3A_808 : i32 to index
        %get3A_811 = arith.constant 32 : index
        %get3A_812 = tpu.vector_load %arg4[%get3A_809, %get3A_810, %get3A_811] {strides = array<i32>} : memref<8x48x48xf32, #tpu.memory_space<vmem>>, vector<1x1x16xf32>,
        %get3A_813 = vector.shape_cast %get3A_812 : vector<1x1x16xf32> to vector<16xf32>
        %add3A_814 = arith.addf %add3A_807, %get3A_813 : vector<16xf32>
        %get3A_815 = arith.constant 20 : i32
        %get3A_816 = arith.index_cast %add3A_394 : i32 to index
        %get3A_817 = arith.index_cast %get3A_815 : i32 to index
        %get3A_818 = arith.constant 0 : index
        %get3A_819 = tpu.vector_load %arg4[%get3A_816, %get3A_817, %get3A_818] {strides = array<i32>} : memref<8x48x48xf32, #tpu.memory_space<vmem>>, vector<1x1x16xf32>,
        %get3A_820 = vector.shape_cast %get3A_819 : vector<1x1x16xf32> to vector<16xf32>
        %add3A_821 = arith.addf %add3A_814, %get3A_820 : vector<16xf32>
        %get3A_822 = arith.constant 20 : i32
        %get3A_823 = arith.index_cast %add3A_394 : i32 to index
        %get3A_824 = arith.index_cast %get3A_822 : i32 to index
        %get3A_825 = arith.constant 16 : index
        %get3A_826 = tpu.vector_load %arg4[%get3A_823, %get3A_824, %get3A_825] {strides = array<i32>} : memref<8x48x48xf32, #tpu.memory_space<vmem>>, vector<1x1x16xf32>,
        %get3A_827 = vector.shape_cast %get3A_826 : vector<1x1x16xf32> to vector<16xf32>
        %add3A_828 = arith.addf %add3A_821, %get3A_827 : vector<16xf32>
        %get3A_829 = arith.constant 20 : i32
        %get3A_830 = arith.index_cast %add3A_394 : i32 to index
        %get3A_831 = arith.index_cast %get3A_829 : i32 to index
        %get3A_832 = arith.constant 32 : index
        %get3A_833 = tpu.vector_load %arg4[%get3A_830, %get3A_831, %get3A_832] {strides = array<i32>} : memref<8x48x48xf32, #tpu.memory_space<vmem>>, vector<1x1x16xf32>,
        %get3A_834 = vector.shape_cast %get3A_833 : vector<1x1x16xf32> to vector<16xf32>
        %add3A_835 = arith.addf %add3A_828, %get3A_834 : vector<16xf32>
        %get3A_836 = arith.constant 21 : i32
        %get3A_837 = arith.index_cast %add3A_394 : i32 to index
        %get3A_838 = arith.index_cast %get3A_836 : i32 to index
        %get3A_839 = arith.constant 0 : index
        %get3A_840 = tpu.vector_load %arg4[%get3A_837, %get3A_838, %get3A_839] {strides = array<i32>} : memref<8x48x48xf32, #tpu.memory_space<vmem>>, vector<1x1x16xf32>,
        %get3A_841 = vector.shape_cast %get3A_840 : vector<1x1x16xf32> to vector<16xf32>
        %add3A_842 = arith.addf %add3A_835, %get3A_841 : vector<16xf32>
        %get3A_843 = arith.constant 21 : i32
        %get3A_844 = arith.index_cast %add3A_394 : i32 to index
        %get3A_845 = arith.index_cast %get3A_843 : i32 to index
        %get3A_846 = arith.constant 16 : index
        %get3A_847 = tpu.vector_load %arg4[%get3A_844, %get3A_845, %get3A_846] {strides = array<i32>} : memref<8x48x48xf32, #tpu.memory_space<vmem>>, vector<1x1x16xf32>,
        %get3A_848 = vector.shape_cast %get3A_847 : vector<1x1x16xf32> to vector<16xf32>
        %add3A_849 = arith.addf %add3A_842, %get3A_848 : vector<16xf32>
        %get3A_850 = arith.constant 21 : i32
        %get3A_851 = arith.index_cast %add3A_394 : i32 to index
        %get3A_852 = arith.index_cast %get3A_850 : i32 to index
        %get3A_853 = arith.constant 32 : index
        %get3A_854 = tpu.vector_load %arg4[%get3A_851, %get3A_852, %get3A_853] {strides = array<i32>} : memref<8x48x48xf32, #tpu.memory_space<vmem>>, vector<1x1x16xf32>,
        %get3A_855 = vector.shape_cast %get3A_854 : vector<1x1x16xf32> to vector<16xf32>
        %add3A_856 = arith.addf %add3A_849, %get3A_855 : vector<16xf32>
        %get3A_857 = arith.constant 22 : i32
        %get3A_858 = arith.index_cast %add3A_394 : i32 to index
        %get3A_859 = arith.index_cast %get3A_857 : i32 to index
        %get3A_860 = arith.constant 0 : index
        %get3A_861 = tpu.vector_load %arg4[%get3A_858, %get3A_859, %get3A_860] {strides = array<i32>} : memref<8x48x48xf32, #tpu.memory_space<vmem>>, vector<1x1x16xf32>,
        %get3A_862 = vector.shape_cast %get3A_861 : vector<1x1x16xf32> to vector<16xf32>
        %add3A_863 = arith.addf %add3A_856, %get3A_862 : vector<16xf32>
        %get3A_864 = arith.constant 22 : i32
        %get3A_865 = arith.index_cast %add3A_394 : i32 to index
        %get3A_866 = arith.index_cast %get3A_864 : i32 to index
        %get3A_867 = arith.constant 16 : index
        %get3A_868 = tpu.vector_load %arg4[%get3A_865, %get3A_866, %get3A_867] {strides = array<i32>} : memref<8x48x48xf32, #tpu.memory_space<vmem>>, vector<1x1x16xf32>,
        %get3A_869 = vector.shape_cast %get3A_868 : vector<1x1x16xf32> to vector<16xf32>
        %add3A_870 = arith.addf %add3A_863, %get3A_869 : vector<16xf32>
        %get3A_871 = arith.constant 22 : i32
        %get3A_872 = arith.index_cast %add3A_394 : i32 to index
        %get3A_873 = arith.index_cast %get3A_871 : i32 to index
        %get3A_874 = arith.constant 32 : index
        %get3A_875 = tpu.vector_load %arg4[%get3A_872, %get3A_873, %get3A_874] {strides = array<i32>} : memref<8x48x48xf32, #tpu.memory_space<vmem>>, vector<1x1x16xf32>,
        %get3A_876 = vector.shape_cast %get3A_875 : vector<1x1x16xf32> to vector<16xf32>
        %add3A_877 = arith.addf %add3A_870, %get3A_876 : vector<16xf32>
        %get3A_878 = arith.constant 23 : i32
        %get3A_879 = arith.index_cast %add3A_394 : i32 to index
        %get3A_880 = arith.index_cast %get3A_878 : i32 to index
        %get3A_881 = arith.constant 0 : index
        %get3A_882 = tpu.vector_load %arg4[%get3A_879, %get3A_880, %get3A_881] {strides = array<i32>} : memref<8x48x48xf32, #tpu.memory_space<vmem>>, vector<1x1x16xf32>,
        %get3A_883 = vector.shape_cast %get3A_882 : vector<1x1x16xf32> to vector<16xf32>
        %add3A_884 = arith.addf %add3A_877, %get3A_883 : vector<16xf32>
        %get3A_885 = arith.constant 23 : i32
        %get3A_886 = arith.index_cast %add3A_394 : i32 to index
        %get3A_887 = arith.index_cast %get3A_885 : i32 to index
        %get3A_888 = arith.constant 16 : index
        %get3A_889 = tpu.vector_load %arg4[%get3A_886, %get3A_887, %get3A_888] {strides = array<i32>} : memref<8x48x48xf32, #tpu.memory_space<vmem>>, vector<1x1x16xf32>,
        %get3A_890 = vector.shape_cast %get3A_889 : vector<1x1x16xf32> to vector<16xf32>
        %add3A_891 = arith.addf %add3A_884, %get3A_890 : vector<16xf32>
        %get3A_892 = arith.constant 23 : i32
        %get3A_893 = arith.index_cast %add3A_394 : i32 to index
        %get3A_894 = arith.index_cast %get3A_892 : i32 to index
        %get3A_895 = arith.constant 32 : index
        %get3A_896 = tpu.vector_load %arg4[%get3A_893, %get3A_894, %get3A_895] {strides = array<i32>} : memref<8x48x48xf32, #tpu.memory_space<vmem>>, vector<1x1x16xf32>,
        %get3A_897 = vector.shape_cast %get3A_896 : vector<1x1x16xf32> to vector<16xf32>
        %add3A_898 = arith.addf %add3A_891, %get3A_897 : vector<16xf32>
        %get3A_899 = arith.constant 24 : i32
        %get3A_900 = arith.index_cast %add3A_394 : i32 to index
        %get3A_901 = arith.index_cast %get3A_899 : i32 to index
        %get3A_902 = arith.constant 0 : index
        %get3A_903 = tpu.vector_load %arg4[%get3A_900, %get3A_901, %get3A_902] {strides = array<i32>} : memref<8x48x48xf32, #tpu.memory_space<vmem>>, vector<1x1x16xf32>,
        %get3A_904 = vector.shape_cast %get3A_903 : vector<1x1x16xf32> to vector<16xf32>
        %add3A_905 = arith.addf %add3A_898, %get3A_904 : vector<16xf32>
        %get3A_906 = arith.constant 24 : i32
        %get3A_907 = arith.index_cast %add3A_394 : i32 to index
        %get3A_908 = arith.index_cast %get3A_906 : i32 to index
        %get3A_909 = arith.constant 16 : index
        %get3A_910 = tpu.vector_load %arg4[%get3A_907, %get3A_908, %get3A_909] {strides = array<i32>} : memref<8x48x48xf32, #tpu.memory_space<vmem>>, vector<1x1x16xf32>,
        %get3A_911 = vector.shape_cast %get3A_910 : vector<1x1x16xf32> to vector<16xf32>
        %add3A_912 = arith.addf %add3A_905, %get3A_911 : vector<16xf32>
        %get3A_913 = arith.constant 24 : i32
        %get3A_914 = arith.index_cast %add3A_394 : i32 to index
        %get3A_915 = arith.index_cast %get3A_913 : i32 to index
        %get3A_916 = arith.constant 32 : index
        %get3A_917 = tpu.vector_load %arg4[%get3A_914, %get3A_915, %get3A_916] {strides = array<i32>} : memref<8x48x48xf32, #tpu.memory_space<vmem>>, vector<1x1x16xf32>,
        %get3A_918 = vector.shape_cast %get3A_917 : vector<1x1x16xf32> to vector<16xf32>
        %add3A_919 = arith.addf %add3A_912, %get3A_918 : vector<16xf32>
        %get3A_920 = arith.constant 25 : i32
        %get3A_921 = arith.index_cast %add3A_394 : i32 to index
        %get3A_922 = arith.index_cast %get3A_920 : i32 to index
        %get3A_923 = arith.constant 0 : index
        %get3A_924 = tpu.vector_load %arg4[%get3A_921, %get3A_922, %get3A_923] {strides = array<i32>} : memref<8x48x48xf32, #tpu.memory_space<vmem>>, vector<1x1x16xf32>,
        %get3A_925 = vector.shape_cast %get3A_924 : vector<1x1x16xf32> to vector<16xf32>
        %add3A_926 = arith.addf %add3A_919, %get3A_925 : vector<16xf32>
        %get3A_927 = arith.constant 25 : i32
        %get3A_928 = arith.index_cast %add3A_394 : i32 to index
        %get3A_929 = arith.index_cast %get3A_927 : i32 to index
        %get3A_930 = arith.constant 16 : index
        %get3A_931 = tpu.vector_load %arg4[%get3A_928, %get3A_929, %get3A_930] {strides = array<i32>} : memref<8x48x48xf32, #tpu.memory_space<vmem>>, vector<1x1x16xf32>,
        %get3A_932 = vector.shape_cast %get3A_931 : vector<1x1x16xf32> to vector<16xf32>
        %add3A_933 = arith.addf %add3A_926, %get3A_932 : vector<16xf32>
        %get3A_934 = arith.constant 25 : i32
        %get3A_935 = arith.index_cast %add3A_394 : i32 to index
        %get3A_936 = arith.index_cast %get3A_934 : i32 to index
        %get3A_937 = arith.constant 32 : index
        %get3A_938 = tpu.vector_load %arg4[%get3A_935, %get3A_936, %get3A_937] {strides = array<i32>} : memref<8x48x48xf32, #tpu.memory_space<vmem>>, vector<1x1x16xf32>,
        %get3A_939 = vector.shape_cast %get3A_938 : vector<1x1x16xf32> to vector<16xf32>
        %add3A_940 = arith.addf %add3A_933, %get3A_939 : vector<16xf32>
        %get3A_941 = arith.constant 26 : i32
        %get3A_942 = arith.index_cast %add3A_394 : i32 to index
        %get3A_943 = arith.index_cast %get3A_941 : i32 to index
        %get3A_944 = arith.constant 0 : index
        %get3A_945 = tpu.vector_load %arg4[%get3A_942, %get3A_943, %get3A_944] {strides = array<i32>} : memref<8x48x48xf32, #tpu.memory_space<vmem>>, vector<1x1x16xf32>,
        %get3A_946 = vector.shape_cast %get3A_945 : vector<1x1x16xf32> to vector<16xf32>
        %add3A_947 = arith.addf %add3A_940, %get3A_946 : vector<16xf32>
        %get3A_948 = arith.constant 26 : i32
        %get3A_949 = arith.index_cast %add3A_394 : i32 to index
        %get3A_950 = arith.index_cast %get3A_948 : i32 to index
        %get3A_951 = arith.constant 16 : index
        %get3A_952 = tpu.vector_load %arg4[%get3A_949, %get3A_950, %get3A_951] {strides = array<i32>} : memref<8x48x48xf32, #tpu.memory_space<vmem>>, vector<1x1x16xf32>,
        %get3A_953 = vector.shape_cast %get3A_952 : vector<1x1x16xf32> to vector<16xf32>
        %add3A_954 = arith.addf %add3A_947, %get3A_953 : vector<16xf32>
        %get3A_955 = arith.constant 26 : i32
        %get3A_956 = arith.index_cast %add3A_394 : i32 to index
        %get3A_957 = arith.index_cast %get3A_955 : i32 to index
        %get3A_958 = arith.constant 32 : index
        %get3A_959 = tpu.vector_load %arg4[%get3A_956, %get3A_957, %get3A_958] {strides = array<i32>} : memref<8x48x48xf32, #tpu.memory_space<vmem>>, vector<1x1x16xf32>,
        %get3A_960 = vector.shape_cast %get3A_959 : vector<1x1x16xf32> to vector<16xf32>
        %add3A_961 = arith.addf %add3A_954, %get3A_960 : vector<16xf32>
        %get3A_962 = arith.constant 27 : i32
        %get3A_963 = arith.index_cast %add3A_394 : i32 to index
        %get3A_964 = arith.index_cast %get3A_962 : i32 to index
        %get3A_965 = arith.constant 0 : index
        %get3A_966 = tpu.vector_load %arg4[%get3A_963, %get3A_964, %get3A_965] {strides = array<i32>} : memref<8x48x48xf32, #tpu.memory_space<vmem>>, vector<1x1x16xf32>,
        %get3A_967 = vector.shape_cast %get3A_966 : vector<1x1x16xf32> to vector<16xf32>
        %add3A_968 = arith.addf %add3A_961, %get3A_967 : vector<16xf32>
        %get3A_969 = arith.constant 27 : i32
        %get3A_970 = arith.index_cast %add3A_394 : i32 to index
        %get3A_971 = arith.index_cast %get3A_969 : i32 to index
        %get3A_972 = arith.constant 16 : index
        %get3A_973 = tpu.vector_load %arg4[%get3A_970, %get3A_971, %get3A_972] {strides = array<i32>} : memref<8x48x48xf32, #tpu.memory_space<vmem>>, vector<1x1x16xf32>,
        %get3A_974 = vector.shape_cast %get3A_973 : vector<1x1x16xf32> to vector<16xf32>
        %add3A_975 = arith.addf %add3A_968, %get3A_974 : vector<16xf32>
        %get3A_976 = arith.constant 27 : i32
        %get3A_977 = arith.index_cast %add3A_394 : i32 to index
        %get3A_978 = arith.index_cast %get3A_976 : i32 to index
        %get3A_979 = arith.constant 32 : index
        %get3A_980 = tpu.vector_load %arg4[%get3A_977, %get3A_978, %get3A_979] {strides = array<i32>} : memref<8x48x48xf32, #tpu.memory_space<vmem>>, vector<1x1x16xf32>,
        %get3A_981 = vector.shape_cast %get3A_980 : vector<1x1x16xf32> to vector<16xf32>
        %add3A_982 = arith.addf %add3A_975, %get3A_981 : vector<16xf32>
        %get3A_983 = arith.constant 28 : i32
        %get3A_984 = arith.index_cast %add3A_394 : i32 to index
        %get3A_985 = arith.index_cast %get3A_983 : i32 to index
        %get3A_986 = arith.constant 0 : index
        %get3A_987 = tpu.vector_load %arg4[%get3A_984, %get3A_985, %get3A_986] {strides = array<i32>} : memref<8x48x48xf32, #tpu.memory_space<vmem>>, vector<1x1x16xf32>,
        %get3A_988 = vector.shape_cast %get3A_987 : vector<1x1x16xf32> to vector<16xf32>
        %add3A_989 = arith.addf %add3A_982, %get3A_988 : vector<16xf32>
        %get3A_990 = arith.constant 28 : i32
        %get3A_991 = arith.index_cast %add3A_394 : i32 to index
        %get3A_992 = arith.index_cast %get3A_990 : i32 to index
        %get3A_993 = arith.constant 16 : index
        %get3A_994 = tpu.vector_load %arg4[%get3A_991, %get3A_992, %get3A_993] {strides = array<i32>} : memref<8x48x48xf32, #tpu.memory_space<vmem>>, vector<1x1x16xf32>,
        %get3A_995 = vector.shape_cast %get3A_994 : vector<1x1x16xf32> to vector<16xf32>
        %add3A_996 = arith.addf %add3A_989, %get3A_995 : vector<16xf32>
        %get3A_997 = arith.constant 28 : i32
        %get3A_998 = arith.index_cast %add3A_394 : i32 to index
        %get3A_999 = arith.index_cast %get3A_997 : i32 to index
        %get3A_1000 = arith.constant 32 : index
        %get3A_1001 = tpu.vector_load %arg4[%get3A_998, %get3A_999, %get3A_1000] {strides = array<i32>} : memref<8x48x48xf32, #tpu.memory_space<vmem>>, vector<1x1x16xf32>,
        %get3A_1002 = vector.shape_cast %get3A_1001 : vector<1x1x16xf32> to vector<16xf32>
        %add3A_1003 = arith.addf %add3A_996, %get3A_1002 : vector<16xf32>
        %get3A_1004 = arith.constant 29 : i32
        %get3A_1005 = arith.index_cast %add3A_394 : i32 to index
        %get3A_1006 = arith.index_cast %get3A_1004 : i32 to index
        %get3A_1007 = arith.constant 0 : index
        %get3A_1008 = tpu.vector_load %arg4[%get3A_1005, %get3A_1006, %get3A_1007] {strides = array<i32>} : memref<8x48x48xf32, #tpu.memory_space<vmem>>, vector<1x1x16xf32>,
        %get3A_1009 = vector.shape_cast %get3A_1008 : vector<1x1x16xf32> to vector<16xf32>
        %add3A_1010 = arith.addf %add3A_1003, %get3A_1009 : vector<16xf32>
        %get3A_1011 = arith.constant 29 : i32
        %get3A_1012 = arith.index_cast %add3A_394 : i32 to index
        %get3A_1013 = arith.index_cast %get3A_1011 : i32 to index
        %get3A_1014 = arith.constant 16 : index
        %get3A_1015 = tpu.vector_load %arg4[%get3A_1012, %get3A_1013, %get3A_1014] {strides = array<i32>} : memref<8x48x48xf32, #tpu.memory_space<vmem>>, vector<1x1x16xf32>,
        %get3A_1016 = vector.shape_cast %get3A_1015 : vector<1x1x16xf32> to vector<16xf32>
        %add3A_1017 = arith.addf %add3A_1010, %get3A_1016 : vector<16xf32>
        %get3A_1018 = arith.constant 29 : i32
        %get3A_1019 = arith.index_cast %add3A_394 : i32 to index
        %get3A_1020 = arith.index_cast %get3A_1018 : i32 to index
        %get3A_1021 = arith.constant 32 : index
        %get3A_1022 = tpu.vector_load %arg4[%get3A_1019, %get3A_1020, %get3A_1021] {strides = array<i32>} : memref<8x48x48xf32, #tpu.memory_space<vmem>>, vector<1x1x16xf32>,
        %get3A_1023 = vector.shape_cast %get3A_1022 : vector<1x1x16xf32> to vector<16xf32>
        %add3A_1024 = arith.addf %add3A_1017, %get3A_1023 : vector<16xf32>
        %get3A_1025 = arith.constant 30 : i32
        %get3A_1026 = arith.index_cast %add3A_394 : i32 to index
        %get3A_1027 = arith.index_cast %get3A_1025 : i32 to index
        %get3A_1028 = arith.constant 0 : index
        %get3A_1029 = tpu.vector_load %arg4[%get3A_1026, %get3A_1027, %get3A_1028] {strides = array<i32>} : memref<8x48x48xf32, #tpu.memory_space<vmem>>, vector<1x1x16xf32>,
        %get3A_1030 = vector.shape_cast %get3A_1029 : vector<1x1x16xf32> to vector<16xf32>
        %add3A_1031 = arith.addf %add3A_1024, %get3A_1030 : vector<16xf32>
        %get3A_1032 = arith.constant 30 : i32
        %get3A_1033 = arith.index_cast %add3A_394 : i32 to index
        %get3A_1034 = arith.index_cast %get3A_1032 : i32 to index
        %get3A_1035 = arith.constant 16 : index
        %get3A_1036 = tpu.vector_load %arg4[%get3A_1033, %get3A_1034, %get3A_1035] {strides = array<i32>} : memref<8x48x48xf32, #tpu.memory_space<vmem>>, vector<1x1x16xf32>,
        %get3A_1037 = vector.shape_cast %get3A_1036 : vector<1x1x16xf32> to vector<16xf32>
        %add3A_1038 = arith.addf %add3A_1031, %get3A_1037 : vector<16xf32>
        %get3A_1039 = arith.constant 30 : i32
        %get3A_1040 = arith.index_cast %add3A_394 : i32 to index
        %get3A_1041 = arith.index_cast %get3A_1039 : i32 to index
        %get3A_1042 = arith.constant 32 : index
        %get3A_1043 = tpu.vector_load %arg4[%get3A_1040, %get3A_1041, %get3A_1042] {strides = array<i32>} : memref<8x48x48xf32, #tpu.memory_space<vmem>>, vector<1x1x16xf32>,
        %get3A_1044 = vector.shape_cast %get3A_1043 : vector<1x1x16xf32> to vector<16xf32>
        %add3A_1045 = arith.addf %add3A_1038, %get3A_1044 : vector<16xf32>
        %get3A_1046 = arith.constant 31 : i32
        %get3A_1047 = arith.index_cast %add3A_394 : i32 to index
        %get3A_1048 = arith.index_cast %get3A_1046 : i32 to index
        %get3A_1049 = arith.constant 0 : index
        %get3A_1050 = tpu.vector_load %arg4[%get3A_1047, %get3A_1048, %get3A_1049] {strides = array<i32>} : memref<8x48x48xf32, #tpu.memory_space<vmem>>, vector<1x1x16xf32>,
        %get3A_1051 = vector.shape_cast %get3A_1050 : vector<1x1x16xf32> to vector<16xf32>
        %add3A_1052 = arith.addf %add3A_1045, %get3A_1051 : vector<16xf32>
        %get3A_1053 = arith.constant 31 : i32
        %get3A_1054 = arith.index_cast %add3A_394 : i32 to index
        %get3A_1055 = arith.index_cast %get3A_1053 : i32 to index
        %get3A_1056 = arith.constant 16 : index
        %get3A_1057 = tpu.vector_load %arg4[%get3A_1054, %get3A_1055, %get3A_1056] {strides = array<i32>} : memref<8x48x48xf32, #tpu.memory_space<vmem>>, vector<1x1x16xf32>,
        %get3A_1058 = vector.shape_cast %get3A_1057 : vector<1x1x16xf32> to vector<16xf32>
        %add3A_1059 = arith.addf %add3A_1052, %get3A_1058 : vector<16xf32>
        %get3A_1060 = arith.constant 31 : i32
        %get3A_1061 = arith.index_cast %add3A_394 : i32 to index
        %get3A_1062 = arith.index_cast %get3A_1060 : i32 to index
        %get3A_1063 = arith.constant 32 : index
        %get3A_1064 = tpu.vector_load %arg4[%get3A_1061, %get3A_1062, %get3A_1063] {strides = array<i32>} : memref<8x48x48xf32, #tpu.memory_space<vmem>>, vector<1x1x16xf32>,
        %get3A_1065 = vector.shape_cast %get3A_1064 : vector<1x1x16xf32> to vector<16xf32>
        %add3A_1066 = arith.addf %add3A_1059, %get3A_1065 : vector<16xf32>
        %get3A_1067 = arith.constant 32 : i32
        %get3A_1068 = arith.index_cast %add3A_394 : i32 to index
        %get3A_1069 = arith.index_cast %get3A_1067 : i32 to index
        %get3A_1070 = arith.constant 0 : index
        %get3A_1071 = tpu.vector_load %arg4[%get3A_1068, %get3A_1069, %get3A_1070] {strides = array<i32>} : memref<8x48x48xf32, #tpu.memory_space<vmem>>, vector<1x1x16xf32>,
        %get3A_1072 = vector.shape_cast %get3A_1071 : vector<1x1x16xf32> to vector<16xf32>
        %add3A_1073 = arith.addf %add3A_1066, %get3A_1072 : vector<16xf32>
        %get3A_1074 = arith.constant 32 : i32
        %get3A_1075 = arith.index_cast %add3A_394 : i32 to index
        %get3A_1076 = arith.index_cast %get3A_1074 : i32 to index
        %get3A_1077 = arith.constant 16 : index
        %get3A_1078 = tpu.vector_load %arg4[%get3A_1075, %get3A_1076, %get3A_1077] {strides = array<i32>} : memref<8x48x48xf32, #tpu.memory_space<vmem>>, vector<1x1x16xf32>,
        %get3A_1079 = vector.shape_cast %get3A_1078 : vector<1x1x16xf32> to vector<16xf32>
        %add3A_1080 = arith.addf %add3A_1073, %get3A_1079 : vector<16xf32>
        %get3A_1081 = arith.constant 32 : i32
        %get3A_1082 = arith.index_cast %add3A_394 : i32 to index
        %get3A_1083 = arith.index_cast %get3A_1081 : i32 to index
        %get3A_1084 = arith.constant 32 : index
        %get3A_1085 = tpu.vector_load %arg4[%get3A_1082, %get3A_1083, %get3A_1084] {strides = array<i32>} : memref<8x48x48xf32, #tpu.memory_space<vmem>>, vector<1x1x16xf32>,
        %get3A_1086 = vector.shape_cast %get3A_1085 : vector<1x1x16xf32> to vector<16xf32>
        %add3A_1087 = arith.addf %add3A_1080, %get3A_1086 : vector<16xf32>
        %get3A_1088 = arith.constant 33 : i32
        %get3A_1089 = arith.index_cast %add3A_394 : i32 to index
        %get3A_1090 = arith.index_cast %get3A_1088 : i32 to index
        %get3A_1091 = arith.constant 0 : index
        %get3A_1092 = tpu.vector_load %arg4[%get3A_1089, %get3A_1090, %get3A_1091] {strides = array<i32>} : memref<8x48x48xf32, #tpu.memory_space<vmem>>, vector<1x1x16xf32>,
        %get3A_1093 = vector.shape_cast %get3A_1092 : vector<1x1x16xf32> to vector<16xf32>
        %add3A_1094 = arith.addf %add3A_1087, %get3A_1093 : vector<16xf32>
        %get3A_1095 = arith.constant 33 : i32
        %get3A_1096 = arith.index_cast %add3A_394 : i32 to index
        %get3A_1097 = arith.index_cast %get3A_1095 : i32 to index
        %get3A_1098 = arith.constant 16 : index
        %get3A_1099 = tpu.vector_load %arg4[%get3A_1096, %get3A_1097, %get3A_1098] {strides = array<i32>} : memref<8x48x48xf32, #tpu.memory_space<vmem>>, vector<1x1x16xf32>,
        %get3A_1100 = vector.shape_cast %get3A_1099 : vector<1x1x16xf32> to vector<16xf32>
        %add3A_1101 = arith.addf %add3A_1094, %get3A_1100 : vector<16xf32>
        %get3A_1102 = arith.constant 33 : i32
        %get3A_1103 = arith.index_cast %add3A_394 : i32 to index
        %get3A_1104 = arith.index_cast %get3A_1102 : i32 to index
        %get3A_1105 = arith.constant 32 : index
        %get3A_1106 = tpu.vector_load %arg4[%get3A_1103, %get3A_1104, %get3A_1105] {strides = array<i32>} : memref<8x48x48xf32, #tpu.memory_space<vmem>>, vector<1x1x16xf32>,
        %get3A_1107 = vector.shape_cast %get3A_1106 : vector<1x1x16xf32> to vector<16xf32>
        %add3A_1108 = arith.addf %add3A_1101, %get3A_1107 : vector<16xf32>
        %get3A_1109 = arith.constant 34 : i32
        %get3A_1110 = arith.index_cast %add3A_394 : i32 to index
        %get3A_1111 = arith.index_cast %get3A_1109 : i32 to index
        %get3A_1112 = arith.constant 0 : index
        %get3A_1113 = tpu.vector_load %arg4[%get3A_1110, %get3A_1111, %get3A_1112] {strides = array<i32>} : memref<8x48x48xf32, #tpu.memory_space<vmem>>, vector<1x1x16xf32>,
        %get3A_1114 = vector.shape_cast %get3A_1113 : vector<1x1x16xf32> to vector<16xf32>
        %add3A_1115 = arith.addf %add3A_1108, %get3A_1114 : vector<16xf32>
        %get3A_1116 = arith.constant 34 : i32
        %get3A_1117 = arith.index_cast %add3A_394 : i32 to index
        %get3A_1118 = arith.index_cast %get3A_1116 : i32 to index
        %get3A_1119 = arith.constant 16 : index
        %get3A_1120 = tpu.vector_load %arg4[%get3A_1117, %get3A_1118, %get3A_1119] {strides = array<i32>} : memref<8x48x48xf32, #tpu.memory_space<vmem>>, vector<1x1x16xf32>,
        %get3A_1121 = vector.shape_cast %get3A_1120 : vector<1x1x16xf32> to vector<16xf32>
        %add3A_1122 = arith.addf %add3A_1115, %get3A_1121 : vector<16xf32>
        %get3A_1123 = arith.constant 34 : i32
        %get3A_1124 = arith.index_cast %add3A_394 : i32 to index
        %get3A_1125 = arith.index_cast %get3A_1123 : i32 to index
        %get3A_1126 = arith.constant 32 : index
        %get3A_1127 = tpu.vector_load %arg4[%get3A_1124, %get3A_1125, %get3A_1126] {strides = array<i32>} : memref<8x48x48xf32, #tpu.memory_space<vmem>>, vector<1x1x16xf32>,
        %get3A_1128 = vector.shape_cast %get3A_1127 : vector<1x1x16xf32> to vector<16xf32>
        %add3A_1129 = arith.addf %add3A_1122, %get3A_1128 : vector<16xf32>
        %get3A_1130 = arith.constant 35 : i32
        %get3A_1131 = arith.index_cast %add3A_394 : i32 to index
        %get3A_1132 = arith.index_cast %get3A_1130 : i32 to index
        %get3A_1133 = arith.constant 0 : index
        %get3A_1134 = tpu.vector_load %arg4[%get3A_1131, %get3A_1132, %get3A_1133] {strides = array<i32>} : memref<8x48x48xf32, #tpu.memory_space<vmem>>, vector<1x1x16xf32>,
        %get3A_1135 = vector.shape_cast %get3A_1134 : vector<1x1x16xf32> to vector<16xf32>
        %add3A_1136 = arith.addf %add3A_1129, %get3A_1135 : vector<16xf32>
        %get3A_1137 = arith.constant 35 : i32
        %get3A_1138 = arith.index_cast %add3A_394 : i32 to index
        %get3A_1139 = arith.index_cast %get3A_1137 : i32 to index
        %get3A_1140 = arith.constant 16 : index
        %get3A_1141 = tpu.vector_load %arg4[%get3A_1138, %get3A_1139, %get3A_1140] {strides = array<i32>} : memref<8x48x48xf32, #tpu.memory_space<vmem>>, vector<1x1x16xf32>,
        %get3A_1142 = vector.shape_cast %get3A_1141 : vector<1x1x16xf32> to vector<16xf32>
        %add3A_1143 = arith.addf %add3A_1136, %get3A_1142 : vector<16xf32>
        %get3A_1144 = arith.constant 35 : i32
        %get3A_1145 = arith.index_cast %add3A_394 : i32 to index
        %get3A_1146 = arith.index_cast %get3A_1144 : i32 to index
        %get3A_1147 = arith.constant 32 : index
        %get3A_1148 = tpu.vector_load %arg4[%get3A_1145, %get3A_1146, %get3A_1147] {strides = array<i32>} : memref<8x48x48xf32, #tpu.memory_space<vmem>>, vector<1x1x16xf32>,
        %get3A_1149 = vector.shape_cast %get3A_1148 : vector<1x1x16xf32> to vector<16xf32>
        %add3A_1150 = arith.addf %add3A_1143, %get3A_1149 : vector<16xf32>
        %get3A_1151 = arith.constant 36 : i32
        %get3A_1152 = arith.index_cast %add3A_394 : i32 to index
        %get3A_1153 = arith.index_cast %get3A_1151 : i32 to index
        %get3A_1154 = arith.constant 0 : index
        %get3A_1155 = tpu.vector_load %arg4[%get3A_1152, %get3A_1153, %get3A_1154] {strides = array<i32>} : memref<8x48x48xf32, #tpu.memory_space<vmem>>, vector<1x1x16xf32>,
        %get3A_1156 = vector.shape_cast %get3A_1155 : vector<1x1x16xf32> to vector<16xf32>
        %add3A_1157 = arith.addf %add3A_1150, %get3A_1156 : vector<16xf32>
        %get3A_1158 = arith.constant 36 : i32
        %get3A_1159 = arith.index_cast %add3A_394 : i32 to index
        %get3A_1160 = arith.index_cast %get3A_1158 : i32 to index
        %get3A_1161 = arith.constant 16 : index
        %get3A_1162 = tpu.vector_load %arg4[%get3A_1159, %get3A_1160, %get3A_1161] {strides = array<i32>} : memref<8x48x48xf32, #tpu.memory_space<vmem>>, vector<1x1x16xf32>,
        %get3A_1163 = vector.shape_cast %get3A_1162 : vector<1x1x16xf32> to vector<16xf32>
        %add3A_1164 = arith.addf %add3A_1157, %get3A_1163 : vector<16xf32>
        %get3A_1165 = arith.constant 36 : i32
        %get3A_1166 = arith.index_cast %add3A_394 : i32 to index
        %get3A_1167 = arith.index_cast %get3A_1165 : i32 to index
        %get3A_1168 = arith.constant 32 : index
        %get3A_1169 = tpu.vector_load %arg4[%get3A_1166, %get3A_1167, %get3A_1168] {strides = array<i32>} : memref<8x48x48xf32, #tpu.memory_space<vmem>>, vector<1x1x16xf32>,
        %get3A_1170 = vector.shape_cast %get3A_1169 : vector<1x1x16xf32> to vector<16xf32>
        %add3A_1171 = arith.addf %add3A_1164, %get3A_1170 : vector<16xf32>
        %get3A_1172 = arith.constant 37 : i32
        %get3A_1173 = arith.index_cast %add3A_394 : i32 to index
        %get3A_1174 = arith.index_cast %get3A_1172 : i32 to index
        %get3A_1175 = arith.constant 0 : index
        %get3A_1176 = tpu.vector_load %arg4[%get3A_1173, %get3A_1174, %get3A_1175] {strides = array<i32>} : memref<8x48x48xf32, #tpu.memory_space<vmem>>, vector<1x1x16xf32>,
        %get3A_1177 = vector.shape_cast %get3A_1176 : vector<1x1x16xf32> to vector<16xf32>
        %add3A_1178 = arith.addf %add3A_1171, %get3A_1177 : vector<16xf32>
        %get3A_1179 = arith.constant 37 : i32
        %get3A_1180 = arith.index_cast %add3A_394 : i32 to index
        %get3A_1181 = arith.index_cast %get3A_1179 : i32 to index
        %get3A_1182 = arith.constant 16 : index
        %get3A_1183 = tpu.vector_load %arg4[%get3A_1180, %get3A_1181, %get3A_1182] {strides = array<i32>} : memref<8x48x48xf32, #tpu.memory_space<vmem>>, vector<1x1x16xf32>,
        %get3A_1184 = vector.shape_cast %get3A_1183 : vector<1x1x16xf32> to vector<16xf32>
        %add3A_1185 = arith.addf %add3A_1178, %get3A_1184 : vector<16xf32>
        %get3A_1186 = arith.constant 37 : i32
        %get3A_1187 = arith.index_cast %add3A_394 : i32 to index
        %get3A_1188 = arith.index_cast %get3A_1186 : i32 to index
        %get3A_1189 = arith.constant 32 : index
        %get3A_1190 = tpu.vector_load %arg4[%get3A_1187, %get3A_1188, %get3A_1189] {strides = array<i32>} : memref<8x48x48xf32, #tpu.memory_space<vmem>>, vector<1x1x16xf32>,
        %get3A_1191 = vector.shape_cast %get3A_1190 : vector<1x1x16xf32> to vector<16xf32>
        %add3A_1192 = arith.addf %add3A_1185, %get3A_1191 : vector<16xf32>
        %get3A_1193 = arith.constant 38 : i32
        %get3A_1194 = arith.index_cast %add3A_394 : i32 to index
        %get3A_1195 = arith.index_cast %get3A_1193 : i32 to index
        %get3A_1196 = arith.constant 0 : index
        %get3A_1197 = tpu.vector_load %arg4[%get3A_1194, %get3A_1195, %get3A_1196] {strides = array<i32>} : memref<8x48x48xf32, #tpu.memory_space<vmem>>, vector<1x1x16xf32>,
        %get3A_1198 = vector.shape_cast %get3A_1197 : vector<1x1x16xf32> to vector<16xf32>
        %add3A_1199 = arith.addf %add3A_1192, %get3A_1198 : vector<16xf32>
        %get3A_1200 = arith.constant 38 : i32
        %get3A_1201 = arith.index_cast %add3A_394 : i32 to index
        %get3A_1202 = arith.index_cast %get3A_1200 : i32 to index
        %get3A_1203 = arith.constant 16 : index
        %get3A_1204 = tpu.vector_load %arg4[%get3A_1201, %get3A_1202, %get3A_1203] {strides = array<i32>} : memref<8x48x48xf32, #tpu.memory_space<vmem>>, vector<1x1x16xf32>,
        %get3A_1205 = vector.shape_cast %get3A_1204 : vector<1x1x16xf32> to vector<16xf32>
        %add3A_1206 = arith.addf %add3A_1199, %get3A_1205 : vector<16xf32>
        %get3A_1207 = arith.constant 38 : i32
        %get3A_1208 = arith.index_cast %add3A_394 : i32 to index
        %get3A_1209 = arith.index_cast %get3A_1207 : i32 to index
        %get3A_1210 = arith.constant 32 : index
        %get3A_1211 = tpu.vector_load %arg4[%get3A_1208, %get3A_1209, %get3A_1210] {strides = array<i32>} : memref<8x48x48xf32, #tpu.memory_space<vmem>>, vector<1x1x16xf32>,
        %get3A_1212 = vector.shape_cast %get3A_1211 : vector<1x1x16xf32> to vector<16xf32>
        %add3A_1213 = arith.addf %add3A_1206, %get3A_1212 : vector<16xf32>
        %get3A_1214 = arith.constant 39 : i32
        %get3A_1215 = arith.index_cast %add3A_394 : i32 to index
        %get3A_1216 = arith.index_cast %get3A_1214 : i32 to index
        %get3A_1217 = arith.constant 0 : index
        %get3A_1218 = tpu.vector_load %arg4[%get3A_1215, %get3A_1216, %get3A_1217] {strides = array<i32>} : memref<8x48x48xf32, #tpu.memory_space<vmem>>, vector<1x1x16xf32>,
        %get3A_1219 = vector.shape_cast %get3A_1218 : vector<1x1x16xf32> to vector<16xf32>
        %add3A_1220 = arith.addf %add3A_1213, %get3A_1219 : vector<16xf32>
        %get3A_1221 = arith.constant 39 : i32
        %get3A_1222 = arith.index_cast %add3A_394 : i32 to index
        %get3A_1223 = arith.index_cast %get3A_1221 : i32 to index
        %get3A_1224 = arith.constant 16 : index
        %get3A_1225 = tpu.vector_load %arg4[%get3A_1222, %get3A_1223, %get3A_1224] {strides = array<i32>} : memref<8x48x48xf32, #tpu.memory_space<vmem>>, vector<1x1x16xf32>,
        %get3A_1226 = vector.shape_cast %get3A_1225 : vector<1x1x16xf32> to vector<16xf32>
        %add3A_1227 = arith.addf %add3A_1220, %get3A_1226 : vector<16xf32>
        %get3A_1228 = arith.constant 39 : i32
        %get3A_1229 = arith.index_cast %add3A_394 : i32 to index
        %get3A_1230 = arith.index_cast %get3A_1228 : i32 to index
        %get3A_1231 = arith.constant 32 : index
        %get3A_1232 = tpu.vector_load %arg4[%get3A_1229, %get3A_1230, %get3A_1231] {strides = array<i32>} : memref<8x48x48xf32, #tpu.memory_space<vmem>>, vector<1x1x16xf32>,
        %get3A_1233 = vector.shape_cast %get3A_1232 : vector<1x1x16xf32> to vector<16xf32>
        %add3A_1234 = arith.addf %add3A_1227, %get3A_1233 : vector<16xf32>
        %get3A_1235 = arith.constant 40 : i32
        %get3A_1236 = arith.index_cast %add3A_394 : i32 to index
        %get3A_1237 = arith.index_cast %get3A_1235 : i32 to index
        %get3A_1238 = arith.constant 0 : index
        %get3A_1239 = tpu.vector_load %arg4[%get3A_1236, %get3A_1237, %get3A_1238] {strides = array<i32>} : memref<8x48x48xf32, #tpu.memory_space<vmem>>, vector<1x1x16xf32>,
        %get3A_1240 = vector.shape_cast %get3A_1239 : vector<1x1x16xf32> to vector<16xf32>
        %add3A_1241 = arith.addf %add3A_1234, %get3A_1240 : vector<16xf32>
        %get3A_1242 = arith.constant 40 : i32
        %get3A_1243 = arith.index_cast %add3A_394 : i32 to index
        %get3A_1244 = arith.index_cast %get3A_1242 : i32 to index
        %get3A_1245 = arith.constant 16 : index
        %get3A_1246 = tpu.vector_load %arg4[%get3A_1243, %get3A_1244, %get3A_1245] {strides = array<i32>} : memref<8x48x48xf32, #tpu.memory_space<vmem>>, vector<1x1x16xf32>,
        %get3A_1247 = vector.shape_cast %get3A_1246 : vector<1x1x16xf32> to vector<16xf32>
        %add3A_1248 = arith.addf %add3A_1241, %get3A_1247 : vector<16xf32>
        %get3A_1249 = arith.constant 40 : i32
        %get3A_1250 = arith.index_cast %add3A_394 : i32 to index
        %get3A_1251 = arith.index_cast %get3A_1249 : i32 to index
        %get3A_1252 = arith.constant 32 : index
        %get3A_1253 = tpu.vector_load %arg4[%get3A_1250, %get3A_1251, %get3A_1252] {strides = array<i32>} : memref<8x48x48xf32, #tpu.memory_space<vmem>>, vector<1x1x16xf32>,
        %get3A_1254 = vector.shape_cast %get3A_1253 : vector<1x1x16xf32> to vector<16xf32>
        %add3A_1255 = arith.addf %add3A_1248, %get3A_1254 : vector<16xf32>
        %get3A_1256 = arith.constant 41 : i32
        %get3A_1257 = arith.index_cast %add3A_394 : i32 to index
        %get3A_1258 = arith.index_cast %get3A_1256 : i32 to index
        %get3A_1259 = arith.constant 0 : index
        %get3A_1260 = tpu.vector_load %arg4[%get3A_1257, %get3A_1258, %get3A_1259] {strides = array<i32>} : memref<8x48x48xf32, #tpu.memory_space<vmem>>, vector<1x1x16xf32>,
        %get3A_1261 = vector.shape_cast %get3A_1260 : vector<1x1x16xf32> to vector<16xf32>
        %add3A_1262 = arith.addf %add3A_1255, %get3A_1261 : vector<16xf32>
        %get3A_1263 = arith.constant 41 : i32
        %get3A_1264 = arith.index_cast %add3A_394 : i32 to index
        %get3A_1265 = arith.index_cast %get3A_1263 : i32 to index
        %get3A_1266 = arith.constant 16 : index
        %get3A_1267 = tpu.vector_load %arg4[%get3A_1264, %get3A_1265, %get3A_1266] {strides = array<i32>} : memref<8x48x48xf32, #tpu.memory_space<vmem>>, vector<1x1x16xf32>,
        %get3A_1268 = vector.shape_cast %get3A_1267 : vector<1x1x16xf32> to vector<16xf32>
        %add3A_1269 = arith.addf %add3A_1262, %get3A_1268 : vector<16xf32>
        %get3A_1270 = arith.constant 41 : i32
        %get3A_1271 = arith.index_cast %add3A_394 : i32 to index
        %get3A_1272 = arith.index_cast %get3A_1270 : i32 to index
        %get3A_1273 = arith.constant 32 : index
        %get3A_1274 = tpu.vector_load %arg4[%get3A_1271, %get3A_1272, %get3A_1273] {strides = array<i32>} : memref<8x48x48xf32, #tpu.memory_space<vmem>>, vector<1x1x16xf32>,
        %get3A_1275 = vector.shape_cast %get3A_1274 : vector<1x1x16xf32> to vector<16xf32>
        %add3A_1276 = arith.addf %add3A_1269, %get3A_1275 : vector<16xf32>
        %get3A_1277 = arith.constant 42 : i32
        %get3A_1278 = arith.index_cast %add3A_394 : i32 to index
        %get3A_1279 = arith.index_cast %get3A_1277 : i32 to index
        %get3A_1280 = arith.constant 0 : index
        %get3A_1281 = tpu.vector_load %arg4[%get3A_1278, %get3A_1279, %get3A_1280] {strides = array<i32>} : memref<8x48x48xf32, #tpu.memory_space<vmem>>, vector<1x1x16xf32>,
        %get3A_1282 = vector.shape_cast %get3A_1281 : vector<1x1x16xf32> to vector<16xf32>
        %add3A_1283 = arith.addf %add3A_1276, %get3A_1282 : vector<16xf32>
        %get3A_1284 = arith.constant 42 : i32
        %get3A_1285 = arith.index_cast %add3A_394 : i32 to index
        %get3A_1286 = arith.index_cast %get3A_1284 : i32 to index
        %get3A_1287 = arith.constant 16 : index
        %get3A_1288 = tpu.vector_load %arg4[%get3A_1285, %get3A_1286, %get3A_1287] {strides = array<i32>} : memref<8x48x48xf32, #tpu.memory_space<vmem>>, vector<1x1x16xf32>,
        %get3A_1289 = vector.shape_cast %get3A_1288 : vector<1x1x16xf32> to vector<16xf32>
        %add3A_1290 = arith.addf %add3A_1283, %get3A_1289 : vector<16xf32>
        %get3A_1291 = arith.constant 42 : i32
        %get3A_1292 = arith.index_cast %add3A_394 : i32 to index
        %get3A_1293 = arith.index_cast %get3A_1291 : i32 to index
        %get3A_1294 = arith.constant 32 : index
        %get3A_1295 = tpu.vector_load %arg4[%get3A_1292, %get3A_1293, %get3A_1294] {strides = array<i32>} : memref<8x48x48xf32, #tpu.memory_space<vmem>>, vector<1x1x16xf32>,
        %get3A_1296 = vector.shape_cast %get3A_1295 : vector<1x1x16xf32> to vector<16xf32>
        %add3A_1297 = arith.addf %add3A_1290, %get3A_1296 : vector<16xf32>
        %get3A_1298 = arith.constant 43 : i32
        %get3A_1299 = arith.index_cast %add3A_394 : i32 to index
        %get3A_1300 = arith.index_cast %get3A_1298 : i32 to index
        %get3A_1301 = arith.constant 0 : index
        %get3A_1302 = tpu.vector_load %arg4[%get3A_1299, %get3A_1300, %get3A_1301] {strides = array<i32>} : memref<8x48x48xf32, #tpu.memory_space<vmem>>, vector<1x1x16xf32>,
        %get3A_1303 = vector.shape_cast %get3A_1302 : vector<1x1x16xf32> to vector<16xf32>
        %add3A_1304 = arith.addf %add3A_1297, %get3A_1303 : vector<16xf32>
        %get3A_1305 = arith.constant 43 : i32
        %get3A_1306 = arith.index_cast %add3A_394 : i32 to index
        %get3A_1307 = arith.index_cast %get3A_1305 : i32 to index
        %get3A_1308 = arith.constant 16 : index
        %get3A_1309 = tpu.vector_load %arg4[%get3A_1306, %get3A_1307, %get3A_1308] {strides = array<i32>} : memref<8x48x48xf32, #tpu.memory_space<vmem>>, vector<1x1x16xf32>,
        %get3A_1310 = vector.shape_cast %get3A_1309 : vector<1x1x16xf32> to vector<16xf32>
        %add3A_1311 = arith.addf %add3A_1304, %get3A_1310 : vector<16xf32>
        %get3A_1312 = arith.constant 43 : i32
        %get3A_1313 = arith.index_cast %add3A_394 : i32 to index
        %get3A_1314 = arith.index_cast %get3A_1312 : i32 to index
        %get3A_1315 = arith.constant 32 : index
        %get3A_1316 = tpu.vector_load %arg4[%get3A_1313, %get3A_1314, %get3A_1315] {strides = array<i32>} : memref<8x48x48xf32, #tpu.memory_space<vmem>>, vector<1x1x16xf32>,
        %get3A_1317 = vector.shape_cast %get3A_1316 : vector<1x1x16xf32> to vector<16xf32>
        %add3A_1318 = arith.addf %add3A_1311, %get3A_1317 : vector<16xf32>
        %get3A_1319 = arith.constant 44 : i32
        %get3A_1320 = arith.index_cast %add3A_394 : i32 to index
        %get3A_1321 = arith.index_cast %get3A_1319 : i32 to index
        %get3A_1322 = arith.constant 0 : index
        %get3A_1323 = tpu.vector_load %arg4[%get3A_1320, %get3A_1321, %get3A_1322] {strides = array<i32>} : memref<8x48x48xf32, #tpu.memory_space<vmem>>, vector<1x1x16xf32>,
        %get3A_1324 = vector.shape_cast %get3A_1323 : vector<1x1x16xf32> to vector<16xf32>
        %add3A_1325 = arith.addf %add3A_1318, %get3A_1324 : vector<16xf32>
        %get3A_1326 = arith.constant 44 : i32
        %get3A_1327 = arith.index_cast %add3A_394 : i32 to index
        %get3A_1328 = arith.index_cast %get3A_1326 : i32 to index
        %get3A_1329 = arith.constant 16 : index
        %get3A_1330 = tpu.vector_load %arg4[%get3A_1327, %get3A_1328, %get3A_1329] {strides = array<i32>} : memref<8x48x48xf32, #tpu.memory_space<vmem>>, vector<1x1x16xf32>,
        %get3A_1331 = vector.shape_cast %get3A_1330 : vector<1x1x16xf32> to vector<16xf32>
        %add3A_1332 = arith.addf %add3A_1325, %get3A_1331 : vector<16xf32>
        %get3A_1333 = arith.constant 44 : i32
        %get3A_1334 = arith.index_cast %add3A_394 : i32 to index
        %get3A_1335 = arith.index_cast %get3A_1333 : i32 to index
        %get3A_1336 = arith.constant 32 : index
        %get3A_1337 = tpu.vector_load %arg4[%get3A_1334, %get3A_1335, %get3A_1336] {strides = array<i32>} : memref<8x48x48xf32, #tpu.memory_space<vmem>>, vector<1x1x16xf32>,
        %get3A_1338 = vector.shape_cast %get3A_1337 : vector<1x1x16xf32> to vector<16xf32>
        %add3A_1339 = arith.addf %add3A_1332, %get3A_1338 : vector<16xf32>
        %get3A_1340 = arith.constant 45 : i32
        %get3A_1341 = arith.index_cast %add3A_394 : i32 to index
        %get3A_1342 = arith.index_cast %get3A_1340 : i32 to index
        %get3A_1343 = arith.constant 0 : index
        %get3A_1344 = tpu.vector_load %arg4[%get3A_1341, %get3A_1342, %get3A_1343] {strides = array<i32>} : memref<8x48x48xf32, #tpu.memory_space<vmem>>, vector<1x1x16xf32>,
        %get3A_1345 = vector.shape_cast %get3A_1344 : vector<1x1x16xf32> to vector<16xf32>
        %add3A_1346 = arith.addf %add3A_1339, %get3A_1345 : vector<16xf32>
        %get3A_1347 = arith.constant 45 : i32
        %get3A_1348 = arith.index_cast %add3A_394 : i32 to index
        %get3A_1349 = arith.index_cast %get3A_1347 : i32 to index
        %get3A_1350 = arith.constant 16 : index
        %get3A_1351 = tpu.vector_load %arg4[%get3A_1348, %get3A_1349, %get3A_1350] {strides = array<i32>} : memref<8x48x48xf32, #tpu.memory_space<vmem>>, vector<1x1x16xf32>,
        %get3A_1352 = vector.shape_cast %get3A_1351 : vector<1x1x16xf32> to vector<16xf32>
        %add3A_1353 = arith.addf %add3A_1346, %get3A_1352 : vector<16xf32>
        %get3A_1354 = arith.constant 45 : i32
        %get3A_1355 = arith.index_cast %add3A_394 : i32 to index
        %get3A_1356 = arith.index_cast %get3A_1354 : i32 to index
        %get3A_1357 = arith.constant 32 : index
        %get3A_1358 = tpu.vector_load %arg4[%get3A_1355, %get3A_1356, %get3A_1357] {strides = array<i32>} : memref<8x48x48xf32, #tpu.memory_space<vmem>>, vector<1x1x16xf32>,
        %get3A_1359 = vector.shape_cast %get3A_1358 : vector<1x1x16xf32> to vector<16xf32>
        %add3A_1360 = arith.addf %add3A_1353, %get3A_1359 : vector<16xf32>
        %get3A_1361 = arith.constant 46 : i32
        %get3A_1362 = arith.index_cast %add3A_394 : i32 to index
        %get3A_1363 = arith.index_cast %get3A_1361 : i32 to index
        %get3A_1364 = arith.constant 0 : index
        %get3A_1365 = tpu.vector_load %arg4[%get3A_1362, %get3A_1363, %get3A_1364] {strides = array<i32>} : memref<8x48x48xf32, #tpu.memory_space<vmem>>, vector<1x1x16xf32>,
        %get3A_1366 = vector.shape_cast %get3A_1365 : vector<1x1x16xf32> to vector<16xf32>
        %add3A_1367 = arith.addf %add3A_1360, %get3A_1366 : vector<16xf32>
        %get3A_1368 = arith.constant 46 : i32
        %get3A_1369 = arith.index_cast %add3A_394 : i32 to index
        %get3A_1370 = arith.index_cast %get3A_1368 : i32 to index
        %get3A_1371 = arith.constant 16 : index
        %get3A_1372 = tpu.vector_load %arg4[%get3A_1369, %get3A_1370, %get3A_1371] {strides = array<i32>} : memref<8x48x48xf32, #tpu.memory_space<vmem>>, vector<1x1x16xf32>,
        %get3A_1373 = vector.shape_cast %get3A_1372 : vector<1x1x16xf32> to vector<16xf32>
        %add3A_1374 = arith.addf %add3A_1367, %get3A_1373 : vector<16xf32>
        %get3A_1375 = arith.constant 46 : i32
        %get3A_1376 = arith.index_cast %add3A_394 : i32 to index
        %get3A_1377 = arith.index_cast %get3A_1375 : i32 to index
        %get3A_1378 = arith.constant 32 : index
        %get3A_1379 = tpu.vector_load %arg4[%get3A_1376, %get3A_1377, %get3A_1378] {strides = array<i32>} : memref<8x48x48xf32, #tpu.memory_space<vmem>>, vector<1x1x16xf32>,
        %get3A_1380 = vector.shape_cast %get3A_1379 : vector<1x1x16xf32> to vector<16xf32>
        %add3A_1381 = arith.addf %add3A_1374, %get3A_1380 : vector<16xf32>
        %get3A_1382 = arith.constant 47 : i32
        %get3A_1383 = arith.index_cast %add3A_394 : i32 to index
        %get3A_1384 = arith.index_cast %get3A_1382 : i32 to index
        %get3A_1385 = arith.constant 0 : index
        %get3A_1386 = tpu.vector_load %arg4[%get3A_1383, %get3A_1384, %get3A_1385] {strides = array<i32>} : memref<8x48x48xf32, #tpu.memory_space<vmem>>, vector<1x1x16xf32>,
        %get3A_1387 = vector.shape_cast %get3A_1386 : vector<1x1x16xf32> to vector<16xf32>
        %add3A_1388 = arith.addf %add3A_1381, %get3A_1387 : vector<16xf32>
        %get3A_1389 = arith.constant 47 : i32
        %get3A_1390 = arith.index_cast %add3A_394 : i32 to index
        %get3A_1391 = arith.index_cast %get3A_1389 : i32 to index
        %get3A_1392 = arith.constant 16 : index
        %get3A_1393 = tpu.vector_load %arg4[%get3A_1390, %get3A_1391, %get3A_1392] {strides = array<i32>} : memref<8x48x48xf32, #tpu.memory_space<vmem>>, vector<1x1x16xf32>,
        %get3A_1394 = vector.shape_cast %get3A_1393 : vector<1x1x16xf32> to vector<16xf32>
        %add3A_1395 = arith.addf %add3A_1388, %get3A_1394 : vector<16xf32>
        %get3A_1396 = arith.constant 47 : i32
        %get3A_1397 = arith.index_cast %add3A_394 : i32 to index
        %get3A_1398 = arith.index_cast %get3A_1396 : i32 to index
        %get3A_1399 = arith.constant 32 : index
        %get3A_1400 = tpu.vector_load %arg4[%get3A_1397, %get3A_1398, %get3A_1399] {strides = array<i32>} : memref<8x48x48xf32, #tpu.memory_space<vmem>>, vector<1x1x16xf32>,
        %get3A_1401 = vector.shape_cast %get3A_1400 : vector<1x1x16xf32> to vector<16xf32>
        %add3A_1402 = arith.addf %add3A_1395, %get3A_1401 : vector<16xf32>
        %mul3A_1403 = arith.constant 8 : i32
        %mul3A_1404 = arith.muli %add3A_182, %mul3A_1403 : i32
        %add3A_1405 = arith.addi %mul3A_1404, %add3A_394 : i32
        %mul3A_1406 = arith.constant 4.34027781E-4 : f32
        %mul3A_1407 = vector.broadcast %mul3A_1406 : f32 to vector<16xf32>
        %mul3A_1408 = arith.mulf %add3A_1402, %mul3A_1407 : vector<16xf32>
        %jit3A_1409 = arith.constant 8 : i32
        %div3A_1410 = arith.divsi %add3A_1405, %jit3A_1409 : i32
        %sign3A_1411 = arith.constant 0 : i32
        %sign3A_1412 = arith.cmpi sgt, %add3A_1405, %sign3A_1411 : i32
        %sign3A_1413 = arith.extui %sign3A_1412 : i1 to i32
        %sign3A_1414 = arith.constant 0 : i32
        %sign3A_1415 = arith.cmpi slt, %add3A_1405, %sign3A_1414 : i32
        %sign3A_1416 = arith.extui %sign3A_1415 : i1 to i32
        %sign3A_1417 = arith.subi %sign3A_1413, %sign3A_1416 : i32
        %sign3A_1418 = arith.constant 0 : i32
        %sign3A_1419 = arith.cmpi sgt, %jit3A_1409, %sign3A_1418 : i32
        %sign3A_1420 = arith.extui %sign3A_1419 : i1 to i32
        %sign3A_1421 = arith.constant 0 : i32
        %sign3A_1422 = arith.cmpi slt, %jit3A_1409, %sign3A_1421 : i32
        %sign3A_1423 = arith.extui %sign3A_1422 : i1 to i32
        %sign3A_1424 = arith.subi %sign3A_1420, %sign3A_1423 : i32
        %ne3A_1425 = arith.cmpi ne, %sign3A_1417, %sign3A_1424 : i32
        %rem3A_1426 = arith.remsi %add3A_1405, %jit3A_1409 : i32
        %ne3A_1427 = arith.constant 0 : i32
        %ne3A_1428 = arith.cmpi ne, %rem3A_1426, %ne3A_1427 : i32
        %and3A_1429 = arith.andi %ne3A_1425, %ne3A_1428 : i1
        %sub3A_1430 = arith.constant 1 : i32
        %sub3A_1431 = arith.subi %div3A_1410, %sub3A_1430 : i32
        %select_n3A_1432 = arith.select %and3A_1429, %sub3A_1431, %div3A_1410 : i32
        %jit3A_1433 = arith.constant 8 : i32
        %eq3A_1434 = arith.constant 0 : i32
        %eq3A_1435 = arith.cmpi eq, %jit3A_1433, %eq3A_1434 : i32
        %jit3A_1436 = arith.constant 1 : i32
        %select_n3A_1437 = arith.select %eq3A_1435, %jit3A_1436, %jit3A_1433 : i32
        %rem3A_1438 = arith.remsi %add3A_1405, %select_n3A_1437 : i32
        %ne3A_1439 = arith.constant 0 : i32
        %ne3A_1440 = arith.cmpi ne, %rem3A_1438, %ne3A_1439 : i32
        %lt3A_1441 = arith.constant 0 : i32
        %lt3A_1442 = arith.cmpi slt, %rem3A_1438, %lt3A_1441 : i32
        %lt3A_1443 = arith.constant 0 : i32
        %lt3A_1444 = arith.cmpi slt, %select_n3A_1437, %lt3A_1443 : i32
        %ne3A_1445 = arith.xori %lt3A_1442, %lt3A_1444 : i1
        %and3A_1446 = arith.andi %ne3A_1445, %ne3A_1440 : i1
        %add3A_1447 = arith.addi %rem3A_1438, %select_n3A_1437 : i32
        %select_n3A_1448 = arith.select %and3A_1446, %add3A_1447, %rem3A_1438 : i32
        %mul3A_1449 = arith.constant 16 : i32
        %mul3A_1450 = arith.muli %select_n3A_1448, %mul3A_1449 : i32
        %swap3A = arith.index_cast %select_n3A_1432 : i32 to index
        %swap3A_1451 = arith.index_cast %mul3A_1450 : i32 to index
        %swap3A_1452 = tpu.vector_load %arg6[%swap3A, %swap3A_1451] {strides = array<i32>} : memref<24x128xf32, #tpu.memory_space<vmem>>, vector<1x16xf32>,
        %swap3A_1453 = vector.shape_cast %swap3A_1452 : vector<1x16xf32> to vector<16xf32>
        %swap3A_1454 = vector.shape_cast %mul3A_1408 : vector<16xf32> to vector<1x16xf32>
        tpu.vector_store %arg6[%swap3A, %swap3A_1451], %swap3A_1454 {strides = array<i32>} : memref<24x128xf32, #tpu.memory_space<vmem>>, vector<1x16xf32>,
      }
      %scan3A_277 = arith.constant 8 : i32
      %add3A_278 = arith.constant 2 : i32
      %add3A_279 = arith.addi %add3A_182, %add3A_278 : i32
      %lt3A_280 = arith.constant 24 : i32
      %lt3A_281 = arith.cmpi slt, %add3A_279, %lt3A_280 : i32
      %convert_element_type3A = arith.extui %lt3A_281 : i1 to i32
      %cond3A = arith.constant 0 : i32
      %cond3A_282 = arith.cmpi ne, %convert_element_type3A, %cond3A : i32
      scf.if %cond3A_282 {
        %add3A_390 = arith.constant 2 : i32
        %add3A_391 = arith.addi %add3A_182, %add3A_390 : i32
        %mul3A_392 = arith.constant 8 : i32
        %mul3A_393 = arith.muli %add3A_391, %mul3A_392 : i32
        %add3A_394 = arith.addi %mul3A_2, %mul3A_393 : i32
        %jit3A_395 = arith.constant 768 : i32
        %div3A_396 = arith.divsi %add3A_394, %jit3A_395 : i32
        %sign3A_397 = arith.constant 0 : i32
        %sign3A_398 = arith.cmpi sgt, %add3A_394, %sign3A_397 : i32
        %sign3A_399 = arith.extui %sign3A_398 : i1 to i32
        %sign3A_400 = arith.constant 0 : i32
        %sign3A_401 = arith.cmpi slt, %add3A_394, %sign3A_400 : i32
        %sign3A_402 = arith.extui %sign3A_401 : i1 to i32
        %sign3A_403 = arith.subi %sign3A_399, %sign3A_402 : i32
        %sign3A_404 = arith.constant 0 : i32
        %sign3A_405 = arith.cmpi sgt, %jit3A_395, %sign3A_404 : i32
        %sign3A_406 = arith.extui %sign3A_405 : i1 to i32
        %sign3A_407 = arith.constant 0 : i32
        %sign3A_408 = arith.cmpi slt, %jit3A_395, %sign3A_407 : i32
        %sign3A_409 = arith.extui %sign3A_408 : i1 to i32
        %sign3A_410 = arith.subi %sign3A_406, %sign3A_409 : i32
        %ne3A_411 = arith.cmpi ne, %sign3A_403, %sign3A_410 : i32
        %rem3A_412 = arith.remsi %add3A_394, %jit3A_395 : i32
        %ne3A_413 = arith.constant 0 : i32
        %ne3A_414 = arith.cmpi ne, %rem3A_412, %ne3A_413 : i32
        %and3A_415 = arith.andi %ne3A_411, %ne3A_414 : i1
        %sub3A_416 = arith.constant 1 : i32
        %sub3A_417 = arith.subi %div3A_396, %sub3A_416 : i32
        %select_n3A_418 = arith.select %and3A_415, %sub3A_417, %div3A_396 : i32
        %jit3A_419 = arith.constant 48 : i32
        %div3A_420 = arith.divsi %add3A_394, %jit3A_419 : i32
        %sign3A_421 = arith.constant 0 : i32
        %sign3A_422 = arith.cmpi sgt, %add3A_394, %sign3A_421 : i32
        %sign3A_423 = arith.extui %sign3A_422 : i1 to i32
        %sign3A_424 = arith.constant 0 : i32
        %sign3A_425 = arith.cmpi slt, %add3A_394, %sign3A_424 : i32
        %sign3A_426 = arith.extui %sign3A_425 : i1 to i32
        %sign3A_427 = arith.subi %sign3A_423, %sign3A_426 : i32
        %sign3A_428 = arith.constant 0 : i32
        %sign3A_429 = arith.cmpi sgt, %jit3A_419, %sign3A_428 : i32
        %sign3A_430 = arith.extui %sign3A_429 : i1 to i32
        %sign3A_431 = arith.constant 0 : i32
        %sign3A_432 = arith.cmpi slt, %jit3A_419, %sign3A_431 : i32
        %sign3A_433 = arith.extui %sign3A_432 : i1 to i32
        %sign3A_434 = arith.subi %sign3A_430, %sign3A_433 : i32
        %ne3A_435 = arith.cmpi ne, %sign3A_427, %sign3A_434 : i32
        %rem3A_436 = arith.remsi %add3A_394, %jit3A_419 : i32
        %ne3A_437 = arith.constant 0 : i32
        %ne3A_438 = arith.cmpi ne, %rem3A_436, %ne3A_437 : i32
        %and3A_439 = arith.andi %ne3A_435, %ne3A_438 : i1
        %sub3A_440 = arith.constant 1 : i32
        %sub3A_441 = arith.subi %div3A_420, %sub3A_440 : i32
        %select_n3A_442 = arith.select %and3A_439, %sub3A_441, %div3A_420 : i32
        %jit3A_443 = arith.constant 16 : i32
        %eq3A_444 = arith.constant 0 : i32
        %eq3A_445 = arith.cmpi eq, %jit3A_443, %eq3A_444 : i32
        %jit3A_446 = arith.constant 1 : i32
        %select_n3A_447 = arith.select %eq3A_445, %jit3A_446, %jit3A_443 : i32
        %rem3A_448 = arith.remsi %select_n3A_442, %select_n3A_447 : i32
        %ne3A_449 = arith.constant 0 : i32
        %ne3A_450 = arith.cmpi ne, %rem3A_448, %ne3A_449 : i32
        %lt3A_451 = arith.constant 0 : i32
        %lt3A_452 = arith.cmpi slt, %rem3A_448, %lt3A_451 : i32
        %lt3A_453 = arith.constant 0 : i32
        %lt3A_454 = arith.cmpi slt, %select_n3A_447, %lt3A_453 : i32
        %ne3A_455 = arith.xori %lt3A_452, %lt3A_454 : i1
        %and3A_456 = arith.andi %ne3A_455, %ne3A_450 : i1
        %add3A_457 = arith.addi %rem3A_448, %select_n3A_447 : i32
        %select_n3A_458 = arith.select %and3A_456, %add3A_457, %rem3A_448 : i32
        %jit3A_459 = arith.constant 48 : i32
        %eq3A_460 = arith.constant 0 : i32
        %eq3A_461 = arith.cmpi eq, %jit3A_459, %eq3A_460 : i32
        %jit3A_462 = arith.constant 1 : i32
        %select_n3A_463 = arith.select %eq3A_461, %jit3A_462, %jit3A_459 : i32
        %rem3A_464 = arith.remsi %add3A_394, %select_n3A_463 : i32
        %ne3A_465 = arith.constant 0 : i32
        %ne3A_466 = arith.cmpi ne, %rem3A_464, %ne3A_465 : i32
        %lt3A_467 = arith.constant 0 : i32
        %lt3A_468 = arith.cmpi slt, %rem3A_464, %lt3A_467 : i32
        %lt3A_469 = arith.constant 0 : i32
        %lt3A_470 = arith.cmpi slt, %select_n3A_463, %lt3A_469 : i32
        %ne3A_471 = arith.xori %lt3A_468, %lt3A_470 : i1
        %and3A_472 = arith.andi %ne3A_471, %ne3A_466 : i1
        %add3A_473 = arith.addi %rem3A_464, %select_n3A_463 : i32
        %select_n3A_474 = arith.select %and3A_472, %add3A_473, %rem3A_464 : i32
        %dma_start3A_475 = arith.constant 0 : i32
        %dma_start3A_476 = arith.constant 0 : i32
        %dma_start3A_477 = tpu.memref_slice %arg2[%select_n3A_418, %select_n3A_458, %select_n3A_474, %dma_start3A_475, %dma_start3A_476] : memref<8x48x48x48x48xf32, #tpu.memory_space<hbm>> -> memref<1x1x8x48x48xf32, #tpu.memory_space<hbm>>
        %dma_start3A_478 = tpu.memref_squeeze %dma_start3A_477 : memref<1x1x8x48x48xf32, #tpu.memory_space<hbm>> -> memref<8x48x48xf32, #tpu.memory_space<hbm>>
        %dma_start3A_479 = arith.constant 0 : i32
        %dma_start3A_480 = arith.constant 0 : i32
        %dma_start3A_481 = tpu.memref_slice %arg2[%select_n3A_418, %select_n3A_458, %select_n3A_474, %dma_start3A_479, %dma_start3A_480] : memref<8x48x48x48x48xf32, #tpu.memory_space<hbm>> -> memref<1x1x8x48x48xf32, #tpu.memory_space<hbm>>
        %dma_start3A_482 = tpu.memref_squeeze %dma_start3A_481 : memref<1x1x8x48x48xf32, #tpu.memory_space<hbm>> -> memref<8x48x48xf32, #tpu.memory_space<hbm>>
        tpu.enqueue_dma source(%dma_start3A_482 : memref<8x48x48xf32, #tpu.memory_space<hbm>>) target(%arg4 : memref<8x48x48xf32, #tpu.memory_space<vmem>>) target_semaphore(%arg7 : memref<!tpu.dma_semaphore, #tpu.memory_space<semaphore_mem>>)
      } else {
      }
      %add3A_283 = arith.constant 1 : i32
      %add3A_284 = arith.addi %add3A_182, %add3A_283 : i32
      %mul3A_285 = arith.constant 8 : i32
      %mul3A_286 = arith.muli %add3A_284, %mul3A_285 : i32
      %add3A_287 = arith.addi %mul3A_2, %mul3A_286 : i32
      %jit3A_288 = arith.constant 768 : i32
      %div3A_289 = arith.divsi %add3A_287, %jit3A_288 : i32
      %sign3A_290 = arith.constant 0 : i32
      %sign3A_291 = arith.cmpi sgt, %add3A_287, %sign3A_290 : i32
      %sign3A_292 = arith.extui %sign3A_291 : i1 to i32
      %sign3A_293 = arith.constant 0 : i32
      %sign3A_294 = arith.cmpi slt, %add3A_287, %sign3A_293 : i32
      %sign3A_295 = arith.extui %sign3A_294 : i1 to i32
      %sign3A_296 = arith.subi %sign3A_292, %sign3A_295 : i32
      %sign3A_297 = arith.constant 0 : i32
      %sign3A_298 = arith.cmpi sgt, %jit3A_288, %sign3A_297 : i32
      %sign3A_299 = arith.extui %sign3A_298 : i1 to i32
      %sign3A_300 = arith.constant 0 : i32
      %sign3A_301 = arith.cmpi slt, %jit3A_288, %sign3A_300 : i32
      %sign3A_302 = arith.extui %sign3A_301 : i1 to i32
      %sign3A_303 = arith.subi %sign3A_299, %sign3A_302 : i32
      %ne3A_304 = arith.cmpi ne, %sign3A_296, %sign3A_303 : i32
      %rem3A_305 = arith.remsi %add3A_287, %jit3A_288 : i32
      %ne3A_306 = arith.constant 0 : i32
      %ne3A_307 = arith.cmpi ne, %rem3A_305, %ne3A_306 : i32
      %and3A_308 = arith.andi %ne3A_304, %ne3A_307 : i1
      %sub3A_309 = arith.constant 1 : i32
      %sub3A_310 = arith.subi %div3A_289, %sub3A_309 : i32
      %select_n3A_311 = arith.select %and3A_308, %sub3A_310, %div3A_289 : i32
      %jit3A_312 = arith.constant 48 : i32
      %div3A_313 = arith.divsi %add3A_287, %jit3A_312 : i32
      %sign3A_314 = arith.constant 0 : i32
      %sign3A_315 = arith.cmpi sgt, %add3A_287, %sign3A_314 : i32
      %sign3A_316 = arith.extui %sign3A_315 : i1 to i32
      %sign3A_317 = arith.constant 0 : i32
      %sign3A_318 = arith.cmpi slt, %add3A_287, %sign3A_317 : i32
      %sign3A_319 = arith.extui %sign3A_318 : i1 to i32
      %sign3A_320 = arith.subi %sign3A_316, %sign3A_319 : i32
      %sign3A_321 = arith.constant 0 : i32
      %sign3A_322 = arith.cmpi sgt, %jit3A_312, %sign3A_321 : i32
      %sign3A_323 = arith.extui %sign3A_322 : i1 to i32
      %sign3A_324 = arith.constant 0 : i32
      %sign3A_325 = arith.cmpi slt, %jit3A_312, %sign3A_324 : i32
      %sign3A_326 = arith.extui %sign3A_325 : i1 to i32
      %sign3A_327 = arith.subi %sign3A_323, %sign3A_326 : i32
      %ne3A_328 = arith.cmpi ne, %sign3A_320, %sign3A_327 : i32
      %rem3A_329 = arith.remsi %add3A_287, %jit3A_312 : i32
      %ne3A_330 = arith.constant 0 : i32
      %ne3A_331 = arith.cmpi ne, %rem3A_329, %ne3A_330 : i32
      %and3A_332 = arith.andi %ne3A_328, %ne3A_331 : i1
      %sub3A_333 = arith.constant 1 : i32
      %sub3A_334 = arith.subi %div3A_313, %sub3A_333 : i32
      %select_n3A_335 = arith.select %and3A_332, %sub3A_334, %div3A_313 : i32
      %jit3A_336 = arith.constant 16 : i32
      %eq3A_337 = arith.constant 0 : i32
      %eq3A_338 = arith.cmpi eq, %jit3A_336, %eq3A_337 : i32
      %jit3A_339 = arith.constant 1 : i32
      %select_n3A_340 = arith.select %eq3A_338, %jit3A_339, %jit3A_336 : i32
      %rem3A_341 = arith.remsi %select_n3A_335, %select_n3A_340 : i32
      %ne3A_342 = arith.constant 0 : i32
      %ne3A_343 = arith.cmpi ne, %rem3A_341, %ne3A_342 : i32
      %lt3A_344 = arith.constant 0 : i32
      %lt3A_345 = arith.cmpi slt, %rem3A_341, %lt3A_344 : i32
      %lt3A_346 = arith.constant 0 : i32
      %lt3A_347 = arith.cmpi slt, %select_n3A_340, %lt3A_346 : i32
      %ne3A_348 = arith.xori %lt3A_345, %lt3A_347 : i1
      %and3A_349 = arith.andi %ne3A_348, %ne3A_343 : i1
      %add3A_350 = arith.addi %rem3A_341, %select_n3A_340 : i32
      %select_n3A_351 = arith.select %and3A_349, %add3A_350, %rem3A_341 : i32
      %jit3A_352 = arith.constant 48 : i32
      %eq3A_353 = arith.constant 0 : i32
      %eq3A_354 = arith.cmpi eq, %jit3A_352, %eq3A_353 : i32
      %jit3A_355 = arith.constant 1 : i32
      %select_n3A_356 = arith.select %eq3A_354, %jit3A_355, %jit3A_352 : i32
      %rem3A_357 = arith.remsi %add3A_287, %select_n3A_356 : i32
      %ne3A_358 = arith.constant 0 : i32
      %ne3A_359 = arith.cmpi ne, %rem3A_357, %ne3A_358 : i32
      %lt3A_360 = arith.constant 0 : i32
      %lt3A_361 = arith.cmpi slt, %rem3A_357, %lt3A_360 : i32
      %lt3A_362 = arith.constant 0 : i32
      %lt3A_363 = arith.cmpi slt, %select_n3A_356, %lt3A_362 : i32
      %ne3A_364 = arith.xori %lt3A_361, %lt3A_363 : i1
      %and3A_365 = arith.andi %ne3A_364, %ne3A_359 : i1
      %add3A_366 = arith.addi %rem3A_357, %select_n3A_356 : i32
      %select_n3A_367 = arith.select %and3A_365, %add3A_366, %rem3A_357 : i32
      %dma_wait3A_368 = arith.constant 0 : i32
      %dma_wait3A_369 = arith.constant 0 : i32
      %dma_wait3A_370 = tpu.memref_slice %arg2[%select_n3A_311, %select_n3A_351, %select_n3A_367, %dma_wait3A_368, %dma_wait3A_369] : memref<8x48x48x48x48xf32, #tpu.memory_space<hbm>> -> memref<1x1x8x48x48xf32, #tpu.memory_space<hbm>>
      %dma_wait3A_371 = tpu.memref_squeeze %dma_wait3A_370 : memref<1x1x8x48x48xf32, #tpu.memory_space<hbm>> -> memref<8x48x48xf32, #tpu.memory_space<hbm>>
      %dma_wait3A_372 = arith.constant 0 : i32
      %dma_wait3A_373 = arith.constant 0 : i32
      %dma_wait3A_374 = tpu.memref_slice %arg2[%select_n3A_311, %select_n3A_351, %select_n3A_367, %dma_wait3A_372, %dma_wait3A_373] : memref<8x48x48x48x48xf32, #tpu.memory_space<hbm>> -> memref<1x1x8x48x48xf32, #tpu.memory_space<hbm>>
      %dma_wait3A_375 = tpu.memref_squeeze %dma_wait3A_374 : memref<1x1x8x48x48xf32, #tpu.memory_space<hbm>> -> memref<8x48x48xf32, #tpu.memory_space<hbm>>
      tpu.wait_dma2 semaphore(%arg8 : memref<!tpu.dma_semaphore, #tpu.memory_space<semaphore_mem>>) src(%dma_wait3A_375 : memref<8x48x48xf32, #tpu.memory_space<hbm>>) dst(%arg5 : memref<8x48x48xf32, #tpu.memory_space<vmem>>)
      %add3A_376 = arith.constant 1 : i32
      %add3A_377 = arith.addi %add3A_182, %add3A_376 : i32
      %scan3A_378 = arith.constant 0 : i32
      %scan3A_379 = arith.constant 8 : i32
      %scan3A_380 = arith.addi %scan3A_378, %scan3A_379 : i32
      %scan3A_381 = arith.constant 1 : i32
      scf.for %scan3A_390 = %scan3A_378 to %scan3A_380 step %scan3A_381  : i32 {
        %mul3A_391 = arith.constant 1 : i32
        %mul3A_392 = arith.muli %scan3A_390, %mul3A_391 : i32
        %add3A_393 = arith.constant 0 : i32
        %add3A_394 = arith.addi %add3A_393, %mul3A_392 : i32
        %broadcast_in_dim3A = arith.constant 0.000000e+00 : f32
        %broadcast_in_dim3A_395 = vector.broadcast %broadcast_in_dim3A : f32 to vector<16xf32>
        %get3A = arith.constant 0 : i32
        %get3A_396 = arith.index_cast %add3A_394 : i32 to index
        %get3A_397 = arith.index_cast %get3A : i32 to index
        %get3A_398 = arith.constant 0 : index
        %get3A_399 = tpu.vector_load %arg5[%get3A_396, %get3A_397, %get3A_398] {strides = array<i32>} : memref<8x48x48xf32, #tpu.memory_space<vmem>>, vector<1x1x16xf32>,
        %get3A_400 = vector.shape_cast %get3A_399 : vector<1x1x16xf32> to vector<16xf32>
        %add3A_401 = arith.addf %broadcast_in_dim3A_395, %get3A_400 : vector<16xf32>
        %get3A_402 = arith.constant 0 : i32
        %get3A_403 = arith.index_cast %add3A_394 : i32 to index
        %get3A_404 = arith.index_cast %get3A_402 : i32 to index
        %get3A_405 = arith.constant 16 : index
        %get3A_406 = tpu.vector_load %arg5[%get3A_403, %get3A_404, %get3A_405] {strides = array<i32>} : memref<8x48x48xf32, #tpu.memory_space<vmem>>, vector<1x1x16xf32>,
        %get3A_407 = vector.shape_cast %get3A_406 : vector<1x1x16xf32> to vector<16xf32>
        %add3A_408 = arith.addf %add3A_401, %get3A_407 : vector<16xf32>
        %get3A_409 = arith.constant 0 : i32
        %get3A_410 = arith.index_cast %add3A_394 : i32 to index
        %get3A_411 = arith.index_cast %get3A_409 : i32 to index
        %get3A_412 = arith.constant 32 : index
        %get3A_413 = tpu.vector_load %arg5[%get3A_410, %get3A_411, %get3A_412] {strides = array<i32>} : memref<8x48x48xf32, #tpu.memory_space<vmem>>, vector<1x1x16xf32>,
        %get3A_414 = vector.shape_cast %get3A_413 : vector<1x1x16xf32> to vector<16xf32>
        %add3A_415 = arith.addf %add3A_408, %get3A_414 : vector<16xf32>
        %get3A_416 = arith.constant 1 : i32
        %get3A_417 = arith.index_cast %add3A_394 : i32 to index
        %get3A_418 = arith.index_cast %get3A_416 : i32 to index
        %get3A_419 = arith.constant 0 : index
        %get3A_420 = tpu.vector_load %arg5[%get3A_417, %get3A_418, %get3A_419] {strides = array<i32>} : memref<8x48x48xf32, #tpu.memory_space<vmem>>, vector<1x1x16xf32>,
        %get3A_421 = vector.shape_cast %get3A_420 : vector<1x1x16xf32> to vector<16xf32>
        %add3A_422 = arith.addf %add3A_415, %get3A_421 : vector<16xf32>
        %get3A_423 = arith.constant 1 : i32
        %get3A_424 = arith.index_cast %add3A_394 : i32 to index
        %get3A_425 = arith.index_cast %get3A_423 : i32 to index
        %get3A_426 = arith.constant 16 : index
        %get3A_427 = tpu.vector_load %arg5[%get3A_424, %get3A_425, %get3A_426] {strides = array<i32>} : memref<8x48x48xf32, #tpu.memory_space<vmem>>, vector<1x1x16xf32>,
        %get3A_428 = vector.shape_cast %get3A_427 : vector<1x1x16xf32> to vector<16xf32>
        %add3A_429 = arith.addf %add3A_422, %get3A_428 : vector<16xf32>
        %get3A_430 = arith.constant 1 : i32
        %get3A_431 = arith.index_cast %add3A_394 : i32 to index
        %get3A_432 = arith.index_cast %get3A_430 : i32 to index
        %get3A_433 = arith.constant 32 : index
        %get3A_434 = tpu.vector_load %arg5[%get3A_431, %get3A_432, %get3A_433] {strides = array<i32>} : memref<8x48x48xf32, #tpu.memory_space<vmem>>, vector<1x1x16xf32>,
        %get3A_435 = vector.shape_cast %get3A_434 : vector<1x1x16xf32> to vector<16xf32>
        %add3A_436 = arith.addf %add3A_429, %get3A_435 : vector<16xf32>
        %get3A_437 = arith.constant 2 : i32
        %get3A_438 = arith.index_cast %add3A_394 : i32 to index
        %get3A_439 = arith.index_cast %get3A_437 : i32 to index
        %get3A_440 = arith.constant 0 : index
        %get3A_441 = tpu.vector_load %arg5[%get3A_438, %get3A_439, %get3A_440] {strides = array<i32>} : memref<8x48x48xf32, #tpu.memory_space<vmem>>, vector<1x1x16xf32>,
        %get3A_442 = vector.shape_cast %get3A_441 : vector<1x1x16xf32> to vector<16xf32>
        %add3A_443 = arith.addf %add3A_436, %get3A_442 : vector<16xf32>
        %get3A_444 = arith.constant 2 : i32
        %get3A_445 = arith.index_cast %add3A_394 : i32 to index
        %get3A_446 = arith.index_cast %get3A_444 : i32 to index
        %get3A_447 = arith.constant 16 : index
        %get3A_448 = tpu.vector_load %arg5[%get3A_445, %get3A_446, %get3A_447] {strides = array<i32>} : memref<8x48x48xf32, #tpu.memory_space<vmem>>, vector<1x1x16xf32>,
        %get3A_449 = vector.shape_cast %get3A_448 : vector<1x1x16xf32> to vector<16xf32>
        %add3A_450 = arith.addf %add3A_443, %get3A_449 : vector<16xf32>
        %get3A_451 = arith.constant 2 : i32
        %get3A_452 = arith.index_cast %add3A_394 : i32 to index
        %get3A_453 = arith.index_cast %get3A_451 : i32 to index
        %get3A_454 = arith.constant 32 : index
        %get3A_455 = tpu.vector_load %arg5[%get3A_452, %get3A_453, %get3A_454] {strides = array<i32>} : memref<8x48x48xf32, #tpu.memory_space<vmem>>, vector<1x1x16xf32>,
        %get3A_456 = vector.shape_cast %get3A_455 : vector<1x1x16xf32> to vector<16xf32>
        %add3A_457 = arith.addf %add3A_450, %get3A_456 : vector<16xf32>
        %get3A_458 = arith.constant 3 : i32
        %get3A_459 = arith.index_cast %add3A_394 : i32 to index
        %get3A_460 = arith.index_cast %get3A_458 : i32 to index
        %get3A_461 = arith.constant 0 : index
        %get3A_462 = tpu.vector_load %arg5[%get3A_459, %get3A_460, %get3A_461] {strides = array<i32>} : memref<8x48x48xf32, #tpu.memory_space<vmem>>, vector<1x1x16xf32>,
        %get3A_463 = vector.shape_cast %get3A_462 : vector<1x1x16xf32> to vector<16xf32>
        %add3A_464 = arith.addf %add3A_457, %get3A_463 : vector<16xf32>
        %get3A_465 = arith.constant 3 : i32
        %get3A_466 = arith.index_cast %add3A_394 : i32 to index
        %get3A_467 = arith.index_cast %get3A_465 : i32 to index
        %get3A_468 = arith.constant 16 : index
        %get3A_469 = tpu.vector_load %arg5[%get3A_466, %get3A_467, %get3A_468] {strides = array<i32>} : memref<8x48x48xf32, #tpu.memory_space<vmem>>, vector<1x1x16xf32>,
        %get3A_470 = vector.shape_cast %get3A_469 : vector<1x1x16xf32> to vector<16xf32>
        %add3A_471 = arith.addf %add3A_464, %get3A_470 : vector<16xf32>
        %get3A_472 = arith.constant 3 : i32
        %get3A_473 = arith.index_cast %add3A_394 : i32 to index
        %get3A_474 = arith.index_cast %get3A_472 : i32 to index
        %get3A_475 = arith.constant 32 : index
        %get3A_476 = tpu.vector_load %arg5[%get3A_473, %get3A_474, %get3A_475] {strides = array<i32>} : memref<8x48x48xf32, #tpu.memory_space<vmem>>, vector<1x1x16xf32>,
        %get3A_477 = vector.shape_cast %get3A_476 : vector<1x1x16xf32> to vector<16xf32>
        %add3A_478 = arith.addf %add3A_471, %get3A_477 : vector<16xf32>
        %get3A_479 = arith.constant 4 : i32
        %get3A_480 = arith.index_cast %add3A_394 : i32 to index
        %get3A_481 = arith.index_cast %get3A_479 : i32 to index
        %get3A_482 = arith.constant 0 : index
        %get3A_483 = tpu.vector_load %arg5[%get3A_480, %get3A_481, %get3A_482] {strides = array<i32>} : memref<8x48x48xf32, #tpu.memory_space<vmem>>, vector<1x1x16xf32>,
        %get3A_484 = vector.shape_cast %get3A_483 : vector<1x1x16xf32> to vector<16xf32>
        %add3A_485 = arith.addf %add3A_478, %get3A_484 : vector<16xf32>
        %get3A_486 = arith.constant 4 : i32
        %get3A_487 = arith.index_cast %add3A_394 : i32 to index
        %get3A_488 = arith.index_cast %get3A_486 : i32 to index
        %get3A_489 = arith.constant 16 : index
        %get3A_490 = tpu.vector_load %arg5[%get3A_487, %get3A_488, %get3A_489] {strides = array<i32>} : memref<8x48x48xf32, #tpu.memory_space<vmem>>, vector<1x1x16xf32>,
        %get3A_491 = vector.shape_cast %get3A_490 : vector<1x1x16xf32> to vector<16xf32>
        %add3A_492 = arith.addf %add3A_485, %get3A_491 : vector<16xf32>
        %get3A_493 = arith.constant 4 : i32
        %get3A_494 = arith.index_cast %add3A_394 : i32 to index
        %get3A_495 = arith.index_cast %get3A_493 : i32 to index
        %get3A_496 = arith.constant 32 : index
        %get3A_497 = tpu.vector_load %arg5[%get3A_494, %get3A_495, %get3A_496] {strides = array<i32>} : memref<8x48x48xf32, #tpu.memory_space<vmem>>, vector<1x1x16xf32>,
        %get3A_498 = vector.shape_cast %get3A_497 : vector<1x1x16xf32> to vector<16xf32>
        %add3A_499 = arith.addf %add3A_492, %get3A_498 : vector<16xf32>
        %get3A_500 = arith.constant 5 : i32
        %get3A_501 = arith.index_cast %add3A_394 : i32 to index
        %get3A_502 = arith.index_cast %get3A_500 : i32 to index
        %get3A_503 = arith.constant 0 : index
        %get3A_504 = tpu.vector_load %arg5[%get3A_501, %get3A_502, %get3A_503] {strides = array<i32>} : memref<8x48x48xf32, #tpu.memory_space<vmem>>, vector<1x1x16xf32>,
        %get3A_505 = vector.shape_cast %get3A_504 : vector<1x1x16xf32> to vector<16xf32>
        %add3A_506 = arith.addf %add3A_499, %get3A_505 : vector<16xf32>
        %get3A_507 = arith.constant 5 : i32
        %get3A_508 = arith.index_cast %add3A_394 : i32 to index
        %get3A_509 = arith.index_cast %get3A_507 : i32 to index
        %get3A_510 = arith.constant 16 : index
        %get3A_511 = tpu.vector_load %arg5[%get3A_508, %get3A_509, %get3A_510] {strides = array<i32>} : memref<8x48x48xf32, #tpu.memory_space<vmem>>, vector<1x1x16xf32>,
        %get3A_512 = vector.shape_cast %get3A_511 : vector<1x1x16xf32> to vector<16xf32>
        %add3A_513 = arith.addf %add3A_506, %get3A_512 : vector<16xf32>
        %get3A_514 = arith.constant 5 : i32
        %get3A_515 = arith.index_cast %add3A_394 : i32 to index
        %get3A_516 = arith.index_cast %get3A_514 : i32 to index
        %get3A_517 = arith.constant 32 : index
        %get3A_518 = tpu.vector_load %arg5[%get3A_515, %get3A_516, %get3A_517] {strides = array<i32>} : memref<8x48x48xf32, #tpu.memory_space<vmem>>, vector<1x1x16xf32>,
        %get3A_519 = vector.shape_cast %get3A_518 : vector<1x1x16xf32> to vector<16xf32>
        %add3A_520 = arith.addf %add3A_513, %get3A_519 : vector<16xf32>
        %get3A_521 = arith.constant 6 : i32
        %get3A_522 = arith.index_cast %add3A_394 : i32 to index
        %get3A_523 = arith.index_cast %get3A_521 : i32 to index
        %get3A_524 = arith.constant 0 : index
        %get3A_525 = tpu.vector_load %arg5[%get3A_522, %get3A_523, %get3A_524] {strides = array<i32>} : memref<8x48x48xf32, #tpu.memory_space<vmem>>, vector<1x1x16xf32>,
        %get3A_526 = vector.shape_cast %get3A_525 : vector<1x1x16xf32> to vector<16xf32>
        %add3A_527 = arith.addf %add3A_520, %get3A_526 : vector<16xf32>
        %get3A_528 = arith.constant 6 : i32
        %get3A_529 = arith.index_cast %add3A_394 : i32 to index
        %get3A_530 = arith.index_cast %get3A_528 : i32 to index
        %get3A_531 = arith.constant 16 : index
        %get3A_532 = tpu.vector_load %arg5[%get3A_529, %get3A_530, %get3A_531] {strides = array<i32>} : memref<8x48x48xf32, #tpu.memory_space<vmem>>, vector<1x1x16xf32>,
        %get3A_533 = vector.shape_cast %get3A_532 : vector<1x1x16xf32> to vector<16xf32>
        %add3A_534 = arith.addf %add3A_527, %get3A_533 : vector<16xf32>
        %get3A_535 = arith.constant 6 : i32
        %get3A_536 = arith.index_cast %add3A_394 : i32 to index
        %get3A_537 = arith.index_cast %get3A_535 : i32 to index
        %get3A_538 = arith.constant 32 : index
        %get3A_539 = tpu.vector_load %arg5[%get3A_536, %get3A_537, %get3A_538] {strides = array<i32>} : memref<8x48x48xf32, #tpu.memory_space<vmem>>, vector<1x1x16xf32>,
        %get3A_540 = vector.shape_cast %get3A_539 : vector<1x1x16xf32> to vector<16xf32>
        %add3A_541 = arith.addf %add3A_534, %get3A_540 : vector<16xf32>
        %get3A_542 = arith.constant 7 : i32
        %get3A_543 = arith.index_cast %add3A_394 : i32 to index
        %get3A_544 = arith.index_cast %get3A_542 : i32 to index
        %get3A_545 = arith.constant 0 : index
        %get3A_546 = tpu.vector_load %arg5[%get3A_543, %get3A_544, %get3A_545] {strides = array<i32>} : memref<8x48x48xf32, #tpu.memory_space<vmem>>, vector<1x1x16xf32>,
        %get3A_547 = vector.shape_cast %get3A_546 : vector<1x1x16xf32> to vector<16xf32>
        %add3A_548 = arith.addf %add3A_541, %get3A_547 : vector<16xf32>
        %get3A_549 = arith.constant 7 : i32
        %get3A_550 = arith.index_cast %add3A_394 : i32 to index
        %get3A_551 = arith.index_cast %get3A_549 : i32 to index
        %get3A_552 = arith.constant 16 : index
        %get3A_553 = tpu.vector_load %arg5[%get3A_550, %get3A_551, %get3A_552] {strides = array<i32>} : memref<8x48x48xf32, #tpu.memory_space<vmem>>, vector<1x1x16xf32>,
        %get3A_554 = vector.shape_cast %get3A_553 : vector<1x1x16xf32> to vector<16xf32>
        %add3A_555 = arith.addf %add3A_548, %get3A_554 : vector<16xf32>
        %get3A_556 = arith.constant 7 : i32
        %get3A_557 = arith.index_cast %add3A_394 : i32 to index
        %get3A_558 = arith.index_cast %get3A_556 : i32 to index
        %get3A_559 = arith.constant 32 : index
        %get3A_560 = tpu.vector_load %arg5[%get3A_557, %get3A_558, %get3A_559] {strides = array<i32>} : memref<8x48x48xf32, #tpu.memory_space<vmem>>, vector<1x1x16xf32>,
        %get3A_561 = vector.shape_cast %get3A_560 : vector<1x1x16xf32> to vector<16xf32>
        %add3A_562 = arith.addf %add3A_555, %get3A_561 : vector<16xf32>
        %get3A_563 = arith.constant 8 : i32
        %get3A_564 = arith.index_cast %add3A_394 : i32 to index
        %get3A_565 = arith.index_cast %get3A_563 : i32 to index
        %get3A_566 = arith.constant 0 : index
        %get3A_567 = tpu.vector_load %arg5[%get3A_564, %get3A_565, %get3A_566] {strides = array<i32>} : memref<8x48x48xf32, #tpu.memory_space<vmem>>, vector<1x1x16xf32>,
        %get3A_568 = vector.shape_cast %get3A_567 : vector<1x1x16xf32> to vector<16xf32>
        %add3A_569 = arith.addf %add3A_562, %get3A_568 : vector<16xf32>
        %get3A_570 = arith.constant 8 : i32
        %get3A_571 = arith.index_cast %add3A_394 : i32 to index
        %get3A_572 = arith.index_cast %get3A_570 : i32 to index
        %get3A_573 = arith.constant 16 : index
        %get3A_574 = tpu.vector_load %arg5[%get3A_571, %get3A_572, %get3A_573] {strides = array<i32>} : memref<8x48x48xf32, #tpu.memory_space<vmem>>, vector<1x1x16xf32>,
        %get3A_575 = vector.shape_cast %get3A_574 : vector<1x1x16xf32> to vector<16xf32>
        %add3A_576 = arith.addf %add3A_569, %get3A_575 : vector<16xf32>
        %get3A_577 = arith.constant 8 : i32
        %get3A_578 = arith.index_cast %add3A_394 : i32 to index
        %get3A_579 = arith.index_cast %get3A_577 : i32 to index
        %get3A_580 = arith.constant 32 : index
        %get3A_581 = tpu.vector_load %arg5[%get3A_578, %get3A_579, %get3A_580] {strides = array<i32>} : memref<8x48x48xf32, #tpu.memory_space<vmem>>, vector<1x1x16xf32>,
        %get3A_582 = vector.shape_cast %get3A_581 : vector<1x1x16xf32> to vector<16xf32>
        %add3A_583 = arith.addf %add3A_576, %get3A_582 : vector<16xf32>
        %get3A_584 = arith.constant 9 : i32
        %get3A_585 = arith.index_cast %add3A_394 : i32 to index
        %get3A_586 = arith.index_cast %get3A_584 : i32 to index
        %get3A_587 = arith.constant 0 : index
        %get3A_588 = tpu.vector_load %arg5[%get3A_585, %get3A_586, %get3A_587] {strides = array<i32>} : memref<8x48x48xf32, #tpu.memory_space<vmem>>, vector<1x1x16xf32>,
        %get3A_589 = vector.shape_cast %get3A_588 : vector<1x1x16xf32> to vector<16xf32>
        %add3A_590 = arith.addf %add3A_583, %get3A_589 : vector<16xf32>
        %get3A_591 = arith.constant 9 : i32
        %get3A_592 = arith.index_cast %add3A_394 : i32 to index
        %get3A_593 = arith.index_cast %get3A_591 : i32 to index
        %get3A_594 = arith.constant 16 : index
        %get3A_595 = tpu.vector_load %arg5[%get3A_592, %get3A_593, %get3A_594] {strides = array<i32>} : memref<8x48x48xf32, #tpu.memory_space<vmem>>, vector<1x1x16xf32>,
        %get3A_596 = vector.shape_cast %get3A_595 : vector<1x1x16xf32> to vector<16xf32>
        %add3A_597 = arith.addf %add3A_590, %get3A_596 : vector<16xf32>
        %get3A_598 = arith.constant 9 : i32
        %get3A_599 = arith.index_cast %add3A_394 : i32 to index
        %get3A_600 = arith.index_cast %get3A_598 : i32 to index
        %get3A_601 = arith.constant 32 : index
        %get3A_602 = tpu.vector_load %arg5[%get3A_599, %get3A_600, %get3A_601] {strides = array<i32>} : memref<8x48x48xf32, #tpu.memory_space<vmem>>, vector<1x1x16xf32>,
        %get3A_603 = vector.shape_cast %get3A_602 : vector<1x1x16xf32> to vector<16xf32>
        %add3A_604 = arith.addf %add3A_597, %get3A_603 : vector<16xf32>
        %get3A_605 = arith.constant 10 : i32
        %get3A_606 = arith.index_cast %add3A_394 : i32 to index
        %get3A_607 = arith.index_cast %get3A_605 : i32 to index
        %get3A_608 = arith.constant 0 : index
        %get3A_609 = tpu.vector_load %arg5[%get3A_606, %get3A_607, %get3A_608] {strides = array<i32>} : memref<8x48x48xf32, #tpu.memory_space<vmem>>, vector<1x1x16xf32>,
        %get3A_610 = vector.shape_cast %get3A_609 : vector<1x1x16xf32> to vector<16xf32>
        %add3A_611 = arith.addf %add3A_604, %get3A_610 : vector<16xf32>
        %get3A_612 = arith.constant 10 : i32
        %get3A_613 = arith.index_cast %add3A_394 : i32 to index
        %get3A_614 = arith.index_cast %get3A_612 : i32 to index
        %get3A_615 = arith.constant 16 : index
        %get3A_616 = tpu.vector_load %arg5[%get3A_613, %get3A_614, %get3A_615] {strides = array<i32>} : memref<8x48x48xf32, #tpu.memory_space<vmem>>, vector<1x1x16xf32>,
        %get3A_617 = vector.shape_cast %get3A_616 : vector<1x1x16xf32> to vector<16xf32>
        %add3A_618 = arith.addf %add3A_611, %get3A_617 : vector<16xf32>
        %get3A_619 = arith.constant 10 : i32
        %get3A_620 = arith.index_cast %add3A_394 : i32 to index
        %get3A_621 = arith.index_cast %get3A_619 : i32 to index
        %get3A_622 = arith.constant 32 : index
        %get3A_623 = tpu.vector_load %arg5[%get3A_620, %get3A_621, %get3A_622] {strides = array<i32>} : memref<8x48x48xf32, #tpu.memory_space<vmem>>, vector<1x1x16xf32>,
        %get3A_624 = vector.shape_cast %get3A_623 : vector<1x1x16xf32> to vector<16xf32>
        %add3A_625 = arith.addf %add3A_618, %get3A_624 : vector<16xf32>
        %get3A_626 = arith.constant 11 : i32
        %get3A_627 = arith.index_cast %add3A_394 : i32 to index
        %get3A_628 = arith.index_cast %get3A_626 : i32 to index
        %get3A_629 = arith.constant 0 : index
        %get3A_630 = tpu.vector_load %arg5[%get3A_627, %get3A_628, %get3A_629] {strides = array<i32>} : memref<8x48x48xf32, #tpu.memory_space<vmem>>, vector<1x1x16xf32>,
        %get3A_631 = vector.shape_cast %get3A_630 : vector<1x1x16xf32> to vector<16xf32>
        %add3A_632 = arith.addf %add3A_625, %get3A_631 : vector<16xf32>
        %get3A_633 = arith.constant 11 : i32
        %get3A_634 = arith.index_cast %add3A_394 : i32 to index
        %get3A_635 = arith.index_cast %get3A_633 : i32 to index
        %get3A_636 = arith.constant 16 : index
        %get3A_637 = tpu.vector_load %arg5[%get3A_634, %get3A_635, %get3A_636] {strides = array<i32>} : memref<8x48x48xf32, #tpu.memory_space<vmem>>, vector<1x1x16xf32>,
        %get3A_638 = vector.shape_cast %get3A_637 : vector<1x1x16xf32> to vector<16xf32>
        %add3A_639 = arith.addf %add3A_632, %get3A_638 : vector<16xf32>
        %get3A_640 = arith.constant 11 : i32
        %get3A_641 = arith.index_cast %add3A_394 : i32 to index
        %get3A_642 = arith.index_cast %get3A_640 : i32 to index
        %get3A_643 = arith.constant 32 : index
        %get3A_644 = tpu.vector_load %arg5[%get3A_641, %get3A_642, %get3A_643] {strides = array<i32>} : memref<8x48x48xf32, #tpu.memory_space<vmem>>, vector<1x1x16xf32>,
        %get3A_645 = vector.shape_cast %get3A_644 : vector<1x1x16xf32> to vector<16xf32>
        %add3A_646 = arith.addf %add3A_639, %get3A_645 : vector<16xf32>
        %get3A_647 = arith.constant 12 : i32
        %get3A_648 = arith.index_cast %add3A_394 : i32 to index
        %get3A_649 = arith.index_cast %get3A_647 : i32 to index
        %get3A_650 = arith.constant 0 : index
        %get3A_651 = tpu.vector_load %arg5[%get3A_648, %get3A_649, %get3A_650] {strides = array<i32>} : memref<8x48x48xf32, #tpu.memory_space<vmem>>, vector<1x1x16xf32>,
        %get3A_652 = vector.shape_cast %get3A_651 : vector<1x1x16xf32> to vector<16xf32>
        %add3A_653 = arith.addf %add3A_646, %get3A_652 : vector<16xf32>
        %get3A_654 = arith.constant 12 : i32
        %get3A_655 = arith.index_cast %add3A_394 : i32 to index
        %get3A_656 = arith.index_cast %get3A_654 : i32 to index
        %get3A_657 = arith.constant 16 : index
        %get3A_658 = tpu.vector_load %arg5[%get3A_655, %get3A_656, %get3A_657] {strides = array<i32>} : memref<8x48x48xf32, #tpu.memory_space<vmem>>, vector<1x1x16xf32>,
        %get3A_659 = vector.shape_cast %get3A_658 : vector<1x1x16xf32> to vector<16xf32>
        %add3A_660 = arith.addf %add3A_653, %get3A_659 : vector<16xf32>
        %get3A_661 = arith.constant 12 : i32
        %get3A_662 = arith.index_cast %add3A_394 : i32 to index
        %get3A_663 = arith.index_cast %get3A_661 : i32 to index
        %get3A_664 = arith.constant 32 : index
        %get3A_665 = tpu.vector_load %arg5[%get3A_662, %get3A_663, %get3A_664] {strides = array<i32>} : memref<8x48x48xf32, #tpu.memory_space<vmem>>, vector<1x1x16xf32>,
        %get3A_666 = vector.shape_cast %get3A_665 : vector<1x1x16xf32> to vector<16xf32>
        %add3A_667 = arith.addf %add3A_660, %get3A_666 : vector<16xf32>
        %get3A_668 = arith.constant 13 : i32
        %get3A_669 = arith.index_cast %add3A_394 : i32 to index
        %get3A_670 = arith.index_cast %get3A_668 : i32 to index
        %get3A_671 = arith.constant 0 : index
        %get3A_672 = tpu.vector_load %arg5[%get3A_669, %get3A_670, %get3A_671] {strides = array<i32>} : memref<8x48x48xf32, #tpu.memory_space<vmem>>, vector<1x1x16xf32>,
        %get3A_673 = vector.shape_cast %get3A_672 : vector<1x1x16xf32> to vector<16xf32>
        %add3A_674 = arith.addf %add3A_667, %get3A_673 : vector<16xf32>
        %get3A_675 = arith.constant 13 : i32
        %get3A_676 = arith.index_cast %add3A_394 : i32 to index
        %get3A_677 = arith.index_cast %get3A_675 : i32 to index
        %get3A_678 = arith.constant 16 : index
        %get3A_679 = tpu.vector_load %arg5[%get3A_676, %get3A_677, %get3A_678] {strides = array<i32>} : memref<8x48x48xf32, #tpu.memory_space<vmem>>, vector<1x1x16xf32>,
        %get3A_680 = vector.shape_cast %get3A_679 : vector<1x1x16xf32> to vector<16xf32>
        %add3A_681 = arith.addf %add3A_674, %get3A_680 : vector<16xf32>
        %get3A_682 = arith.constant 13 : i32
        %get3A_683 = arith.index_cast %add3A_394 : i32 to index
        %get3A_684 = arith.index_cast %get3A_682 : i32 to index
        %get3A_685 = arith.constant 32 : index
        %get3A_686 = tpu.vector_load %arg5[%get3A_683, %get3A_684, %get3A_685] {strides = array<i32>} : memref<8x48x48xf32, #tpu.memory_space<vmem>>, vector<1x1x16xf32>,
        %get3A_687 = vector.shape_cast %get3A_686 : vector<1x1x16xf32> to vector<16xf32>
        %add3A_688 = arith.addf %add3A_681, %get3A_687 : vector<16xf32>
        %get3A_689 = arith.constant 14 : i32
        %get3A_690 = arith.index_cast %add3A_394 : i32 to index
        %get3A_691 = arith.index_cast %get3A_689 : i32 to index
        %get3A_692 = arith.constant 0 : index
        %get3A_693 = tpu.vector_load %arg5[%get3A_690, %get3A_691, %get3A_692] {strides = array<i32>} : memref<8x48x48xf32, #tpu.memory_space<vmem>>, vector<1x1x16xf32>,
        %get3A_694 = vector.shape_cast %get3A_693 : vector<1x1x16xf32> to vector<16xf32>
        %add3A_695 = arith.addf %add3A_688, %get3A_694 : vector<16xf32>
        %get3A_696 = arith.constant 14 : i32
        %get3A_697 = arith.index_cast %add3A_394 : i32 to index
        %get3A_698 = arith.index_cast %get3A_696 : i32 to index
        %get3A_699 = arith.constant 16 : index
        %get3A_700 = tpu.vector_load %arg5[%get3A_697, %get3A_698, %get3A_699] {strides = array<i32>} : memref<8x48x48xf32, #tpu.memory_space<vmem>>, vector<1x1x16xf32>,
        %get3A_701 = vector.shape_cast %get3A_700 : vector<1x1x16xf32> to vector<16xf32>
        %add3A_702 = arith.addf %add3A_695, %get3A_701 : vector<16xf32>
        %get3A_703 = arith.constant 14 : i32
        %get3A_704 = arith.index_cast %add3A_394 : i32 to index
        %get3A_705 = arith.index_cast %get3A_703 : i32 to index
        %get3A_706 = arith.constant 32 : index
        %get3A_707 = tpu.vector_load %arg5[%get3A_704, %get3A_705, %get3A_706] {strides = array<i32>} : memref<8x48x48xf32, #tpu.memory_space<vmem>>, vector<1x1x16xf32>,
        %get3A_708 = vector.shape_cast %get3A_707 : vector<1x1x16xf32> to vector<16xf32>
        %add3A_709 = arith.addf %add3A_702, %get3A_708 : vector<16xf32>
        %get3A_710 = arith.constant 15 : i32
        %get3A_711 = arith.index_cast %add3A_394 : i32 to index
        %get3A_712 = arith.index_cast %get3A_710 : i32 to index
        %get3A_713 = arith.constant 0 : index
        %get3A_714 = tpu.vector_load %arg5[%get3A_711, %get3A_712, %get3A_713] {strides = array<i32>} : memref<8x48x48xf32, #tpu.memory_space<vmem>>, vector<1x1x16xf32>,
        %get3A_715 = vector.shape_cast %get3A_714 : vector<1x1x16xf32> to vector<16xf32>
        %add3A_716 = arith.addf %add3A_709, %get3A_715 : vector<16xf32>
        %get3A_717 = arith.constant 15 : i32
        %get3A_718 = arith.index_cast %add3A_394 : i32 to index
        %get3A_719 = arith.index_cast %get3A_717 : i32 to index
        %get3A_720 = arith.constant 16 : index
        %get3A_721 = tpu.vector_load %arg5[%get3A_718, %get3A_719, %get3A_720] {strides = array<i32>} : memref<8x48x48xf32, #tpu.memory_space<vmem>>, vector<1x1x16xf32>,
        %get3A_722 = vector.shape_cast %get3A_721 : vector<1x1x16xf32> to vector<16xf32>
        %add3A_723 = arith.addf %add3A_716, %get3A_722 : vector<16xf32>
        %get3A_724 = arith.constant 15 : i32
        %get3A_725 = arith.index_cast %add3A_394 : i32 to index
        %get3A_726 = arith.index_cast %get3A_724 : i32 to index
        %get3A_727 = arith.constant 32 : index
        %get3A_728 = tpu.vector_load %arg5[%get3A_725, %get3A_726, %get3A_727] {strides = array<i32>} : memref<8x48x48xf32, #tpu.memory_space<vmem>>, vector<1x1x16xf32>,
        %get3A_729 = vector.shape_cast %get3A_728 : vector<1x1x16xf32> to vector<16xf32>
        %add3A_730 = arith.addf %add3A_723, %get3A_729 : vector<16xf32>
        %get3A_731 = arith.constant 16 : i32
        %get3A_732 = arith.index_cast %add3A_394 : i32 to index
        %get3A_733 = arith.index_cast %get3A_731 : i32 to index
        %get3A_734 = arith.constant 0 : index
        %get3A_735 = tpu.vector_load %arg5[%get3A_732, %get3A_733, %get3A_734] {strides = array<i32>} : memref<8x48x48xf32, #tpu.memory_space<vmem>>, vector<1x1x16xf32>,
        %get3A_736 = vector.shape_cast %get3A_735 : vector<1x1x16xf32> to vector<16xf32>
        %add3A_737 = arith.addf %add3A_730, %get3A_736 : vector<16xf32>
        %get3A_738 = arith.constant 16 : i32
        %get3A_739 = arith.index_cast %add3A_394 : i32 to index
        %get3A_740 = arith.index_cast %get3A_738 : i32 to index
        %get3A_741 = arith.constant 16 : index
        %get3A_742 = tpu.vector_load %arg5[%get3A_739, %get3A_740, %get3A_741] {strides = array<i32>} : memref<8x48x48xf32, #tpu.memory_space<vmem>>, vector<1x1x16xf32>,
        %get3A_743 = vector.shape_cast %get3A_742 : vector<1x1x16xf32> to vector<16xf32>
        %add3A_744 = arith.addf %add3A_737, %get3A_743 : vector<16xf32>
        %get3A_745 = arith.constant 16 : i32
        %get3A_746 = arith.index_cast %add3A_394 : i32 to index
        %get3A_747 = arith.index_cast %get3A_745 : i32 to index
        %get3A_748 = arith.constant 32 : index
        %get3A_749 = tpu.vector_load %arg5[%get3A_746, %get3A_747, %get3A_748] {strides = array<i32>} : memref<8x48x48xf32, #tpu.memory_space<vmem>>, vector<1x1x16xf32>,
        %get3A_750 = vector.shape_cast %get3A_749 : vector<1x1x16xf32> to vector<16xf32>
        %add3A_751 = arith.addf %add3A_744, %get3A_750 : vector<16xf32>
        %get3A_752 = arith.constant 17 : i32
        %get3A_753 = arith.index_cast %add3A_394 : i32 to index
        %get3A_754 = arith.index_cast %get3A_752 : i32 to index
        %get3A_755 = arith.constant 0 : index
        %get3A_756 = tpu.vector_load %arg5[%get3A_753, %get3A_754, %get3A_755] {strides = array<i32>} : memref<8x48x48xf32, #tpu.memory_space<vmem>>, vector<1x1x16xf32>,
        %get3A_757 = vector.shape_cast %get3A_756 : vector<1x1x16xf32> to vector<16xf32>
        %add3A_758 = arith.addf %add3A_751, %get3A_757 : vector<16xf32>
        %get3A_759 = arith.constant 17 : i32
        %get3A_760 = arith.index_cast %add3A_394 : i32 to index
        %get3A_761 = arith.index_cast %get3A_759 : i32 to index
        %get3A_762 = arith.constant 16 : index
        %get3A_763 = tpu.vector_load %arg5[%get3A_760, %get3A_761, %get3A_762] {strides = array<i32>} : memref<8x48x48xf32, #tpu.memory_space<vmem>>, vector<1x1x16xf32>,
        %get3A_764 = vector.shape_cast %get3A_763 : vector<1x1x16xf32> to vector<16xf32>
        %add3A_765 = arith.addf %add3A_758, %get3A_764 : vector<16xf32>
        %get3A_766 = arith.constant 17 : i32
        %get3A_767 = arith.index_cast %add3A_394 : i32 to index
        %get3A_768 = arith.index_cast %get3A_766 : i32 to index
        %get3A_769 = arith.constant 32 : index
        %get3A_770 = tpu.vector_load %arg5[%get3A_767, %get3A_768, %get3A_769] {strides = array<i32>} : memref<8x48x48xf32, #tpu.memory_space<vmem>>, vector<1x1x16xf32>,
        %get3A_771 = vector.shape_cast %get3A_770 : vector<1x1x16xf32> to vector<16xf32>
        %add3A_772 = arith.addf %add3A_765, %get3A_771 : vector<16xf32>
        %get3A_773 = arith.constant 18 : i32
        %get3A_774 = arith.index_cast %add3A_394 : i32 to index
        %get3A_775 = arith.index_cast %get3A_773 : i32 to index
        %get3A_776 = arith.constant 0 : index
        %get3A_777 = tpu.vector_load %arg5[%get3A_774, %get3A_775, %get3A_776] {strides = array<i32>} : memref<8x48x48xf32, #tpu.memory_space<vmem>>, vector<1x1x16xf32>,
        %get3A_778 = vector.shape_cast %get3A_777 : vector<1x1x16xf32> to vector<16xf32>
        %add3A_779 = arith.addf %add3A_772, %get3A_778 : vector<16xf32>
        %get3A_780 = arith.constant 18 : i32
        %get3A_781 = arith.index_cast %add3A_394 : i32 to index
        %get3A_782 = arith.index_cast %get3A_780 : i32 to index
        %get3A_783 = arith.constant 16 : index
        %get3A_784 = tpu.vector_load %arg5[%get3A_781, %get3A_782, %get3A_783] {strides = array<i32>} : memref<8x48x48xf32, #tpu.memory_space<vmem>>, vector<1x1x16xf32>,
        %get3A_785 = vector.shape_cast %get3A_784 : vector<1x1x16xf32> to vector<16xf32>
        %add3A_786 = arith.addf %add3A_779, %get3A_785 : vector<16xf32>
        %get3A_787 = arith.constant 18 : i32
        %get3A_788 = arith.index_cast %add3A_394 : i32 to index
        %get3A_789 = arith.index_cast %get3A_787 : i32 to index
        %get3A_790 = arith.constant 32 : index
        %get3A_791 = tpu.vector_load %arg5[%get3A_788, %get3A_789, %get3A_790] {strides = array<i32>} : memref<8x48x48xf32, #tpu.memory_space<vmem>>, vector<1x1x16xf32>,
        %get3A_792 = vector.shape_cast %get3A_791 : vector<1x1x16xf32> to vector<16xf32>
        %add3A_793 = arith.addf %add3A_786, %get3A_792 : vector<16xf32>
        %get3A_794 = arith.constant 19 : i32
        %get3A_795 = arith.index_cast %add3A_394 : i32 to index
        %get3A_796 = arith.index_cast %get3A_794 : i32 to index
        %get3A_797 = arith.constant 0 : index
        %get3A_798 = tpu.vector_load %arg5[%get3A_795, %get3A_796, %get3A_797] {strides = array<i32>} : memref<8x48x48xf32, #tpu.memory_space<vmem>>, vector<1x1x16xf32>,
        %get3A_799 = vector.shape_cast %get3A_798 : vector<1x1x16xf32> to vector<16xf32>
        %add3A_800 = arith.addf %add3A_793, %get3A_799 : vector<16xf32>
        %get3A_801 = arith.constant 19 : i32
        %get3A_802 = arith.index_cast %add3A_394 : i32 to index
        %get3A_803 = arith.index_cast %get3A_801 : i32 to index
        %get3A_804 = arith.constant 16 : index
        %get3A_805 = tpu.vector_load %arg5[%get3A_802, %get3A_803, %get3A_804] {strides = array<i32>} : memref<8x48x48xf32, #tpu.memory_space<vmem>>, vector<1x1x16xf32>,
        %get3A_806 = vector.shape_cast %get3A_805 : vector<1x1x16xf32> to vector<16xf32>
        %add3A_807 = arith.addf %add3A_800, %get3A_806 : vector<16xf32>
        %get3A_808 = arith.constant 19 : i32
        %get3A_809 = arith.index_cast %add3A_394 : i32 to index
        %get3A_810 = arith.index_cast %get3A_808 : i32 to index
        %get3A_811 = arith.constant 32 : index
        %get3A_812 = tpu.vector_load %arg5[%get3A_809, %get3A_810, %get3A_811] {strides = array<i32>} : memref<8x48x48xf32, #tpu.memory_space<vmem>>, vector<1x1x16xf32>,
        %get3A_813 = vector.shape_cast %get3A_812 : vector<1x1x16xf32> to vector<16xf32>
        %add3A_814 = arith.addf %add3A_807, %get3A_813 : vector<16xf32>
        %get3A_815 = arith.constant 20 : i32
        %get3A_816 = arith.index_cast %add3A_394 : i32 to index
        %get3A_817 = arith.index_cast %get3A_815 : i32 to index
        %get3A_818 = arith.constant 0 : index
        %get3A_819 = tpu.vector_load %arg5[%get3A_816, %get3A_817, %get3A_818] {strides = array<i32>} : memref<8x48x48xf32, #tpu.memory_space<vmem>>, vector<1x1x16xf32>,
        %get3A_820 = vector.shape_cast %get3A_819 : vector<1x1x16xf32> to vector<16xf32>
        %add3A_821 = arith.addf %add3A_814, %get3A_820 : vector<16xf32>
        %get3A_822 = arith.constant 20 : i32
        %get3A_823 = arith.index_cast %add3A_394 : i32 to index
        %get3A_824 = arith.index_cast %get3A_822 : i32 to index
        %get3A_825 = arith.constant 16 : index
        %get3A_826 = tpu.vector_load %arg5[%get3A_823, %get3A_824, %get3A_825] {strides = array<i32>} : memref<8x48x48xf32, #tpu.memory_space<vmem>>, vector<1x1x16xf32>,
        %get3A_827 = vector.shape_cast %get3A_826 : vector<1x1x16xf32> to vector<16xf32>
        %add3A_828 = arith.addf %add3A_821, %get3A_827 : vector<16xf32>
        %get3A_829 = arith.constant 20 : i32
        %get3A_830 = arith.index_cast %add3A_394 : i32 to index
        %get3A_831 = arith.index_cast %get3A_829 : i32 to index
        %get3A_832 = arith.constant 32 : index
        %get3A_833 = tpu.vector_load %arg5[%get3A_830, %get3A_831, %get3A_832] {strides = array<i32>} : memref<8x48x48xf32, #tpu.memory_space<vmem>>, vector<1x1x16xf32>,
        %get3A_834 = vector.shape_cast %get3A_833 : vector<1x1x16xf32> to vector<16xf32>
        %add3A_835 = arith.addf %add3A_828, %get3A_834 : vector<16xf32>
        %get3A_836 = arith.constant 21 : i32
        %get3A_837 = arith.index_cast %add3A_394 : i32 to index
        %get3A_838 = arith.index_cast %get3A_836 : i32 to index
        %get3A_839 = arith.constant 0 : index
        %get3A_840 = tpu.vector_load %arg5[%get3A_837, %get3A_838, %get3A_839] {strides = array<i32>} : memref<8x48x48xf32, #tpu.memory_space<vmem>>, vector<1x1x16xf32>,
        %get3A_841 = vector.shape_cast %get3A_840 : vector<1x1x16xf32> to vector<16xf32>
        %add3A_842 = arith.addf %add3A_835, %get3A_841 : vector<16xf32>
        %get3A_843 = arith.constant 21 : i32
        %get3A_844 = arith.index_cast %add3A_394 : i32 to index
        %get3A_845 = arith.index_cast %get3A_843 : i32 to index
        %get3A_846 = arith.constant 16 : index
        %get3A_847 = tpu.vector_load %arg5[%get3A_844, %get3A_845, %get3A_846] {strides = array<i32>} : memref<8x48x48xf32, #tpu.memory_space<vmem>>, vector<1x1x16xf32>,
        %get3A_848 = vector.shape_cast %get3A_847 : vector<1x1x16xf32> to vector<16xf32>
        %add3A_849 = arith.addf %add3A_842, %get3A_848 : vector<16xf32>
        %get3A_850 = arith.constant 21 : i32
        %get3A_851 = arith.index_cast %add3A_394 : i32 to index
        %get3A_852 = arith.index_cast %get3A_850 : i32 to index
        %get3A_853 = arith.constant 32 : index
        %get3A_854 = tpu.vector_load %arg5[%get3A_851, %get3A_852, %get3A_853] {strides = array<i32>} : memref<8x48x48xf32, #tpu.memory_space<vmem>>, vector<1x1x16xf32>,
        %get3A_855 = vector.shape_cast %get3A_854 : vector<1x1x16xf32> to vector<16xf32>
        %add3A_856 = arith.addf %add3A_849, %get3A_855 : vector<16xf32>
        %get3A_857 = arith.constant 22 : i32
        %get3A_858 = arith.index_cast %add3A_394 : i32 to index
        %get3A_859 = arith.index_cast %get3A_857 : i32 to index
        %get3A_860 = arith.constant 0 : index
        %get3A_861 = tpu.vector_load %arg5[%get3A_858, %get3A_859, %get3A_860] {strides = array<i32>} : memref<8x48x48xf32, #tpu.memory_space<vmem>>, vector<1x1x16xf32>,
        %get3A_862 = vector.shape_cast %get3A_861 : vector<1x1x16xf32> to vector<16xf32>
        %add3A_863 = arith.addf %add3A_856, %get3A_862 : vector<16xf32>
        %get3A_864 = arith.constant 22 : i32
        %get3A_865 = arith.index_cast %add3A_394 : i32 to index
        %get3A_866 = arith.index_cast %get3A_864 : i32 to index
        %get3A_867 = arith.constant 16 : index
        %get3A_868 = tpu.vector_load %arg5[%get3A_865, %get3A_866, %get3A_867] {strides = array<i32>} : memref<8x48x48xf32, #tpu.memory_space<vmem>>, vector<1x1x16xf32>,
        %get3A_869 = vector.shape_cast %get3A_868 : vector<1x1x16xf32> to vector<16xf32>
        %add3A_870 = arith.addf %add3A_863, %get3A_869 : vector<16xf32>
        %get3A_871 = arith.constant 22 : i32
        %get3A_872 = arith.index_cast %add3A_394 : i32 to index
        %get3A_873 = arith.index_cast %get3A_871 : i32 to index
        %get3A_874 = arith.constant 32 : index
        %get3A_875 = tpu.vector_load %arg5[%get3A_872, %get3A_873, %get3A_874] {strides = array<i32>} : memref<8x48x48xf32, #tpu.memory_space<vmem>>, vector<1x1x16xf32>,
        %get3A_876 = vector.shape_cast %get3A_875 : vector<1x1x16xf32> to vector<16xf32>
        %add3A_877 = arith.addf %add3A_870, %get3A_876 : vector<16xf32>
        %get3A_878 = arith.constant 23 : i32
        %get3A_879 = arith.index_cast %add3A_394 : i32 to index
        %get3A_880 = arith.index_cast %get3A_878 : i32 to index
        %get3A_881 = arith.constant 0 : index
        %get3A_882 = tpu.vector_load %arg5[%get3A_879, %get3A_880, %get3A_881] {strides = array<i32>} : memref<8x48x48xf32, #tpu.memory_space<vmem>>, vector<1x1x16xf32>,
        %get3A_883 = vector.shape_cast %get3A_882 : vector<1x1x16xf32> to vector<16xf32>
        %add3A_884 = arith.addf %add3A_877, %get3A_883 : vector<16xf32>
        %get3A_885 = arith.constant 23 : i32
        %get3A_886 = arith.index_cast %add3A_394 : i32 to index
        %get3A_887 = arith.index_cast %get3A_885 : i32 to index
        %get3A_888 = arith.constant 16 : index
        %get3A_889 = tpu.vector_load %arg5[%get3A_886, %get3A_887, %get3A_888] {strides = array<i32>} : memref<8x48x48xf32, #tpu.memory_space<vmem>>, vector<1x1x16xf32>,
        %get3A_890 = vector.shape_cast %get3A_889 : vector<1x1x16xf32> to vector<16xf32>
        %add3A_891 = arith.addf %add3A_884, %get3A_890 : vector<16xf32>
        %get3A_892 = arith.constant 23 : i32
        %get3A_893 = arith.index_cast %add3A_394 : i32 to index
        %get3A_894 = arith.index_cast %get3A_892 : i32 to index
        %get3A_895 = arith.constant 32 : index
        %get3A_896 = tpu.vector_load %arg5[%get3A_893, %get3A_894, %get3A_895] {strides = array<i32>} : memref<8x48x48xf32, #tpu.memory_space<vmem>>, vector<1x1x16xf32>,
        %get3A_897 = vector.shape_cast %get3A_896 : vector<1x1x16xf32> to vector<16xf32>
        %add3A_898 = arith.addf %add3A_891, %get3A_897 : vector<16xf32>
        %get3A_899 = arith.constant 24 : i32
        %get3A_900 = arith.index_cast %add3A_394 : i32 to index
        %get3A_901 = arith.index_cast %get3A_899 : i32 to index
        %get3A_902 = arith.constant 0 : index
        %get3A_903 = tpu.vector_load %arg5[%get3A_900, %get3A_901, %get3A_902] {strides = array<i32>} : memref<8x48x48xf32, #tpu.memory_space<vmem>>, vector<1x1x16xf32>,
        %get3A_904 = vector.shape_cast %get3A_903 : vector<1x1x16xf32> to vector<16xf32>
        %add3A_905 = arith.addf %add3A_898, %get3A_904 : vector<16xf32>
        %get3A_906 = arith.constant 24 : i32
        %get3A_907 = arith.index_cast %add3A_394 : i32 to index
        %get3A_908 = arith.index_cast %get3A_906 : i32 to index
        %get3A_909 = arith.constant 16 : index
        %get3A_910 = tpu.vector_load %arg5[%get3A_907, %get3A_908, %get3A_909] {strides = array<i32>} : memref<8x48x48xf32, #tpu.memory_space<vmem>>, vector<1x1x16xf32>,
        %get3A_911 = vector.shape_cast %get3A_910 : vector<1x1x16xf32> to vector<16xf32>
        %add3A_912 = arith.addf %add3A_905, %get3A_911 : vector<16xf32>
        %get3A_913 = arith.constant 24 : i32
        %get3A_914 = arith.index_cast %add3A_394 : i32 to index
        %get3A_915 = arith.index_cast %get3A_913 : i32 to index
        %get3A_916 = arith.constant 32 : index
        %get3A_917 = tpu.vector_load %arg5[%get3A_914, %get3A_915, %get3A_916] {strides = array<i32>} : memref<8x48x48xf32, #tpu.memory_space<vmem>>, vector<1x1x16xf32>,
        %get3A_918 = vector.shape_cast %get3A_917 : vector<1x1x16xf32> to vector<16xf32>
        %add3A_919 = arith.addf %add3A_912, %get3A_918 : vector<16xf32>
        %get3A_920 = arith.constant 25 : i32
        %get3A_921 = arith.index_cast %add3A_394 : i32 to index
        %get3A_922 = arith.index_cast %get3A_920 : i32 to index
        %get3A_923 = arith.constant 0 : index
        %get3A_924 = tpu.vector_load %arg5[%get3A_921, %get3A_922, %get3A_923] {strides = array<i32>} : memref<8x48x48xf32, #tpu.memory_space<vmem>>, vector<1x1x16xf32>,
        %get3A_925 = vector.shape_cast %get3A_924 : vector<1x1x16xf32> to vector<16xf32>
        %add3A_926 = arith.addf %add3A_919, %get3A_925 : vector<16xf32>
        %get3A_927 = arith.constant 25 : i32
        %get3A_928 = arith.index_cast %add3A_394 : i32 to index
        %get3A_929 = arith.index_cast %get3A_927 : i32 to index
        %get3A_930 = arith.constant 16 : index
        %get3A_931 = tpu.vector_load %arg5[%get3A_928, %get3A_929, %get3A_930] {strides = array<i32>} : memref<8x48x48xf32, #tpu.memory_space<vmem>>, vector<1x1x16xf32>,
        %get3A_932 = vector.shape_cast %get3A_931 : vector<1x1x16xf32> to vector<16xf32>
        %add3A_933 = arith.addf %add3A_926, %get3A_932 : vector<16xf32>
        %get3A_934 = arith.constant 25 : i32
        %get3A_935 = arith.index_cast %add3A_394 : i32 to index
        %get3A_936 = arith.index_cast %get3A_934 : i32 to index
        %get3A_937 = arith.constant 32 : index
        %get3A_938 = tpu.vector_load %arg5[%get3A_935, %get3A_936, %get3A_937] {strides = array<i32>} : memref<8x48x48xf32, #tpu.memory_space<vmem>>, vector<1x1x16xf32>,
        %get3A_939 = vector.shape_cast %get3A_938 : vector<1x1x16xf32> to vector<16xf32>
        %add3A_940 = arith.addf %add3A_933, %get3A_939 : vector<16xf32>
        %get3A_941 = arith.constant 26 : i32
        %get3A_942 = arith.index_cast %add3A_394 : i32 to index
        %get3A_943 = arith.index_cast %get3A_941 : i32 to index
        %get3A_944 = arith.constant 0 : index
        %get3A_945 = tpu.vector_load %arg5[%get3A_942, %get3A_943, %get3A_944] {strides = array<i32>} : memref<8x48x48xf32, #tpu.memory_space<vmem>>, vector<1x1x16xf32>,
        %get3A_946 = vector.shape_cast %get3A_945 : vector<1x1x16xf32> to vector<16xf32>
        %add3A_947 = arith.addf %add3A_940, %get3A_946 : vector<16xf32>
        %get3A_948 = arith.constant 26 : i32
        %get3A_949 = arith.index_cast %add3A_394 : i32 to index
        %get3A_950 = arith.index_cast %get3A_948 : i32 to index
        %get3A_951 = arith.constant 16 : index
        %get3A_952 = tpu.vector_load %arg5[%get3A_949, %get3A_950, %get3A_951] {strides = array<i32>} : memref<8x48x48xf32, #tpu.memory_space<vmem>>, vector<1x1x16xf32>,
        %get3A_953 = vector.shape_cast %get3A_952 : vector<1x1x16xf32> to vector<16xf32>
        %add3A_954 = arith.addf %add3A_947, %get3A_953 : vector<16xf32>
        %get3A_955 = arith.constant 26 : i32
        %get3A_956 = arith.index_cast %add3A_394 : i32 to index
        %get3A_957 = arith.index_cast %get3A_955 : i32 to index
        %get3A_958 = arith.constant 32 : index
        %get3A_959 = tpu.vector_load %arg5[%get3A_956, %get3A_957, %get3A_958] {strides = array<i32>} : memref<8x48x48xf32, #tpu.memory_space<vmem>>, vector<1x1x16xf32>,
        %get3A_960 = vector.shape_cast %get3A_959 : vector<1x1x16xf32> to vector<16xf32>
        %add3A_961 = arith.addf %add3A_954, %get3A_960 : vector<16xf32>
        %get3A_962 = arith.constant 27 : i32
        %get3A_963 = arith.index_cast %add3A_394 : i32 to index
        %get3A_964 = arith.index_cast %get3A_962 : i32 to index
        %get3A_965 = arith.constant 0 : index
        %get3A_966 = tpu.vector_load %arg5[%get3A_963, %get3A_964, %get3A_965] {strides = array<i32>} : memref<8x48x48xf32, #tpu.memory_space<vmem>>, vector<1x1x16xf32>,
        %get3A_967 = vector.shape_cast %get3A_966 : vector<1x1x16xf32> to vector<16xf32>
        %add3A_968 = arith.addf %add3A_961, %get3A_967 : vector<16xf32>
        %get3A_969 = arith.constant 27 : i32
        %get3A_970 = arith.index_cast %add3A_394 : i32 to index
        %get3A_971 = arith.index_cast %get3A_969 : i32 to index
        %get3A_972 = arith.constant 16 : index
        %get3A_973 = tpu.vector_load %arg5[%get3A_970, %get3A_971, %get3A_972] {strides = array<i32>} : memref<8x48x48xf32, #tpu.memory_space<vmem>>, vector<1x1x16xf32>,
        %get3A_974 = vector.shape_cast %get3A_973 : vector<1x1x16xf32> to vector<16xf32>
        %add3A_975 = arith.addf %add3A_968, %get3A_974 : vector<16xf32>
        %get3A_976 = arith.constant 27 : i32
        %get3A_977 = arith.index_cast %add3A_394 : i32 to index
        %get3A_978 = arith.index_cast %get3A_976 : i32 to index
        %get3A_979 = arith.constant 32 : index
        %get3A_980 = tpu.vector_load %arg5[%get3A_977, %get3A_978, %get3A_979] {strides = array<i32>} : memref<8x48x48xf32, #tpu.memory_space<vmem>>, vector<1x1x16xf32>,
        %get3A_981 = vector.shape_cast %get3A_980 : vector<1x1x16xf32> to vector<16xf32>
        %add3A_982 = arith.addf %add3A_975, %get3A_981 : vector<16xf32>
        %get3A_983 = arith.constant 28 : i32
        %get3A_984 = arith.index_cast %add3A_394 : i32 to index
        %get3A_985 = arith.index_cast %get3A_983 : i32 to index
        %get3A_986 = arith.constant 0 : index
        %get3A_987 = tpu.vector_load %arg5[%get3A_984, %get3A_985, %get3A_986] {strides = array<i32>} : memref<8x48x48xf32, #tpu.memory_space<vmem>>, vector<1x1x16xf32>,
        %get3A_988 = vector.shape_cast %get3A_987 : vector<1x1x16xf32> to vector<16xf32>
        %add3A_989 = arith.addf %add3A_982, %get3A_988 : vector<16xf32>
        %get3A_990 = arith.constant 28 : i32
        %get3A_991 = arith.index_cast %add3A_394 : i32 to index
        %get3A_992 = arith.index_cast %get3A_990 : i32 to index
        %get3A_993 = arith.constant 16 : index
        %get3A_994 = tpu.vector_load %arg5[%get3A_991, %get3A_992, %get3A_993] {strides = array<i32>} : memref<8x48x48xf32, #tpu.memory_space<vmem>>, vector<1x1x16xf32>,
        %get3A_995 = vector.shape_cast %get3A_994 : vector<1x1x16xf32> to vector<16xf32>
        %add3A_996 = arith.addf %add3A_989, %get3A_995 : vector<16xf32>
        %get3A_997 = arith.constant 28 : i32
        %get3A_998 = arith.index_cast %add3A_394 : i32 to index
        %get3A_999 = arith.index_cast %get3A_997 : i32 to index
        %get3A_1000 = arith.constant 32 : index
        %get3A_1001 = tpu.vector_load %arg5[%get3A_998, %get3A_999, %get3A_1000] {strides = array<i32>} : memref<8x48x48xf32, #tpu.memory_space<vmem>>, vector<1x1x16xf32>,
        %get3A_1002 = vector.shape_cast %get3A_1001 : vector<1x1x16xf32> to vector<16xf32>
        %add3A_1003 = arith.addf %add3A_996, %get3A_1002 : vector<16xf32>
        %get3A_1004 = arith.constant 29 : i32
        %get3A_1005 = arith.index_cast %add3A_394 : i32 to index
        %get3A_1006 = arith.index_cast %get3A_1004 : i32 to index
        %get3A_1007 = arith.constant 0 : index
        %get3A_1008 = tpu.vector_load %arg5[%get3A_1005, %get3A_1006, %get3A_1007] {strides = array<i32>} : memref<8x48x48xf32, #tpu.memory_space<vmem>>, vector<1x1x16xf32>,
        %get3A_1009 = vector.shape_cast %get3A_1008 : vector<1x1x16xf32> to vector<16xf32>
        %add3A_1010 = arith.addf %add3A_1003, %get3A_1009 : vector<16xf32>
        %get3A_1011 = arith.constant 29 : i32
        %get3A_1012 = arith.index_cast %add3A_394 : i32 to index
        %get3A_1013 = arith.index_cast %get3A_1011 : i32 to index
        %get3A_1014 = arith.constant 16 : index
        %get3A_1015 = tpu.vector_load %arg5[%get3A_1012, %get3A_1013, %get3A_1014] {strides = array<i32>} : memref<8x48x48xf32, #tpu.memory_space<vmem>>, vector<1x1x16xf32>,
        %get3A_1016 = vector.shape_cast %get3A_1015 : vector<1x1x16xf32> to vector<16xf32>
        %add3A_1017 = arith.addf %add3A_1010, %get3A_1016 : vector<16xf32>
        %get3A_1018 = arith.constant 29 : i32
        %get3A_1019 = arith.index_cast %add3A_394 : i32 to index
        %get3A_1020 = arith.index_cast %get3A_1018 : i32 to index
        %get3A_1021 = arith.constant 32 : index
        %get3A_1022 = tpu.vector_load %arg5[%get3A_1019, %get3A_1020, %get3A_1021] {strides = array<i32>} : memref<8x48x48xf32, #tpu.memory_space<vmem>>, vector<1x1x16xf32>,
        %get3A_1023 = vector.shape_cast %get3A_1022 : vector<1x1x16xf32> to vector<16xf32>
        %add3A_1024 = arith.addf %add3A_1017, %get3A_1023 : vector<16xf32>
        %get3A_1025 = arith.constant 30 : i32
        %get3A_1026 = arith.index_cast %add3A_394 : i32 to index
        %get3A_1027 = arith.index_cast %get3A_1025 : i32 to index
        %get3A_1028 = arith.constant 0 : index
        %get3A_1029 = tpu.vector_load %arg5[%get3A_1026, %get3A_1027, %get3A_1028] {strides = array<i32>} : memref<8x48x48xf32, #tpu.memory_space<vmem>>, vector<1x1x16xf32>,
        %get3A_1030 = vector.shape_cast %get3A_1029 : vector<1x1x16xf32> to vector<16xf32>
        %add3A_1031 = arith.addf %add3A_1024, %get3A_1030 : vector<16xf32>
        %get3A_1032 = arith.constant 30 : i32
        %get3A_1033 = arith.index_cast %add3A_394 : i32 to index
        %get3A_1034 = arith.index_cast %get3A_1032 : i32 to index
        %get3A_1035 = arith.constant 16 : index
        %get3A_1036 = tpu.vector_load %arg5[%get3A_1033, %get3A_1034, %get3A_1035] {strides = array<i32>} : memref<8x48x48xf32, #tpu.memory_space<vmem>>, vector<1x1x16xf32>,
        %get3A_1037 = vector.shape_cast %get3A_1036 : vector<1x1x16xf32> to vector<16xf32>
        %add3A_1038 = arith.addf %add3A_1031, %get3A_1037 : vector<16xf32>
        %get3A_1039 = arith.constant 30 : i32
        %get3A_1040 = arith.index_cast %add3A_394 : i32 to index
        %get3A_1041 = arith.index_cast %get3A_1039 : i32 to index
        %get3A_1042 = arith.constant 32 : index
        %get3A_1043 = tpu.vector_load %arg5[%get3A_1040, %get3A_1041, %get3A_1042] {strides = array<i32>} : memref<8x48x48xf32, #tpu.memory_space<vmem>>, vector<1x1x16xf32>,
        %get3A_1044 = vector.shape_cast %get3A_1043 : vector<1x1x16xf32> to vector<16xf32>
        %add3A_1045 = arith.addf %add3A_1038, %get3A_1044 : vector<16xf32>
        %get3A_1046 = arith.constant 31 : i32
        %get3A_1047 = arith.index_cast %add3A_394 : i32 to index
        %get3A_1048 = arith.index_cast %get3A_1046 : i32 to index
        %get3A_1049 = arith.constant 0 : index
        %get3A_1050 = tpu.vector_load %arg5[%get3A_1047, %get3A_1048, %get3A_1049] {strides = array<i32>} : memref<8x48x48xf32, #tpu.memory_space<vmem>>, vector<1x1x16xf32>,
        %get3A_1051 = vector.shape_cast %get3A_1050 : vector<1x1x16xf32> to vector<16xf32>
        %add3A_1052 = arith.addf %add3A_1045, %get3A_1051 : vector<16xf32>
        %get3A_1053 = arith.constant 31 : i32
        %get3A_1054 = arith.index_cast %add3A_394 : i32 to index
        %get3A_1055 = arith.index_cast %get3A_1053 : i32 to index
        %get3A_1056 = arith.constant 16 : index
        %get3A_1057 = tpu.vector_load %arg5[%get3A_1054, %get3A_1055, %get3A_1056] {strides = array<i32>} : memref<8x48x48xf32, #tpu.memory_space<vmem>>, vector<1x1x16xf32>,
        %get3A_1058 = vector.shape_cast %get3A_1057 : vector<1x1x16xf32> to vector<16xf32>
        %add3A_1059 = arith.addf %add3A_1052, %get3A_1058 : vector<16xf32>
        %get3A_1060 = arith.constant 31 : i32
        %get3A_1061 = arith.index_cast %add3A_394 : i32 to index
        %get3A_1062 = arith.index_cast %get3A_1060 : i32 to index
        %get3A_1063 = arith.constant 32 : index
        %get3A_1064 = tpu.vector_load %arg5[%get3A_1061, %get3A_1062, %get3A_1063] {strides = array<i32>} : memref<8x48x48xf32, #tpu.memory_space<vmem>>, vector<1x1x16xf32>,
        %get3A_1065 = vector.shape_cast %get3A_1064 : vector<1x1x16xf32> to vector<16xf32>
        %add3A_1066 = arith.addf %add3A_1059, %get3A_1065 : vector<16xf32>
        %get3A_1067 = arith.constant 32 : i32
        %get3A_1068 = arith.index_cast %add3A_394 : i32 to index
        %get3A_1069 = arith.index_cast %get3A_1067 : i32 to index
        %get3A_1070 = arith.constant 0 : index
        %get3A_1071 = tpu.vector_load %arg5[%get3A_1068, %get3A_1069, %get3A_1070] {strides = array<i32>} : memref<8x48x48xf32, #tpu.memory_space<vmem>>, vector<1x1x16xf32>,
        %get3A_1072 = vector.shape_cast %get3A_1071 : vector<1x1x16xf32> to vector<16xf32>
        %add3A_1073 = arith.addf %add3A_1066, %get3A_1072 : vector<16xf32>
        %get3A_1074 = arith.constant 32 : i32
        %get3A_1075 = arith.index_cast %add3A_394 : i32 to index
        %get3A_1076 = arith.index_cast %get3A_1074 : i32 to index
        %get3A_1077 = arith.constant 16 : index
        %get3A_1078 = tpu.vector_load %arg5[%get3A_1075, %get3A_1076, %get3A_1077] {strides = array<i32>} : memref<8x48x48xf32, #tpu.memory_space<vmem>>, vector<1x1x16xf32>,
        %get3A_1079 = vector.shape_cast %get3A_1078 : vector<1x1x16xf32> to vector<16xf32>
        %add3A_1080 = arith.addf %add3A_1073, %get3A_1079 : vector<16xf32>
        %get3A_1081 = arith.constant 32 : i32
        %get3A_1082 = arith.index_cast %add3A_394 : i32 to index
        %get3A_1083 = arith.index_cast %get3A_1081 : i32 to index
        %get3A_1084 = arith.constant 32 : index
        %get3A_1085 = tpu.vector_load %arg5[%get3A_1082, %get3A_1083, %get3A_1084] {strides = array<i32>} : memref<8x48x48xf32, #tpu.memory_space<vmem>>, vector<1x1x16xf32>,
        %get3A_1086 = vector.shape_cast %get3A_1085 : vector<1x1x16xf32> to vector<16xf32>
        %add3A_1087 = arith.addf %add3A_1080, %get3A_1086 : vector<16xf32>
        %get3A_1088 = arith.constant 33 : i32
        %get3A_1089 = arith.index_cast %add3A_394 : i32 to index
        %get3A_1090 = arith.index_cast %get3A_1088 : i32 to index
        %get3A_1091 = arith.constant 0 : index
        %get3A_1092 = tpu.vector_load %arg5[%get3A_1089, %get3A_1090, %get3A_1091] {strides = array<i32>} : memref<8x48x48xf32, #tpu.memory_space<vmem>>, vector<1x1x16xf32>,
        %get3A_1093 = vector.shape_cast %get3A_1092 : vector<1x1x16xf32> to vector<16xf32>
        %add3A_1094 = arith.addf %add3A_1087, %get3A_1093 : vector<16xf32>
        %get3A_1095 = arith.constant 33 : i32
        %get3A_1096 = arith.index_cast %add3A_394 : i32 to index
        %get3A_1097 = arith.index_cast %get3A_1095 : i32 to index
        %get3A_1098 = arith.constant 16 : index
        %get3A_1099 = tpu.vector_load %arg5[%get3A_1096, %get3A_1097, %get3A_1098] {strides = array<i32>} : memref<8x48x48xf32, #tpu.memory_space<vmem>>, vector<1x1x16xf32>,
        %get3A_1100 = vector.shape_cast %get3A_1099 : vector<1x1x16xf32> to vector<16xf32>
        %add3A_1101 = arith.addf %add3A_1094, %get3A_1100 : vector<16xf32>
        %get3A_1102 = arith.constant 33 : i32
        %get3A_1103 = arith.index_cast %add3A_394 : i32 to index
        %get3A_1104 = arith.index_cast %get3A_1102 : i32 to index
        %get3A_1105 = arith.constant 32 : index
        %get3A_1106 = tpu.vector_load %arg5[%get3A_1103, %get3A_1104, %get3A_1105] {strides = array<i32>} : memref<8x48x48xf32, #tpu.memory_space<vmem>>, vector<1x1x16xf32>,
        %get3A_1107 = vector.shape_cast %get3A_1106 : vector<1x1x16xf32> to vector<16xf32>
        %add3A_1108 = arith.addf %add3A_1101, %get3A_1107 : vector<16xf32>
        %get3A_1109 = arith.constant 34 : i32
        %get3A_1110 = arith.index_cast %add3A_394 : i32 to index
        %get3A_1111 = arith.index_cast %get3A_1109 : i32 to index
        %get3A_1112 = arith.constant 0 : index
        %get3A_1113 = tpu.vector_load %arg5[%get3A_1110, %get3A_1111, %get3A_1112] {strides = array<i32>} : memref<8x48x48xf32, #tpu.memory_space<vmem>>, vector<1x1x16xf32>,
        %get3A_1114 = vector.shape_cast %get3A_1113 : vector<1x1x16xf32> to vector<16xf32>
        %add3A_1115 = arith.addf %add3A_1108, %get3A_1114 : vector<16xf32>
        %get3A_1116 = arith.constant 34 : i32
        %get3A_1117 = arith.index_cast %add3A_394 : i32 to index
        %get3A_1118 = arith.index_cast %get3A_1116 : i32 to index
        %get3A_1119 = arith.constant 16 : index
        %get3A_1120 = tpu.vector_load %arg5[%get3A_1117, %get3A_1118, %get3A_1119] {strides = array<i32>} : memref<8x48x48xf32, #tpu.memory_space<vmem>>, vector<1x1x16xf32>,
        %get3A_1121 = vector.shape_cast %get3A_1120 : vector<1x1x16xf32> to vector<16xf32>
        %add3A_1122 = arith.addf %add3A_1115, %get3A_1121 : vector<16xf32>
        %get3A_1123 = arith.constant 34 : i32
        %get3A_1124 = arith.index_cast %add3A_394 : i32 to index
        %get3A_1125 = arith.index_cast %get3A_1123 : i32 to index
        %get3A_1126 = arith.constant 32 : index
        %get3A_1127 = tpu.vector_load %arg5[%get3A_1124, %get3A_1125, %get3A_1126] {strides = array<i32>} : memref<8x48x48xf32, #tpu.memory_space<vmem>>, vector<1x1x16xf32>,
        %get3A_1128 = vector.shape_cast %get3A_1127 : vector<1x1x16xf32> to vector<16xf32>
        %add3A_1129 = arith.addf %add3A_1122, %get3A_1128 : vector<16xf32>
        %get3A_1130 = arith.constant 35 : i32
        %get3A_1131 = arith.index_cast %add3A_394 : i32 to index
        %get3A_1132 = arith.index_cast %get3A_1130 : i32 to index
        %get3A_1133 = arith.constant 0 : index
        %get3A_1134 = tpu.vector_load %arg5[%get3A_1131, %get3A_1132, %get3A_1133] {strides = array<i32>} : memref<8x48x48xf32, #tpu.memory_space<vmem>>, vector<1x1x16xf32>,
        %get3A_1135 = vector.shape_cast %get3A_1134 : vector<1x1x16xf32> to vector<16xf32>
        %add3A_1136 = arith.addf %add3A_1129, %get3A_1135 : vector<16xf32>
        %get3A_1137 = arith.constant 35 : i32
        %get3A_1138 = arith.index_cast %add3A_394 : i32 to index
        %get3A_1139 = arith.index_cast %get3A_1137 : i32 to index
        %get3A_1140 = arith.constant 16 : index
        %get3A_1141 = tpu.vector_load %arg5[%get3A_1138, %get3A_1139, %get3A_1140] {strides = array<i32>} : memref<8x48x48xf32, #tpu.memory_space<vmem>>, vector<1x1x16xf32>,
        %get3A_1142 = vector.shape_cast %get3A_1141 : vector<1x1x16xf32> to vector<16xf32>
        %add3A_1143 = arith.addf %add3A_1136, %get3A_1142 : vector<16xf32>
        %get3A_1144 = arith.constant 35 : i32
        %get3A_1145 = arith.index_cast %add3A_394 : i32 to index
        %get3A_1146 = arith.index_cast %get3A_1144 : i32 to index
        %get3A_1147 = arith.constant 32 : index
        %get3A_1148 = tpu.vector_load %arg5[%get3A_1145, %get3A_1146, %get3A_1147] {strides = array<i32>} : memref<8x48x48xf32, #tpu.memory_space<vmem>>, vector<1x1x16xf32>,
        %get3A_1149 = vector.shape_cast %get3A_1148 : vector<1x1x16xf32> to vector<16xf32>
        %add3A_1150 = arith.addf %add3A_1143, %get3A_1149 : vector<16xf32>
        %get3A_1151 = arith.constant 36 : i32
        %get3A_1152 = arith.index_cast %add3A_394 : i32 to index
        %get3A_1153 = arith.index_cast %get3A_1151 : i32 to index
        %get3A_1154 = arith.constant 0 : index
        %get3A_1155 = tpu.vector_load %arg5[%get3A_1152, %get3A_1153, %get3A_1154] {strides = array<i32>} : memref<8x48x48xf32, #tpu.memory_space<vmem>>, vector<1x1x16xf32>,
        %get3A_1156 = vector.shape_cast %get3A_1155 : vector<1x1x16xf32> to vector<16xf32>
        %add3A_1157 = arith.addf %add3A_1150, %get3A_1156 : vector<16xf32>
        %get3A_1158 = arith.constant 36 : i32
        %get3A_1159 = arith.index_cast %add3A_394 : i32 to index
        %get3A_1160 = arith.index_cast %get3A_1158 : i32 to index
        %get3A_1161 = arith.constant 16 : index
        %get3A_1162 = tpu.vector_load %arg5[%get3A_1159, %get3A_1160, %get3A_1161] {strides = array<i32>} : memref<8x48x48xf32, #tpu.memory_space<vmem>>, vector<1x1x16xf32>,
        %get3A_1163 = vector.shape_cast %get3A_1162 : vector<1x1x16xf32> to vector<16xf32>
        %add3A_1164 = arith.addf %add3A_1157, %get3A_1163 : vector<16xf32>
        %get3A_1165 = arith.constant 36 : i32
        %get3A_1166 = arith.index_cast %add3A_394 : i32 to index
        %get3A_1167 = arith.index_cast %get3A_1165 : i32 to index
        %get3A_1168 = arith.constant 32 : index
        %get3A_1169 = tpu.vector_load %arg5[%get3A_1166, %get3A_1167, %get3A_1168] {strides = array<i32>} : memref<8x48x48xf32, #tpu.memory_space<vmem>>, vector<1x1x16xf32>,
        %get3A_1170 = vector.shape_cast %get3A_1169 : vector<1x1x16xf32> to vector<16xf32>
        %add3A_1171 = arith.addf %add3A_1164, %get3A_1170 : vector<16xf32>
        %get3A_1172 = arith.constant 37 : i32
        %get3A_1173 = arith.index_cast %add3A_394 : i32 to index
        %get3A_1174 = arith.index_cast %get3A_1172 : i32 to index
        %get3A_1175 = arith.constant 0 : index
        %get3A_1176 = tpu.vector_load %arg5[%get3A_1173, %get3A_1174, %get3A_1175] {strides = array<i32>} : memref<8x48x48xf32, #tpu.memory_space<vmem>>, vector<1x1x16xf32>,
        %get3A_1177 = vector.shape_cast %get3A_1176 : vector<1x1x16xf32> to vector<16xf32>
        %add3A_1178 = arith.addf %add3A_1171, %get3A_1177 : vector<16xf32>
        %get3A_1179 = arith.constant 37 : i32
        %get3A_1180 = arith.index_cast %add3A_394 : i32 to index
        %get3A_1181 = arith.index_cast %get3A_1179 : i32 to index
        %get3A_1182 = arith.constant 16 : index
        %get3A_1183 = tpu.vector_load %arg5[%get3A_1180, %get3A_1181, %get3A_1182] {strides = array<i32>} : memref<8x48x48xf32, #tpu.memory_space<vmem>>, vector<1x1x16xf32>,
        %get3A_1184 = vector.shape_cast %get3A_1183 : vector<1x1x16xf32> to vector<16xf32>
        %add3A_1185 = arith.addf %add3A_1178, %get3A_1184 : vector<16xf32>
        %get3A_1186 = arith.constant 37 : i32
        %get3A_1187 = arith.index_cast %add3A_394 : i32 to index
        %get3A_1188 = arith.index_cast %get3A_1186 : i32 to index
        %get3A_1189 = arith.constant 32 : index
        %get3A_1190 = tpu.vector_load %arg5[%get3A_1187, %get3A_1188, %get3A_1189] {strides = array<i32>} : memref<8x48x48xf32, #tpu.memory_space<vmem>>, vector<1x1x16xf32>,
        %get3A_1191 = vector.shape_cast %get3A_1190 : vector<1x1x16xf32> to vector<16xf32>
        %add3A_1192 = arith.addf %add3A_1185, %get3A_1191 : vector<16xf32>
        %get3A_1193 = arith.constant 38 : i32
        %get3A_1194 = arith.index_cast %add3A_394 : i32 to index
        %get3A_1195 = arith.index_cast %get3A_1193 : i32 to index
        %get3A_1196 = arith.constant 0 : index
        %get3A_1197 = tpu.vector_load %arg5[%get3A_1194, %get3A_1195, %get3A_1196] {strides = array<i32>} : memref<8x48x48xf32, #tpu.memory_space<vmem>>, vector<1x1x16xf32>,
        %get3A_1198 = vector.shape_cast %get3A_1197 : vector<1x1x16xf32> to vector<16xf32>
        %add3A_1199 = arith.addf %add3A_1192, %get3A_1198 : vector<16xf32>
        %get3A_1200 = arith.constant 38 : i32
        %get3A_1201 = arith.index_cast %add3A_394 : i32 to index
        %get3A_1202 = arith.index_cast %get3A_1200 : i32 to index
        %get3A_1203 = arith.constant 16 : index
        %get3A_1204 = tpu.vector_load %arg5[%get3A_1201, %get3A_1202, %get3A_1203] {strides = array<i32>} : memref<8x48x48xf32, #tpu.memory_space<vmem>>, vector<1x1x16xf32>,
        %get3A_1205 = vector.shape_cast %get3A_1204 : vector<1x1x16xf32> to vector<16xf32>
        %add3A_1206 = arith.addf %add3A_1199, %get3A_1205 : vector<16xf32>
        %get3A_1207 = arith.constant 38 : i32
        %get3A_1208 = arith.index_cast %add3A_394 : i32 to index
        %get3A_1209 = arith.index_cast %get3A_1207 : i32 to index
        %get3A_1210 = arith.constant 32 : index
        %get3A_1211 = tpu.vector_load %arg5[%get3A_1208, %get3A_1209, %get3A_1210] {strides = array<i32>} : memref<8x48x48xf32, #tpu.memory_space<vmem>>, vector<1x1x16xf32>,
        %get3A_1212 = vector.shape_cast %get3A_1211 : vector<1x1x16xf32> to vector<16xf32>
        %add3A_1213 = arith.addf %add3A_1206, %get3A_1212 : vector<16xf32>
        %get3A_1214 = arith.constant 39 : i32
        %get3A_1215 = arith.index_cast %add3A_394 : i32 to index
        %get3A_1216 = arith.index_cast %get3A_1214 : i32 to index
        %get3A_1217 = arith.constant 0 : index
        %get3A_1218 = tpu.vector_load %arg5[%get3A_1215, %get3A_1216, %get3A_1217] {strides = array<i32>} : memref<8x48x48xf32, #tpu.memory_space<vmem>>, vector<1x1x16xf32>,
        %get3A_1219 = vector.shape_cast %get3A_1218 : vector<1x1x16xf32> to vector<16xf32>
        %add3A_1220 = arith.addf %add3A_1213, %get3A_1219 : vector<16xf32>
        %get3A_1221 = arith.constant 39 : i32
        %get3A_1222 = arith.index_cast %add3A_394 : i32 to index
        %get3A_1223 = arith.index_cast %get3A_1221 : i32 to index
        %get3A_1224 = arith.constant 16 : index
        %get3A_1225 = tpu.vector_load %arg5[%get3A_1222, %get3A_1223, %get3A_1224] {strides = array<i32>} : memref<8x48x48xf32, #tpu.memory_space<vmem>>, vector<1x1x16xf32>,
        %get3A_1226 = vector.shape_cast %get3A_1225 : vector<1x1x16xf32> to vector<16xf32>
        %add3A_1227 = arith.addf %add3A_1220, %get3A_1226 : vector<16xf32>
        %get3A_1228 = arith.constant 39 : i32
        %get3A_1229 = arith.index_cast %add3A_394 : i32 to index
        %get3A_1230 = arith.index_cast %get3A_1228 : i32 to index
        %get3A_1231 = arith.constant 32 : index
        %get3A_1232 = tpu.vector_load %arg5[%get3A_1229, %get3A_1230, %get3A_1231] {strides = array<i32>} : memref<8x48x48xf32, #tpu.memory_space<vmem>>, vector<1x1x16xf32>,
        %get3A_1233 = vector.shape_cast %get3A_1232 : vector<1x1x16xf32> to vector<16xf32>
        %add3A_1234 = arith.addf %add3A_1227, %get3A_1233 : vector<16xf32>
        %get3A_1235 = arith.constant 40 : i32
        %get3A_1236 = arith.index_cast %add3A_394 : i32 to index
        %get3A_1237 = arith.index_cast %get3A_1235 : i32 to index
        %get3A_1238 = arith.constant 0 : index
        %get3A_1239 = tpu.vector_load %arg5[%get3A_1236, %get3A_1237, %get3A_1238] {strides = array<i32>} : memref<8x48x48xf32, #tpu.memory_space<vmem>>, vector<1x1x16xf32>,
        %get3A_1240 = vector.shape_cast %get3A_1239 : vector<1x1x16xf32> to vector<16xf32>
        %add3A_1241 = arith.addf %add3A_1234, %get3A_1240 : vector<16xf32>
        %get3A_1242 = arith.constant 40 : i32
        %get3A_1243 = arith.index_cast %add3A_394 : i32 to index
        %get3A_1244 = arith.index_cast %get3A_1242 : i32 to index
        %get3A_1245 = arith.constant 16 : index
        %get3A_1246 = tpu.vector_load %arg5[%get3A_1243, %get3A_1244, %get3A_1245] {strides = array<i32>} : memref<8x48x48xf32, #tpu.memory_space<vmem>>, vector<1x1x16xf32>,
        %get3A_1247 = vector.shape_cast %get3A_1246 : vector<1x1x16xf32> to vector<16xf32>
        %add3A_1248 = arith.addf %add3A_1241, %get3A_1247 : vector<16xf32>
        %get3A_1249 = arith.constant 40 : i32
        %get3A_1250 = arith.index_cast %add3A_394 : i32 to index
        %get3A_1251 = arith.index_cast %get3A_1249 : i32 to index
        %get3A_1252 = arith.constant 32 : index
        %get3A_1253 = tpu.vector_load %arg5[%get3A_1250, %get3A_1251, %get3A_1252] {strides = array<i32>} : memref<8x48x48xf32, #tpu.memory_space<vmem>>, vector<1x1x16xf32>,
        %get3A_1254 = vector.shape_cast %get3A_1253 : vector<1x1x16xf32> to vector<16xf32>
        %add3A_1255 = arith.addf %add3A_1248, %get3A_1254 : vector<16xf32>
        %get3A_1256 = arith.constant 41 : i32
        %get3A_1257 = arith.index_cast %add3A_394 : i32 to index
        %get3A_1258 = arith.index_cast %get3A_1256 : i32 to index
        %get3A_1259 = arith.constant 0 : index
        %get3A_1260 = tpu.vector_load %arg5[%get3A_1257, %get3A_1258, %get3A_1259] {strides = array<i32>} : memref<8x48x48xf32, #tpu.memory_space<vmem>>, vector<1x1x16xf32>,
        %get3A_1261 = vector.shape_cast %get3A_1260 : vector<1x1x16xf32> to vector<16xf32>
        %add3A_1262 = arith.addf %add3A_1255, %get3A_1261 : vector<16xf32>
        %get3A_1263 = arith.constant 41 : i32
        %get3A_1264 = arith.index_cast %add3A_394 : i32 to index
        %get3A_1265 = arith.index_cast %get3A_1263 : i32 to index
        %get3A_1266 = arith.constant 16 : index
        %get3A_1267 = tpu.vector_load %arg5[%get3A_1264, %get3A_1265, %get3A_1266] {strides = array<i32>} : memref<8x48x48xf32, #tpu.memory_space<vmem>>, vector<1x1x16xf32>,
        %get3A_1268 = vector.shape_cast %get3A_1267 : vector<1x1x16xf32> to vector<16xf32>
        %add3A_1269 = arith.addf %add3A_1262, %get3A_1268 : vector<16xf32>
        %get3A_1270 = arith.constant 41 : i32
        %get3A_1271 = arith.index_cast %add3A_394 : i32 to index
        %get3A_1272 = arith.index_cast %get3A_1270 : i32 to index
        %get3A_1273 = arith.constant 32 : index
        %get3A_1274 = tpu.vector_load %arg5[%get3A_1271, %get3A_1272, %get3A_1273] {strides = array<i32>} : memref<8x48x48xf32, #tpu.memory_space<vmem>>, vector<1x1x16xf32>,
        %get3A_1275 = vector.shape_cast %get3A_1274 : vector<1x1x16xf32> to vector<16xf32>
        %add3A_1276 = arith.addf %add3A_1269, %get3A_1275 : vector<16xf32>
        %get3A_1277 = arith.constant 42 : i32
        %get3A_1278 = arith.index_cast %add3A_394 : i32 to index
        %get3A_1279 = arith.index_cast %get3A_1277 : i32 to index
        %get3A_1280 = arith.constant 0 : index
        %get3A_1281 = tpu.vector_load %arg5[%get3A_1278, %get3A_1279, %get3A_1280] {strides = array<i32>} : memref<8x48x48xf32, #tpu.memory_space<vmem>>, vector<1x1x16xf32>,
        %get3A_1282 = vector.shape_cast %get3A_1281 : vector<1x1x16xf32> to vector<16xf32>
        %add3A_1283 = arith.addf %add3A_1276, %get3A_1282 : vector<16xf32>
        %get3A_1284 = arith.constant 42 : i32
        %get3A_1285 = arith.index_cast %add3A_394 : i32 to index
        %get3A_1286 = arith.index_cast %get3A_1284 : i32 to index
        %get3A_1287 = arith.constant 16 : index
        %get3A_1288 = tpu.vector_load %arg5[%get3A_1285, %get3A_1286, %get3A_1287] {strides = array<i32>} : memref<8x48x48xf32, #tpu.memory_space<vmem>>, vector<1x1x16xf32>,
        %get3A_1289 = vector.shape_cast %get3A_1288 : vector<1x1x16xf32> to vector<16xf32>
        %add3A_1290 = arith.addf %add3A_1283, %get3A_1289 : vector<16xf32>
        %get3A_1291 = arith.constant 42 : i32
        %get3A_1292 = arith.index_cast %add3A_394 : i32 to index
        %get3A_1293 = arith.index_cast %get3A_1291 : i32 to index
        %get3A_1294 = arith.constant 32 : index
        %get3A_1295 = tpu.vector_load %arg5[%get3A_1292, %get3A_1293, %get3A_1294] {strides = array<i32>} : memref<8x48x48xf32, #tpu.memory_space<vmem>>, vector<1x1x16xf32>,
        %get3A_1296 = vector.shape_cast %get3A_1295 : vector<1x1x16xf32> to vector<16xf32>
        %add3A_1297 = arith.addf %add3A_1290, %get3A_1296 : vector<16xf32>
        %get3A_1298 = arith.constant 43 : i32
        %get3A_1299 = arith.index_cast %add3A_394 : i32 to index
        %get3A_1300 = arith.index_cast %get3A_1298 : i32 to index
        %get3A_1301 = arith.constant 0 : index
        %get3A_1302 = tpu.vector_load %arg5[%get3A_1299, %get3A_1300, %get3A_1301] {strides = array<i32>} : memref<8x48x48xf32, #tpu.memory_space<vmem>>, vector<1x1x16xf32>,
        %get3A_1303 = vector.shape_cast %get3A_1302 : vector<1x1x16xf32> to vector<16xf32>
        %add3A_1304 = arith.addf %add3A_1297, %get3A_1303 : vector<16xf32>
        %get3A_1305 = arith.constant 43 : i32
        %get3A_1306 = arith.index_cast %add3A_394 : i32 to index
        %get3A_1307 = arith.index_cast %get3A_1305 : i32 to index
        %get3A_1308 = arith.constant 16 : index
        %get3A_1309 = tpu.vector_load %arg5[%get3A_1306, %get3A_1307, %get3A_1308] {strides = array<i32>} : memref<8x48x48xf32, #tpu.memory_space<vmem>>, vector<1x1x16xf32>,
        %get3A_1310 = vector.shape_cast %get3A_1309 : vector<1x1x16xf32> to vector<16xf32>
        %add3A_1311 = arith.addf %add3A_1304, %get3A_1310 : vector<16xf32>
        %get3A_1312 = arith.constant 43 : i32
        %get3A_1313 = arith.index_cast %add3A_394 : i32 to index
        %get3A_1314 = arith.index_cast %get3A_1312 : i32 to index
        %get3A_1315 = arith.constant 32 : index
        %get3A_1316 = tpu.vector_load %arg5[%get3A_1313, %get3A_1314, %get3A_1315] {strides = array<i32>} : memref<8x48x48xf32, #tpu.memory_space<vmem>>, vector<1x1x16xf32>,
        %get3A_1317 = vector.shape_cast %get3A_1316 : vector<1x1x16xf32> to vector<16xf32>
        %add3A_1318 = arith.addf %add3A_1311, %get3A_1317 : vector<16xf32>
        %get3A_1319 = arith.constant 44 : i32
        %get3A_1320 = arith.index_cast %add3A_394 : i32 to index
        %get3A_1321 = arith.index_cast %get3A_1319 : i32 to index
        %get3A_1322 = arith.constant 0 : index
        %get3A_1323 = tpu.vector_load %arg5[%get3A_1320, %get3A_1321, %get3A_1322] {strides = array<i32>} : memref<8x48x48xf32, #tpu.memory_space<vmem>>, vector<1x1x16xf32>,
        %get3A_1324 = vector.shape_cast %get3A_1323 : vector<1x1x16xf32> to vector<16xf32>
        %add3A_1325 = arith.addf %add3A_1318, %get3A_1324 : vector<16xf32>
        %get3A_1326 = arith.constant 44 : i32
        %get3A_1327 = arith.index_cast %add3A_394 : i32 to index
        %get3A_1328 = arith.index_cast %get3A_1326 : i32 to index
        %get3A_1329 = arith.constant 16 : index
        %get3A_1330 = tpu.vector_load %arg5[%get3A_1327, %get3A_1328, %get3A_1329] {strides = array<i32>} : memref<8x48x48xf32, #tpu.memory_space<vmem>>, vector<1x1x16xf32>,
        %get3A_1331 = vector.shape_cast %get3A_1330 : vector<1x1x16xf32> to vector<16xf32>
        %add3A_1332 = arith.addf %add3A_1325, %get3A_1331 : vector<16xf32>
        %get3A_1333 = arith.constant 44 : i32
        %get3A_1334 = arith.index_cast %add3A_394 : i32 to index
        %get3A_1335 = arith.index_cast %get3A_1333 : i32 to index
        %get3A_1336 = arith.constant 32 : index
        %get3A_1337 = tpu.vector_load %arg5[%get3A_1334, %get3A_1335, %get3A_1336] {strides = array<i32>} : memref<8x48x48xf32, #tpu.memory_space<vmem>>, vector<1x1x16xf32>,
        %get3A_1338 = vector.shape_cast %get3A_1337 : vector<1x1x16xf32> to vector<16xf32>
        %add3A_1339 = arith.addf %add3A_1332, %get3A_1338 : vector<16xf32>
        %get3A_1340 = arith.constant 45 : i32
        %get3A_1341 = arith.index_cast %add3A_394 : i32 to index
        %get3A_1342 = arith.index_cast %get3A_1340 : i32 to index
        %get3A_1343 = arith.constant 0 : index
        %get3A_1344 = tpu.vector_load %arg5[%get3A_1341, %get3A_1342, %get3A_1343] {strides = array<i32>} : memref<8x48x48xf32, #tpu.memory_space<vmem>>, vector<1x1x16xf32>,
        %get3A_1345 = vector.shape_cast %get3A_1344 : vector<1x1x16xf32> to vector<16xf32>
        %add3A_1346 = arith.addf %add3A_1339, %get3A_1345 : vector<16xf32>
        %get3A_1347 = arith.constant 45 : i32
        %get3A_1348 = arith.index_cast %add3A_394 : i32 to index
        %get3A_1349 = arith.index_cast %get3A_1347 : i32 to index
        %get3A_1350 = arith.constant 16 : index
        %get3A_1351 = tpu.vector_load %arg5[%get3A_1348, %get3A_1349, %get3A_1350] {strides = array<i32>} : memref<8x48x48xf32, #tpu.memory_space<vmem>>, vector<1x1x16xf32>,
        %get3A_1352 = vector.shape_cast %get3A_1351 : vector<1x1x16xf32> to vector<16xf32>
        %add3A_1353 = arith.addf %add3A_1346, %get3A_1352 : vector<16xf32>
        %get3A_1354 = arith.constant 45 : i32
        %get3A_1355 = arith.index_cast %add3A_394 : i32 to index
        %get3A_1356 = arith.index_cast %get3A_1354 : i32 to index
        %get3A_1357 = arith.constant 32 : index
        %get3A_1358 = tpu.vector_load %arg5[%get3A_1355, %get3A_1356, %get3A_1357] {strides = array<i32>} : memref<8x48x48xf32, #tpu.memory_space<vmem>>, vector<1x1x16xf32>,
        %get3A_1359 = vector.shape_cast %get3A_1358 : vector<1x1x16xf32> to vector<16xf32>
        %add3A_1360 = arith.addf %add3A_1353, %get3A_1359 : vector<16xf32>
        %get3A_1361 = arith.constant 46 : i32
        %get3A_1362 = arith.index_cast %add3A_394 : i32 to index
        %get3A_1363 = arith.index_cast %get3A_1361 : i32 to index
        %get3A_1364 = arith.constant 0 : index
        %get3A_1365 = tpu.vector_load %arg5[%get3A_1362, %get3A_1363, %get3A_1364] {strides = array<i32>} : memref<8x48x48xf32, #tpu.memory_space<vmem>>, vector<1x1x16xf32>,
        %get3A_1366 = vector.shape_cast %get3A_1365 : vector<1x1x16xf32> to vector<16xf32>
        %add3A_1367 = arith.addf %add3A_1360, %get3A_1366 : vector<16xf32>
        %get3A_1368 = arith.constant 46 : i32
        %get3A_1369 = arith.index_cast %add3A_394 : i32 to index
        %get3A_1370 = arith.index_cast %get3A_1368 : i32 to index
        %get3A_1371 = arith.constant 16 : index
        %get3A_1372 = tpu.vector_load %arg5[%get3A_1369, %get3A_1370, %get3A_1371] {strides = array<i32>} : memref<8x48x48xf32, #tpu.memory_space<vmem>>, vector<1x1x16xf32>,
        %get3A_1373 = vector.shape_cast %get3A_1372 : vector<1x1x16xf32> to vector<16xf32>
        %add3A_1374 = arith.addf %add3A_1367, %get3A_1373 : vector<16xf32>
        %get3A_1375 = arith.constant 46 : i32
        %get3A_1376 = arith.index_cast %add3A_394 : i32 to index
        %get3A_1377 = arith.index_cast %get3A_1375 : i32 to index
        %get3A_1378 = arith.constant 32 : index
        %get3A_1379 = tpu.vector_load %arg5[%get3A_1376, %get3A_1377, %get3A_1378] {strides = array<i32>} : memref<8x48x48xf32, #tpu.memory_space<vmem>>, vector<1x1x16xf32>,
        %get3A_1380 = vector.shape_cast %get3A_1379 : vector<1x1x16xf32> to vector<16xf32>
        %add3A_1381 = arith.addf %add3A_1374, %get3A_1380 : vector<16xf32>
        %get3A_1382 = arith.constant 47 : i32
        %get3A_1383 = arith.index_cast %add3A_394 : i32 to index
        %get3A_1384 = arith.index_cast %get3A_1382 : i32 to index
        %get3A_1385 = arith.constant 0 : index
        %get3A_1386 = tpu.vector_load %arg5[%get3A_1383, %get3A_1384, %get3A_1385] {strides = array<i32>} : memref<8x48x48xf32, #tpu.memory_space<vmem>>, vector<1x1x16xf32>,
        %get3A_1387 = vector.shape_cast %get3A_1386 : vector<1x1x16xf32> to vector<16xf32>
        %add3A_1388 = arith.addf %add3A_1381, %get3A_1387 : vector<16xf32>
        %get3A_1389 = arith.constant 47 : i32
        %get3A_1390 = arith.index_cast %add3A_394 : i32 to index
        %get3A_1391 = arith.index_cast %get3A_1389 : i32 to index
        %get3A_1392 = arith.constant 16 : index
        %get3A_1393 = tpu.vector_load %arg5[%get3A_1390, %get3A_1391, %get3A_1392] {strides = array<i32>} : memref<8x48x48xf32, #tpu.memory_space<vmem>>, vector<1x1x16xf32>,
        %get3A_1394 = vector.shape_cast %get3A_1393 : vector<1x1x16xf32> to vector<16xf32>
        %add3A_1395 = arith.addf %add3A_1388, %get3A_1394 : vector<16xf32>
        %get3A_1396 = arith.constant 47 : i32
        %get3A_1397 = arith.index_cast %add3A_394 : i32 to index
        %get3A_1398 = arith.index_cast %get3A_1396 : i32 to index
        %get3A_1399 = arith.constant 32 : index
        %get3A_1400 = tpu.vector_load %arg5[%get3A_1397, %get3A_1398, %get3A_1399] {strides = array<i32>} : memref<8x48x48xf32, #tpu.memory_space<vmem>>, vector<1x1x16xf32>,
        %get3A_1401 = vector.shape_cast %get3A_1400 : vector<1x1x16xf32> to vector<16xf32>
        %add3A_1402 = arith.addf %add3A_1395, %get3A_1401 : vector<16xf32>
        %mul3A_1403 = arith.constant 8 : i32
        %mul3A_1404 = arith.muli %add3A_377, %mul3A_1403 : i32
        %add3A_1405 = arith.addi %mul3A_1404, %add3A_394 : i32
        %mul3A_1406 = arith.constant 4.34027781E-4 : f32
        %mul3A_1407 = vector.broadcast %mul3A_1406 : f32 to vector<16xf32>
        %mul3A_1408 = arith.mulf %add3A_1402, %mul3A_1407 : vector<16xf32>
        %jit3A_1409 = arith.constant 8 : i32
        %div3A_1410 = arith.divsi %add3A_1405, %jit3A_1409 : i32
        %sign3A_1411 = arith.constant 0 : i32
        %sign3A_1412 = arith.cmpi sgt, %add3A_1405, %sign3A_1411 : i32
        %sign3A_1413 = arith.extui %sign3A_1412 : i1 to i32
        %sign3A_1414 = arith.constant 0 : i32
        %sign3A_1415 = arith.cmpi slt, %add3A_1405, %sign3A_1414 : i32
        %sign3A_1416 = arith.extui %sign3A_1415 : i1 to i32
        %sign3A_1417 = arith.subi %sign3A_1413, %sign3A_1416 : i32
        %sign3A_1418 = arith.constant 0 : i32
        %sign3A_1419 = arith.cmpi sgt, %jit3A_1409, %sign3A_1418 : i32
        %sign3A_1420 = arith.extui %sign3A_1419 : i1 to i32
        %sign3A_1421 = arith.constant 0 : i32
        %sign3A_1422 = arith.cmpi slt, %jit3A_1409, %sign3A_1421 : i32
        %sign3A_1423 = arith.extui %sign3A_1422 : i1 to i32
        %sign3A_1424 = arith.subi %sign3A_1420, %sign3A_1423 : i32
        %ne3A_1425 = arith.cmpi ne, %sign3A_1417, %sign3A_1424 : i32
        %rem3A_1426 = arith.remsi %add3A_1405, %jit3A_1409 : i32
        %ne3A_1427 = arith.constant 0 : i32
        %ne3A_1428 = arith.cmpi ne, %rem3A_1426, %ne3A_1427 : i32
        %and3A_1429 = arith.andi %ne3A_1425, %ne3A_1428 : i1
        %sub3A_1430 = arith.constant 1 : i32
        %sub3A_1431 = arith.subi %div3A_1410, %sub3A_1430 : i32
        %select_n3A_1432 = arith.select %and3A_1429, %sub3A_1431, %div3A_1410 : i32
        %jit3A_1433 = arith.constant 8 : i32
        %eq3A_1434 = arith.constant 0 : i32
        %eq3A_1435 = arith.cmpi eq, %jit3A_1433, %eq3A_1434 : i32
        %jit3A_1436 = arith.constant 1 : i32
        %select_n3A_1437 = arith.select %eq3A_1435, %jit3A_1436, %jit3A_1433 : i32
        %rem3A_1438 = arith.remsi %add3A_1405, %select_n3A_1437 : i32
        %ne3A_1439 = arith.constant 0 : i32
        %ne3A_1440 = arith.cmpi ne, %rem3A_1438, %ne3A_1439 : i32
        %lt3A_1441 = arith.constant 0 : i32
        %lt3A_1442 = arith.cmpi slt, %rem3A_1438, %lt3A_1441 : i32
        %lt3A_1443 = arith.constant 0 : i32
        %lt3A_1444 = arith.cmpi slt, %select_n3A_1437, %lt3A_1443 : i32
        %ne3A_1445 = arith.xori %lt3A_1442, %lt3A_1444 : i1
        %and3A_1446 = arith.andi %ne3A_1445, %ne3A_1440 : i1
        %add3A_1447 = arith.addi %rem3A_1438, %select_n3A_1437 : i32
        %select_n3A_1448 = arith.select %and3A_1446, %add3A_1447, %rem3A_1438 : i32
        %mul3A_1449 = arith.constant 16 : i32
        %mul3A_1450 = arith.muli %select_n3A_1448, %mul3A_1449 : i32
        %swap3A = arith.index_cast %select_n3A_1432 : i32 to index
        %swap3A_1451 = arith.index_cast %mul3A_1450 : i32 to index
        %swap3A_1452 = tpu.vector_load %arg6[%swap3A, %swap3A_1451] {strides = array<i32>} : memref<24x128xf32, #tpu.memory_space<vmem>>, vector<1x16xf32>,
        %swap3A_1453 = vector.shape_cast %swap3A_1452 : vector<1x16xf32> to vector<16xf32>
        %swap3A_1454 = vector.shape_cast %mul3A_1408 : vector<16xf32> to vector<1x16xf32>
        tpu.vector_store %arg6[%swap3A, %swap3A_1451], %swap3A_1454 {strides = array<i32>} : memref<24x128xf32, #tpu.memory_space<vmem>>, vector<1x16xf32>,
      }
      %scan3A_382 = arith.constant 8 : i32
      %add3A_383 = arith.constant 3 : i32
      %add3A_384 = arith.addi %add3A_182, %add3A_383 : i32
      %lt3A_385 = arith.constant 24 : i32
      %lt3A_386 = arith.cmpi slt, %add3A_384, %lt3A_385 : i32
      %convert_element_type3A_387 = arith.extui %lt3A_386 : i1 to i32
      %cond3A_388 = arith.constant 0 : i32
      %cond3A_389 = arith.cmpi ne, %convert_element_type3A_387, %cond3A_388 : i32
      scf.if %cond3A_389 {
        %add3A_390 = arith.constant 3 : i32
        %add3A_391 = arith.addi %add3A_182, %add3A_390 : i32
        %mul3A_392 = arith.constant 8 : i32
        %mul3A_393 = arith.muli %add3A_391, %mul3A_392 : i32
        %add3A_394 = arith.addi %mul3A_2, %mul3A_393 : i32
        %jit3A_395 = arith.constant 768 : i32
        %div3A_396 = arith.divsi %add3A_394, %jit3A_395 : i32
        %sign3A_397 = arith.constant 0 : i32
        %sign3A_398 = arith.cmpi sgt, %add3A_394, %sign3A_397 : i32
        %sign3A_399 = arith.extui %sign3A_398 : i1 to i32
        %sign3A_400 = arith.constant 0 : i32
        %sign3A_401 = arith.cmpi slt, %add3A_394, %sign3A_400 : i32
        %sign3A_402 = arith.extui %sign3A_401 : i1 to i32
        %sign3A_403 = arith.subi %sign3A_399, %sign3A_402 : i32
        %sign3A_404 = arith.constant 0 : i32
        %sign3A_405 = arith.cmpi sgt, %jit3A_395, %sign3A_404 : i32
        %sign3A_406 = arith.extui %sign3A_405 : i1 to i32
        %sign3A_407 = arith.constant 0 : i32
        %sign3A_408 = arith.cmpi slt, %jit3A_395, %sign3A_407 : i32
        %sign3A_409 = arith.extui %sign3A_408 : i1 to i32
        %sign3A_410 = arith.subi %sign3A_406, %sign3A_409 : i32
        %ne3A_411 = arith.cmpi ne, %sign3A_403, %sign3A_410 : i32
        %rem3A_412 = arith.remsi %add3A_394, %jit3A_395 : i32
        %ne3A_413 = arith.constant 0 : i32
        %ne3A_414 = arith.cmpi ne, %rem3A_412, %ne3A_413 : i32
        %and3A_415 = arith.andi %ne3A_411, %ne3A_414 : i1
        %sub3A_416 = arith.constant 1 : i32
        %sub3A_417 = arith.subi %div3A_396, %sub3A_416 : i32
        %select_n3A_418 = arith.select %and3A_415, %sub3A_417, %div3A_396 : i32
        %jit3A_419 = arith.constant 48 : i32
        %div3A_420 = arith.divsi %add3A_394, %jit3A_419 : i32
        %sign3A_421 = arith.constant 0 : i32
        %sign3A_422 = arith.cmpi sgt, %add3A_394, %sign3A_421 : i32
        %sign3A_423 = arith.extui %sign3A_422 : i1 to i32
        %sign3A_424 = arith.constant 0 : i32
        %sign3A_425 = arith.cmpi slt, %add3A_394, %sign3A_424 : i32
        %sign3A_426 = arith.extui %sign3A_425 : i1 to i32
        %sign3A_427 = arith.subi %sign3A_423, %sign3A_426 : i32
        %sign3A_428 = arith.constant 0 : i32
        %sign3A_429 = arith.cmpi sgt, %jit3A_419, %sign3A_428 : i32
        %sign3A_430 = arith.extui %sign3A_429 : i1 to i32
        %sign3A_431 = arith.constant 0 : i32
        %sign3A_432 = arith.cmpi slt, %jit3A_419, %sign3A_431 : i32
        %sign3A_433 = arith.extui %sign3A_432 : i1 to i32
        %sign3A_434 = arith.subi %sign3A_430, %sign3A_433 : i32
        %ne3A_435 = arith.cmpi ne, %sign3A_427, %sign3A_434 : i32
        %rem3A_436 = arith.remsi %add3A_394, %jit3A_419 : i32
        %ne3A_437 = arith.constant 0 : i32
        %ne3A_438 = arith.cmpi ne, %rem3A_436, %ne3A_437 : i32
        %and3A_439 = arith.andi %ne3A_435, %ne3A_438 : i1
        %sub3A_440 = arith.constant 1 : i32
        %sub3A_441 = arith.subi %div3A_420, %sub3A_440 : i32
        %select_n3A_442 = arith.select %and3A_439, %sub3A_441, %div3A_420 : i32
        %jit3A_443 = arith.constant 16 : i32
        %eq3A_444 = arith.constant 0 : i32
        %eq3A_445 = arith.cmpi eq, %jit3A_443, %eq3A_444 : i32
        %jit3A_446 = arith.constant 1 : i32
        %select_n3A_447 = arith.select %eq3A_445, %jit3A_446, %jit3A_443 : i32
        %rem3A_448 = arith.remsi %select_n3A_442, %select_n3A_447 : i32
        %ne3A_449 = arith.constant 0 : i32
        %ne3A_450 = arith.cmpi ne, %rem3A_448, %ne3A_449 : i32
        %lt3A_451 = arith.constant 0 : i32
        %lt3A_452 = arith.cmpi slt, %rem3A_448, %lt3A_451 : i32
        %lt3A_453 = arith.constant 0 : i32
        %lt3A_454 = arith.cmpi slt, %select_n3A_447, %lt3A_453 : i32
        %ne3A_455 = arith.xori %lt3A_452, %lt3A_454 : i1
        %and3A_456 = arith.andi %ne3A_455, %ne3A_450 : i1
        %add3A_457 = arith.addi %rem3A_448, %select_n3A_447 : i32
        %select_n3A_458 = arith.select %and3A_456, %add3A_457, %rem3A_448 : i32
        %jit3A_459 = arith.constant 48 : i32
        %eq3A_460 = arith.constant 0 : i32
        %eq3A_461 = arith.cmpi eq, %jit3A_459, %eq3A_460 : i32
        %jit3A_462 = arith.constant 1 : i32
        %select_n3A_463 = arith.select %eq3A_461, %jit3A_462, %jit3A_459 : i32
        %rem3A_464 = arith.remsi %add3A_394, %select_n3A_463 : i32
        %ne3A_465 = arith.constant 0 : i32
        %ne3A_466 = arith.cmpi ne, %rem3A_464, %ne3A_465 : i32
        %lt3A_467 = arith.constant 0 : i32
        %lt3A_468 = arith.cmpi slt, %rem3A_464, %lt3A_467 : i32
        %lt3A_469 = arith.constant 0 : i32
        %lt3A_470 = arith.cmpi slt, %select_n3A_463, %lt3A_469 : i32
        %ne3A_471 = arith.xori %lt3A_468, %lt3A_470 : i1
        %and3A_472 = arith.andi %ne3A_471, %ne3A_466 : i1
        %add3A_473 = arith.addi %rem3A_464, %select_n3A_463 : i32
        %select_n3A_474 = arith.select %and3A_472, %add3A_473, %rem3A_464 : i32
        %dma_start3A_475 = arith.constant 0 : i32
        %dma_start3A_476 = arith.constant 0 : i32
        %dma_start3A_477 = tpu.memref_slice %arg2[%select_n3A_418, %select_n3A_458, %select_n3A_474, %dma_start3A_475, %dma_start3A_476] : memref<8x48x48x48x48xf32, #tpu.memory_space<hbm>> -> memref<1x1x8x48x48xf32, #tpu.memory_space<hbm>>
        %dma_start3A_478 = tpu.memref_squeeze %dma_start3A_477 : memref<1x1x8x48x48xf32, #tpu.memory_space<hbm>> -> memref<8x48x48xf32, #tpu.memory_space<hbm>>
        %dma_start3A_479 = arith.constant 0 : i32
        %dma_start3A_480 = arith.constant 0 : i32
        %dma_start3A_481 = tpu.memref_slice %arg2[%select_n3A_418, %select_n3A_458, %select_n3A_474, %dma_start3A_479, %dma_start3A_480] : memref<8x48x48x48x48xf32, #tpu.memory_space<hbm>> -> memref<1x1x8x48x48xf32, #tpu.memory_space<hbm>>
        %dma_start3A_482 = tpu.memref_squeeze %dma_start3A_481 : memref<1x1x8x48x48xf32, #tpu.memory_space<hbm>> -> memref<8x48x48xf32, #tpu.memory_space<hbm>>
        tpu.enqueue_dma source(%dma_start3A_482 : memref<8x48x48xf32, #tpu.memory_space<hbm>>) target(%arg5 : memref<8x48x48xf32, #tpu.memory_space<vmem>>) target_semaphore(%arg8 : memref<!tpu.dma_semaphore, #tpu.memory_space<semaphore_mem>>)
      } else {
      }
    }
    %scan3A_175 = arith.constant 12 : i32
    %mul3A_176 = arith.constant 24 : i32
    %mul3A_177 = arith.muli %add3A, %mul3A_176 : i32
    "tpu.region"() ({
      %run_scoped3A = tpu.sem_alloc : memref<!tpu.dma_semaphore, #tpu.memory_space<semaphore_mem>>
      %dma_start3A_178 = arith.constant 0 : i32
      %dma_start3A_179 = tpu.memref_slice %arg3[%mul3A_177, %dma_start3A_178] : memref<768x128xf32, #tpu.memory_space<hbm>> -> memref<24x128xf32, #tpu.memory_space<hbm>>
      %dma_start3A_180 = arith.constant 0 : i32
      %dma_start3A_181 = tpu.memref_slice %arg3[%mul3A_177, %dma_start3A_180] : memref<768x128xf32, #tpu.memory_space<hbm>> -> memref<24x128xf32, #tpu.memory_space<hbm>>
      tpu.enqueue_dma source(%arg6 : memref<24x128xf32, #tpu.memory_space<vmem>>) target(%dma_start3A_181 : memref<24x128xf32, #tpu.memory_space<hbm>>) target_semaphore(%run_scoped3A : memref<!tpu.dma_semaphore, #tpu.memory_space<semaphore_mem>>)
      %dma_wait3A = arith.constant 0 : i32
      %dma_wait3A_182 = tpu.memref_slice %arg3[%mul3A_177, %dma_wait3A] : memref<768x128xf32, #tpu.memory_space<hbm>> -> memref<24x128xf32, #tpu.memory_space<hbm>>
      %dma_wait3A_183 = arith.constant 0 : i32
      %dma_wait3A_184 = tpu.memref_slice %arg3[%mul3A_177, %dma_wait3A_183] : memref<768x128xf32, #tpu.memory_space<hbm>> -> memref<24x128xf32, #tpu.memory_space<hbm>>
      tpu.wait_dma2 semaphore(%run_scoped3A : memref<!tpu.dma_semaphore, #tpu.memory_space<semaphore_mem>>) src(%arg6 : memref<24x128xf32, #tpu.memory_space<vmem>>) dst(%dma_wait3A_184 : memref<24x128xf32, #tpu.memory_space<hbm>>)
      tpu.yield
    }) : () -> ()
    return
  }
}

module attributes {stable_mosaic.version = 14 : i64} {
  func.func @_tc_mean_body(%arg0: i32, %arg1: i32, %arg2: memref<1x8x48x48x48xf32, #tpu.memory_space<vmem>>, %arg3: memref<1x8x48xf32, #tpu.memory_space<vmem>>) attributes {dimension_semantics = [#tpu.dimension_semantics<arbitrary>, #tpu.dimension_semantics<arbitrary>], iteration_bounds = array<i64: 8, 4>, scalar_prefetch = 0 : i64, scratch_operands = 0 : i64, tpu.core_type = #tpu.core_type<tc>, window_params = [{transform_indices = @transform_0, window_bounds = array<i64: 1, 8, 48, 48, 48>}, {transform_indices = @transform_1, window_bounds = array<i64: 1, 8, 48>}]} {
    %get3A = arith.constant 0 : index
    %get3A_0 = arith.constant 0 : index
    %get3A_1 = arith.constant 0 : index
    %get3A_2 = arith.constant 0 : index
    %get3A_3 = arith.constant 0 : index
    %get3A_4 = vector.load %arg2[%get3A, %get3A_0, %get3A_1, %get3A_2, %get3A_3] : memref<1x8x48x48x48xf32, #tpu.memory_space<vmem>>, vector<1x8x48x48x48xf32>
    %get3A_5 = vector.shape_cast %get3A_4 : vector<1x8x48x48x48xf32> to vector<8x48x48x48xf32>
    %reduce_sum3A = arith.constant dense<0.000000e+00> : vector<8x48xf32>
    %reduce_sum3A_6 = vector.multi_reduction <add>, %get3A_5, %reduce_sum3A [2, 3] : vector<8x48x48x48xf32> to vector<8x48xf32>
    %mul3A = arith.constant 4.34027781E-4 : f32
    %mul3A_7 = vector.broadcast %mul3A : f32 to vector<8x48xf32>
    %mul3A_8 = arith.mulf %reduce_sum3A_6, %mul3A_7 : vector<8x48xf32>
    %broadcast_in_dim3A = vector.shape_cast %mul3A_8 : vector<8x48xf32> to vector<1x8x48xf32>
    %swap3A = arith.constant 0 : index
    %swap3A_9 = arith.constant 0 : index
    %swap3A_10 = arith.constant 0 : index
    %swap3A_11 = vector.load %arg3[%swap3A, %swap3A_9, %swap3A_10] : memref<1x8x48xf32, #tpu.memory_space<vmem>>, vector<1x8x48xf32>
    tpu.vector_store %arg3[%swap3A, %swap3A_9, %swap3A_10], %broadcast_in_dim3A {strides = array<i32>} : memref<1x8x48xf32, #tpu.memory_space<vmem>>, vector<1x8x48xf32>,
    return
  }
  func.func @transform_0(%arg0: i32, %arg1: i32) -> (i32, i32, i32, i32, i32) {
    %add3A = arith.constant 2 : i32
    %add3A_0 = arith.addi %arg1, %add3A : i32
    %c0_i32 = arith.constant 0 : i32
    %c0_i32_1 = arith.constant 0 : i32
    %c0_i32_2 = arith.constant 0 : i32
    %c0_i32_3 = arith.constant 0 : i32
    return %arg0, %add3A_0, %c0_i32, %c0_i32_1, %c0_i32_2 : i32, i32, i32, i32, i32
  }
  func.func @transform_1(%arg0: i32, %arg1: i32) -> (i32, i32, i32) {
    %c0_i32 = arith.constant 0 : i32
    %c0_i32_0 = arith.constant 0 : i32
    return %arg0, %arg1, %c0_i32 : i32, i32, i32
  }
}

module attributes {stable_mosaic.version = 14 : i64} {
  func.func @_head_body(%arg0: memref<768x128xf32, #tpu.memory_space<vmem>>, %arg1: memref<8x32x48xf32, #tpu.memory_space<vmem>>, %arg2: memref<96x48xf32, #tpu.memory_space<vmem>>, %arg3: memref<8x96x96xf32, #tpu.memory_space<vmem>>, %arg4: memref<8x96x96xf32, #tpu.memory_space<vmem>>, %arg5: memref<1x1xf32, #tpu.memory_space<smem>>) attributes {dimension_semantics = [], scalar_prefetch = 0 : i64, scratch_operands = 0 : i64, tpu.core_type = #tpu.core_type<tc>} {
    %get3A = arith.constant 0 : index
    %get3A_0 = arith.constant 0 : index
    %get3A_1 = vector.load %arg2[%get3A, %get3A_0] : memref<96x48xf32, #tpu.memory_space<vmem>>, vector<96x48xf32>
    %get3A_2 = arith.constant 0 : index
    %get3A_3 = arith.constant 0 : index
    %get3A_4 = vector.load %arg0[%get3A_2, %get3A_3] : memref<768x128xf32, #tpu.memory_space<vmem>>, vector<768x128xf32>
    %reshape3A = vector.shape_cast %get3A_4 : vector<768x128xf32> to vector<768x8x16xf32>
    %reduce_sum3A = arith.constant dense<0.000000e+00> : vector<768x8xf32>
    %reduce_sum3A_5 = vector.multi_reduction <add>, %reshape3A, %reduce_sum3A [2] : vector<768x8x16xf32> to vector<768x8xf32>
    %reshape3A_6 = vector.shape_cast %reduce_sum3A_5 : vector<768x8xf32> to vector<8x16x48xf32>
    %get3A_7 = arith.constant 0 : index
    %get3A_8 = arith.constant 0 : index
    %get3A_9 = arith.constant 0 : index
    %get3A_10 = vector.load %arg1[%get3A_7, %get3A_8, %get3A_9] : memref<8x32x48xf32, #tpu.memory_space<vmem>>, vector<8x32x48xf32>
    %concatenate3A = tpu.concatenate %reshape3A_6, %get3A_10 in 1 : vector<8x16x48xf32>, vector<8x32x48xf32> -> vector<8x48x48xf32>
    %slice3A = vector.extract_strided_slice %concatenate3A {offsets = [0, 0, 0], sizes = [1, 48, 48], strides = [1, 1, 1]} : vector<8x48x48xf32> to vector<1x48x48xf32>
    %squeeze3A = vector.shape_cast %slice3A : vector<1x48x48xf32> to vector<48x48xf32>
    %dot_general3A = arith.constant dense<0.000000e+00> : vector<96x48xf32>
    %dot_general3A_11 = tpu.matmul %get3A_1, %squeeze3A, %dot_general3A {dimension_numbers = #tpu.dot_dimension_numbers<[1], [0], [0], [1], [0, 0, 1, 1], [], []>, precision = #tpu.contract_precision<fp32>, transpose_lhs_hint = false} : vector<96x48xf32>, vector<48x48xf32>, vector<96x48xf32> -> vector<96x48xf32>
    %dot_general3A_12 = arith.constant dense<0.000000e+00> : vector<96x96xf32>
    %dot_general3A_13 = tpu.matmul %dot_general3A_11, %get3A_1, %dot_general3A_12 {dimension_numbers = #tpu.dot_dimension_numbers<[1], [1], [0], [0], [0, 0, 1, 0], [], []>, precision = #tpu.contract_precision<fp32>, transpose_lhs_hint = false} : vector<96x48xf32>, vector<96x48xf32>, vector<96x96xf32> -> vector<96x96xf32>
    %swap3A = arith.constant 0 : index
    %swap3A_14 = arith.constant 0 : index
    %swap3A_15 = arith.constant 0 : index
    %swap3A_16 = vector.load %arg4[%swap3A, %swap3A_14, %swap3A_15] : memref<8x96x96xf32, #tpu.memory_space<vmem>>, vector<1x96x96xf32>
    %swap3A_17 = vector.shape_cast %swap3A_16 : vector<1x96x96xf32> to vector<96x96xf32>
    %swap3A_18 = vector.shape_cast %dot_general3A_13 : vector<96x96xf32> to vector<1x96x96xf32>
    tpu.vector_store %arg4[%swap3A, %swap3A_14, %swap3A_15], %swap3A_18 {strides = array<i32>} : memref<8x96x96xf32, #tpu.memory_space<vmem>>, vector<1x96x96xf32>,
    %get3A_19 = arith.constant 0 : index
    %get3A_20 = arith.constant 0 : index
    %get3A_21 = arith.constant 0 : index
    %get3A_22 = vector.load %arg3[%get3A_19, %get3A_20, %get3A_21] : memref<8x96x96xf32, #tpu.memory_space<vmem>>, vector<1x96x96xf32>
    %get3A_23 = vector.shape_cast %get3A_22 : vector<1x96x96xf32> to vector<96x96xf32>
    %sub3A = arith.subf %dot_general3A_13, %get3A_23 : vector<96x96xf32>
    %mul3A = arith.mulf %sub3A, %sub3A : vector<96x96xf32>
    %reduce_sum3A_24 = vector.shape_cast %mul3A : vector<96x96xf32> to vector<1x96x96xf32>
    %reduce_sum3A_25 = arith.constant dense<0.000000e+00> : vector<1xf32>
    %reduce_sum3A_26 = vector.multi_reduction <add>, %reduce_sum3A_24, %reduce_sum3A_25 [1, 2] : vector<1x96x96xf32> to vector<1xf32>
    %reduce_sum3A_27 = vector.shape_cast %reduce_sum3A_26 : vector<1xf32> to vector<1x1x1xf32>
    %reduce_sum3A_28 = vector.extract %reduce_sum3A_27[0, 0, 0] : f32 from vector<1x1x1xf32>
    %add3A = arith.constant 0.000000e+00 : f32
    %add3A_29 = arith.addf %add3A, %reduce_sum3A_28 : f32
    %slice3A_30 = vector.extract_strided_slice %concatenate3A {offsets = [1, 0, 0], sizes = [1, 48, 48], strides = [1, 1, 1]} : vector<8x48x48xf32> to vector<1x48x48xf32>
    %squeeze3A_31 = vector.shape_cast %slice3A_30 : vector<1x48x48xf32> to vector<48x48xf32>
    %dot_general3A_32 = arith.constant dense<0.000000e+00> : vector<96x48xf32>
    %dot_general3A_33 = tpu.matmul %get3A_1, %squeeze3A_31, %dot_general3A_32 {dimension_numbers = #tpu.dot_dimension_numbers<[1], [0], [0], [1], [0, 0, 1, 1], [], []>, precision = #tpu.contract_precision<fp32>, transpose_lhs_hint = false} : vector<96x48xf32>, vector<48x48xf32>, vector<96x48xf32> -> vector<96x48xf32>
    %dot_general3A_34 = arith.constant dense<0.000000e+00> : vector<96x96xf32>
    %dot_general3A_35 = tpu.matmul %dot_general3A_33, %get3A_1, %dot_general3A_34 {dimension_numbers = #tpu.dot_dimension_numbers<[1], [1], [0], [0], [0, 0, 1, 0], [], []>, precision = #tpu.contract_precision<fp32>, transpose_lhs_hint = false} : vector<96x48xf32>, vector<96x48xf32>, vector<96x96xf32> -> vector<96x96xf32>
    %swap3A_36 = arith.constant 1 : index
    %swap3A_37 = arith.constant 0 : index
    %swap3A_38 = arith.constant 0 : index
    %swap3A_39 = vector.load %arg4[%swap3A_36, %swap3A_37, %swap3A_38] : memref<8x96x96xf32, #tpu.memory_space<vmem>>, vector<1x96x96xf32>
    %swap3A_40 = vector.shape_cast %swap3A_39 : vector<1x96x96xf32> to vector<96x96xf32>
    %swap3A_41 = vector.shape_cast %dot_general3A_35 : vector<96x96xf32> to vector<1x96x96xf32>
    tpu.vector_store %arg4[%swap3A_36, %swap3A_37, %swap3A_38], %swap3A_41 {strides = array<i32>} : memref<8x96x96xf32, #tpu.memory_space<vmem>>, vector<1x96x96xf32>,
    %get3A_42 = arith.constant 1 : index
    %get3A_43 = arith.constant 0 : index
    %get3A_44 = arith.constant 0 : index
    %get3A_45 = vector.load %arg3[%get3A_42, %get3A_43, %get3A_44] : memref<8x96x96xf32, #tpu.memory_space<vmem>>, vector<1x96x96xf32>
    %get3A_46 = vector.shape_cast %get3A_45 : vector<1x96x96xf32> to vector<96x96xf32>
    %sub3A_47 = arith.subf %dot_general3A_35, %get3A_46 : vector<96x96xf32>
    %mul3A_48 = arith.mulf %sub3A_47, %sub3A_47 : vector<96x96xf32>
    %reduce_sum3A_49 = vector.shape_cast %mul3A_48 : vector<96x96xf32> to vector<1x96x96xf32>
    %reduce_sum3A_50 = arith.constant dense<0.000000e+00> : vector<1xf32>
    %reduce_sum3A_51 = vector.multi_reduction <add>, %reduce_sum3A_49, %reduce_sum3A_50 [1, 2] : vector<1x96x96xf32> to vector<1xf32>
    %reduce_sum3A_52 = vector.shape_cast %reduce_sum3A_51 : vector<1xf32> to vector<1x1x1xf32>
    %reduce_sum3A_53 = vector.extract %reduce_sum3A_52[0, 0, 0] : f32 from vector<1x1x1xf32>
    %add3A_54 = arith.addf %add3A_29, %reduce_sum3A_53 : f32
    %slice3A_55 = vector.extract_strided_slice %concatenate3A {offsets = [2, 0, 0], sizes = [1, 48, 48], strides = [1, 1, 1]} : vector<8x48x48xf32> to vector<1x48x48xf32>
    %squeeze3A_56 = vector.shape_cast %slice3A_55 : vector<1x48x48xf32> to vector<48x48xf32>
    %dot_general3A_57 = arith.constant dense<0.000000e+00> : vector<96x48xf32>
    %dot_general3A_58 = tpu.matmul %get3A_1, %squeeze3A_56, %dot_general3A_57 {dimension_numbers = #tpu.dot_dimension_numbers<[1], [0], [0], [1], [0, 0, 1, 1], [], []>, precision = #tpu.contract_precision<fp32>, transpose_lhs_hint = false} : vector<96x48xf32>, vector<48x48xf32>, vector<96x48xf32> -> vector<96x48xf32>
    %dot_general3A_59 = arith.constant dense<0.000000e+00> : vector<96x96xf32>
    %dot_general3A_60 = tpu.matmul %dot_general3A_58, %get3A_1, %dot_general3A_59 {dimension_numbers = #tpu.dot_dimension_numbers<[1], [1], [0], [0], [0, 0, 1, 0], [], []>, precision = #tpu.contract_precision<fp32>, transpose_lhs_hint = false} : vector<96x48xf32>, vector<96x48xf32>, vector<96x96xf32> -> vector<96x96xf32>
    %swap3A_61 = arith.constant 2 : index
    %swap3A_62 = arith.constant 0 : index
    %swap3A_63 = arith.constant 0 : index
    %swap3A_64 = vector.load %arg4[%swap3A_61, %swap3A_62, %swap3A_63] : memref<8x96x96xf32, #tpu.memory_space<vmem>>, vector<1x96x96xf32>
    %swap3A_65 = vector.shape_cast %swap3A_64 : vector<1x96x96xf32> to vector<96x96xf32>
    %swap3A_66 = vector.shape_cast %dot_general3A_60 : vector<96x96xf32> to vector<1x96x96xf32>
    tpu.vector_store %arg4[%swap3A_61, %swap3A_62, %swap3A_63], %swap3A_66 {strides = array<i32>} : memref<8x96x96xf32, #tpu.memory_space<vmem>>, vector<1x96x96xf32>,
    %get3A_67 = arith.constant 2 : index
    %get3A_68 = arith.constant 0 : index
    %get3A_69 = arith.constant 0 : index
    %get3A_70 = vector.load %arg3[%get3A_67, %get3A_68, %get3A_69] : memref<8x96x96xf32, #tpu.memory_space<vmem>>, vector<1x96x96xf32>
    %get3A_71 = vector.shape_cast %get3A_70 : vector<1x96x96xf32> to vector<96x96xf32>
    %sub3A_72 = arith.subf %dot_general3A_60, %get3A_71 : vector<96x96xf32>
    %mul3A_73 = arith.mulf %sub3A_72, %sub3A_72 : vector<96x96xf32>
    %reduce_sum3A_74 = vector.shape_cast %mul3A_73 : vector<96x96xf32> to vector<1x96x96xf32>
    %reduce_sum3A_75 = arith.constant dense<0.000000e+00> : vector<1xf32>
    %reduce_sum3A_76 = vector.multi_reduction <add>, %reduce_sum3A_74, %reduce_sum3A_75 [1, 2] : vector<1x96x96xf32> to vector<1xf32>
    %reduce_sum3A_77 = vector.shape_cast %reduce_sum3A_76 : vector<1xf32> to vector<1x1x1xf32>
    %reduce_sum3A_78 = vector.extract %reduce_sum3A_77[0, 0, 0] : f32 from vector<1x1x1xf32>
    %add3A_79 = arith.addf %add3A_54, %reduce_sum3A_78 : f32
    %slice3A_80 = vector.extract_strided_slice %concatenate3A {offsets = [3, 0, 0], sizes = [1, 48, 48], strides = [1, 1, 1]} : vector<8x48x48xf32> to vector<1x48x48xf32>
    %squeeze3A_81 = vector.shape_cast %slice3A_80 : vector<1x48x48xf32> to vector<48x48xf32>
    %dot_general3A_82 = arith.constant dense<0.000000e+00> : vector<96x48xf32>
    %dot_general3A_83 = tpu.matmul %get3A_1, %squeeze3A_81, %dot_general3A_82 {dimension_numbers = #tpu.dot_dimension_numbers<[1], [0], [0], [1], [0, 0, 1, 1], [], []>, precision = #tpu.contract_precision<fp32>, transpose_lhs_hint = false} : vector<96x48xf32>, vector<48x48xf32>, vector<96x48xf32> -> vector<96x48xf32>
    %dot_general3A_84 = arith.constant dense<0.000000e+00> : vector<96x96xf32>
    %dot_general3A_85 = tpu.matmul %dot_general3A_83, %get3A_1, %dot_general3A_84 {dimension_numbers = #tpu.dot_dimension_numbers<[1], [1], [0], [0], [0, 0, 1, 0], [], []>, precision = #tpu.contract_precision<fp32>, transpose_lhs_hint = false} : vector<96x48xf32>, vector<96x48xf32>, vector<96x96xf32> -> vector<96x96xf32>
    %swap3A_86 = arith.constant 3 : index
    %swap3A_87 = arith.constant 0 : index
    %swap3A_88 = arith.constant 0 : index
    %swap3A_89 = vector.load %arg4[%swap3A_86, %swap3A_87, %swap3A_88] : memref<8x96x96xf32, #tpu.memory_space<vmem>>, vector<1x96x96xf32>
    %swap3A_90 = vector.shape_cast %swap3A_89 : vector<1x96x96xf32> to vector<96x96xf32>
    %swap3A_91 = vector.shape_cast %dot_general3A_85 : vector<96x96xf32> to vector<1x96x96xf32>
    tpu.vector_store %arg4[%swap3A_86, %swap3A_87, %swap3A_88], %swap3A_91 {strides = array<i32>} : memref<8x96x96xf32, #tpu.memory_space<vmem>>, vector<1x96x96xf32>,
    %get3A_92 = arith.constant 3 : index
    %get3A_93 = arith.constant 0 : index
    %get3A_94 = arith.constant 0 : index
    %get3A_95 = vector.load %arg3[%get3A_92, %get3A_93, %get3A_94] : memref<8x96x96xf32, #tpu.memory_space<vmem>>, vector<1x96x96xf32>
    %get3A_96 = vector.shape_cast %get3A_95 : vector<1x96x96xf32> to vector<96x96xf32>
    %sub3A_97 = arith.subf %dot_general3A_85, %get3A_96 : vector<96x96xf32>
    %mul3A_98 = arith.mulf %sub3A_97, %sub3A_97 : vector<96x96xf32>
    %reduce_sum3A_99 = vector.shape_cast %mul3A_98 : vector<96x96xf32> to vector<1x96x96xf32>
    %reduce_sum3A_100 = arith.constant dense<0.000000e+00> : vector<1xf32>
    %reduce_sum3A_101 = vector.multi_reduction <add>, %reduce_sum3A_99, %reduce_sum3A_100 [1, 2] : vector<1x96x96xf32> to vector<1xf32>
    %reduce_sum3A_102 = vector.shape_cast %reduce_sum3A_101 : vector<1xf32> to vector<1x1x1xf32>
    %reduce_sum3A_103 = vector.extract %reduce_sum3A_102[0, 0, 0] : f32 from vector<1x1x1xf32>
    %add3A_104 = arith.addf %add3A_79, %reduce_sum3A_103 : f32
    %slice3A_105 = vector.extract_strided_slice %concatenate3A {offsets = [4, 0, 0], sizes = [1, 48, 48], strides = [1, 1, 1]} : vector<8x48x48xf32> to vector<1x48x48xf32>
    %squeeze3A_106 = vector.shape_cast %slice3A_105 : vector<1x48x48xf32> to vector<48x48xf32>
    %dot_general3A_107 = arith.constant dense<0.000000e+00> : vector<96x48xf32>
    %dot_general3A_108 = tpu.matmul %get3A_1, %squeeze3A_106, %dot_general3A_107 {dimension_numbers = #tpu.dot_dimension_numbers<[1], [0], [0], [1], [0, 0, 1, 1], [], []>, precision = #tpu.contract_precision<fp32>, transpose_lhs_hint = false} : vector<96x48xf32>, vector<48x48xf32>, vector<96x48xf32> -> vector<96x48xf32>
    %dot_general3A_109 = arith.constant dense<0.000000e+00> : vector<96x96xf32>
    %dot_general3A_110 = tpu.matmul %dot_general3A_108, %get3A_1, %dot_general3A_109 {dimension_numbers = #tpu.dot_dimension_numbers<[1], [1], [0], [0], [0, 0, 1, 0], [], []>, precision = #tpu.contract_precision<fp32>, transpose_lhs_hint = false} : vector<96x48xf32>, vector<96x48xf32>, vector<96x96xf32> -> vector<96x96xf32>
    %swap3A_111 = arith.constant 4 : index
    %swap3A_112 = arith.constant 0 : index
    %swap3A_113 = arith.constant 0 : index
    %swap3A_114 = vector.load %arg4[%swap3A_111, %swap3A_112, %swap3A_113] : memref<8x96x96xf32, #tpu.memory_space<vmem>>, vector<1x96x96xf32>
    %swap3A_115 = vector.shape_cast %swap3A_114 : vector<1x96x96xf32> to vector<96x96xf32>
    %swap3A_116 = vector.shape_cast %dot_general3A_110 : vector<96x96xf32> to vector<1x96x96xf32>
    tpu.vector_store %arg4[%swap3A_111, %swap3A_112, %swap3A_113], %swap3A_116 {strides = array<i32>} : memref<8x96x96xf32, #tpu.memory_space<vmem>>, vector<1x96x96xf32>,
    %get3A_117 = arith.constant 4 : index
    %get3A_118 = arith.constant 0 : index
    %get3A_119 = arith.constant 0 : index
    %get3A_120 = vector.load %arg3[%get3A_117, %get3A_118, %get3A_119] : memref<8x96x96xf32, #tpu.memory_space<vmem>>, vector<1x96x96xf32>
    %get3A_121 = vector.shape_cast %get3A_120 : vector<1x96x96xf32> to vector<96x96xf32>
    %sub3A_122 = arith.subf %dot_general3A_110, %get3A_121 : vector<96x96xf32>
    %mul3A_123 = arith.mulf %sub3A_122, %sub3A_122 : vector<96x96xf32>
    %reduce_sum3A_124 = vector.shape_cast %mul3A_123 : vector<96x96xf32> to vector<1x96x96xf32>
    %reduce_sum3A_125 = arith.constant dense<0.000000e+00> : vector<1xf32>
    %reduce_sum3A_126 = vector.multi_reduction <add>, %reduce_sum3A_124, %reduce_sum3A_125 [1, 2] : vector<1x96x96xf32> to vector<1xf32>
    %reduce_sum3A_127 = vector.shape_cast %reduce_sum3A_126 : vector<1xf32> to vector<1x1x1xf32>
    %reduce_sum3A_128 = vector.extract %reduce_sum3A_127[0, 0, 0] : f32 from vector<1x1x1xf32>
    %add3A_129 = arith.addf %add3A_104, %reduce_sum3A_128 : f32
    %slice3A_130 = vector.extract_strided_slice %concatenate3A {offsets = [5, 0, 0], sizes = [1, 48, 48], strides = [1, 1, 1]} : vector<8x48x48xf32> to vector<1x48x48xf32>
    %squeeze3A_131 = vector.shape_cast %slice3A_130 : vector<1x48x48xf32> to vector<48x48xf32>
    %dot_general3A_132 = arith.constant dense<0.000000e+00> : vector<96x48xf32>
    %dot_general3A_133 = tpu.matmul %get3A_1, %squeeze3A_131, %dot_general3A_132 {dimension_numbers = #tpu.dot_dimension_numbers<[1], [0], [0], [1], [0, 0, 1, 1], [], []>, precision = #tpu.contract_precision<fp32>, transpose_lhs_hint = false} : vector<96x48xf32>, vector<48x48xf32>, vector<96x48xf32> -> vector<96x48xf32>
    %dot_general3A_134 = arith.constant dense<0.000000e+00> : vector<96x96xf32>
    %dot_general3A_135 = tpu.matmul %dot_general3A_133, %get3A_1, %dot_general3A_134 {dimension_numbers = #tpu.dot_dimension_numbers<[1], [1], [0], [0], [0, 0, 1, 0], [], []>, precision = #tpu.contract_precision<fp32>, transpose_lhs_hint = false} : vector<96x48xf32>, vector<96x48xf32>, vector<96x96xf32> -> vector<96x96xf32>
    %swap3A_136 = arith.constant 5 : index
    %swap3A_137 = arith.constant 0 : index
    %swap3A_138 = arith.constant 0 : index
    %swap3A_139 = vector.load %arg4[%swap3A_136, %swap3A_137, %swap3A_138] : memref<8x96x96xf32, #tpu.memory_space<vmem>>, vector<1x96x96xf32>
    %swap3A_140 = vector.shape_cast %swap3A_139 : vector<1x96x96xf32> to vector<96x96xf32>
    %swap3A_141 = vector.shape_cast %dot_general3A_135 : vector<96x96xf32> to vector<1x96x96xf32>
    tpu.vector_store %arg4[%swap3A_136, %swap3A_137, %swap3A_138], %swap3A_141 {strides = array<i32>} : memref<8x96x96xf32, #tpu.memory_space<vmem>>, vector<1x96x96xf32>,
    %get3A_142 = arith.constant 5 : index
    %get3A_143 = arith.constant 0 : index
    %get3A_144 = arith.constant 0 : index
    %get3A_145 = vector.load %arg3[%get3A_142, %get3A_143, %get3A_144] : memref<8x96x96xf32, #tpu.memory_space<vmem>>, vector<1x96x96xf32>
    %get3A_146 = vector.shape_cast %get3A_145 : vector<1x96x96xf32> to vector<96x96xf32>
    %sub3A_147 = arith.subf %dot_general3A_135, %get3A_146 : vector<96x96xf32>
    %mul3A_148 = arith.mulf %sub3A_147, %sub3A_147 : vector<96x96xf32>
    %reduce_sum3A_149 = vector.shape_cast %mul3A_148 : vector<96x96xf32> to vector<1x96x96xf32>
    %reduce_sum3A_150 = arith.constant dense<0.000000e+00> : vector<1xf32>
    %reduce_sum3A_151 = vector.multi_reduction <add>, %reduce_sum3A_149, %reduce_sum3A_150 [1, 2] : vector<1x96x96xf32> to vector<1xf32>
    %reduce_sum3A_152 = vector.shape_cast %reduce_sum3A_151 : vector<1xf32> to vector<1x1x1xf32>
    %reduce_sum3A_153 = vector.extract %reduce_sum3A_152[0, 0, 0] : f32 from vector<1x1x1xf32>
    %add3A_154 = arith.addf %add3A_129, %reduce_sum3A_153 : f32
    %slice3A_155 = vector.extract_strided_slice %concatenate3A {offsets = [6, 0, 0], sizes = [1, 48, 48], strides = [1, 1, 1]} : vector<8x48x48xf32> to vector<1x48x48xf32>
    %squeeze3A_156 = vector.shape_cast %slice3A_155 : vector<1x48x48xf32> to vector<48x48xf32>
    %dot_general3A_157 = arith.constant dense<0.000000e+00> : vector<96x48xf32>
    %dot_general3A_158 = tpu.matmul %get3A_1, %squeeze3A_156, %dot_general3A_157 {dimension_numbers = #tpu.dot_dimension_numbers<[1], [0], [0], [1], [0, 0, 1, 1], [], []>, precision = #tpu.contract_precision<fp32>, transpose_lhs_hint = false} : vector<96x48xf32>, vector<48x48xf32>, vector<96x48xf32> -> vector<96x48xf32>
    %dot_general3A_159 = arith.constant dense<0.000000e+00> : vector<96x96xf32>
    %dot_general3A_160 = tpu.matmul %dot_general3A_158, %get3A_1, %dot_general3A_159 {dimension_numbers = #tpu.dot_dimension_numbers<[1], [1], [0], [0], [0, 0, 1, 0], [], []>, precision = #tpu.contract_precision<fp32>, transpose_lhs_hint = false} : vector<96x48xf32>, vector<96x48xf32>, vector<96x96xf32> -> vector<96x96xf32>
    %swap3A_161 = arith.constant 6 : index
    %swap3A_162 = arith.constant 0 : index
    %swap3A_163 = arith.constant 0 : index
    %swap3A_164 = vector.load %arg4[%swap3A_161, %swap3A_162, %swap3A_163] : memref<8x96x96xf32, #tpu.memory_space<vmem>>, vector<1x96x96xf32>
    %swap3A_165 = vector.shape_cast %swap3A_164 : vector<1x96x96xf32> to vector<96x96xf32>
    %swap3A_166 = vector.shape_cast %dot_general3A_160 : vector<96x96xf32> to vector<1x96x96xf32>
    tpu.vector_store %arg4[%swap3A_161, %swap3A_162, %swap3A_163], %swap3A_166 {strides = array<i32>} : memref<8x96x96xf32, #tpu.memory_space<vmem>>, vector<1x96x96xf32>,
    %get3A_167 = arith.constant 6 : index
    %get3A_168 = arith.constant 0 : index
    %get3A_169 = arith.constant 0 : index
    %get3A_170 = vector.load %arg3[%get3A_167, %get3A_168, %get3A_169] : memref<8x96x96xf32, #tpu.memory_space<vmem>>, vector<1x96x96xf32>
    %get3A_171 = vector.shape_cast %get3A_170 : vector<1x96x96xf32> to vector<96x96xf32>
    %sub3A_172 = arith.subf %dot_general3A_160, %get3A_171 : vector<96x96xf32>
    %mul3A_173 = arith.mulf %sub3A_172, %sub3A_172 : vector<96x96xf32>
    %reduce_sum3A_174 = vector.shape_cast %mul3A_173 : vector<96x96xf32> to vector<1x96x96xf32>
    %reduce_sum3A_175 = arith.constant dense<0.000000e+00> : vector<1xf32>
    %reduce_sum3A_176 = vector.multi_reduction <add>, %reduce_sum3A_174, %reduce_sum3A_175 [1, 2] : vector<1x96x96xf32> to vector<1xf32>
    %reduce_sum3A_177 = vector.shape_cast %reduce_sum3A_176 : vector<1xf32> to vector<1x1x1xf32>
    %reduce_sum3A_178 = vector.extract %reduce_sum3A_177[0, 0, 0] : f32 from vector<1x1x1xf32>
    %add3A_179 = arith.addf %add3A_154, %reduce_sum3A_178 : f32
    %slice3A_180 = vector.extract_strided_slice %concatenate3A {offsets = [7, 0, 0], sizes = [1, 48, 48], strides = [1, 1, 1]} : vector<8x48x48xf32> to vector<1x48x48xf32>
    %squeeze3A_181 = vector.shape_cast %slice3A_180 : vector<1x48x48xf32> to vector<48x48xf32>
    %dot_general3A_182 = arith.constant dense<0.000000e+00> : vector<96x48xf32>
    %dot_general3A_183 = tpu.matmul %get3A_1, %squeeze3A_181, %dot_general3A_182 {dimension_numbers = #tpu.dot_dimension_numbers<[1], [0], [0], [1], [0, 0, 1, 1], [], []>, precision = #tpu.contract_precision<fp32>, transpose_lhs_hint = false} : vector<96x48xf32>, vector<48x48xf32>, vector<96x48xf32> -> vector<96x48xf32>
    %dot_general3A_184 = arith.constant dense<0.000000e+00> : vector<96x96xf32>
    %dot_general3A_185 = tpu.matmul %dot_general3A_183, %get3A_1, %dot_general3A_184 {dimension_numbers = #tpu.dot_dimension_numbers<[1], [1], [0], [0], [0, 0, 1, 0], [], []>, precision = #tpu.contract_precision<fp32>, transpose_lhs_hint = false} : vector<96x48xf32>, vector<96x48xf32>, vector<96x96xf32> -> vector<96x96xf32>
    %swap3A_186 = arith.constant 7 : index
    %swap3A_187 = arith.constant 0 : index
    %swap3A_188 = arith.constant 0 : index
    %swap3A_189 = vector.load %arg4[%swap3A_186, %swap3A_187, %swap3A_188] : memref<8x96x96xf32, #tpu.memory_space<vmem>>, vector<1x96x96xf32>
    %swap3A_190 = vector.shape_cast %swap3A_189 : vector<1x96x96xf32> to vector<96x96xf32>
    %swap3A_191 = vector.shape_cast %dot_general3A_185 : vector<96x96xf32> to vector<1x96x96xf32>
    tpu.vector_store %arg4[%swap3A_186, %swap3A_187, %swap3A_188], %swap3A_191 {strides = array<i32>} : memref<8x96x96xf32, #tpu.memory_space<vmem>>, vector<1x96x96xf32>,
    %get3A_192 = arith.constant 7 : index
    %get3A_193 = arith.constant 0 : index
    %get3A_194 = arith.constant 0 : index
    %get3A_195 = vector.load %arg3[%get3A_192, %get3A_193, %get3A_194] : memref<8x96x96xf32, #tpu.memory_space<vmem>>, vector<1x96x96xf32>
    %get3A_196 = vector.shape_cast %get3A_195 : vector<1x96x96xf32> to vector<96x96xf32>
    %sub3A_197 = arith.subf %dot_general3A_185, %get3A_196 : vector<96x96xf32>
    %mul3A_198 = arith.mulf %sub3A_197, %sub3A_197 : vector<96x96xf32>
    %reduce_sum3A_199 = vector.shape_cast %mul3A_198 : vector<96x96xf32> to vector<1x96x96xf32>
    %reduce_sum3A_200 = arith.constant dense<0.000000e+00> : vector<1xf32>
    %reduce_sum3A_201 = vector.multi_reduction <add>, %reduce_sum3A_199, %reduce_sum3A_200 [1, 2] : vector<1x96x96xf32> to vector<1xf32>
    %reduce_sum3A_202 = vector.shape_cast %reduce_sum3A_201 : vector<1xf32> to vector<1x1x1xf32>
    %reduce_sum3A_203 = vector.extract %reduce_sum3A_202[0, 0, 0] : f32 from vector<1x1x1xf32>
    %add3A_204 = arith.addf %add3A_179, %reduce_sum3A_203 : f32
    %mul3A_205 = arith.constant 1.35633682E-5 : f32
    %mul3A_206 = arith.mulf %add3A_204, %mul3A_205 : f32
    %swap3A_207 = arith.constant 0 : index
    %swap3A_208 = arith.constant 0 : index
    %swap3A_209 = memref.load %arg5[%swap3A_207, %swap3A_208] : memref<1x1xf32, #tpu.memory_space<smem>>
    memref.store %mul3A_206, %arg5[%swap3A_207, %swap3A_208] : memref<1x1xf32, #tpu.memory_space<smem>>
    return
  }
}

</mosaic_0001>

<sc_bundles>
// kernel: kernel.5.cloned.1.call-start
scs
__scs_entry_jumppad:
0x0: {  	(pc) =	sbr.rel $0x88, $3  }
0x1: {  	(tag) =	ssettag $0x0;
	lr =	simm.s32 $0x1  }
0x2: {  	[smem:$0x3F9F] =	sst lr;
	_ =	strace $0xD0000000  }
0x3: {  	_ = 	snop  }
0x4: {  	_ = 	snop  }
0x5: {  	_ = 	snop  }
0x6: {  	_ = 	snop  }
0x7: {  	_ = 	snop  }
__scs_overlays_trampoline_lowered:
0x8: {  	[smem:$0x3FAE] =	sst s0  }
0x9: {  	[smem:$0x3FAF] =	sst s1  }
0xa: {  	[smem:$0x3FB0] =	sst s2  }
0xb: {  	[smem:$0x3FB1] =	sst s3  }
0xc: {  	[smem:$0x3FB2] =	sst s4  }
0xd: {  	[smem:$0x3FB3] =	sst s5  }
0xe: {  	[smem:$0x3FB4] =	sst s6  }
0xf: {  	[smem:$0x3FB5] =	sst s7  }
0x10: {  	[smem:$0x3FB6] =	sst s8  }
0x11: {  	[smem:$0x3FB7] =	sst s9;
	s0 =	simm.s32 @!p0 $0x0  }
0x12: {  	s1 =	sld [smem:$0x3F9D];
	s0 =	simm.s32 @p0 $0x1  }
0x13: {  	[smem:$0x3FB8] =	sst s0;
	s0 =	simm.s32 @!p1 $0x0  }
0x14: {  	s2 =	sld [smem:$0x3F9C];
	s0 =	simm.s32 @p1 $0x1  }
0x15: {  	[smem:$0x3FB9] =	sst s0;
	s0 =	simm.s32 @!p2 $0x0  }
0x16: {  	s3 =	sld [smem:$0x3FDB];
	s0 =	simm.s32 @p2 $0x1  }
0x17: {  	s4 =	simm.s32 $0x1BF5;
	[smem:$0x3FBB] =	sst s0  }
0x18: {  	s0 =	sld [smem:$0x3F9E];
	_ =	swait.ge [sflag:s4], $0x0  }
0x19: {  	s7 =	sld [smem:$0x3F9F]  }
0x1a: {  	s8 =	sadd.s32 $0xFFFFE003, lr  }
0x1b: {  	s9 =	sadd.s32 $0xFFFFFEF7, lr;
	s5 =	simm.s32 $0xFFFFFFFF;
	p2 =	slt.u32 s8, $0xFFFFF086  }
0x1c: {  	p1 =	slt.u32 s9, $0xF7A;
	s5 =	simm.s32 @!p2 $0x0  }
0x1d: {  	s5 =	simm.s32 @p1 $0x1;
	p0 =	seq.s32 s7, s2  }
0x1e: {  	s7 =	smul.u32 @!p0 $0xF7A, s2;
	p2 =	seq.s32 @!p0 s5, $0x0  }
0x1f: {  	s9 =	smul.u32 $0xF7A, s1;
	s8 =	simm.s32 @!p0 $0x1BF5;
	p2 =	por !p2, p0  }
0x20: {  	[sflag:s8] =	ssyncset.s32 @!p0 $0xFFFFF086;
	s6 =	sadd.s32 @!p0 s3, s7;
	s7 =	simm.s32 @!p0 $0x108  }
0x21: {  	s3 =	sadd.s32 s3, s9;
	s6 =	sadd.s32 @!p0 $0x88, s6;
	s7 =	simm.s32 @p2 $0x1082  }
0x22: {  	[simem:s7], [sflag:s8] =	dma.local @!p0 [hbm:s6], $0xF7A  }
0x23: {  	s9 =	sor.u32 $0xD0000000, s2;
	s6 =	simm.s32 $0x108;
	_ =	swait.ge @!p0 [sflag:s8], $0x0  }
0x24: {  	s3 =	sadd.s32 $0x88, s3;
	s6 =	simm.s32 @!p1 $0x1082;
	[sflag:s4] =	ssyncset.s32 $0xFFFFF086  }
0x25: {  	[simem:s6], [sflag:s4] =	dma.local [hbm:s3], $0xF7A  }
0x26: {  	[smem:$0x3F9F] =	sst s1;
	(tag) =	ssettag s2;
	_ =	strace s9  }
0x27: {  	s1 =	sld [smem:$0x3FAF]  }
0x28: {  	s2 =	sld [smem:$0x3FB0]  }
0x29: {  	s4 =	sld [smem:$0x3FB2]  }
0x2a: {  	p0 =	seq.s32 s5, $0x0;
	s5 =	sld [smem:$0x3FB3]  }
0x2b: {  	s6 =	sld [smem:$0x3FB4]  }
0x2c: {  	s7 =	sld [smem:$0x3FB5]  }
0x2d: {  	s3 =	simm.s32 $0x108;
	s8 =	sld [smem:$0x3FB6]  }
0x2e: {  	s3 =	simm.s32 @!p0 $0x1082;
	s9 =	sld [smem:$0x3FB7]  }
0x2f: {  	lr =	sadd.s32 s0, s3;
	s0 =	sld [smem:$0x3FAE]  }
0x30: {  	s3 =	sld [smem:$0x3FB1]  }
0x31: {  	[smem:$0x3FBA] =	sst s10  }
0x32: {  	s10 =	sld [smem:$0x3FB8];
	_ =	sdelay $0x3  }
0x33: {  	p0 =	seq.s32 s10, $0x1;
	s10 =	sld [smem:$0x3FBA];
	_ =	sdelay $0x3  }
0x34: {  	[smem:$0x3FBA] =	sst s10  }
0x35: {  	s10 =	sld [smem:$0x3FB9];
	_ =	sdelay $0x3  }
0x36: {  	p1 =	seq.s32 s10, $0x1;
	s10 =	sld [smem:$0x3FBA];
	_ =	sdelay $0x3  }
0x37: {  	[smem:$0x3FBA] =	sst s10  }
0x38: {  	s10 =	sld [smem:$0x3FBB]  }
0x39: {  	_ = 	snop;
	(pc) =	sbr.ind lr, $3  }
0x3a: {  	_ = 	snop  }
0x3b: {  	_ = 	snop  }
0x3c: {  	p2 =	seq.s32 s10, $0x1;
	s10 =	sld [smem:$0x3FBA]  }
0x3d: {  	_ =	shalt  }
0x3e: {  	_ =	shalt  }
0x3f: {  	_ =	shalt  }
0x40: {  	_ =	shalt  }
0x41: {  	_ =	shalt  }
0x42: {  	_ =	shalt  }
0x43: {  	_ =	shalt  }
0x44: {  	_ =	shalt  }
0x45: {  	_ =	shalt  }
0x46: {  	_ =	shalt  }
0x47: {  	_ =	shalt  }
0x48: {  	_ =	shalt  }
0x49: {  	_ =	shalt  }
0x4a: {  	_ =	shalt  }
0x4b: {  	_ =	shalt  }
0x4c: {  	_ =	shalt  }
0x4d: {  	_ =	shalt  }
0x4e: {  	_ =	shalt  }
0x4f: {  	_ =	shalt  }
0x50: {  	_ =	shalt  }
0x51: {  	_ =	shalt  }
0x52: {  	_ =	shalt  }
0x53: {  	_ =	shalt  }
0x54: {  	_ =	shalt  }
0x55: {  	_ =	shalt  }
0x56: {  	_ =	shalt  }
0x57: {  	_ =	shalt  }
0x58: {  	_ =	shalt  }
0x59: {  	_ =	shalt  }
0x5a: {  	_ =	shalt  }
0x5b: {  	_ =	shalt  }
0x5c: {  	_ =	shalt  }
0x5d: {  	_ =	shalt  }
0x5e: {  	_ =	shalt  }
0x5f: {  	_ =	shalt  }
0x60: {  	_ =	shalt  }
0x61: {  	_ =	shalt  }
0x62: {  	_ =	shalt  }
0x63: {  	_ =	shalt  }
0x64: {  	_ =	shalt  }
0x65: {  	_ =	shalt  }
0x66: {  	_ =	shalt  }
0x67: {  	_ =	shalt  }
0x68: {  	_ =	shalt  }
0x69: {  	_ =	shalt  }
0x6a: {  	_ =	shalt  }
0x6b: {  	_ =	shalt  }
0x6c: {  	_ =	shalt  }
0x6d: {  	_ =	shalt  }
0x6e: {  	_ =	shalt  }
0x6f: {  	_ =	shalt  }
0x70: {  	_ =	shalt  }
0x71: {  	_ =	shalt  }
0x72: {  	_ =	shalt  }
0x73: {  	_ =	shalt  }
0x74: {  	_ =	shalt  }
0x75: {  	_ =	shalt  }
0x76: {  	_ =	shalt  }
0x77: {  	_ =	shalt  }
0x78: {  	_ =	shalt  }
0x79: {  	_ =	shalt  }
0x7a: {  	_ =	shalt  }
0x7b: {  	_ =	shalt  }
0x7c: {  	_ =	shalt  }
0x7d: {  	_ =	shalt  }
0x7e: {  	_ =	shalt  }
0x7f: {  	_ =	shalt  }
0x80: {  	_ =	shalt  }
0x81: {  	_ =	shalt  }
0x82: {  	_ =	shalt  }
0x83: {  	_ =	shalt  }
0x84: {  	_ =	shalt  }
0x85: {  	_ =	shalt  }
0x86: {  	_ =	shalt  }
0x87: {  	_ =	shalt  }
.Lfunc_end0:
.L_simem_size_0:
called_computation_lowered:
.L_overlay_start_0:
0x88: {  	s2 =	sld [smem:$0x3FD9]  }
0x89: {  	s3 =	sld [smem:$0x3FFE];
	_ =	sdelay $0x1  }
0x8a: {  	s1 =	srdreg.scid  }
0x8b: {  	s0 =	sand.u32 $0x1, s1  }
0x8c: {  	s15 =	sshll.u32 s0, $0xA;
	s2 =	sadd.s32 s3, s2  }
0x8d: {  	s2 =	sadd.s32 s2, s15  }
0x8e: {  	[smem:$0x3FC6] =	sst s2  }
0x8f: {  	_ = 	snop  }
0x90: {  	s2 =	sld [smem:$0x3FD0];
	_ =	sdelay $0x2  }
0x91: {  	s4 =	simm.s32 $0xA;
	s5 =	simm.s32 $0x10;
	s16 =	sld [smem:$0x3FC9]  }
0x92: {  	[smem:s5], [sflag:s4] =	dma.local [hbm:s2], $0x1  }
0x93: {  	_ =	swait.eq [sflag:s4], $0x1  }
0x94: {  	[sflag:s4] =	ssyncset.done $0x0  }
0x95: {  	[sflag:s4] =	ssyncadd.s32 $0xFFFFFFFF  }
0x96: {  	s17 =	sld [smem:$0x11];
	(tm) =	ssettm $0x1  }
0x97: {  	s18 =	sld [smem:$0x3FFB];
	_ =	sdelay $0x3  }
0x98: {  	_ =	strace s18  }
0x99: {  	s4 =	sld [smem:$0x3FFC];
	_ =	sdelay $0x3  }
0x9a: {  	_ =	strace s4  }
0x9b: {  	s4 =	sld [smem:$0x3FFD];
	_ =	sdelay $0x3  }
0x9c: {  	_ =	strace s4  }
0x9d: {  	_ =	strace $0x8FFFFFFF  }
0x9e: {  	s19 =	sld [smem:$0x3FDB];
	_ =	sdelay $0x1  }
0x9f: {  	s20 =	simm.s32 $_scs_section_size  }
0xa0: {  	s6 =	simm.s32 $_size__tile_overlayer_lowered;
	s7 =	simm.s32 $_tile_overlayer_lowered  }
0xa1: {  	s23 =	simm.s32 $0x1BFF;
	s22 =	sshll.u32 s7, $0x1;
	s4 =	sadd.s32 s20, s19  }
0xa2: {  	s8 =	simm.s32 $0x0;
	s21 =	sshll.u32 s6, $0x1;
	s6 =	sadd.s32 s22, s4  }
0xa3: {  	[timem:s8], [sflag:s23] =	dma.local [hbm:s6], s21  }
0xa4: {  	_ =	swait.ge [sflag:s23], s21  }
0xa5: {  	s5 =	ssub.s32 $0x0, s21;
	[sflag:s23] =	ssyncset.done $0x0  }
0xa6: {  	[sflag:s23] =	ssyncadd.s32 s5;
	_ =	sdelay $0x1  }
0xa7: {  	s24 =	simm.s32 $0x1B8B  }
0xa8: {  	_ =	swait.ge [sflag:s24], $0x1  }
0xa9: {  	[sflag:s24] =	ssyncset.done $0x0  }
0xaa: {  	s25 =	simm.s32 $0x1B8E;
	[sflag:s24] =	ssyncadd.s32 $0xFFFFFFFF  }
0xab: {  	s26 =	simm.s32 $execute0_lowered;
	[smem:$0x3FD2] =	sst s25  }
0xac: {  	s5 =	sshll.u32 s26, $0x1;
	_ =	strace $0x80000046;
	[dreg:$0x1] =	wrdreg $0xFFFFFFFF  }
0xad: {  	s28 =	simm.s32 $_size_execute0_lowered;
	s4 =	sadd.s32 s4, s5;
	[dreg:$0x0] =	wrdreg $0x0  }
0xae: {  	s5 =	sshll.u32 s28, $0x1;
	[dreg:$0x2] =	wrdreg s4  }
0xaf: {  	[dreg:$0x3] =	wrdreg s5  }
0xb0: {  	[dreg:$0x4] =	wrdreg $0xC0  }
0xb1: {  	_ =	task [dreg:s8], $0x5FFFF  }
0xb2: {  	[dreg:$0x1] =	wrdreg $0xFFFFFFFF  }
0xb3: {  	[dreg:$0x0] =	wrdreg $0x60  }
0xb4: {  	[dreg:$0x2] =	wrdreg s16  }
0xb5: {  	[dreg:$0x3] =	wrdreg s17  }
0xb6: {  	[dreg:$0x4] =	wrdreg $0x9  }
0xb7: {  	_ =	task.clear_ibuf [dreg:s8], $0x5FFFF;
	_ =	strace $0x90000046  }
0xb8: {  	s29 =	simm.s32 $0x9;
	_ =	strace $0x80000048  }
0xb9: {  	_ =	swait.ge [sflag:s29], $0x1  }
0xba: {  	[sflag:s29] =	ssyncadd.s32 $0xFFFFFFFF  }
0xbb: {  	_ =	strace $0x90000048  }
0xbc: {  	_ =	sfence  }
0xbd: {  	s30 =	sld [smem:$0x0];
	_ =	sdelay $0x2  }
0xbe: {  	s31 =	sshll.u32 s1, $0xD;
	s1 =	sshrl.u32 s1, $0x2  }
0xbf: {  	s3 =	sand.u32 $0x4000, s31;
	s1 =	sadd.s32 s1, s30  }
0xc0: {  	s0 =	sor.u32 s3, s0;
	s1 =	sshll.u32 s1, $0x11  }
0xc1: {  	s0 =	sor.u32 s1, s0  }
0xc2: {  	s0 =	sadd.s32 $0x8F2B, s0  }
0xc3: {  	[sflag:s0] =	ssyncadd.remote.s32 $0x1  }
0xc4: {  	_ =	sfence.sel $0xFFFF  }
0xc5: {  	[dreg:$0x0] =	wrdreg $0xFFFFFFFF;
	(pc) =	sbr.abs _section_cstart, $3  }
0xc6: {  	[dreg:$0x1] =	wrdreg $0xFFFFFFFF  }
0xc7: {  	_ =	task.clear_ibuf [dreg:s8], $0x2FFFF;
	_ =	strace $0x9FFFFFFF  }
0xc8: {  	(tm) =	ssettm $0x7FFFFFFF  }
0xc9: {  	_ =	shalt  }
tec
execute0_lowered:
.L_overlay_start_1:
0x0: {  	(tag) =	ssettag $0x1  }
0x1: {  	s1 =	srdreg.scid;
	s0 =	stileid.u32  }
0x2: {  	s4 =	sand.u32 $0x1, s1;
	s26 =	sshll.u32 s0, $0x1  }
0x3: {  	s5 =	sor.u32 s4, s26  }
0x4: {  	s7 =	smul.u32 $0xC0, s5;
	_ =	sdelay $0x1  }
0x5: {  	s2 =	sor.u32 $0x8, s7  }
0x6: {  	s8 =	rddreg [dreg:$0x1];
	s28 =	smul.u32 $0xAAB, s2  }
0x7: {  	s12 =	simm.s32 $0x2;
	s13 =	simm.s32 $0x18000;
	s14 =	simm.s32 $0x3  }
0x8: {  	s15 =	simm.s32 $0x0;
	s1 =	rddreg [dreg:$0x0];
	s3 =	sshrl.u32 s28, $0x11  }
0x9: {  	s6 =	sshrl.u32 s0, $0x1;
	s4 =	ssub.s32 $0x2, s4;
	s3 =	smul.u32 $0x30, s3  }
0xa: {  	s6 =	smul.u32 $0xD80000, s6;
	s9 =	sshll.u32 s5, $0x2;
	s11 =	sshrl.u32 s4, $0x1  }
0xb: {  	s31 =	smul.u32 $0x180, s5;
	s9 =	sand.u32 $0xC, s9;
	s3 =	ssub.s32 s2, s3  }
0xc: {  	s29 =	ssub.s32 s4, s11;
	s9 =	smul.u32 $0x48000, s9;
	s10 =	sand.u32 $0xFFF8, s3  }
0xd: {  	s11 =	simm.s32 $0x1;
	s8 =	sadd.s32 s8, s31;
	s10 =	smul.u32 $0x1800, s10  }
.Ltmp0:
0xe: {  	s2 =	rddreg [dreg:$0x2];
	s3 =	simm.s32 $0x0;
	(pc) =	sbr.rel .LBB2_1-.Ltmp0, $4  }
0xf: {  	s6 =	sadd.s32 s6, s9;
	s9 =	smax.u32 s29, $0x1;
	[smem:$0x7FF] =	sst s3  }
0x10: {  	_ =	strace $0x80000047;
	s30 =	sadd.s32 s10, s6;
	s6 =	sshrl.u32 s6, $0x3  }
0x11: {  	s10 =	sshrl.u32 s30, $0x3;
	s4 =	sadd.s32 s1, s6;
	s6 =	sor.u32 $0x10, s7  }
0x12: {  	s7 =	sor.u32 $0x18, s7;
	s5 =	sadd.s32 s1, s10;
	s10 =	simm.s32 $0xC000  }
.LBB2_8:
0x13: {  	s15 =	sadd.s32 $0x1, s15  }
0x14: {  	p0 =	sne.s32 s15, s9  }
.Ltmp1:
0x15: {  	_ = 	snop;
	(pc) =	sbr.rel @!p0 .LBB2_9-.Ltmp1, $4  }
0x16: {  	[hbm4b:s8+s3] =	stream.linear.scatter [tilespmem:s13], [sflag:$0x3], $0xC00, $0x38;
	[tilespmem:$0x18C00] =	vst v63  }
0x17: {  	_ =	swait.ge [sflag:s14], $0xC00  }
0x18: {  	[sflag:s14] =	ssyncset.done $0x0  }
0x19: {  	[sflag:s14] =	ssyncadd.s32 $0xFFFFF400  }
.LBB2_1:
0x1a: {  	[tilespmem:s3], [sflag:$0x1] =	stream.linear.gather [hbm4b:s4+s3], $0xC000, $0x38;
	[tilespmem:$0x18C00] =	vst v63  }
0x1b: {  	s16 =	simm.s32 $0x18080;
	s17 =	simm.s32 $0x18000;
	s18 =	simm.s32 $0x0  }
0x1c: {  	[tilespmem:s10], [sflag:$0x2] =	stream.linear.gather [hbm4b:s5+s3], $0xC000, $0x38;
	[tilespmem:$0x18C00] =	vst v63  }
.LBB2_2:
0x1d: {  	_ =	swait.ge [sflag:s11], $0xC000  }
0x1e: {  	[sflag:s11] =	ssyncset.done $0x0  }
0x1f: {  	s19 =	simm.s32 $0xC00;
	[sflag:s11] =	ssyncadd.s32 $0xFFFF4000  }
0x20: {  	v0 =	vld [tilespmem:s19+$0xFFFFF400];
	_ =	sdelay $0x1  }
0x21: {  	v1 =	vld [tilespmem:s19+$0xFFFFF410];
	_ =	sdelay $0x1  }
0x22: {  	v2 =	vld [tilespmem:s19+$0xFFFFF420]  }
0x23: {  	v0 =	vadd.f32 $0.0e+00, v0  }
0x24: {  	v3 =	vld [tilespmem:s19+$0xFFFFF480]  }
0x25: {  	v0 =	vadd.f32 v1, v0  }
0x26: {  	v1 =	vld [tilespmem:s19+$0xFFFFF490]  }
0x27: {  	v0 =	vadd.f32 v2, v0  }
0x28: {  	v2 =	vld [tilespmem:s19+$0xFFFFF4A0]  }
0x29: {  	v0 =	vadd.f32 v3, v0  }
0x2a: {  	v3 =	vld [tilespmem:s19+$0xFFFFF500]  }
0x2b: {  	v0 =	vadd.f32 v1, v0  }
0x2c: {  	v1 =	vld [tilespmem:s19+$0xFFFFF510]  }
0x2d: {  	v0 =	vadd.f32 v2, v0  }
0x2e: {  	v2 =	vld [tilespmem:s19+$0xFFFFF520]  }
0x2f: {  	v0 =	vadd.f32 v3, v0  }
0x30: {  	v3 =	vld [tilespmem:s19+$0xFFFFF580]  }
0x31: {  	v0 =	vadd.f32 v1, v0  }
0x32: {  	v1 =	vld [tilespmem:s19+$0xFFFFF590]  }
0x33: {  	v0 =	vadd.f32 v2, v0  }
0x34: {  	v2 =	vld [tilespmem:s19+$0xFFFFF5A0]  }
0x35: {  	v0 =	vadd.f32 v3, v0  }
0x36: {  	v3 =	vld [tilespmem:s19+$0xFFFFF600]  }
0x37: {  	v0 =	vadd.f32 v1, v0  }
0x38: {  	v1 =	vld [tilespmem:s19+$0xFFFFF610]  }
0x39: {  	v0 =	vadd.f32 v2, v0  }
0x3a: {  	v2 =	vld [tilespmem:s19+$0xFFFFF620]  }
0x3b: {  	v0 =	vadd.f32 v3, v0  }
0x3c: {  	v3 =	vld [tilespmem:s19+$0xFFFFF680]  }
0x3d: {  	v0 =	vadd.f32 v1, v0  }
0x3e: {  	v1 =	vld [tilespmem:s19+$0xFFFFF690]  }
0x3f: {  	v0 =	vadd.f32 v2, v0  }
0x40: {  	v2 =	vld [tilespmem:s19+$0xFFFFF6A0]  }
0x41: {  	v0 =	vadd.f32 v3, v0  }
0x42: {  	v3 =	vld [tilespmem:s19+$0xFFFFF700]  }
0x43: {  	v0 =	vadd.f32 v1, v0  }
0x44: {  	v1 =	vld [tilespmem:s19+$0xFFFFF710]  }
0x45: {  	v0 =	vadd.f32 v2, v0  }
0x46: {  	v2 =	vld [tilespmem:s19+$0xFFFFF720]  }
0x47: {  	v0 =	vadd.f32 v3, v0  }
0x48: {  	v3 =	vld [tilespmem:s19+$0xFFFFF780]  }
0x49: {  	v0 =	vadd.f32 v1, v0  }
0x4a: {  	v1 =	vld [tilespmem:s19+$0xFFFFF790]  }
0x4b: {  	v0 =	vadd.f32 v2, v0  }
0x4c: {  	v2 =	vld [tilespmem:s19+$0xFFFFF7A0]  }
0x4d: {  	v0 =	vadd.f32 v3, v0  }
0x4e: {  	v3 =	vld [tilespmem:s19+$0xFFFFF800]  }
0x4f: {  	v0 =	vadd.f32 v1, v0  }
0x50: {  	v1 =	vld [tilespmem:s19+$0xFFFFF810]  }
0x51: {  	v0 =	vadd.f32 v2, v0  }
0x52: {  	v2 =	vld [tilespmem:s19+$0xFFFFF820]  }
0x53: {  	v0 =	vadd.f32 v3, v0  }
0x54: {  	v3 =	vld [tilespmem:s19+$0xFFFFF880]  }
0x55: {  	v0 =	vadd.f32 v1, v0  }
0x56: {  	v1 =	vld [tilespmem:s19+$0xFFFFF890]  }
0x57: {  	v0 =	vadd.f32 v2, v0  }
0x58: {  	v2 =	vld [tilespmem:s19+$0xFFFFF8A0]  }
0x59: {  	v0 =	vadd.f32 v3, v0  }
0x5a: {  	v3 =	vld [tilespmem:s19+$0xFFFFF900]  }
0x5b: {  	v0 =	vadd.f32 v1, v0  }
0x5c: {  	v1 =	vld [tilespmem:s19+$0xFFFFF910]  }
0x5d: {  	v0 =	vadd.f32 v2, v0  }
0x5e: {  	v2 =	vld [tilespmem:s19+$0xFFFFF920]  }
0x5f: {  	v0 =	vadd.f32 v3, v0  }
0x60: {  	v3 =	vld [tilespmem:s19+$0xFFFFF980]  }
0x61: {  	v0 =	vadd.f32 v1, v0  }
0x62: {  	v1 =	vld [tilespmem:s19+$0xFFFFF990]  }
0x63: {  	v0 =	vadd.f32 v2, v0  }
0x64: {  	v2 =	vld [tilespmem:s19+$0xFFFFF9A0]  }
0x65: {  	v0 =	vadd.f32 v3, v0  }
0x66: {  	v3 =	vld [tilespmem:s19+$0xFFFFFA00]  }
0x67: {  	v0 =	vadd.f32 v1, v0  }
0x68: {  	v1 =	vld [tilespmem:s19+$0xFFFFFA10]  }
0x69: {  	v0 =	vadd.f32 v2, v0  }
0x6a: {  	v2 =	vld [tilespmem:s19+$0xFFFFFA20]  }
0x6b: {  	v0 =	vadd.f32 v3, v0  }
0x6c: {  	v3 =	vld [tilespmem:s19+$0xFFFFFA80]  }
0x6d: {  	v0 =	vadd.f32 v1, v0  }
0x6e: {  	v1 =	vld [tilespmem:s19+$0xFFFFFA90]  }
0x6f: {  	v0 =	vadd.f32 v2, v0  }
0x70: {  	v2 =	vld [tilespmem:s19+$0xFFFFFAA0]  }
0x71: {  	v0 =	vadd.f32 v3, v0  }
0x72: {  	v3 =	vld [tilespmem:s19+$0xFFFFFB00]  }
0x73: {  	v0 =	vadd.f32 v1, v0  }
0x74: {  	v1 =	vld [tilespmem:s19+$0xFFFFFB10]  }
0x75: {  	v0 =	vadd.f32 v2, v0  }
0x76: {  	v2 =	vld [tilespmem:s19+$0xFFFFFB20]  }
0x77: {  	v0 =	vadd.f32 v3, v0  }
0x78: {  	v3 =	vld [tilespmem:s19+$0xFFFFFB80]  }
0x79: {  	v0 =	vadd.f32 v1, v0  }
0x7a: {  	v1 =	vld [tilespmem:s19+$0xFFFFFB90]  }
0x7b: {  	v0 =	vadd.f32 v2, v0  }
0x7c: {  	v2 =	vld [tilespmem:s19+$0xFFFFFBA0]  }
0x7d: {  	v0 =	vadd.f32 v3, v0  }
0x7e: {  	v3 =	vld [tilespmem:s19+$0xFFFFFC00]  }
0x7f: {  	v0 =	vadd.f32 v1, v0  }
0x80: {  	v1 =	vld [tilespmem:s19+$0xFFFFFC10]  }
0x81: {  	v0 =	vadd.f32 v2, v0  }
0x82: {  	v2 =	vld [tilespmem:s19+$0xFFFFFC20]  }
0x83: {  	v0 =	vadd.f32 v3, v0  }
0x84: {  	v3 =	vld [tilespmem:s19+$0xFFFFFC80]  }
0x85: {  	v0 =	vadd.f32 v1, v0  }
0x86: {  	v1 =	vld [tilespmem:s19+$0xFFFFFC90]  }
0x87: {  	v0 =	vadd.f32 v2, v0  }
0x88: {  	v2 =	vld [tilespmem:s19+$0xFFFFFCA0]  }
0x89: {  	v0 =	vadd.f32 v3, v0  }
0x8a: {  	v3 =	vld [tilespmem:s19+$0xFFFFFD00]  }
0x8b: {  	v0 =	vadd.f32 v1, v0  }
0x8c: {  	v1 =	vld [tilespmem:s19+$0xFFFFFD10]  }
0x8d: {  	v0 =	vadd.f32 v2, v0  }
0x8e: {  	v2 =	vld [tilespmem:s19+$0xFFFFFD20]  }
0x8f: {  	v0 =	vadd.f32 v3, v0  }
0x90: {  	v3 =	vld [tilespmem:s19+$0xFFFFFD80]  }
0x91: {  	v0 =	vadd.f32 v1, v0  }
0x92: {  	v1 =	vld [tilespmem:s19+$0xFFFFFD90]  }
0x93: {  	v0 =	vadd.f32 v2, v0  }
0x94: {  	v2 =	vld [tilespmem:s19+$0xFFFFFDA0]  }
0x95: {  	v0 =	vadd.f32 v3, v0  }
0x96: {  	v3 =	vld [tilespmem:s19+$0xFFFFFE00]  }
0x97: {  	v0 =	vadd.f32 v1, v0  }
0x98: {  	v1 =	vld [tilespmem:s19+$0xFFFFFE10]  }
0x99: {  	v0 =	vadd.f32 v2, v0  }
0x9a: {  	v2 =	vld [tilespmem:s19+$0xFFFFFE20]  }
0x9b: {  	v0 =	vadd.f32 v3, v0  }
0x9c: {  	v3 =	vld [tilespmem:s19+$0xFFFFFE80]  }
0x9d: {  	v0 =	vadd.f32 v1, v0  }
0x9e: {  	v1 =	vld [tilespmem:s19+$0xFFFFFE90]  }
0x9f: {  	v0 =	vadd.f32 v2, v0  }
0xa0: {  	v2 =	vld [tilespmem:s19+$0xFFFFFEA0]  }
0xa1: {  	v0 =	vadd.f32 v3, v0  }
0xa2: {  	v3 =	vld [tilespmem:s19+$0xFFFFFF00]  }
0xa3: {  	v0 =	vadd.f32 v1, v0  }
0xa4: {  	v1 =	vld [tilespmem:s19+$0xFFFFFF10]  }
0xa5: {  	v0 =	vadd.f32 v2, v0  }
0xa6: {  	v2 =	vld [tilespmem:s19+$0xFFFFFF20]  }
0xa7: {  	v0 =	vadd.f32 v3, v0  }
0xa8: {  	v3 =	vld [tilespmem:s19+$0xFFFFFF80]  }
0xa9: {  	v0 =	vadd.f32 v1, v0  }
0xaa: {  	v1 =	vld [tilespmem:s19+$0xFFFFFF90]  }
0xab: {  	v0 =	vadd.f32 v2, v0  }
0xac: {  	v2 =	vld [tilespmem:s19+$0xFFFFFFA0]  }
0xad: {  	v0 =	vadd.f32 v3, v0  }
0xae: {  	v3 =	vld [tilespmem:s19+$0x0]  }
0xaf: {  	v0 =	vadd.f32 v1, v0  }
0xb0: {  	v1 =	vld [tilespmem:s19+$0x10]  }
0xb1: {  	v0 =	vadd.f32 v2, v0  }
0xb2: {  	v2 =	vld [tilespmem:s19+$0x20]  }
0xb3: {  	v0 =	vadd.f32 v3, v0  }
0xb4: {  	v3 =	vld [tilespmem:s19+$0x80]  }
0xb5: {  	v0 =	vadd.f32 v1, v0  }
0xb6: {  	v1 =	vld [tilespmem:s19+$0x90]  }
0xb7: {  	v0 =	vadd.f32 v2, v0  }
0xb8: {  	v2 =	vld [tilespmem:s19+$0xA0]  }
0xb9: {  	v0 =	vadd.f32 v3, v0  }
0xba: {  	v3 =	vld [tilespmem:s19+$0x100]  }
0xbb: {  	v0 =	vadd.f32 v1, v0  }
0xbc: {  	v1 =	vld [tilespmem:s19+$0x110]  }
0xbd: {  	v0 =	vadd.f32 v2, v0  }
0xbe: {  	v2 =	vld [tilespmem:s19+$0x120]  }
0xbf: {  	v0 =	vadd.f32 v3, v0  }
0xc0: {  	v3 =	vld [tilespmem:s19+$0x180]  }
0xc1: {  	v0 =	vadd.f32 v1, v0  }
0xc2: {  	v1 =	vld [tilespmem:s19+$0x190]  }
0xc3: {  	v0 =	vadd.f32 v2, v0  }
0xc4: {  	v2 =	vld [tilespmem:s19+$0x1A0]  }
0xc5: {  	v0 =	vadd.f32 v3, v0  }
0xc6: {  	v3 =	vld [tilespmem:s19+$0x200]  }
0xc7: {  	v0 =	vadd.f32 v1, v0  }
0xc8: {  	v1 =	vld [tilespmem:s19+$0x210]  }
0xc9: {  	v0 =	vadd.f32 v2, v0  }
0xca: {  	v2 =	vld [tilespmem:s19+$0x220]  }
0xcb: {  	v0 =	vadd.f32 v3, v0  }
0xcc: {  	v3 =	vld [tilespmem:s19+$0x280]  }
0xcd: {  	v0 =	vadd.f32 v1, v0  }
0xce: {  	v1 =	vld [tilespmem:s19+$0x290]  }
0xcf: {  	v0 =	vadd.f32 v2, v0  }
0xd0: {  	v2 =	vld [tilespmem:s19+$0x2A0]  }
0xd1: {  	v0 =	vadd.f32 v3, v0  }
0xd2: {  	v3 =	vld [tilespmem:s19+$0x300]  }
0xd3: {  	v0 =	vadd.f32 v1, v0  }
0xd4: {  	v1 =	vld [tilespmem:s19+$0x310]  }
0xd5: {  	v0 =	vadd.f32 v2, v0  }
0xd6: {  	v2 =	vld [tilespmem:s19+$0x320]  }
0xd7: {  	v0 =	vadd.f32 v3, v0  }
0xd8: {  	v3 =	vld [tilespmem:s19+$0x380]  }
0xd9: {  	v0 =	vadd.f32 v1, v0  }
0xda: {  	v1 =	vld [tilespmem:s19+$0x390]  }
0xdb: {  	v0 =	vadd.f32 v2, v0  }
0xdc: {  	v2 =	vld [tilespmem:s19+$0x3A0]  }
0xdd: {  	v0 =	vadd.f32 v3, v0  }
0xde: {  	v3 =	vld [tilespmem:s19+$0x400]  }
0xdf: {  	v0 =	vadd.f32 v1, v0  }
0xe0: {  	v1 =	vld [tilespmem:s19+$0x410]  }
0xe1: {  	v0 =	vadd.f32 v2, v0  }
0xe2: {  	v2 =	vld [tilespmem:s19+$0x420]  }
0xe3: {  	v0 =	vadd.f32 v3, v0  }
0xe4: {  	v3 =	vld [tilespmem:s19+$0x480]  }
0xe5: {  	v0 =	vadd.f32 v1, v0  }
0xe6: {  	v1 =	vld [tilespmem:s19+$0x490]  }
0xe7: {  	v0 =	vadd.f32 v2, v0  }
0xe8: {  	v2 =	vld [tilespmem:s19+$0x4A0]  }
0xe9: {  	v0 =	vadd.f32 v3, v0  }
0xea: {  	v3 =	vld [tilespmem:s19+$0x500]  }
0xeb: {  	v0 =	vadd.f32 v1, v0  }
0xec: {  	v1 =	vld [tilespmem:s19+$0x510]  }
0xed: {  	v0 =	vadd.f32 v2, v0  }
0xee: {  	v2 =	vld [tilespmem:s19+$0x520]  }
0xef: {  	v0 =	vadd.f32 v3, v0  }
0xf0: {  	v3 =	vld [tilespmem:s19+$0x580]  }
0xf1: {  	v0 =	vadd.f32 v1, v0  }
0xf2: {  	v1 =	vld [tilespmem:s19+$0x590]  }
0xf3: {  	v0 =	vadd.f32 v2, v0  }
0xf4: {  	v2 =	vld [tilespmem:s19+$0x5A0]  }
0xf5: {  	v0 =	vadd.f32 v3, v0  }
0xf6: {  	v3 =	vld [tilespmem:s19+$0x600]  }
0xf7: {  	v0 =	vadd.f32 v1, v0  }
0xf8: {  	v1 =	vld [tilespmem:s19+$0x610]  }
0xf9: {  	v0 =	vadd.f32 v2, v0  }
0xfa: {  	v2 =	vld [tilespmem:s19+$0x620]  }
0xfb: {  	v0 =	vadd.f32 v3, v0  }
0xfc: {  	v3 =	vld [tilespmem:s19+$0x680]  }
0xfd: {  	v0 =	vadd.f32 v1, v0  }
0xfe: {  	v1 =	vld [tilespmem:s19+$0x690]  }
0xff: {  	v0 =	vadd.f32 v2, v0  }
0x100: {  	v2 =	vld [tilespmem:s19+$0x6A0]  }
0x101: {  	v0 =	vadd.f32 v3, v0  }
0x102: {  	v3 =	vld [tilespmem:s19+$0x700]  }
0x103: {  	v0 =	vadd.f32 v1, v0  }
0x104: {  	v1 =	vld [tilespmem:s19+$0x710]  }
0x105: {  	v0 =	vadd.f32 v2, v0  }
0x106: {  	v2 =	vld [tilespmem:s19+$0x720]  }
0x107: {  	v0 =	vadd.f32 v3, v0  }
0x108: {  	v3 =	vld [tilespmem:s19+$0x780]  }
0x109: {  	v0 =	vadd.f32 v1, v0  }
0x10a: {  	v1 =	vld [tilespmem:s19+$0x790]  }
0x10b: {  	v0 =	vadd.f32 v2, v0  }
0x10c: {  	v2 =	vld [tilespmem:s19+$0x7A0]  }
0x10d: {  	v0 =	vadd.f32 v3, v0  }
0x10e: {  	v3 =	vld [tilespmem:s19+$0x800]  }
0x10f: {  	v0 =	vadd.f32 v1, v0  }
0x110: {  	v1 =	vld [tilespmem:s19+$0x810]  }
0x111: {  	v0 =	vadd.f32 v2, v0  }
0x112: {  	v2 =	vld [tilespmem:s19+$0x820]  }
0x113: {  	v0 =	vadd.f32 v3, v0  }
0x114: {  	v3 =	vld [tilespmem:s19+$0x880]  }
0x115: {  	v0 =	vadd.f32 v1, v0  }
0x116: {  	v1 =	vld [tilespmem:s19+$0x890]  }
0x117: {  	v0 =	vadd.f32 v2, v0  }
0x118: {  	v2 =	vld [tilespmem:s19+$0x8A0]  }
0x119: {  	v0 =	vadd.f32 v3, v0  }
0x11a: {  	v3 =	vld [tilespmem:s19+$0x900]  }
0x11b: {  	v0 =	vadd.f32 v1, v0  }
0x11c: {  	v1 =	vld [tilespmem:s19+$0x910]  }
0x11d: {  	v0 =	vadd.f32 v2, v0  }
0x11e: {  	v2 =	vld [tilespmem:s19+$0x920]  }
0x11f: {  	v0 =	vadd.f32 v3, v0  }
0x120: {  	v3 =	vld [tilespmem:s19+$0x980]  }
0x121: {  	v0 =	vadd.f32 v1, v0  }
0x122: {  	v1 =	vld [tilespmem:s19+$0x990]  }
0x123: {  	v0 =	vadd.f32 v2, v0  }
0x124: {  	v2 =	vld [tilespmem:s19+$0x9A0]  }
0x125: {  	v0 =	vadd.f32 v3, v0  }
0x126: {  	v3 =	vld [tilespmem:s19+$0xA00]  }
0x127: {  	v0 =	vadd.f32 v1, v0  }
0x128: {  	v1 =	vld [tilespmem:s19+$0xA10]  }
0x129: {  	v0 =	vadd.f32 v2, v0  }
0x12a: {  	v2 =	vld [tilespmem:s19+$0xA20]  }
0x12b: {  	v0 =	vadd.f32 v3, v0  }
0x12c: {  	v3 =	vld [tilespmem:s19+$0xA80]  }
0x12d: {  	v0 =	vadd.f32 v1, v0  }
0x12e: {  	v1 =	vld [tilespmem:s19+$0xA90]  }
0x12f: {  	v0 =	vadd.f32 v2, v0  }
0x130: {  	v2 =	vld [tilespmem:s19+$0xAA0]  }
0x131: {  	v0 =	vadd.f32 v3, v0  }
0x132: {  	v3 =	vld [tilespmem:s19+$0xB00]  }
0x133: {  	v0 =	vadd.f32 v1, v0  }
0x134: {  	v1 =	vld [tilespmem:s19+$0xB10]  }
0x135: {  	v0 =	vadd.f32 v2, v0  }
0x136: {  	v2 =	vld [tilespmem:s19+$0xB20]  }
0x137: {  	v0 =	vadd.f32 v3, v0  }
0x138: {  	v3 =	vld [tilespmem:s19+$0xB80]  }
0x139: {  	v0 =	vadd.f32 v1, v0  }
0x13a: {  	v1 =	vld [tilespmem:s19+$0xB90]  }
0x13b: {  	v0 =	vadd.f32 v2, v0  }
0x13c: {  	s20 =	simm.s32 $0x0;
	v2 =	vld [tilespmem:s19+$0xBA0]  }
0x13d: {  	s31 =	sor.u32 s18, s20;
	v0 =	vadd.f32 v3, v0  }
0x13e: {  	p1 =	por $0x0, $0x0;
	p0 =	seq.s32 s31, $0x0  }
0x13f: {  	p0 =	por !p1, !p0;
	v0 =	vadd.f32 v1, v0  }
0x140: {  	p0 =	por !p0, !p0;
	s19 =	simm.s32 $0xFFFFFFFF  }
0x141: {  	s19 =	simm.s32 @!p0 $0x0;
	v0 =	vadd.f32 v2, v0  }
0x142: {  	s19 =	sshll.u32 s19, $0x9  }
0x143: {  	s19 =	sshra.s32 s19, $0x2;
	v0 =	vmul.f32 $4.340277810e-04, v0  }
0x144: {  	s19 =	sadd.s32 s19, s17  }
0x145: {  	s22 =	simm.s32 $0x2400;
	[tilespmem:s19+$0x0] =	vst v0  }
0x146: {  	s21 =	simm.s32 $0x1;
	s20 =	smov.u32 s17;
	s19 =	simm.s32 $0x2;
	v0 =	vld [tilespmem:s22+$0xFFFFF400]  }
.LBB2_3:
0x147: {  	p0 =	sne.s32 s19, $0x7  }
0x148: {  	v1 =	vld [tilespmem:s22+$0xFFFFF410];
	_ =	sdelay $0x1  }
0x149: {  	v2 =	vld [tilespmem:s22+$0xFFFFF420]  }
0x14a: {  	v0 =	vadd.f32 $0.0e+00, v0  }
0x14b: {  	v3 =	vld [tilespmem:s22+$0xFFFFF480]  }
0x14c: {  	v0 =	vadd.f32 v1, v0  }
0x14d: {  	v1 =	vld [tilespmem:s22+$0xFFFFF490]  }
0x14e: {  	v0 =	vadd.f32 v2, v0  }
0x14f: {  	v2 =	vld [tilespmem:s22+$0xFFFFF4A0]  }
0x150: {  	v0 =	vadd.f32 v3, v0  }
0x151: {  	v3 =	vld [tilespmem:s22+$0xFFFFF500]  }
0x152: {  	v0 =	vadd.f32 v1, v0  }
0x153: {  	v1 =	vld [tilespmem:s22+$0xFFFFF510]  }
0x154: {  	v0 =	vadd.f32 v2, v0  }
0x155: {  	v2 =	vld [tilespmem:s22+$0xFFFFF520]  }
0x156: {  	v0 =	vadd.f32 v3, v0  }
0x157: {  	v3 =	vld [tilespmem:s22+$0xFFFFF580]  }
0x158: {  	v0 =	vadd.f32 v1, v0  }
0x159: {  	v1 =	vld [tilespmem:s22+$0xFFFFF590]  }
0x15a: {  	v0 =	vadd.f32 v2, v0  }
0x15b: {  	v2 =	vld [tilespmem:s22+$0xFFFFF5A0]  }
0x15c: {  	v0 =	vadd.f32 v3, v0  }
0x15d: {  	v3 =	vld [tilespmem:s22+$0xFFFFF600]  }
0x15e: {  	v0 =	vadd.f32 v1, v0  }
0x15f: {  	v1 =	vld [tilespmem:s22+$0xFFFFF610]  }
0x160: {  	v0 =	vadd.f32 v2, v0  }
0x161: {  	v2 =	vld [tilespmem:s22+$0xFFFFF620]  }
0x162: {  	v0 =	vadd.f32 v3, v0  }
0x163: {  	v3 =	vld [tilespmem:s22+$0xFFFFF680]  }
0x164: {  	v0 =	vadd.f32 v1, v0  }
0x165: {  	v1 =	vld [tilespmem:s22+$0xFFFFF690]  }
0x166: {  	v0 =	vadd.f32 v2, v0  }
0x167: {  	v2 =	vld [tilespmem:s22+$0xFFFFF6A0]  }
0x168: {  	v0 =	vadd.f32 v3, v0  }
0x169: {  	v3 =	vld [tilespmem:s22+$0xFFFFF700]  }
0x16a: {  	v0 =	vadd.f32 v1, v0  }
0x16b: {  	v1 =	vld [tilespmem:s22+$0xFFFFF710]  }
0x16c: {  	v0 =	vadd.f32 v2, v0  }
0x16d: {  	v2 =	vld [tilespmem:s22+$0xFFFFF720]  }
0x16e: {  	v0 =	vadd.f32 v3, v0  }
0x16f: {  	v3 =	vld [tilespmem:s22+$0xFFFFF780]  }
0x170: {  	v0 =	vadd.f32 v1, v0  }
0x171: {  	v1 =	vld [tilespmem:s22+$0xFFFFF790]  }
0x172: {  	v0 =	vadd.f32 v2, v0  }
0x173: {  	v2 =	vld [tilespmem:s22+$0xFFFFF7A0]  }
0x174: {  	v0 =	vadd.f32 v3, v0  }
0x175: {  	v3 =	vld [tilespmem:s22+$0xFFFFF800]  }
0x176: {  	v0 =	vadd.f32 v1, v0  }
0x177: {  	v1 =	vld [tilespmem:s22+$0xFFFFF810]  }
0x178: {  	v0 =	vadd.f32 v2, v0  }
0x179: {  	v2 =	vld [tilespmem:s22+$0xFFFFF820]  }
0x17a: {  	v0 =	vadd.f32 v3, v0  }
0x17b: {  	v3 =	vld [tilespmem:s22+$0xFFFFF880]  }
0x17c: {  	v0 =	vadd.f32 v1, v0  }
0x17d: {  	v1 =	vld [tilespmem:s22+$0xFFFFF890]  }
0x17e: {  	v0 =	vadd.f32 v2, v0  }
0x17f: {  	v2 =	vld [tilespmem:s22+$0xFFFFF8A0]  }
0x180: {  	v0 =	vadd.f32 v3, v0  }
0x181: {  	v3 =	vld [tilespmem:s22+$0xFFFFF900]  }
0x182: {  	v0 =	vadd.f32 v1, v0  }
0x183: {  	v1 =	vld [tilespmem:s22+$0xFFFFF910]  }
0x184: {  	v0 =	vadd.f32 v2, v0  }
0x185: {  	v2 =	vld [tilespmem:s22+$0xFFFFF920]  }
0x186: {  	v0 =	vadd.f32 v3, v0  }
0x187: {  	v3 =	vld [tilespmem:s22+$0xFFFFF980]  }
0x188: {  	v0 =	vadd.f32 v1, v0  }
0x189: {  	v1 =	vld [tilespmem:s22+$0xFFFFF990]  }
0x18a: {  	v0 =	vadd.f32 v2, v0  }
0x18b: {  	v2 =	vld [tilespmem:s22+$0xFFFFF9A0]  }
0x18c: {  	v0 =	vadd.f32 v3, v0  }
0x18d: {  	v3 =	vld [tilespmem:s22+$0xFFFFFA00]  }
0x18e: {  	v0 =	vadd.f32 v1, v0  }
0x18f: {  	v1 =	vld [tilespmem:s22+$0xFFFFFA10]  }
0x190: {  	v0 =	vadd.f32 v2, v0  }
0x191: {  	v2 =	vld [tilespmem:s22+$0xFFFFFA20]  }
0x192: {  	v0 =	vadd.f32 v3, v0  }
0x193: {  	v3 =	vld [tilespmem:s22+$0xFFFFFA80]  }
0x194: {  	v0 =	vadd.f32 v1, v0  }
0x195: {  	v1 =	vld [tilespmem:s22+$0xFFFFFA90]  }
0x196: {  	v0 =	vadd.f32 v2, v0  }
0x197: {  	v2 =	vld [tilespmem:s22+$0xFFFFFAA0]  }
0x198: {  	v0 =	vadd.f32 v3, v0  }
0x199: {  	v3 =	vld [tilespmem:s22+$0xFFFFFB00]  }
0x19a: {  	v0 =	vadd.f32 v1, v0  }
0x19b: {  	v1 =	vld [tilespmem:s22+$0xFFFFFB10]  }
0x19c: {  	v0 =	vadd.f32 v2, v0  }
0x19d: {  	v2 =	vld [tilespmem:s22+$0xFFFFFB20]  }
0x19e: {  	v0 =	vadd.f32 v3, v0  }
0x19f: {  	v3 =	vld [tilespmem:s22+$0xFFFFFB80]  }
0x1a0: {  	v0 =	vadd.f32 v1, v0  }
0x1a1: {  	v1 =	vld [tilespmem:s22+$0xFFFFFB90]  }
0x1a2: {  	v0 =	vadd.f32 v2, v0  }
0x1a3: {  	v2 =	vld [tilespmem:s22+$0xFFFFFBA0]  }
0x1a4: {  	v0 =	vadd.f32 v3, v0  }
0x1a5: {  	v3 =	vld [tilespmem:s22+$0xFFFFFC00]  }
0x1a6: {  	v0 =	vadd.f32 v1, v0  }
0x1a7: {  	v1 =	vld [tilespmem:s22+$0xFFFFFC10]  }
0x1a8: {  	v0 =	vadd.f32 v2, v0  }
0x1a9: {  	v2 =	vld [tilespmem:s22+$0xFFFFFC20]  }
0x1aa: {  	v0 =	vadd.f32 v3, v0  }
0x1ab: {  	v3 =	vld [tilespmem:s22+$0xFFFFFC80]  }
0x1ac: {  	v0 =	vadd.f32 v1, v0  }
0x1ad: {  	v1 =	vld [tilespmem:s22+$0xFFFFFC90]  }
0x1ae: {  	v0 =	vadd.f32 v2, v0  }
0x1af: {  	v2 =	vld [tilespmem:s22+$0xFFFFFCA0]  }
0x1b0: {  	v0 =	vadd.f32 v3, v0  }
0x1b1: {  	v3 =	vld [tilespmem:s22+$0xFFFFFD00]  }
0x1b2: {  	v0 =	vadd.f32 v1, v0  }
0x1b3: {  	v1 =	vld [tilespmem:s22+$0xFFFFFD10]  }
0x1b4: {  	v0 =	vadd.f32 v2, v0  }
0x1b5: {  	v2 =	vld [tilespmem:s22+$0xFFFFFD20]  }
0x1b6: {  	v0 =	vadd.f32 v3, v0  }
0x1b7: {  	v3 =	vld [tilespmem:s22+$0xFFFFFD80]  }
0x1b8: {  	v0 =	vadd.f32 v1, v0  }
0x1b9: {  	v1 =	vld [tilespmem:s22+$0xFFFFFD90]  }
0x1ba: {  	v0 =	vadd.f32 v2, v0  }
0x1bb: {  	v2 =	vld [tilespmem:s22+$0xFFFFFDA0]  }
0x1bc: {  	v0 =	vadd.f32 v3, v0  }
0x1bd: {  	v3 =	vld [tilespmem:s22+$0xFFFFFE00]  }
0x1be: {  	v0 =	vadd.f32 v1, v0  }
0x1bf: {  	v1 =	vld [tilespmem:s22+$0xFFFFFE10]  }
0x1c0: {  	v0 =	vadd.f32 v2, v0  }
0x1c1: {  	v2 =	vld [tilespmem:s22+$0xFFFFFE20]  }
0x1c2: {  	v0 =	vadd.f32 v3, v0  }
0x1c3: {  	v3 =	vld [tilespmem:s22+$0xFFFFFE80]  }
0x1c4: {  	v0 =	vadd.f32 v1, v0  }
0x1c5: {  	v1 =	vld [tilespmem:s22+$0xFFFFFE90]  }
0x1c6: {  	v0 =	vadd.f32 v2, v0  }
0x1c7: {  	v2 =	vld [tilespmem:s22+$0xFFFFFEA0]  }
0x1c8: {  	v0 =	vadd.f32 v3, v0  }
0x1c9: {  	v3 =	vld [tilespmem:s22+$0xFFFFFF00]  }
0x1ca: {  	v0 =	vadd.f32 v1, v0  }
0x1cb: {  	v1 =	vld [tilespmem:s22+$0xFFFFFF10]  }
0x1cc: {  	v0 =	vadd.f32 v2, v0  }
0x1cd: {  	v2 =	vld [tilespmem:s22+$0xFFFFFF20]  }
0x1ce: {  	v0 =	vadd.f32 v3, v0  }
0x1cf: {  	v3 =	vld [tilespmem:s22+$0xFFFFFF80]  }
0x1d0: {  	v0 =	vadd.f32 v1, v0  }
0x1d1: {  	v1 =	vld [tilespmem:s22+$0xFFFFFF90]  }
0x1d2: {  	v0 =	vadd.f32 v2, v0  }
0x1d3: {  	v2 =	vld [tilespmem:s22+$0xFFFFFFA0]  }
0x1d4: {  	v0 =	vadd.f32 v3, v0  }
0x1d5: {  	v3 =	vld [tilespmem:s22+$0x0]  }
0x1d6: {  	v0 =	vadd.f32 v1, v0  }
0x1d7: {  	v1 =	vld [tilespmem:s22+$0x10]  }
0x1d8: {  	v0 =	vadd.f32 v2, v0  }
0x1d9: {  	v2 =	vld [tilespmem:s22+$0x20]  }
0x1da: {  	v0 =	vadd.f32 v3, v0  }
0x1db: {  	v3 =	vld [tilespmem:s22+$0x80]  }
0x1dc: {  	v0 =	vadd.f32 v1, v0  }
0x1dd: {  	v1 =	vld [tilespmem:s22+$0x90]  }
0x1de: {  	v0 =	vadd.f32 v2, v0  }
0x1df: {  	v2 =	vld [tilespmem:s22+$0xA0]  }
0x1e0: {  	v0 =	vadd.f32 v3, v0  }
0x1e1: {  	v3 =	vld [tilespmem:s22+$0x100]  }
0x1e2: {  	v0 =	vadd.f32 v1, v0  }
0x1e3: {  	v1 =	vld [tilespmem:s22+$0x110]  }
0x1e4: {  	v0 =	vadd.f32 v2, v0  }
0x1e5: {  	v2 =	vld [tilespmem:s22+$0x120]  }
0x1e6: {  	v0 =	vadd.f32 v3, v0  }
0x1e7: {  	v3 =	vld [tilespmem:s22+$0x180]  }
0x1e8: {  	v0 =	vadd.f32 v1, v0  }
0x1e9: {  	v1 =	vld [tilespmem:s22+$0x190]  }
0x1ea: {  	v0 =	vadd.f32 v2, v0  }
0x1eb: {  	v2 =	vld [tilespmem:s22+$0x1A0]  }
0x1ec: {  	v0 =	vadd.f32 v3, v0  }
0x1ed: {  	v3 =	vld [tilespmem:s22+$0x200]  }
0x1ee: {  	v0 =	vadd.f32 v1, v0  }
0x1ef: {  	v1 =	vld [tilespmem:s22+$0x210]  }
0x1f0: {  	v0 =	vadd.f32 v2, v0  }
0x1f1: {  	v2 =	vld [tilespmem:s22+$0x220]  }
0x1f2: {  	v0 =	vadd.f32 v3, v0  }
0x1f3: {  	v3 =	vld [tilespmem:s22+$0x280]  }
0x1f4: {  	v0 =	vadd.f32 v1, v0  }
0x1f5: {  	v1 =	vld [tilespmem:s22+$0x290]  }
0x1f6: {  	v0 =	vadd.f32 v2, v0  }
0x1f7: {  	v2 =	vld [tilespmem:s22+$0x2A0]  }
0x1f8: {  	v0 =	vadd.f32 v3, v0  }
0x1f9: {  	v3 =	vld [tilespmem:s22+$0x300]  }
0x1fa: {  	v0 =	vadd.f32 v1, v0  }
0x1fb: {  	v1 =	vld [tilespmem:s22+$0x310]  }
0x1fc: {  	v0 =	vadd.f32 v2, v0  }
0x1fd: {  	v2 =	vld [tilespmem:s22+$0x320]  }
0x1fe: {  	v0 =	vadd.f32 v3, v0  }
0x1ff: {  	v3 =	vld [tilespmem:s22+$0x380]  }
0x200: {  	v0 =	vadd.f32 v1, v0  }
0x201: {  	v1 =	vld [tilespmem:s22+$0x390]  }
0x202: {  	v0 =	vadd.f32 v2, v0  }
0x203: {  	v2 =	vld [tilespmem:s22+$0x3A0]  }
0x204: {  	v0 =	vadd.f32 v3, v0  }
0x205: {  	v3 =	vld [tilespmem:s22+$0x400]  }
0x206: {  	v0 =	vadd.f32 v1, v0  }
0x207: {  	v1 =	vld [tilespmem:s22+$0x410]  }
0x208: {  	v0 =	vadd.f32 v2, v0  }
0x209: {  	v2 =	vld [tilespmem:s22+$0x420]  }
0x20a: {  	v0 =	vadd.f32 v3, v0  }
0x20b: {  	v3 =	vld [tilespmem:s22+$0x480]  }
0x20c: {  	v0 =	vadd.f32 v1, v0  }
0x20d: {  	v1 =	vld [tilespmem:s22+$0x490]  }
0x20e: {  	v0 =	vadd.f32 v2, v0  }
0x20f: {  	v2 =	vld [tilespmem:s22+$0x4A0]  }
0x210: {  	v0 =	vadd.f32 v3, v0  }
0x211: {  	v3 =	vld [tilespmem:s22+$0x500]  }
0x212: {  	v0 =	vadd.f32 v1, v0  }
0x213: {  	v1 =	vld [tilespmem:s22+$0x510]  }
0x214: {  	v0 =	vadd.f32 v2, v0  }
0x215: {  	v2 =	vld [tilespmem:s22+$0x520]  }
0x216: {  	v0 =	vadd.f32 v3, v0  }
0x217: {  	v3 =	vld [tilespmem:s22+$0x580]  }
0x218: {  	v0 =	vadd.f32 v1, v0  }
0x219: {  	v1 =	vld [tilespmem:s22+$0x590]  }
0x21a: {  	v0 =	vadd.f32 v2, v0  }
0x21b: {  	v2 =	vld [tilespmem:s22+$0x5A0]  }
0x21c: {  	v0 =	vadd.f32 v3, v0  }
0x21d: {  	v3 =	vld [tilespmem:s22+$0x600]  }
0x21e: {  	v0 =	vadd.f32 v1, v0  }
0x21f: {  	v1 =	vld [tilespmem:s22+$0x610]  }
0x220: {  	v0 =	vadd.f32 v2, v0  }
0x221: {  	v2 =	vld [tilespmem:s22+$0x620]  }
0x222: {  	v0 =	vadd.f32 v3, v0  }
0x223: {  	v3 =	vld [tilespmem:s22+$0x680]  }
0x224: {  	v0 =	vadd.f32 v1, v0  }
0x225: {  	v1 =	vld [tilespmem:s22+$0x690]  }
0x226: {  	v0 =	vadd.f32 v2, v0  }
0x227: {  	v2 =	vld [tilespmem:s22+$0x6A0]  }
0x228: {  	v0 =	vadd.f32 v3, v0  }
0x229: {  	v3 =	vld [tilespmem:s22+$0x700]  }
0x22a: {  	v0 =	vadd.f32 v1, v0  }
0x22b: {  	v1 =	vld [tilespmem:s22+$0x710]  }
0x22c: {  	v0 =	vadd.f32 v2, v0  }
0x22d: {  	v2 =	vld [tilespmem:s22+$0x720]  }
0x22e: {  	v0 =	vadd.f32 v3, v0  }
0x22f: {  	v3 =	vld [tilespmem:s22+$0x780]  }
0x230: {  	v0 =	vadd.f32 v1, v0  }
0x231: {  	v1 =	vld [tilespmem:s22+$0x790]  }
0x232: {  	v0 =	vadd.f32 v2, v0  }
0x233: {  	v2 =	vld [tilespmem:s22+$0x7A0]  }
0x234: {  	v0 =	vadd.f32 v3, v0  }
0x235: {  	v3 =	vld [tilespmem:s22+$0x800]  }
0x236: {  	v0 =	vadd.f32 v1, v0  }
0x237: {  	v1 =	vld [tilespmem:s22+$0x810]  }
0x238: {  	v0 =	vadd.f32 v2, v0  }
0x239: {  	v2 =	vld [tilespmem:s22+$0x820]  }
0x23a: {  	v0 =	vadd.f32 v3, v0  }
0x23b: {  	v3 =	vld [tilespmem:s22+$0x880]  }
0x23c: {  	v0 =	vadd.f32 v1, v0  }
0x23d: {  	v1 =	vld [tilespmem:s22+$0x890]  }
0x23e: {  	v0 =	vadd.f32 v2, v0  }
0x23f: {  	v2 =	vld [tilespmem:s22+$0x8A0]  }
0x240: {  	v0 =	vadd.f32 v3, v0  }
0x241: {  	v3 =	vld [tilespmem:s22+$0x900]  }
0x242: {  	v0 =	vadd.f32 v1, v0  }
0x243: {  	v1 =	vld [tilespmem:s22+$0x910]  }
0x244: {  	v0 =	vadd.f32 v2, v0  }
0x245: {  	v2 =	vld [tilespmem:s22+$0x920]  }
0x246: {  	v0 =	vadd.f32 v3, v0  }
0x247: {  	v3 =	vld [tilespmem:s22+$0x980]  }
0x248: {  	v0 =	vadd.f32 v1, v0  }
0x249: {  	v1 =	vld [tilespmem:s22+$0x990]  }
0x24a: {  	v0 =	vadd.f32 v2, v0  }
0x24b: {  	v2 =	vld [tilespmem:s22+$0x9A0]  }
0x24c: {  	v0 =	vadd.f32 v3, v0  }
0x24d: {  	v3 =	vld [tilespmem:s22+$0xA00]  }
0x24e: {  	v0 =	vadd.f32 v1, v0  }
0x24f: {  	v1 =	vld [tilespmem:s22+$0xA10]  }
0x250: {  	v0 =	vadd.f32 v2, v0  }
0x251: {  	v2 =	vld [tilespmem:s22+$0xA20]  }
0x252: {  	v0 =	vadd.f32 v3, v0  }
0x253: {  	v3 =	vld [tilespmem:s22+$0xA80]  }
0x254: {  	v0 =	vadd.f32 v1, v0  }
0x255: {  	v1 =	vld [tilespmem:s22+$0xA90]  }
0x256: {  	v0 =	vadd.f32 v2, v0  }
0x257: {  	v2 =	vld [tilespmem:s22+$0xAA0]  }
0x258: {  	v0 =	vadd.f32 v3, v0  }
0x259: {  	v3 =	vld [tilespmem:s22+$0xB00]  }
0x25a: {  	v0 =	vadd.f32 v1, v0  }
0x25b: {  	v1 =	vld [tilespmem:s22+$0xB10]  }
0x25c: {  	v0 =	vadd.f32 v2, v0  }
0x25d: {  	v2 =	vld [tilespmem:s22+$0xB20]  }
0x25e: {  	v0 =	vadd.f32 v3, v0  }
0x25f: {  	v3 =	vld [tilespmem:s22+$0xB80]  }
0x260: {  	v0 =	vadd.f32 v1, v0  }
0x261: {  	v1 =	vld [tilespmem:s22+$0xB90]  }
0x262: {  	v0 =	vadd.f32 v2, v0  }
0x263: {  	v2 =	vld [tilespmem:s22+$0xBA0]  }
0x264: {  	s23 =	sor.u32 s18, s21;
	v0 =	vadd.f32 v3, v0  }
0x265: {  	p2 =	sne.s32 s21, $0x0;
	s21 =	smov.u32 s19;
	p1 =	seq.s32 s23, $0x0  }
0x266: {  	p1 =	por !p2, !p1;
	v0 =	vadd.f32 v1, v0  }
0x267: {  	s23 =	simm.s32 $0xFFFFFFFF;
	p1 =	por !p1, !p1  }
0x268: {  	s23 =	simm.s32 @!p1 $0x0;
	v0 =	vadd.f32 v2, v0  }
.Ltmp2:
0x269: {  	s23 =	sshll.u32 s23, $0x9;
	(pc) =	sbr.rel @p0 .LBB2_3-.Ltmp2, $4  }
0x26a: {  	s20 =	sadd.s32 $0x10, s20;
	s23 =	sshra.s32 s23, $0x2;
	v0 =	vmul.f32 $4.340277810e-04, v0  }
0x26b: {  	s23 =	sadd.s32 s23, s20  }
0x26c: {  	s22 =	sadd.s32 $0x1800, s22;
	[tilespmem:s23+$0x0] =	vst v0  }
0x26d: {  	s19 =	sadd.s32 $0x1, s19;
	v0 =	vld [tilespmem:s22+$0xFFFFF400]  }
0x26e: {  	_ = 	snop  }
0x26f: {  	v1 =	vld [tilespmem:s22+$0xFFFFF410];
	_ =	sdelay $0x1  }
0x270: {  	v2 =	vld [tilespmem:s22+$0xFFFFF420]  }
0x271: {  	v0 =	vadd.f32 $0.0e+00, v0  }
0x272: {  	v3 =	vld [tilespmem:s22+$0xFFFFF480]  }
0x273: {  	v0 =	vadd.f32 v1, v0  }
0x274: {  	v1 =	vld [tilespmem:s22+$0xFFFFF490]  }
0x275: {  	v0 =	vadd.f32 v2, v0  }
0x276: {  	v2 =	vld [tilespmem:s22+$0xFFFFF4A0]  }
0x277: {  	v0 =	vadd.f32 v3, v0  }
0x278: {  	v3 =	vld [tilespmem:s22+$0xFFFFF500]  }
0x279: {  	v0 =	vadd.f32 v1, v0  }
0x27a: {  	v1 =	vld [tilespmem:s22+$0xFFFFF510]  }
0x27b: {  	v0 =	vadd.f32 v2, v0  }
0x27c: {  	v2 =	vld [tilespmem:s22+$0xFFFFF520]  }
0x27d: {  	v0 =	vadd.f32 v3, v0  }
0x27e: {  	v3 =	vld [tilespmem:s22+$0xFFFFF580]  }
0x27f: {  	v0 =	vadd.f32 v1, v0  }
0x280: {  	v1 =	vld [tilespmem:s22+$0xFFFFF590]  }
0x281: {  	v0 =	vadd.f32 v2, v0  }
0x282: {  	v2 =	vld [tilespmem:s22+$0xFFFFF5A0]  }
0x283: {  	v0 =	vadd.f32 v3, v0  }
0x284: {  	v3 =	vld [tilespmem:s22+$0xFFFFF600]  }
0x285: {  	v0 =	vadd.f32 v1, v0  }
0x286: {  	v1 =	vld [tilespmem:s22+$0xFFFFF610]  }
0x287: {  	v0 =	vadd.f32 v2, v0  }
0x288: {  	v2 =	vld [tilespmem:s22+$0xFFFFF620]  }
0x289: {  	v0 =	vadd.f32 v3, v0  }
0x28a: {  	v3 =	vld [tilespmem:s22+$0xFFFFF680]  }
0x28b: {  	v0 =	vadd.f32 v1, v0  }
0x28c: {  	v1 =	vld [tilespmem:s22+$0xFFFFF690]  }
0x28d: {  	v0 =	vadd.f32 v2, v0  }
0x28e: {  	v2 =	vld [tilespmem:s22+$0xFFFFF6A0]  }
0x28f: {  	v0 =	vadd.f32 v3, v0  }
0x290: {  	v3 =	vld [tilespmem:s22+$0xFFFFF700]  }
0x291: {  	v0 =	vadd.f32 v1, v0  }
0x292: {  	v1 =	vld [tilespmem:s22+$0xFFFFF710]  }
0x293: {  	v0 =	vadd.f32 v2, v0  }
0x294: {  	v2 =	vld [tilespmem:s22+$0xFFFFF720]  }
0x295: {  	v0 =	vadd.f32 v3, v0  }
0x296: {  	v3 =	vld [tilespmem:s22+$0xFFFFF780]  }
0x297: {  	v0 =	vadd.f32 v1, v0  }
0x298: {  	v1 =	vld [tilespmem:s22+$0xFFFFF790]  }
0x299: {  	v0 =	vadd.f32 v2, v0  }
0x29a: {  	v2 =	vld [tilespmem:s22+$0xFFFFF7A0]  }
0x29b: {  	v0 =	vadd.f32 v3, v0  }
0x29c: {  	v3 =	vld [tilespmem:s22+$0xFFFFF800]  }
0x29d: {  	v0 =	vadd.f32 v1, v0  }
0x29e: {  	v1 =	vld [tilespmem:s22+$0xFFFFF810]  }
0x29f: {  	v0 =	vadd.f32 v2, v0  }
0x2a0: {  	v2 =	vld [tilespmem:s22+$0xFFFFF820]  }
0x2a1: {  	v0 =	vadd.f32 v3, v0  }
0x2a2: {  	v3 =	vld [tilespmem:s22+$0xFFFFF880]  }
0x2a3: {  	v0 =	vadd.f32 v1, v0  }
0x2a4: {  	v1 =	vld [tilespmem:s22+$0xFFFFF890]  }
0x2a5: {  	v0 =	vadd.f32 v2, v0  }
0x2a6: {  	v2 =	vld [tilespmem:s22+$0xFFFFF8A0]  }
0x2a7: {  	v0 =	vadd.f32 v3, v0  }
0x2a8: {  	v3 =	vld [tilespmem:s22+$0xFFFFF900]  }
0x2a9: {  	v0 =	vadd.f32 v1, v0  }
0x2aa: {  	v1 =	vld [tilespmem:s22+$0xFFFFF910]  }
0x2ab: {  	v0 =	vadd.f32 v2, v0  }
0x2ac: {  	v2 =	vld [tilespmem:s22+$0xFFFFF920]  }
0x2ad: {  	v0 =	vadd.f32 v3, v0  }
0x2ae: {  	v3 =	vld [tilespmem:s22+$0xFFFFF980]  }
0x2af: {  	v0 =	vadd.f32 v1, v0  }
0x2b0: {  	v1 =	vld [tilespmem:s22+$0xFFFFF990]  }
0x2b1: {  	v0 =	vadd.f32 v2, v0  }
0x2b2: {  	v2 =	vld [tilespmem:s22+$0xFFFFF9A0]  }
0x2b3: {  	v0 =	vadd.f32 v3, v0  }
0x2b4: {  	v3 =	vld [tilespmem:s22+$0xFFFFFA00]  }
0x2b5: {  	v0 =	vadd.f32 v1, v0  }
0x2b6: {  	v1 =	vld [tilespmem:s22+$0xFFFFFA10]  }
0x2b7: {  	v0 =	vadd.f32 v2, v0  }
0x2b8: {  	v2 =	vld [tilespmem:s22+$0xFFFFFA20]  }
0x2b9: {  	v0 =	vadd.f32 v3, v0  }
0x2ba: {  	v3 =	vld [tilespmem:s22+$0xFFFFFA80]  }
0x2bb: {  	v0 =	vadd.f32 v1, v0  }
0x2bc: {  	v1 =	vld [tilespmem:s22+$0xFFFFFA90]  }
0x2bd: {  	v0 =	vadd.f32 v2, v0  }
0x2be: {  	v2 =	vld [tilespmem:s22+$0xFFFFFAA0]  }
0x2bf: {  	v0 =	vadd.f32 v3, v0  }
0x2c0: {  	v3 =	vld [tilespmem:s22+$0xFFFFFB00]  }
0x2c1: {  	v0 =	vadd.f32 v1, v0  }
0x2c2: {  	v1 =	vld [tilespmem:s22+$0xFFFFFB10]  }
0x2c3: {  	v0 =	vadd.f32 v2, v0  }
0x2c4: {  	v2 =	vld [tilespmem:s22+$0xFFFFFB20]  }
0x2c5: {  	v0 =	vadd.f32 v3, v0  }
0x2c6: {  	v3 =	vld [tilespmem:s22+$0xFFFFFB80]  }
0x2c7: {  	v0 =	vadd.f32 v1, v0  }
0x2c8: {  	v1 =	vld [tilespmem:s22+$0xFFFFFB90]  }
0x2c9: {  	v0 =	vadd.f32 v2, v0  }
0x2ca: {  	v2 =	vld [tilespmem:s22+$0xFFFFFBA0]  }
0x2cb: {  	v0 =	vadd.f32 v3, v0  }
0x2cc: {  	v3 =	vld [tilespmem:s22+$0xFFFFFC00]  }
0x2cd: {  	v0 =	vadd.f32 v1, v0  }
0x2ce: {  	v1 =	vld [tilespmem:s22+$0xFFFFFC10]  }
0x2cf: {  	v0 =	vadd.f32 v2, v0  }
0x2d0: {  	v2 =	vld [tilespmem:s22+$0xFFFFFC20]  }
0x2d1: {  	v0 =	vadd.f32 v3, v0  }
0x2d2: {  	v3 =	vld [tilespmem:s22+$0xFFFFFC80]  }
0x2d3: {  	v0 =	vadd.f32 v1, v0  }
0x2d4: {  	v1 =	vld [tilespmem:s22+$0xFFFFFC90]  }
0x2d5: {  	v0 =	vadd.f32 v2, v0  }
0x2d6: {  	v2 =	vld [tilespmem:s22+$0xFFFFFCA0]  }
0x2d7: {  	v0 =	vadd.f32 v3, v0  }
0x2d8: {  	v3 =	vld [tilespmem:s22+$0xFFFFFD00]  }
0x2d9: {  	v0 =	vadd.f32 v1, v0  }
0x2da: {  	v1 =	vld [tilespmem:s22+$0xFFFFFD10]  }
0x2db: {  	v0 =	vadd.f32 v2, v0  }
0x2dc: {  	v2 =	vld [tilespmem:s22+$0xFFFFFD20]  }
0x2dd: {  	v0 =	vadd.f32 v3, v0  }
0x2de: {  	v3 =	vld [tilespmem:s22+$0xFFFFFD80]  }
0x2df: {  	v0 =	vadd.f32 v1, v0  }
0x2e0: {  	v1 =	vld [tilespmem:s22+$0xFFFFFD90]  }
0x2e1: {  	v0 =	vadd.f32 v2, v0  }
0x2e2: {  	v2 =	vld [tilespmem:s22+$0xFFFFFDA0]  }
0x2e3: {  	v0 =	vadd.f32 v3, v0  }
0x2e4: {  	v3 =	vld [tilespmem:s22+$0xFFFFFE00]  }
0x2e5: {  	v0 =	vadd.f32 v1, v0  }
0x2e6: {  	v1 =	vld [tilespmem:s22+$0xFFFFFE10]  }
0x2e7: {  	v0 =	vadd.f32 v2, v0  }
0x2e8: {  	v2 =	vld [tilespmem:s22+$0xFFFFFE20]  }
0x2e9: {  	v0 =	vadd.f32 v3, v0  }
0x2ea: {  	v3 =	vld [tilespmem:s22+$0xFFFFFE80]  }
0x2eb: {  	v0 =	vadd.f32 v1, v0  }
0x2ec: {  	v1 =	vld [tilespmem:s22+$0xFFFFFE90]  }
0x2ed: {  	v0 =	vadd.f32 v2, v0  }
0x2ee: {  	v2 =	vld [tilespmem:s22+$0xFFFFFEA0]  }
0x2ef: {  	v0 =	vadd.f32 v3, v0  }
0x2f0: {  	v3 =	vld [tilespmem:s22+$0xFFFFFF00]  }
0x2f1: {  	v0 =	vadd.f32 v1, v0  }
0x2f2: {  	v1 =	vld [tilespmem:s22+$0xFFFFFF10]  }
0x2f3: {  	v0 =	vadd.f32 v2, v0  }
0x2f4: {  	v2 =	vld [tilespmem:s22+$0xFFFFFF20]  }
0x2f5: {  	v0 =	vadd.f32 v3, v0  }
0x2f6: {  	v3 =	vld [tilespmem:s22+$0xFFFFFF80]  }
0x2f7: {  	v0 =	vadd.f32 v1, v0  }
0x2f8: {  	v1 =	vld [tilespmem:s22+$0xFFFFFF90]  }
0x2f9: {  	v0 =	vadd.f32 v2, v0  }
0x2fa: {  	v2 =	vld [tilespmem:s22+$0xFFFFFFA0]  }
0x2fb: {  	v0 =	vadd.f32 v3, v0  }
0x2fc: {  	v3 =	vld [tilespmem:s22+$0x0]  }
0x2fd: {  	v0 =	vadd.f32 v1, v0  }
0x2fe: {  	v1 =	vld [tilespmem:s22+$0x10]  }
0x2ff: {  	v0 =	vadd.f32 v2, v0  }
0x300: {  	v2 =	vld [tilespmem:s22+$0x20]  }
0x301: {  	v0 =	vadd.f32 v3, v0  }
0x302: {  	v3 =	vld [tilespmem:s22+$0x80]  }
0x303: {  	v0 =	vadd.f32 v1, v0  }
0x304: {  	v1 =	vld [tilespmem:s22+$0x90]  }
0x305: {  	v0 =	vadd.f32 v2, v0  }
0x306: {  	v2 =	vld [tilespmem:s22+$0xA0]  }
0x307: {  	v0 =	vadd.f32 v3, v0  }
0x308: {  	v3 =	vld [tilespmem:s22+$0x100]  }
0x309: {  	v0 =	vadd.f32 v1, v0  }
0x30a: {  	v1 =	vld [tilespmem:s22+$0x110]  }
0x30b: {  	v0 =	vadd.f32 v2, v0  }
0x30c: {  	v2 =	vld [tilespmem:s22+$0x120]  }
0x30d: {  	v0 =	vadd.f32 v3, v0  }
0x30e: {  	v3 =	vld [tilespmem:s22+$0x180]  }
0x30f: {  	v0 =	vadd.f32 v1, v0  }
0x310: {  	v1 =	vld [tilespmem:s22+$0x190]  }
0x311: {  	v0 =	vadd.f32 v2, v0  }
0x312: {  	v2 =	vld [tilespmem:s22+$0x1A0]  }
0x313: {  	v0 =	vadd.f32 v3, v0  }
0x314: {  	v3 =	vld [tilespmem:s22+$0x200]  }
0x315: {  	v0 =	vadd.f32 v1, v0  }
0x316: {  	v1 =	vld [tilespmem:s22+$0x210]  }
0x317: {  	v0 =	vadd.f32 v2, v0  }
0x318: {  	v2 =	vld [tilespmem:s22+$0x220]  }
0x319: {  	v0 =	vadd.f32 v3, v0  }
0x31a: {  	v3 =	vld [tilespmem:s22+$0x280]  }
0x31b: {  	v0 =	vadd.f32 v1, v0  }
0x31c: {  	v1 =	vld [tilespmem:s22+$0x290]  }
0x31d: {  	v0 =	vadd.f32 v2, v0  }
0x31e: {  	v2 =	vld [tilespmem:s22+$0x2A0]  }
0x31f: {  	v0 =	vadd.f32 v3, v0  }
0x320: {  	v3 =	vld [tilespmem:s22+$0x300]  }
0x321: {  	v0 =	vadd.f32 v1, v0  }
0x322: {  	v1 =	vld [tilespmem:s22+$0x310]  }
0x323: {  	v0 =	vadd.f32 v2, v0  }
0x324: {  	v2 =	vld [tilespmem:s22+$0x320]  }
0x325: {  	v0 =	vadd.f32 v3, v0  }
0x326: {  	v3 =	vld [tilespmem:s22+$0x380]  }
0x327: {  	v0 =	vadd.f32 v1, v0  }
0x328: {  	v1 =	vld [tilespmem:s22+$0x390]  }
0x329: {  	v0 =	vadd.f32 v2, v0  }
0x32a: {  	v2 =	vld [tilespmem:s22+$0x3A0]  }
0x32b: {  	v0 =	vadd.f32 v3, v0  }
0x32c: {  	v3 =	vld [tilespmem:s22+$0x400]  }
0x32d: {  	v0 =	vadd.f32 v1, v0  }
0x32e: {  	v1 =	vld [tilespmem:s22+$0x410]  }
0x32f: {  	v0 =	vadd.f32 v2, v0  }
0x330: {  	v2 =	vld [tilespmem:s22+$0x420]  }
0x331: {  	v0 =	vadd.f32 v3, v0  }
0x332: {  	v3 =	vld [tilespmem:s22+$0x480]  }
0x333: {  	v0 =	vadd.f32 v1, v0  }
0x334: {  	v1 =	vld [tilespmem:s22+$0x490]  }
0x335: {  	v0 =	vadd.f32 v2, v0  }
0x336: {  	v2 =	vld [tilespmem:s22+$0x4A0]  }
0x337: {  	v0 =	vadd.f32 v3, v0  }
0x338: {  	v3 =	vld [tilespmem:s22+$0x500]  }
0x339: {  	v0 =	vadd.f32 v1, v0  }
0x33a: {  	v1 =	vld [tilespmem:s22+$0x510]  }
0x33b: {  	v0 =	vadd.f32 v2, v0  }
0x33c: {  	v2 =	vld [tilespmem:s22+$0x520]  }
0x33d: {  	v0 =	vadd.f32 v3, v0  }
0x33e: {  	v3 =	vld [tilespmem:s22+$0x580]  }
0x33f: {  	v0 =	vadd.f32 v1, v0  }
0x340: {  	v1 =	vld [tilespmem:s22+$0x590]  }
0x341: {  	v0 =	vadd.f32 v2, v0  }
0x342: {  	v2 =	vld [tilespmem:s22+$0x5A0]  }
0x343: {  	v0 =	vadd.f32 v3, v0  }
0x344: {  	v3 =	vld [tilespmem:s22+$0x600]  }
0x345: {  	v0 =	vadd.f32 v1, v0  }
0x346: {  	v1 =	vld [tilespmem:s22+$0x610]  }
0x347: {  	v0 =	vadd.f32 v2, v0  }
0x348: {  	v2 =	vld [tilespmem:s22+$0x620]  }
0x349: {  	v0 =	vadd.f32 v3, v0  }
0x34a: {  	v3 =	vld [tilespmem:s22+$0x680]  }
0x34b: {  	v0 =	vadd.f32 v1, v0  }
0x34c: {  	v1 =	vld [tilespmem:s22+$0x690]  }
0x34d: {  	v0 =	vadd.f32 v2, v0  }
0x34e: {  	v2 =	vld [tilespmem:s22+$0x6A0]  }
0x34f: {  	v0 =	vadd.f32 v3, v0  }
0x350: {  	v3 =	vld [tilespmem:s22+$0x700]  }
0x351: {  	v0 =	vadd.f32 v1, v0  }
0x352: {  	v1 =	vld [tilespmem:s22+$0x710]  }
0x353: {  	v0 =	vadd.f32 v2, v0  }
0x354: {  	v2 =	vld [tilespmem:s22+$0x720]  }
0x355: {  	v0 =	vadd.f32 v3, v0  }
0x356: {  	v3 =	vld [tilespmem:s22+$0x780]  }
0x357: {  	v0 =	vadd.f32 v1, v0  }
0x358: {  	v1 =	vld [tilespmem:s22+$0x790]  }
0x359: {  	v0 =	vadd.f32 v2, v0  }
0x35a: {  	v2 =	vld [tilespmem:s22+$0x7A0]  }
0x35b: {  	v0 =	vadd.f32 v3, v0  }
0x35c: {  	v3 =	vld [tilespmem:s22+$0x800]  }
0x35d: {  	v0 =	vadd.f32 v1, v0  }
0x35e: {  	v1 =	vld [tilespmem:s22+$0x810]  }
0x35f: {  	v0 =	vadd.f32 v2, v0  }
0x360: {  	v2 =	vld [tilespmem:s22+$0x820]  }
0x361: {  	v0 =	vadd.f32 v3, v0  }
0x362: {  	v3 =	vld [tilespmem:s22+$0x880]  }
0x363: {  	v0 =	vadd.f32 v1, v0  }
0x364: {  	v1 =	vld [tilespmem:s22+$0x890]  }
0x365: {  	v0 =	vadd.f32 v2, v0  }
0x366: {  	v2 =	vld [tilespmem:s22+$0x8A0]  }
0x367: {  	v0 =	vadd.f32 v3, v0  }
0x368: {  	v3 =	vld [tilespmem:s22+$0x900]  }
0x369: {  	v0 =	vadd.f32 v1, v0  }
0x36a: {  	v1 =	vld [tilespmem:s22+$0x910]  }
0x36b: {  	v0 =	vadd.f32 v2, v0  }
0x36c: {  	v2 =	vld [tilespmem:s22+$0x920]  }
0x36d: {  	v0 =	vadd.f32 v3, v0  }
0x36e: {  	v3 =	vld [tilespmem:s22+$0x980]  }
0x36f: {  	v0 =	vadd.f32 v1, v0  }
0x370: {  	v1 =	vld [tilespmem:s22+$0x990]  }
0x371: {  	v0 =	vadd.f32 v2, v0  }
0x372: {  	v2 =	vld [tilespmem:s22+$0x9A0]  }
0x373: {  	v0 =	vadd.f32 v3, v0  }
0x374: {  	v3 =	vld [tilespmem:s22+$0xA00]  }
0x375: {  	v0 =	vadd.f32 v1, v0  }
0x376: {  	v1 =	vld [tilespmem:s22+$0xA10]  }
0x377: {  	v0 =	vadd.f32 v2, v0  }
0x378: {  	v2 =	vld [tilespmem:s22+$0xA20]  }
0x379: {  	v0 =	vadd.f32 v3, v0  }
0x37a: {  	v3 =	vld [tilespmem:s22+$0xA80]  }
0x37b: {  	v0 =	vadd.f32 v1, v0  }
0x37c: {  	v1 =	vld [tilespmem:s22+$0xA90]  }
0x37d: {  	v0 =	vadd.f32 v2, v0  }
0x37e: {  	v2 =	vld [tilespmem:s22+$0xAA0]  }
0x37f: {  	v0 =	vadd.f32 v3, v0  }
0x380: {  	v3 =	vld [tilespmem:s22+$0xB00]  }
0x381: {  	v0 =	vadd.f32 v1, v0  }
0x382: {  	v1 =	vld [tilespmem:s22+$0xB10]  }
0x383: {  	v0 =	vadd.f32 v2, v0  }
0x384: {  	v2 =	vld [tilespmem:s22+$0xB20]  }
0x385: {  	s19 =	sshll.u32 s18, $0x4;
	p0 =	seq.s32 s18, $0xB;
	v0 =	vadd.f32 v3, v0  }
0x386: {  	s23 =	sadd.s32 @!p0 s19, s6;
	v3 =	vld [tilespmem:s22+$0xB80]  }
0x387: {  	s24 =	smulhi.u32 @!p0 $0x2AAAAAAB, s23;
	v0 =	vadd.f32 v1, v0  }
0x388: {  	v1 =	vld [tilespmem:s22+$0xB90]  }
0x389: {  	s25 =	sshrl.u32 @!p0 s24, $0x3;
	v0 =	vadd.f32 v2, v0  }
0x38a: {  	s30 =	sor.u32 s18, s21;
	p2 =	sne.s32 s21, $0x0;
	s21 =	smul.u32 @!p0 $0x30, s25;
	v2 =	vld [tilespmem:s22+$0xBA0]  }
0x38b: {  	p1 =	seq.s32 s30, $0x0;
	v0 =	vadd.f32 v3, v0  }
0x38c: {  	p1 =	por !p2, !p1;
	s21 =	ssub.s32 @!p0 s23, s21  }
0x38d: {  	p1 =	por !p1, !p1;
	s21 =	smul.u32 @!p0 $0x1800, s21;
	s22 =	sshrl.u32 @!p0 s24, $0x7;
	v0 =	vadd.f32 v1, v0  }
0x38e: {  	s23 =	simm.s32 $0xFFFFFFFF;
	s24 =	sand.u32 @!p0 $0xF, s25;
	s22 =	smul.u32 @!p0 $0xD80000, s22  }
0x38f: {  	s23 =	simm.s32 @!p1 $0x0;
	s24 =	smul.u32 @!p0 $0x48000, s24;
	v0 =	vadd.f32 v2, v0  }
0x390: {  	s31 =	sshll.u32 s23, $0x9;
	s21 =	sor.u32 @!p0 s22, s21  }
0x391: {  	s20 =	sadd.s32 $0x10, s20;
	s22 =	sshra.s32 s31, $0x2;
	s21 =	sadd.s32 @!p0 s24, s21;
	v0 =	vmul.f32 $4.340277810e-04, v0  }
0x392: {  	s20 =	sadd.s32 s22, s20;
	s21 =	sshrl.u32 @!p0 s21, $0x3  }
0x393: {  	[tilespmem:s20+$0x0] =	vst v0;
	s20 =	sadd.s32 @!p0 s1, s21;
	s21 =	simm.s32 @!p0 $0x0  }
0x394: {  	[tilespmem:s21], [sflag:$0x1] =	stream.linear.gather @!p0 [hbm4b:s20+s21], $0xC000, $0x38;
	[tilespmem:$0x18C00] =	vst v63  }
0x395: {  	_ =	swait.ge [sflag:s12], $0xC000  }
0x396: {  	[sflag:s12] =	ssyncset.done $0x0  }
0x397: {  	s21 =	simm.s32 $0xCC00;
	[sflag:s12] =	ssyncadd.s32 $0xFFFF4000  }
0x398: {  	s22 =	simm.s32 $0x40;
	v0 =	vmov s16;
	s20 =	simm.s32 $0x0;
	v1 =	vld [tilespmem:s21+$0xFFFFF400]  }
.LBB2_5:
0x399: {  	p1 =	sne.s32 s22, $0x1C0  }
0x39a: {  	v2 =	vld [tilespmem:s21+$0xFFFFF410];
	_ =	sdelay $0x1  }
0x39b: {  	v3 =	vld [tilespmem:s21+$0xFFFFF420]  }
0x39c: {  	v1 =	vadd.f32 $0.0e+00, v1  }
0x39d: {  	v4 =	vld [tilespmem:s21+$0xFFFFF480]  }
0x39e: {  	v1 =	vadd.f32 v2, v1  }
0x39f: {  	v2 =	vld [tilespmem:s21+$0xFFFFF490]  }
0x3a0: {  	v1 =	vadd.f32 v3, v1  }
0x3a1: {  	v3 =	vld [tilespmem:s21+$0xFFFFF4A0]  }
0x3a2: {  	v1 =	vadd.f32 v4, v1  }
0x3a3: {  	v4 =	vld [tilespmem:s21+$0xFFFFF500]  }
0x3a4: {  	v1 =	vadd.f32 v2, v1  }
0x3a5: {  	v2 =	vld [tilespmem:s21+$0xFFFFF510]  }
0x3a6: {  	v1 =	vadd.f32 v3, v1  }
0x3a7: {  	v3 =	vld [tilespmem:s21+$0xFFFFF520]  }
0x3a8: {  	v1 =	vadd.f32 v4, v1  }
0x3a9: {  	v4 =	vld [tilespmem:s21+$0xFFFFF580]  }
0x3aa: {  	v1 =	vadd.f32 v2, v1  }
0x3ab: {  	v2 =	vld [tilespmem:s21+$0xFFFFF590]  }
0x3ac: {  	v1 =	vadd.f32 v3, v1  }
0x3ad: {  	v3 =	vld [tilespmem:s21+$0xFFFFF5A0]  }
0x3ae: {  	v1 =	vadd.f32 v4, v1  }
0x3af: {  	v4 =	vld [tilespmem:s21+$0xFFFFF600]  }
0x3b0: {  	v1 =	vadd.f32 v2, v1  }
0x3b1: {  	v2 =	vld [tilespmem:s21+$0xFFFFF610]  }
0x3b2: {  	v1 =	vadd.f32 v3, v1  }
0x3b3: {  	v3 =	vld [tilespmem:s21+$0xFFFFF620]  }
0x3b4: {  	v1 =	vadd.f32 v4, v1  }
0x3b5: {  	v4 =	vld [tilespmem:s21+$0xFFFFF680]  }
0x3b6: {  	v1 =	vadd.f32 v2, v1  }
0x3b7: {  	v2 =	vld [tilespmem:s21+$0xFFFFF690]  }
0x3b8: {  	v1 =	vadd.f32 v3, v1  }
0x3b9: {  	v3 =	vld [tilespmem:s21+$0xFFFFF6A0]  }
0x3ba: {  	v1 =	vadd.f32 v4, v1  }
0x3bb: {  	v4 =	vld [tilespmem:s21+$0xFFFFF700]  }
0x3bc: {  	v1 =	vadd.f32 v2, v1  }
0x3bd: {  	v2 =	vld [tilespmem:s21+$0xFFFFF710]  }
0x3be: {  	v1 =	vadd.f32 v3, v1  }
0x3bf: {  	v3 =	vld [tilespmem:s21+$0xFFFFF720]  }
0x3c0: {  	v1 =	vadd.f32 v4, v1  }
0x3c1: {  	v4 =	vld [tilespmem:s21+$0xFFFFF780]  }
0x3c2: {  	v1 =	vadd.f32 v2, v1  }
0x3c3: {  	v2 =	vld [tilespmem:s21+$0xFFFFF790]  }
0x3c4: {  	v1 =	vadd.f32 v3, v1  }
0x3c5: {  	v3 =	vld [tilespmem:s21+$0xFFFFF7A0]  }
0x3c6: {  	v1 =	vadd.f32 v4, v1  }
0x3c7: {  	v4 =	vld [tilespmem:s21+$0xFFFFF800]  }
0x3c8: {  	v1 =	vadd.f32 v2, v1  }
0x3c9: {  	v2 =	vld [tilespmem:s21+$0xFFFFF810]  }
0x3ca: {  	v1 =	vadd.f32 v3, v1  }
0x3cb: {  	v3 =	vld [tilespmem:s21+$0xFFFFF820]  }
0x3cc: {  	v1 =	vadd.f32 v4, v1  }
0x3cd: {  	v4 =	vld [tilespmem:s21+$0xFFFFF880]  }
0x3ce: {  	v1 =	vadd.f32 v2, v1  }
0x3cf: {  	v2 =	vld [tilespmem:s21+$0xFFFFF890]  }
0x3d0: {  	v1 =	vadd.f32 v3, v1  }
0x3d1: {  	v3 =	vld [tilespmem:s21+$0xFFFFF8A0]  }
0x3d2: {  	v1 =	vadd.f32 v4, v1  }
0x3d3: {  	v4 =	vld [tilespmem:s21+$0xFFFFF900]  }
0x3d4: {  	v1 =	vadd.f32 v2, v1  }
0x3d5: {  	v2 =	vld [tilespmem:s21+$0xFFFFF910]  }
0x3d6: {  	v1 =	vadd.f32 v3, v1  }
0x3d7: {  	v3 =	vld [tilespmem:s21+$0xFFFFF920]  }
0x3d8: {  	v1 =	vadd.f32 v4, v1  }
0x3d9: {  	v4 =	vld [tilespmem:s21+$0xFFFFF980]  }
0x3da: {  	v1 =	vadd.f32 v2, v1  }
0x3db: {  	v2 =	vld [tilespmem:s21+$0xFFFFF990]  }
0x3dc: {  	v1 =	vadd.f32 v3, v1  }
0x3dd: {  	v3 =	vld [tilespmem:s21+$0xFFFFF9A0]  }
0x3de: {  	v1 =	vadd.f32 v4, v1  }
0x3df: {  	v4 =	vld [tilespmem:s21+$0xFFFFFA00]  }
0x3e0: {  	v1 =	vadd.f32 v2, v1  }
0x3e1: {  	v2 =	vld [tilespmem:s21+$0xFFFFFA10]  }
0x3e2: {  	v1 =	vadd.f32 v3, v1  }
0x3e3: {  	v3 =	vld [tilespmem:s21+$0xFFFFFA20]  }
0x3e4: {  	v1 =	vadd.f32 v4, v1  }
0x3e5: {  	v4 =	vld [tilespmem:s21+$0xFFFFFA80]  }
0x3e6: {  	v1 =	vadd.f32 v2, v1  }
0x3e7: {  	v2 =	vld [tilespmem:s21+$0xFFFFFA90]  }
0x3e8: {  	v1 =	vadd.f32 v3, v1  }
0x3e9: {  	v3 =	vld [tilespmem:s21+$0xFFFFFAA0]  }
0x3ea: {  	v1 =	vadd.f32 v4, v1  }
0x3eb: {  	v4 =	vld [tilespmem:s21+$0xFFFFFB00]  }
0x3ec: {  	v1 =	vadd.f32 v2, v1  }
0x3ed: {  	v2 =	vld [tilespmem:s21+$0xFFFFFB10]  }
0x3ee: {  	v1 =	vadd.f32 v3, v1  }
0x3ef: {  	v3 =	vld [tilespmem:s21+$0xFFFFFB20]  }
0x3f0: {  	v1 =	vadd.f32 v4, v1  }
0x3f1: {  	v4 =	vld [tilespmem:s21+$0xFFFFFB80]  }
0x3f2: {  	v1 =	vadd.f32 v2, v1  }
0x3f3: {  	v2 =	vld [tilespmem:s21+$0xFFFFFB90]  }
0x3f4: {  	v1 =	vadd.f32 v3, v1  }
0x3f5: {  	v3 =	vld [tilespmem:s21+$0xFFFFFBA0]  }
0x3f6: {  	v1 =	vadd.f32 v4, v1  }
0x3f7: {  	v4 =	vld [tilespmem:s21+$0xFFFFFC00]  }
0x3f8: {  	v1 =	vadd.f32 v2, v1  }
0x3f9: {  	v2 =	vld [tilespmem:s21+$0xFFFFFC10]  }
0x3fa: {  	v1 =	vadd.f32 v3, v1  }
0x3fb: {  	v3 =	vld [tilespmem:s21+$0xFFFFFC20]  }
0x3fc: {  	v1 =	vadd.f32 v4, v1  }
0x3fd: {  	v4 =	vld [tilespmem:s21+$0xFFFFFC80]  }
0x3fe: {  	v1 =	vadd.f32 v2, v1  }
0x3ff: {  	v2 =	vld [tilespmem:s21+$0xFFFFFC90]  }
0x400: {  	v1 =	vadd.f32 v3, v1  }
0x401: {  	v3 =	vld [tilespmem:s21+$0xFFFFFCA0]  }
0x402: {  	v1 =	vadd.f32 v4, v1  }
0x403: {  	v4 =	vld [tilespmem:s21+$0xFFFFFD00]  }
0x404: {  	v1 =	vadd.f32 v2, v1  }
0x405: {  	v2 =	vld [tilespmem:s21+$0xFFFFFD10]  }
0x406: {  	v1 =	vadd.f32 v3, v1  }
0x407: {  	v3 =	vld [tilespmem:s21+$0xFFFFFD20]  }
0x408: {  	v1 =	vadd.f32 v4, v1  }
0x409: {  	v4 =	vld [tilespmem:s21+$0xFFFFFD80]  }
0x40a: {  	v1 =	vadd.f32 v2, v1  }
0x40b: {  	v2 =	vld [tilespmem:s21+$0xFFFFFD90]  }
0x40c: {  	v1 =	vadd.f32 v3, v1  }
0x40d: {  	v3 =	vld [tilespmem:s21+$0xFFFFFDA0]  }
0x40e: {  	v1 =	vadd.f32 v4, v1  }
0x40f: {  	v4 =	vld [tilespmem:s21+$0xFFFFFE00]  }
0x410: {  	v1 =	vadd.f32 v2, v1  }
0x411: {  	v2 =	vld [tilespmem:s21+$0xFFFFFE10]  }
0x412: {  	v1 =	vadd.f32 v3, v1  }
0x413: {  	v3 =	vld [tilespmem:s21+$0xFFFFFE20]  }
0x414: {  	v1 =	vadd.f32 v4, v1  }
0x415: {  	v4 =	vld [tilespmem:s21+$0xFFFFFE80]  }
0x416: {  	v1 =	vadd.f32 v2, v1  }
0x417: {  	v2 =	vld [tilespmem:s21+$0xFFFFFE90]  }
0x418: {  	v1 =	vadd.f32 v3, v1  }
0x419: {  	v3 =	vld [tilespmem:s21+$0xFFFFFEA0]  }
0x41a: {  	v1 =	vadd.f32 v4, v1  }
0x41b: {  	v4 =	vld [tilespmem:s21+$0xFFFFFF00]  }
0x41c: {  	v1 =	vadd.f32 v2, v1  }
0x41d: {  	v2 =	vld [tilespmem:s21+$0xFFFFFF10]  }
0x41e: {  	v1 =	vadd.f32 v3, v1  }
0x41f: {  	v3 =	vld [tilespmem:s21+$0xFFFFFF20]  }
0x420: {  	v1 =	vadd.f32 v4, v1  }
0x421: {  	v4 =	vld [tilespmem:s21+$0xFFFFFF80]  }
0x422: {  	v1 =	vadd.f32 v2, v1  }
0x423: {  	v2 =	vld [tilespmem:s21+$0xFFFFFF90]  }
0x424: {  	v1 =	vadd.f32 v3, v1  }
0x425: {  	v3 =	vld [tilespmem:s21+$0xFFFFFFA0]  }
0x426: {  	v1 =	vadd.f32 v4, v1  }
0x427: {  	v4 =	vld [tilespmem:s21+$0x0]  }
0x428: {  	v1 =	vadd.f32 v2, v1  }
0x429: {  	v2 =	vld [tilespmem:s21+$0x10]  }
0x42a: {  	v1 =	vadd.f32 v3, v1  }
0x42b: {  	v3 =	vld [tilespmem:s21+$0x20]  }
0x42c: {  	v1 =	vadd.f32 v4, v1  }
0x42d: {  	v4 =	vld [tilespmem:s21+$0x80]  }
0x42e: {  	v1 =	vadd.f32 v2, v1  }
0x42f: {  	v2 =	vld [tilespmem:s21+$0x90]  }
0x430: {  	v1 =	vadd.f32 v3, v1  }
0x431: {  	v3 =	vld [tilespmem:s21+$0xA0]  }
0x432: {  	v1 =	vadd.f32 v4, v1  }
0x433: {  	v4 =	vld [tilespmem:s21+$0x100]  }
0x434: {  	v1 =	vadd.f32 v2, v1  }
0x435: {  	v2 =	vld [tilespmem:s21+$0x110]  }
0x436: {  	v1 =	vadd.f32 v3, v1  }
0x437: {  	v3 =	vld [tilespmem:s21+$0x120]  }
0x438: {  	v1 =	vadd.f32 v4, v1  }
0x439: {  	v4 =	vld [tilespmem:s21+$0x180]  }
0x43a: {  	v1 =	vadd.f32 v2, v1  }
0x43b: {  	v2 =	vld [tilespmem:s21+$0x190]  }
0x43c: {  	v1 =	vadd.f32 v3, v1  }
0x43d: {  	v3 =	vld [tilespmem:s21+$0x1A0]  }
0x43e: {  	v1 =	vadd.f32 v4, v1  }
0x43f: {  	v4 =	vld [tilespmem:s21+$0x200]  }
0x440: {  	v1 =	vadd.f32 v2, v1  }
0x441: {  	v2 =	vld [tilespmem:s21+$0x210]  }
0x442: {  	v1 =	vadd.f32 v3, v1  }
0x443: {  	v3 =	vld [tilespmem:s21+$0x220]  }
0x444: {  	v1 =	vadd.f32 v4, v1  }
0x445: {  	v4 =	vld [tilespmem:s21+$0x280]  }
0x446: {  	v1 =	vadd.f32 v2, v1  }
0x447: {  	v2 =	vld [tilespmem:s21+$0x290]  }
0x448: {  	v1 =	vadd.f32 v3, v1  }
0x449: {  	v3 =	vld [tilespmem:s21+$0x2A0]  }
0x44a: {  	v1 =	vadd.f32 v4, v1  }
0x44b: {  	v4 =	vld [tilespmem:s21+$0x300]  }
0x44c: {  	v1 =	vadd.f32 v2, v1  }
0x44d: {  	v2 =	vld [tilespmem:s21+$0x310]  }
0x44e: {  	v1 =	vadd.f32 v3, v1  }
0x44f: {  	v3 =	vld [tilespmem:s21+$0x320]  }
0x450: {  	v1 =	vadd.f32 v4, v1  }
0x451: {  	v4 =	vld [tilespmem:s21+$0x380]  }
0x452: {  	v1 =	vadd.f32 v2, v1  }
0x453: {  	v2 =	vld [tilespmem:s21+$0x390]  }
0x454: {  	v1 =	vadd.f32 v3, v1  }
0x455: {  	v3 =	vld [tilespmem:s21+$0x3A0]  }
0x456: {  	v1 =	vadd.f32 v4, v1  }
0x457: {  	v4 =	vld [tilespmem:s21+$0x400]  }
0x458: {  	v1 =	vadd.f32 v2, v1  }
0x459: {  	v2 =	vld [tilespmem:s21+$0x410]  }
0x45a: {  	v1 =	vadd.f32 v3, v1  }
0x45b: {  	v3 =	vld [tilespmem:s21+$0x420]  }
0x45c: {  	v1 =	vadd.f32 v4, v1  }
0x45d: {  	v4 =	vld [tilespmem:s21+$0x480]  }
0x45e: {  	v1 =	vadd.f32 v2, v1  }
0x45f: {  	v2 =	vld [tilespmem:s21+$0x490]  }
0x460: {  	v1 =	vadd.f32 v3, v1  }
0x461: {  	v3 =	vld [tilespmem:s21+$0x4A0]  }
0x462: {  	v1 =	vadd.f32 v4, v1  }
0x463: {  	v4 =	vld [tilespmem:s21+$0x500]  }
0x464: {  	v1 =	vadd.f32 v2, v1  }
0x465: {  	v2 =	vld [tilespmem:s21+$0x510]  }
0x466: {  	v1 =	vadd.f32 v3, v1  }
0x467: {  	v3 =	vld [tilespmem:s21+$0x520]  }
0x468: {  	v1 =	vadd.f32 v4, v1  }
0x469: {  	v4 =	vld [tilespmem:s21+$0x580]  }
0x46a: {  	v1 =	vadd.f32 v2, v1  }
0x46b: {  	v2 =	vld [tilespmem:s21+$0x590]  }
0x46c: {  	v1 =	vadd.f32 v3, v1  }
0x46d: {  	v3 =	vld [tilespmem:s21+$0x5A0]  }
0x46e: {  	v1 =	vadd.f32 v4, v1  }
0x46f: {  	v4 =	vld [tilespmem:s21+$0x600]  }
0x470: {  	v1 =	vadd.f32 v2, v1  }
0x471: {  	v2 =	vld [tilespmem:s21+$0x610]  }
0x472: {  	v1 =	vadd.f32 v3, v1  }
0x473: {  	v3 =	vld [tilespmem:s21+$0x620]  }
0x474: {  	v1 =	vadd.f32 v4, v1  }
0x475: {  	v4 =	vld [tilespmem:s21+$0x680]  }
0x476: {  	v1 =	vadd.f32 v2, v1  }
0x477: {  	v2 =	vld [tilespmem:s21+$0x690]  }
0x478: {  	v1 =	vadd.f32 v3, v1  }
0x479: {  	v3 =	vld [tilespmem:s21+$0x6A0]  }
0x47a: {  	v1 =	vadd.f32 v4, v1  }
0x47b: {  	v4 =	vld [tilespmem:s21+$0x700]  }
0x47c: {  	v1 =	vadd.f32 v2, v1  }
0x47d: {  	v2 =	vld [tilespmem:s21+$0x710]  }
0x47e: {  	v1 =	vadd.f32 v3, v1  }
0x47f: {  	v3 =	vld [tilespmem:s21+$0x720]  }
0x480: {  	v1 =	vadd.f32 v4, v1  }
0x481: {  	v4 =	vld [tilespmem:s21+$0x780]  }
0x482: {  	v1 =	vadd.f32 v2, v1  }
0x483: {  	v2 =	vld [tilespmem:s21+$0x790]  }
0x484: {  	v1 =	vadd.f32 v3, v1  }
0x485: {  	v3 =	vld [tilespmem:s21+$0x7A0]  }
0x486: {  	v1 =	vadd.f32 v4, v1  }
0x487: {  	v4 =	vld [tilespmem:s21+$0x800]  }
0x488: {  	v1 =	vadd.f32 v2, v1  }
0x489: {  	v2 =	vld [tilespmem:s21+$0x810]  }
0x48a: {  	v1 =	vadd.f32 v3, v1  }
0x48b: {  	v3 =	vld [tilespmem:s21+$0x820]  }
0x48c: {  	v1 =	vadd.f32 v4, v1  }
0x48d: {  	v4 =	vld [tilespmem:s21+$0x880]  }
0x48e: {  	v1 =	vadd.f32 v2, v1  }
0x48f: {  	v2 =	vld [tilespmem:s21+$0x890]  }
0x490: {  	v1 =	vadd.f32 v3, v1  }
0x491: {  	v3 =	vld [tilespmem:s21+$0x8A0]  }
0x492: {  	v1 =	vadd.f32 v4, v1  }
0x493: {  	v4 =	vld [tilespmem:s21+$0x900]  }
0x494: {  	v1 =	vadd.f32 v2, v1  }
0x495: {  	v2 =	vld [tilespmem:s21+$0x910]  }
0x496: {  	v1 =	vadd.f32 v3, v1  }
0x497: {  	v3 =	vld [tilespmem:s21+$0x920]  }
0x498: {  	v1 =	vadd.f32 v4, v1  }
0x499: {  	v4 =	vld [tilespmem:s21+$0x980]  }
0x49a: {  	v1 =	vadd.f32 v2, v1  }
0x49b: {  	v2 =	vld [tilespmem:s21+$0x990]  }
0x49c: {  	v1 =	vadd.f32 v3, v1  }
0x49d: {  	v3 =	vld [tilespmem:s21+$0x9A0]  }
0x49e: {  	v1 =	vadd.f32 v4, v1  }
0x49f: {  	v4 =	vld [tilespmem:s21+$0xA00]  }
0x4a0: {  	v1 =	vadd.f32 v2, v1  }
0x4a1: {  	v2 =	vld [tilespmem:s21+$0xA10]  }
0x4a2: {  	v1 =	vadd.f32 v3, v1  }
0x4a3: {  	v3 =	vld [tilespmem:s21+$0xA20]  }
0x4a4: {  	v1 =	vadd.f32 v4, v1  }
0x4a5: {  	v4 =	vld [tilespmem:s21+$0xA80]  }
0x4a6: {  	v1 =	vadd.f32 v2, v1  }
0x4a7: {  	v2 =	vld [tilespmem:s21+$0xA90]  }
0x4a8: {  	v1 =	vadd.f32 v3, v1  }
0x4a9: {  	v3 =	vld [tilespmem:s21+$0xAA0]  }
0x4aa: {  	v1 =	vadd.f32 v4, v1  }
0x4ab: {  	v4 =	vld [tilespmem:s21+$0xB00]  }
0x4ac: {  	v1 =	vadd.f32 v2, v1  }
0x4ad: {  	v2 =	vld [tilespmem:s21+$0xB10]  }
0x4ae: {  	v1 =	vadd.f32 v3, v1  }
0x4af: {  	v3 =	vld [tilespmem:s21+$0xB20]  }
0x4b0: {  	v1 =	vadd.f32 v4, v1  }
0x4b1: {  	v4 =	vld [tilespmem:s21+$0xB80]  }
0x4b2: {  	v1 =	vadd.f32 v2, v1  }
0x4b3: {  	v2 =	vld [tilespmem:s21+$0xB90]  }
0x4b4: {  	v1 =	vadd.f32 v3, v1  }
0x4b5: {  	v3 =	vld [tilespmem:s21+$0xBA0]  }
0x4b6: {  	v1 =	vadd.f32 v4, v1;
	_ =	sdelay $0x1  }
0x4b7: {  	v1 =	vadd.f32 v2, v1;
	_ =	sdelay $0x1  }
0x4b8: {  	v1 =	vadd.f32 v3, v1  }
.Ltmp3:
0x4b9: {  	(pc) =	sbr.rel @p1 .LBB2_5-.Ltmp3, $4  }
0x4ba: {  	v1 =	vmul.f32 $4.340277810e-04, v1  }
0x4bb: {  	s23 =	sshra.s32 s20, $0x2;
	s20 =	smov.u32 s22  }
0x4bc: {  	s21 =	sadd.s32 $0x1800, s21;
	[tilespmem:v0+s23+$0x0 ss:$0x1] =	vst.idx.msk $0xffff, v1  }
0x4bd: {  	s22 =	sadd.s32 $0x40, s22;
	v1 =	vld [tilespmem:s21+$0xFFFFF400]  }
0x4be: {  	_ = 	snop  }
0x4bf: {  	v2 =	vld [tilespmem:s21+$0xFFFFF410];
	_ =	sdelay $0x1  }
0x4c0: {  	v3 =	vld [tilespmem:s21+$0xFFFFF420]  }
0x4c1: {  	v1 =	vadd.f32 $0.0e+00, v1  }
0x4c2: {  	v4 =	vld [tilespmem:s21+$0xFFFFF480]  }
0x4c3: {  	v1 =	vadd.f32 v2, v1  }
0x4c4: {  	v36 =	vld [tilespmem:s21+$0xFFFFF490]  }
0x4c5: {  	v1 =	vadd.f32 v3, v1  }
0x4c6: {  	v37 =	vld [tilespmem:s21+$0xFFFFF4A0]  }
0x4c7: {  	v1 =	vadd.f32 v4, v1  }
0x4c8: {  	v38 =	vld [tilespmem:s21+$0xFFFFF500]  }
0x4c9: {  	v1 =	vadd.f32 v36, v1  }
0x4ca: {  	v39 =	vld [tilespmem:s21+$0xFFFFF510]  }
0x4cb: {  	v1 =	vadd.f32 v37, v1  }
0x4cc: {  	v40 =	vld [tilespmem:s21+$0xFFFFF520]  }
0x4cd: {  	v1 =	vadd.f32 v38, v1  }
0x4ce: {  	v41 =	vld [tilespmem:s21+$0xFFFFF580]  }
0x4cf: {  	v1 =	vadd.f32 v39, v1  }
0x4d0: {  	v42 =	vld [tilespmem:s21+$0xFFFFF590]  }
0x4d1: {  	v1 =	vadd.f32 v40, v1  }
0x4d2: {  	v43 =	vld [tilespmem:s21+$0xFFFFF5A0]  }
0x4d3: {  	v1 =	vadd.f32 v41, v1  }
0x4d4: {  	v44 =	vld [tilespmem:s21+$0xFFFFF600]  }
0x4d5: {  	v1 =	vadd.f32 v42, v1  }
0x4d6: {  	v45 =	vld [tilespmem:s21+$0xFFFFF610]  }
0x4d7: {  	v1 =	vadd.f32 v43, v1  }
0x4d8: {  	v46 =	vld [tilespmem:s21+$0xFFFFF620]  }
0x4d9: {  	v1 =	vadd.f32 v44, v1  }
0x4da: {  	v47 =	vld [tilespmem:s21+$0xFFFFF680]  }
0x4db: {  	v1 =	vadd.f32 v45, v1  }
0x4dc: {  	v48 =	vld [tilespmem:s21+$0xFFFFF690]  }
0x4dd: {  	v1 =	vadd.f32 v46, v1  }
0x4de: {  	v49 =	vld [tilespmem:s21+$0xFFFFF6A0]  }
0x4df: {  	v1 =	vadd.f32 v47, v1  }
0x4e0: {  	v50 =	vld [tilespmem:s21+$0xFFFFF700]  }
0x4e1: {  	v1 =	vadd.f32 v48, v1  }
0x4e2: {  	v51 =	vld [tilespmem:s21+$0xFFFFF710]  }
0x4e3: {  	v1 =	vadd.f32 v49, v1  }
0x4e4: {  	v52 =	vld [tilespmem:s21+$0xFFFFF720]  }
0x4e5: {  	v1 =	vadd.f32 v50, v1  }
0x4e6: {  	v53 =	vld [tilespmem:s21+$0xFFFFF780]  }
0x4e7: {  	v1 =	vadd.f32 v51, v1  }
0x4e8: {  	v54 =	vld [tilespmem:s21+$0xFFFFF790]  }
0x4e9: {  	v1 =	vadd.f32 v52, v1  }
0x4ea: {  	v55 =	vld [tilespmem:s21+$0xFFFFF7A0]  }
0x4eb: {  	v1 =	vadd.f32 v53, v1  }
0x4ec: {  	v56 =	vld [tilespmem:s21+$0xFFFFF800]  }
0x4ed: {  	v1 =	vadd.f32 v54, v1  }
0x4ee: {  	v57 =	vld [tilespmem:s21+$0xFFFFF810]  }
0x4ef: {  	v1 =	vadd.f32 v55, v1  }
0x4f0: {  	v58 =	vld [tilespmem:s21+$0xFFFFF820]  }
0x4f1: {  	v1 =	vadd.f32 v56, v1  }
0x4f2: {  	v59 =	vld [tilespmem:s21+$0xFFFFF880]  }
0x4f3: {  	v1 =	vadd.f32 v57, v1  }
0x4f4: {  	v60 =	vld [tilespmem:s21+$0xFFFFF890]  }
0x4f5: {  	v1 =	vadd.f32 v58, v1  }
0x4f6: {  	v61 =	vld [tilespmem:s21+$0xFFFFF8A0]  }
0x4f7: {  	v1 =	vadd.f32 v59, v1  }
0x4f8: {  	v62 =	vld [tilespmem:s21+$0xFFFFF900]  }
0x4f9: {  	v1 =	vadd.f32 v60, v1  }
0x4fa: {  	v63 =	vld [tilespmem:s21+$0xFFFFF910]  }
0x4fb: {  	v1 =	vadd.f32 v61, v1  }
0x4fc: {  	v8 =	vld [tilespmem:s21+$0xFFFFF920]  }
0x4fd: {  	v1 =	vadd.f32 v62, v1  }
0x4fe: {  	v9 =	vld [tilespmem:s21+$0xFFFFF980]  }
0x4ff: {  	v1 =	vadd.f32 v63, v1  }
0x500: {  	v10 =	vld [tilespmem:s21+$0xFFFFF990]  }
0x501: {  	v1 =	vadd.f32 v8, v1  }
0x502: {  	v11 =	vld [tilespmem:s21+$0xFFFFF9A0]  }
0x503: {  	v1 =	vadd.f32 v9, v1  }
0x504: {  	v12 =	vld [tilespmem:s21+$0xFFFFFA00]  }
0x505: {  	v1 =	vadd.f32 v10, v1  }
0x506: {  	v13 =	vld [tilespmem:s21+$0xFFFFFA10]  }
0x507: {  	v1 =	vadd.f32 v11, v1  }
0x508: {  	v14 =	vld [tilespmem:s21+$0xFFFFFA20]  }
0x509: {  	v1 =	vadd.f32 v12, v1  }
0x50a: {  	v15 =	vld [tilespmem:s21+$0xFFFFFA80]  }
0x50b: {  	v1 =	vadd.f32 v13, v1  }
0x50c: {  	v16 =	vld [tilespmem:s21+$0xFFFFFA90]  }
0x50d: {  	v1 =	vadd.f32 v14, v1  }
0x50e: {  	v17 =	vld [tilespmem:s21+$0xFFFFFAA0]  }
0x50f: {  	v1 =	vadd.f32 v15, v1  }
0x510: {  	v18 =	vld [tilespmem:s21+$0xFFFFFB00]  }
0x511: {  	v1 =	vadd.f32 v16, v1  }
0x512: {  	v19 =	vld [tilespmem:s21+$0xFFFFFB10]  }
0x513: {  	v1 =	vadd.f32 v17, v1  }
0x514: {  	v20 =	vld [tilespmem:s21+$0xFFFFFB20]  }
0x515: {  	v1 =	vadd.f32 v18, v1  }
0x516: {  	v21 =	vld [tilespmem:s21+$0xFFFFFB80]  }
0x517: {  	v1 =	vadd.f32 v19, v1  }
0x518: {  	v22 =	vld [tilespmem:s21+$0xFFFFFB90]  }
0x519: {  	v1 =	vadd.f32 v20, v1  }
0x51a: {  	v23 =	vld [tilespmem:s21+$0xFFFFFBA0]  }
0x51b: {  	v1 =	vadd.f32 v21, v1  }
0x51c: {  	v24 =	vld [tilespmem:s21+$0xFFFFFC00]  }
0x51d: {  	v1 =	vadd.f32 v22, v1  }
0x51e: {  	v25 =	vld [tilespmem:s21+$0xFFFFFC10]  }
0x51f: {  	v1 =	vadd.f32 v23, v1  }
0x520: {  	v26 =	vld [tilespmem:s21+$0xFFFFFC20]  }
0x521: {  	v1 =	vadd.f32 v24, v1  }
0x522: {  	v27 =	vld [tilespmem:s21+$0xFFFFFC80]  }
0x523: {  	v1 =	vadd.f32 v25, v1  }
0x524: {  	v28 =	vld [tilespmem:s21+$0xFFFFFC90]  }
0x525: {  	v1 =	vadd.f32 v26, v1  }
0x526: {  	v29 =	vld [tilespmem:s21+$0xFFFFFCA0]  }
0x527: {  	v1 =	vadd.f32 v27, v1  }
0x528: {  	v30 =	vld [tilespmem:s21+$0xFFFFFD00]  }
0x529: {  	v1 =	vadd.f32 v28, v1  }
0x52a: {  	v31 =	vld [tilespmem:s21+$0xFFFFFD10]  }
0x52b: {  	v1 =	vadd.f32 v29, v1  }
0x52c: {  	v32 =	vld [tilespmem:s21+$0xFFFFFD20]  }
0x52d: {  	v1 =	vadd.f32 v30, v1  }
0x52e: {  	v33 =	vld [tilespmem:s21+$0xFFFFFD80]  }
0x52f: {  	v1 =	vadd.f32 v31, v1  }
0x530: {  	v34 =	vld [tilespmem:s21+$0xFFFFFD90]  }
0x531: {  	v1 =	vadd.f32 v32, v1  }
0x532: {  	v35 =	vld [tilespmem:s21+$0xFFFFFDA0]  }
0x533: {  	v1 =	vadd.f32 v33, v1  }
0x534: {  	v36 =	vld [tilespmem:s21+$0xFFFFFE00]  }
0x535: {  	v1 =	vadd.f32 v34, v1  }
0x536: {  	v37 =	vld [tilespmem:s21+$0xFFFFFE10]  }
0x537: {  	v1 =	vadd.f32 v35, v1  }
0x538: {  	v38 =	vld [tilespmem:s21+$0xFFFFFE20]  }
0x539: {  	v1 =	vadd.f32 v36, v1  }
0x53a: {  	v39 =	vld [tilespmem:s21+$0xFFFFFE80]  }
0x53b: {  	v1 =	vadd.f32 v37, v1  }
0x53c: {  	v40 =	vld [tilespmem:s21+$0xFFFFFE90]  }
0x53d: {  	v1 =	vadd.f32 v38, v1  }
0x53e: {  	v41 =	vld [tilespmem:s21+$0xFFFFFEA0]  }
0x53f: {  	v1 =	vadd.f32 v39, v1  }
0x540: {  	v42 =	vld [tilespmem:s21+$0xFFFFFF00]  }
0x541: {  	v1 =	vadd.f32 v40, v1  }
0x542: {  	v43 =	vld [tilespmem:s21+$0xFFFFFF10]  }
0x543: {  	v1 =	vadd.f32 v41, v1  }
0x544: {  	v44 =	vld [tilespmem:s21+$0xFFFFFF20]  }
0x545: {  	v1 =	vadd.f32 v42, v1  }
0x546: {  	v45 =	vld [tilespmem:s21+$0xFFFFFF80]  }
0x547: {  	v1 =	vadd.f32 v43, v1  }
0x548: {  	v46 =	vld [tilespmem:s21+$0xFFFFFF90]  }
0x549: {  	v1 =	vadd.f32 v44, v1  }
0x54a: {  	v47 =	vld [tilespmem:s21+$0xFFFFFFA0]  }
0x54b: {  	v1 =	vadd.f32 v45, v1  }
0x54c: {  	v48 =	vld [tilespmem:s21+$0x0]  }
0x54d: {  	v1 =	vadd.f32 v46, v1  }
0x54e: {  	v49 =	vld [tilespmem:s21+$0x10]  }
0x54f: {  	v1 =	vadd.f32 v47, v1  }
0x550: {  	v50 =	vld [tilespmem:s21+$0x20]  }
0x551: {  	v1 =	vadd.f32 v48, v1  }
0x552: {  	v51 =	vld [tilespmem:s21+$0x80]  }
0x553: {  	v1 =	vadd.f32 v49, v1  }
0x554: {  	v52 =	vld [tilespmem:s21+$0x90]  }
0x555: {  	v1 =	vadd.f32 v50, v1  }
0x556: {  	v53 =	vld [tilespmem:s21+$0xA0]  }
0x557: {  	v1 =	vadd.f32 v51, v1  }
0x558: {  	v54 =	vld [tilespmem:s21+$0x100]  }
0x559: {  	v1 =	vadd.f32 v52, v1  }
0x55a: {  	v55 =	vld [tilespmem:s21+$0x110]  }
0x55b: {  	v1 =	vadd.f32 v53, v1  }
0x55c: {  	v56 =	vld [tilespmem:s21+$0x120]  }
0x55d: {  	v1 =	vadd.f32 v54, v1  }
0x55e: {  	v57 =	vld [tilespmem:s21+$0x180]  }
0x55f: {  	v1 =	vadd.f32 v55, v1  }
0x560: {  	v58 =	vld [tilespmem:s21+$0x190]  }
0x561: {  	v1 =	vadd.f32 v56, v1  }
0x562: {  	v59 =	vld [tilespmem:s21+$0x1A0]  }
0x563: {  	v1 =	vadd.f32 v57, v1  }
0x564: {  	v60 =	vld [tilespmem:s21+$0x200]  }
0x565: {  	v1 =	vadd.f32 v58, v1  }
0x566: {  	v61 =	vld [tilespmem:s21+$0x210]  }
0x567: {  	v1 =	vadd.f32 v59, v1  }
0x568: {  	v62 =	vld [tilespmem:s21+$0x220]  }
0x569: {  	v1 =	vadd.f32 v60, v1  }
0x56a: {  	v63 =	vld [tilespmem:s21+$0x280]  }
0x56b: {  	v1 =	vadd.f32 v61, v1  }
0x56c: {  	v8 =	vld [tilespmem:s21+$0x290]  }
0x56d: {  	v1 =	vadd.f32 v62, v1  }
0x56e: {  	v9 =	vld [tilespmem:s21+$0x2A0]  }
0x56f: {  	v1 =	vadd.f32 v63, v1  }
0x570: {  	v10 =	vld [tilespmem:s21+$0x300]  }
0x571: {  	v1 =	vadd.f32 v8, v1  }
0x572: {  	v11 =	vld [tilespmem:s21+$0x310]  }
0x573: {  	v1 =	vadd.f32 v9, v1  }
0x574: {  	v12 =	vld [tilespmem:s21+$0x320]  }
0x575: {  	v1 =	vadd.f32 v10, v1  }
0x576: {  	v13 =	vld [tilespmem:s21+$0x380]  }
0x577: {  	v1 =	vadd.f32 v11, v1  }
0x578: {  	v14 =	vld [tilespmem:s21+$0x390]  }
0x579: {  	v1 =	vadd.f32 v12, v1  }
0x57a: {  	v15 =	vld [tilespmem:s21+$0x3A0]  }
0x57b: {  	v1 =	vadd.f32 v13, v1  }
0x57c: {  	v16 =	vld [tilespmem:s21+$0x400]  }
0x57d: {  	v1 =	vadd.f32 v14, v1  }
0x57e: {  	v17 =	vld [tilespmem:s21+$0x410]  }
0x57f: {  	v1 =	vadd.f32 v15, v1  }
0x580: {  	v18 =	vld [tilespmem:s21+$0x420]  }
0x581: {  	v1 =	vadd.f32 v16, v1  }
0x582: {  	v19 =	vld [tilespmem:s21+$0x480]  }
0x583: {  	v1 =	vadd.f32 v17, v1  }
0x584: {  	v20 =	vld [tilespmem:s21+$0x490]  }
0x585: {  	v1 =	vadd.f32 v18, v1  }
0x586: {  	v21 =	vld [tilespmem:s21+$0x4A0]  }
0x587: {  	v1 =	vadd.f32 v19, v1  }
0x588: {  	v22 =	vld [tilespmem:s21+$0x500]  }
0x589: {  	v1 =	vadd.f32 v20, v1  }
0x58a: {  	v23 =	vld [tilespmem:s21+$0x510]  }
0x58b: {  	v1 =	vadd.f32 v21, v1  }
0x58c: {  	v24 =	vld [tilespmem:s21+$0x520]  }
0x58d: {  	v1 =	vadd.f32 v22, v1  }
0x58e: {  	v25 =	vld [tilespmem:s21+$0x580]  }
0x58f: {  	v1 =	vadd.f32 v23, v1  }
0x590: {  	v26 =	vld [tilespmem:s21+$0x590]  }
0x591: {  	v1 =	vadd.f32 v24, v1  }
0x592: {  	v27 =	vld [tilespmem:s21+$0x5A0]  }
0x593: {  	v1 =	vadd.f32 v25, v1  }
0x594: {  	v28 =	vld [tilespmem:s21+$0x600]  }
0x595: {  	v1 =	vadd.f32 v26, v1  }
0x596: {  	v29 =	vld [tilespmem:s21+$0x610]  }
0x597: {  	v1 =	vadd.f32 v27, v1  }
0x598: {  	v30 =	vld [tilespmem:s21+$0x620]  }
0x599: {  	v1 =	vadd.f32 v28, v1  }
0x59a: {  	v31 =	vld [tilespmem:s21+$0x680]  }
0x59b: {  	v1 =	vadd.f32 v29, v1  }
0x59c: {  	v32 =	vld [tilespmem:s21+$0x690]  }
0x59d: {  	v1 =	vadd.f32 v30, v1  }
0x59e: {  	v33 =	vld [tilespmem:s21+$0x6A0]  }
0x59f: {  	v1 =	vadd.f32 v31, v1  }
0x5a0: {  	v34 =	vld [tilespmem:s21+$0x700]  }
0x5a1: {  	v1 =	vadd.f32 v32, v1  }
0x5a2: {  	v35 =	vld [tilespmem:s21+$0x710]  }
0x5a3: {  	v1 =	vadd.f32 v33, v1  }
0x5a4: {  	v36 =	vld [tilespmem:s21+$0x720]  }
0x5a5: {  	v1 =	vadd.f32 v34, v1  }
0x5a6: {  	v37 =	vld [tilespmem:s21+$0x780]  }
0x5a7: {  	v1 =	vadd.f32 v35, v1  }
0x5a8: {  	v38 =	vld [tilespmem:s21+$0x790]  }
0x5a9: {  	v1 =	vadd.f32 v36, v1  }
0x5aa: {  	v39 =	vld [tilespmem:s21+$0x7A0]  }
0x5ab: {  	v1 =	vadd.f32 v37, v1  }
0x5ac: {  	v40 =	vld [tilespmem:s21+$0x800]  }
0x5ad: {  	v1 =	vadd.f32 v38, v1  }
0x5ae: {  	v41 =	vld [tilespmem:s21+$0x810]  }
0x5af: {  	v1 =	vadd.f32 v39, v1  }
0x5b0: {  	v42 =	vld [tilespmem:s21+$0x820]  }
0x5b1: {  	v1 =	vadd.f32 v40, v1  }
0x5b2: {  	v43 =	vld [tilespmem:s21+$0x880]  }
0x5b3: {  	v1 =	vadd.f32 v41, v1  }
0x5b4: {  	v44 =	vld [tilespmem:s21+$0x890]  }
0x5b5: {  	v1 =	vadd.f32 v42, v1  }
0x5b6: {  	v45 =	vld [tilespmem:s21+$0x8A0]  }
0x5b7: {  	v1 =	vadd.f32 v43, v1  }
0x5b8: {  	v46 =	vld [tilespmem:s21+$0x900]  }
0x5b9: {  	v1 =	vadd.f32 v44, v1  }
0x5ba: {  	v47 =	vld [tilespmem:s21+$0x910]  }
0x5bb: {  	v1 =	vadd.f32 v45, v1  }
0x5bc: {  	v48 =	vld [tilespmem:s21+$0x920]  }
0x5bd: {  	v1 =	vadd.f32 v46, v1  }
0x5be: {  	v49 =	vld [tilespmem:s21+$0x980]  }
0x5bf: {  	v1 =	vadd.f32 v47, v1  }
0x5c0: {  	v50 =	vld [tilespmem:s21+$0x990]  }
0x5c1: {  	v1 =	vadd.f32 v48, v1  }
0x5c2: {  	v51 =	vld [tilespmem:s21+$0x9A0]  }
0x5c3: {  	v1 =	vadd.f32 v49, v1  }
0x5c4: {  	v52 =	vld [tilespmem:s21+$0xA00]  }
0x5c5: {  	v1 =	vadd.f32 v50, v1  }
0x5c6: {  	v53 =	vld [tilespmem:s21+$0xA10]  }
0x5c7: {  	v1 =	vadd.f32 v51, v1  }
0x5c8: {  	v54 =	vld [tilespmem:s21+$0xA20]  }
0x5c9: {  	v1 =	vadd.f32 v52, v1  }
0x5ca: {  	v55 =	vld [tilespmem:s21+$0xA80]  }
0x5cb: {  	v1 =	vadd.f32 v53, v1  }
0x5cc: {  	v56 =	vld [tilespmem:s21+$0xA90]  }
0x5cd: {  	v1 =	vadd.f32 v54, v1  }
0x5ce: {  	v57 =	vld [tilespmem:s21+$0xAA0]  }
0x5cf: {  	v1 =	vadd.f32 v55, v1  }
0x5d0: {  	v58 =	vld [tilespmem:s21+$0xB00]  }
0x5d1: {  	v1 =	vadd.f32 v56, v1  }
0x5d2: {  	v59 =	vld [tilespmem:s21+$0xB10]  }
0x5d3: {  	v1 =	vadd.f32 v57, v1  }
0x5d4: {  	v60 =	vld [tilespmem:s21+$0xB20]  }
0x5d5: {  	v1 =	vadd.f32 v58, v1  }
0x5d6: {  	v61 =	vld [tilespmem:s21+$0xB80]  }
0x5d7: {  	v1 =	vadd.f32 v59, v1  }
0x5d8: {  	v62 =	vld [tilespmem:s21+$0xB90]  }
0x5d9: {  	v1 =	vadd.f32 v60, v1  }
0x5da: {  	v63 =	vld [tilespmem:s21+$0xBA0]  }
0x5db: {  	v1 =	vadd.f32 v61, v1;
	_ =	sdelay $0x1  }
0x5dc: {  	v1 =	vadd.f32 v62, v1;
	_ =	sdelay $0x1  }
.Ltmp4:
0x5dd: {  	v1 =	vadd.f32 v63, v1;
	(pc) =	sbr.rel @p0 .LBB2_8-.Ltmp4, $4  }
0x5de: {  	_ = 	snop  }
0x5df: {  	v1 =	vmul.f32 $4.340277810e-04, v1  }
0x5e0: {  	s20 =	sshra.s32 s20, $0x2  }
0x5e1: {  	[tilespmem:v0+s20+$0x0 ss:$0x1] =	vst.idx.msk $0xffff, v1  }
0x5e2: {  	s19 =	sadd.s32 s19, s7  }
0x5e3: {  	s20 =	smulhi.u32 $0x2AAAAAAB, s19;
	_ =	sdelay $0x1  }
0x5e4: {  	s21 =	sshrl.u32 s20, $0x3  }
0x5e5: {  	s22 =	smul.u32 $0x30, s21  }
0x5e6: {  	s20 =	sshrl.u32 s20, $0x7  }
0x5e7: {  	s20 =	smul.u32 $0xD80000, s20;
	s19 =	ssub.s32 s19, s22  }
0x5e8: {  	s21 =	sand.u32 $0xF, s21;
	s19 =	smul.u32 $0x1800, s19  }
0x5e9: {  	s21 =	smul.u32 $0x48000, s21  }
.Ltmp5:
0x5ea: {  	s19 =	sor.u32 s20, s19;
	(pc) =	sbr.rel .LBB2_2-.Ltmp5, $4  }
0x5eb: {  	s19 =	sadd.s32 s21, s19  }
0x5ec: {  	s18 =	sadd.s32 $0x1, s18;
	s19 =	sshrl.u32 s19, $0x3  }
0x5ed: {  	s17 =	sadd.s32 $0x100, s17;
	s16 =	sadd.s32 $0x100, s16;
	s19 =	sadd.s32 s1, s19  }
0x5ee: {  	[tilespmem:s10], [sflag:$0x2] =	stream.linear.gather [hbm4b:s19+s3], $0xC000, $0x38;
	[tilespmem:$0x18C00] =	vst v63  }
.LBB2_9:
0x5ef: {  	_ =	sfence.sel $0x180000  }
0x5f0: {  	[bflag:$0x0] =	sbarrier.arrive $0xFFFF  }
0x5f1: {  	p0 =	sne.s32 s0, $0x0;
	_ =	strace $0x90000047  }
0x5f2: {  	s0 =	sadd.s32 @!p0 $0x100000, s2;
	[bflag:$0x2] =	sbarrier.arrive $0xFFFF  }
0x5f3: {  	[sflag:s0] =	ssyncadd.tile.s32 @!p0 $0x1;
	_ =	shalt  }
.Lfunc_end2:
_tile_overlayer_lowered:
.L_overlay_start_2:
0x5f4: {  	(tag) =	ssettag $0x2  }
0x5f5: {  	s0 =	rddreg [dreg:$0x0];
	s2 =	stileid.u32  }
0x5f6: {  	s1 =	rddreg [dreg:$0x1];
	p0 =	sne.s32 s2, $0x0  }
0x5f7: {  	s3 =	rddreg [dreg:$0x2];
	[bflag:$0x3] =	sbarrier.arrive $0xFFFF;
	s2 =	simm.s32 @!p0 $0x1C03  }
0x5f8: {  	[timem:s3], [sflag:s2] =	dma.local @!p0 [hbm:s0], s1  }
0x5f9: {  	s0 =	simm.s32 @!p0 $0x3  }
0x5fa: {  	_ =	swait.ge @!p0 [sflag:s0], s1  }
0x5fb: {  	s1 =	ssub.s32 @!p0 $0x0, s1;
	[sflag:s0] =	ssyncset.done @!p0 $0x0  }
0x5fc: {  	[sflag:s0] =	ssyncadd.s32 @!p0 s1  }
0x5fd: {  	[bflag:$0x3] =	sbarrier.arrive $0xFFFF  }
0x5fe: {  	_ =	shalt  }

</sc_bundles>
